<compile_context>
chip_gen: v7x
topology: tpu7x:2x2x1
jax: 0.10.2.dev20260603
libtpu: 0.0.44.dev20260713+nightly
codegen_flags: <defaults>
</compile_context>

<pallas_src>
import functools

import jax
import jax.numpy as jnp
from jax import lax
from jax.experimental import pallas as pl
from jax.experimental.pallas import tpu as pltpu
from jax.experimental.pallas import tpu_sc as plsc

N = 10000
NP = 10240
E = 320000
DIN = 128
DE = 16
F = 128

NC = 2
NS = 16
NW = NC * NS
EPW = E // NW
CHUNK = 80
NCHUNKS = EPW // CHUNK
STRIPE = NP // NS

BN = 512
GRID_N = NP // BN
BE = 4000
GRID_E = E // BE



def _relu(t):
    return jnp.maximum(t, 0.0)


def _dot(a, b):
    return jnp.dot(a, b, preferred_element_type=jnp.float32)


def _node_prep_body(x_ref, nw_ref, nb_ref, mw1_ref, mb1_ref, x1_ref, hx0_ref):
    x1 = _dot(x_ref[...], nw_ref[...]) + nb_ref[...]
    x1_ref[...] = x1
    hx0_ref[...] = _relu(_dot(x1, mw1_ref[...]) + mb1_ref[...])


def _edge_prep_body(ea_ref, ew_ref, eb_ref, mw1_ref, mb1_ref, he_ref):
    ea = ea_ref[...]
    ew = ew_ref[...]
    eb = eb_ref[...]
    a = _dot(ew, mw1_ref[...])
    c = _dot(eb, mw1_ref[...]) + mb1_ref[...]
    he_ref[...] = _relu(_dot(ea, a) + c)


def _mid_body(x1_ref, ga_ref, gb_ref, cnt_ref,
              mw2_ref, mb2_ref, uw1_ref, ub1_ref, uw2_ref, ub2_ref,
              mw1n_ref, mb1n_ref,
              x2_ref, hx1_ref, m_ref):
    cnt = cnt_ref[...]
    inv = 1.0 / jnp.maximum(cnt, 1.0)
    ind = (cnt > 0.0).astype(jnp.float32)
    g = (ga_ref[...] + gb_ref[...]) * inv
    aggr = _dot(g, mw2_ref[...]) + 2.0 * ind * mb2_ref[...]
    x1 = x1_ref[...]
    uw1 = uw1_ref[...]
    ub1 = ub1_ref[...]
    uw2 = uw2_ref[...]
    x2 = (_dot(_relu(_dot(x1, uw1) + ub1), uw2) +
          _dot(_relu(_dot(aggr, uw1) + ub1), uw2) + 2.0 * ub2_ref[...])
    x2_ref[...] = x2
    hx1_ref[...] = _relu(_dot(x2, mw1n_ref[...]) + mb1n_ref[...])
    m_ref[...] = jnp.maximum(x1, x2)


def _final_body(x2_ref, m_ref, ga_ref, gb_ref, cnt_ref,
                mw2_ref, mb2_ref, uw1_ref, ub1_ref, uw2_ref, ub2_ref,
                fw_ref, fb_ref, out_ref):
    cnt = cnt_ref[...]
    inv = 1.0 / jnp.maximum(cnt, 1.0)
    ind = (cnt > 0.0).astype(jnp.float32)
    g = (ga_ref[...] + gb_ref[...]) * inv
    aggr = _dot(g, mw2_ref[...]) + 2.0 * ind * mb2_ref[...]
    x2 = x2_ref[...]
    uw1 = uw1_ref[...]
    ub1 = ub1_ref[...]
    uw2 = uw2_ref[...]
    x3 = (_dot(_relu(_dot(x2, uw1) + ub1), uw2) +
          _dot(_relu(_dot(aggr, uw1) + ub1), uw2) + 2.0 * ub2_ref[...])
    m = jnp.maximum(m_ref[...], x3)
    out_ref[...] = _dot(m, fw_ref[...]) + fb_ref[...]


def _row_spec(bn):
    return pl.BlockSpec((bn, F), lambda i: (i, 0))


def _full_spec(shape):
    return pl.BlockSpec(shape, lambda i: (0,) * len(shape))


_W = _full_spec((F, F))
_B = _full_spec((1, F))



def _make_sc_layer(with_cnt):
    out_type = [jax.ShapeDtypeStruct((NC, NP, F), jnp.float32)]
    if with_cnt:
        out_type += [jax.ShapeDtypeStruct((NP,), jnp.float32),
                     jax.ShapeDtypeStruct((NP,), jnp.float32)]

    scratch = (
        [pltpu.VMEM((CHUNK,), jnp.int32) for _ in range(4)] +
        [pltpu.VMEM((CHUNK,), jnp.int32) for _ in range(4)] +
        [pltpu.VMEM((CHUNK, F), jnp.float32) for _ in range(2)] +
        [pltpu.VMEM((CHUNK, F), jnp.float32) for _ in range(2)] +
        [pltpu.VMEM((CHUNK,), jnp.float32),
         pltpu.VMEM_SHARED((NP, F), jnp.float32),
         pltpu.VMEM_SHARED((NP,), jnp.float32)] +
        [pltpu.SemaphoreType.DMA for _ in range(8)]
    )

    mesh = plsc.VectorSubcoreMesh(core_axis_name="c", subcore_axis_name="s")

    @functools.partial(pl.kernel, mesh=mesh, out_type=out_type,
                       scratch_types=scratch)
    def sc_layer(src_hbm, dst_hbm, hx_hbm, he_hbm, *refs):
        if with_cnt:
            g_out, cnt0_out, cnt1_out = refs[0], refs[1], refs[2]
            refs = refs[3:]
        else:
            g_out = refs[0]
            refs = refs[1:]
        srcv = refs[0:4]
        dstv = refs[4:8]
        rowb = refs[8:10]
        heb = refs[10:12]
        onesv, g_sh, cnt_sh = refs[12:15]
        semidx = refs[15:19]
        semdat = refs[19:21]
        semsc = refs[21:23]
        rows0 = rowb[0]

        cid = lax.axis_index("c")
        sid = lax.axis_index("s")
        wid = sid * NC + cid

        def zero_rows(i, _):
            def zero_lane(j, _):
                rows0[i, pl.ds(j * 16, 16)] = jnp.zeros((16,), jnp.float32)
                return 0
            return lax.fori_loop(0, F // 16, zero_lane, 0)
        lax.fori_loop(0, CHUNK, zero_rows, 0)
        for k in range(STRIPE // CHUNK):
            pltpu.sync_copy(rows0, g_sh.at[pl.ds(sid * STRIPE + k * CHUNK, CHUNK)])

        def zero_ones(i, _):
            onesv[pl.ds(i * 16, 16)] = jnp.zeros((16,), jnp.float32)
            return 0
        lax.fori_loop(0, CHUNK // 16, zero_ones, 0)
        for k in range(STRIPE // CHUNK):
            pltpu.sync_copy(onesv, cnt_sh.at[pl.ds(sid * STRIPE + k * CHUNK, CHUNK)])

        def set_ones(i, _):
            onesv[pl.ds(i * 16, 16)] = jnp.ones((16,), jnp.float32)
            return 0
        lax.fori_loop(0, CHUNK // 16, set_ones, 0)

        plsc.subcore_barrier()

        ebase = wid * EPW

        def idx_load(cix, s4):
            b = ebase + cix * CHUNK
            pltpu.async_copy(src_hbm.at[pl.ds(b, CHUNK)], srcv[s4], semidx[s4])
            pltpu.async_copy(dst_hbm.at[pl.ds(b, CHUNK)], dstv[s4], semidx[s4])

        def wait_idx(s4):
            pltpu.make_async_copy(src_hbm.at[pl.ds(0, CHUNK)], srcv[s4],
                                  semidx[s4]).wait()
            pltpu.make_async_copy(dst_hbm.at[pl.ds(0, CHUNK)], dstv[s4],
                                  semidx[s4]).wait()

        def data_load(cix, s4, s2):
            pltpu.async_copy(hx_hbm.at[srcv[s4]], rowb[s2], semdat[s2])
            pltpu.async_copy(he_hbm.at[pl.ds(ebase + cix * CHUNK, CHUNK)],
                             heb[s2], semdat[s2])

        def wait_data(s2):
            pltpu.make_async_copy(hx_hbm.at[srcv[0]], rowb[s2],
                                  semdat[s2]).wait()
            pltpu.make_async_copy(he_hbm.at[pl.ds(0, CHUNK)], heb[s2],
                                  semdat[s2]).wait()

        def scatter(s4, s2):
            pltpu.async_copy(rowb[s2], g_sh.at[dstv[s4]], semsc[s2], add=True)
            pltpu.async_copy(heb[s2], g_sh.at[dstv[s4]], semsc[s2], add=True)

        def wait_scatter(s2):
            pltpu.make_async_copy(rowb[s2], g_sh.at[dstv[0]], semsc[s2]).wait()
            pltpu.make_async_copy(heb[s2], g_sh.at[dstv[0]], semsc[s2]).wait()

        idx_load(0, 0)
        idx_load(1, 1)
        wait_idx(0)
        data_load(0, 0, 0)

        def body(i, _):
            for s in range(4):
                @pl.when(i % 4 == s)
                def _(s=s):
                    @pl.when(i >= 1)
                    def _():
                        wait_scatter((s + 1) % 2)

                    @pl.when(i + 2 < NCHUNKS)
                    def _():
                        idx_load(i + 2, (s + 2) % 4)

                    @pl.when(i + 1 < NCHUNKS)
                    def _():
                        wait_idx((s + 1) % 4)
                        data_load(i + 1, (s + 1) % 4, (s + 1) % 2)

                    wait_data(s % 2)
                    scatter(s % 4, s % 2)
            return 0
        lax.fori_loop(0, NCHUNKS, body, 0)

        wait_scatter((NCHUNKS - 1) % 2)

        if with_cnt:
            def dst_load_c(cix, s4):
                pltpu.async_copy(dst_hbm.at[pl.ds(ebase + cix * CHUNK, CHUNK)],
                                 dstv[s4], semidx[s4])

            def wait_dst_c(s4):
                pltpu.make_async_copy(dst_hbm.at[pl.ds(0, CHUNK)], dstv[s4],
                                      semidx[s4]).wait()

            def cscat(s4, c2):
                pltpu.async_copy(onesv, cnt_sh.at[dstv[s4]], semsc[c2],
                                 add=True)

            def wait_cscat(c2):
                pltpu.make_async_copy(onesv, cnt_sh.at[dstv[0]],
                                      semsc[c2]).wait()

            dst_load_c(0, 0)
            dst_load_c(1, 1)

            def cbody(i, _):
                for s in range(4):
                    @pl.when(i % 4 == s)
                    def _(s=s):
                        @pl.when(i >= 2)
                        def _():
                            wait_cscat(s % 2)

                        @pl.when(i + 2 < NCHUNKS)
                        def _():
                            dst_load_c(i + 2, (s + 2) % 4)

                        wait_dst_c(s)
                        cscat(s, s % 2)
                return 0
            lax.fori_loop(0, NCHUNKS, cbody, 0)
            wait_cscat((NCHUNKS - 2) % 2)
            wait_cscat((NCHUNKS - 1) % 2)

        plsc.subcore_barrier()

        pltpu.sync_copy(g_sh.at[pl.ds(sid * STRIPE, STRIPE)],
                        g_out.at[cid, pl.ds(sid * STRIPE, STRIPE)])
        if with_cnt:
            @pl.when(cid == 0)
            def _():
                pltpu.sync_copy(cnt_sh.at[pl.ds(sid * STRIPE, STRIPE)],
                                cnt0_out.at[pl.ds(sid * STRIPE, STRIPE)])

            @pl.when(cid == 1)
            def _():
                pltpu.sync_copy(cnt_sh.at[pl.ds(sid * STRIPE, STRIPE)],
                                cnt1_out.at[pl.ds(sid * STRIPE, STRIPE)])

    return sc_layer


_sc_layer_cnt = _make_sc_layer(True)
_sc_layer_nocnt = _make_sc_layer(False)



def kernel(x, edge_index, edge_attr, node_w, node_b, edge_w, edge_b,
           mp0_msg_w1, mp0_msg_b1, mp0_msg_w2, mp0_msg_b2,
           mp0_upd_w1, mp0_upd_b1, mp0_upd_w2, mp0_upd_b2,
           mp1_msg_w1, mp1_msg_b1, mp1_msg_w2, mp1_msg_b2,
           mp1_upd_w1, mp1_upd_b1, mp1_upd_w2, mp1_upd_b2,
           final_w, final_b):
    x_p = jnp.pad(x, ((0, NP - N), (0, 0)))
    src = edge_index[0]
    dst = edge_index[1]
    r2 = lambda b: b.reshape(1, F)

    x1, hx0 = pl.pallas_call(
        _node_prep_body,
        grid=(GRID_N,),
        in_specs=[_row_spec(BN), _W, _B, _W, _B],
        out_specs=[_row_spec(BN), _row_spec(BN)],
        out_shape=[jax.ShapeDtypeStruct((NP, F), jnp.float32),
                   jax.ShapeDtypeStruct((NP, F), jnp.float32)],
    )(x_p, node_w, r2(node_b), mp0_msg_w1, r2(mp0_msg_b1))

    def edge_prep(mw1, mb1):
        return pl.pallas_call(
            _edge_prep_body,
            grid=(GRID_E,),
            in_specs=[pl.BlockSpec((BE, DE), lambda i: (i, 0)),
                      _full_spec((DE, F)), _B, _W, _B],
            out_specs=_row_spec(BE),
            out_shape=jax.ShapeDtypeStruct((E, F), jnp.float32),
        )(edge_attr, edge_w, r2(edge_b), mw1, r2(mb1))

    he0 = edge_prep(mp0_msg_w1, mp0_msg_b1)
    he1 = edge_prep(mp1_msg_w1, mp1_msg_b1)

    g0, cnt0a, cnt0b = _sc_layer_cnt(src, dst, hx0, he0)
    cnt_col = (cnt0a + cnt0b)[:, None]

    cnt_spec = pl.BlockSpec((BN, 1), lambda i: (i, 0))
    x2, hx1, m = pl.pallas_call(
        _mid_body,
        grid=(GRID_N,),
        in_specs=[_row_spec(BN), _row_spec(BN), _row_spec(BN), cnt_spec,
                  _W, _B, _W, _B, _W, _B, _W, _B],
        out_specs=[_row_spec(BN), _row_spec(BN), _row_spec(BN)],
        out_shape=[jax.ShapeDtypeStruct((NP, F), jnp.float32),
                   jax.ShapeDtypeStruct((NP, F), jnp.float32),
                   jax.ShapeDtypeStruct((NP, F), jnp.float32)],
    )(x1, g0[0], g0[1], cnt_col,
      mp0_msg_w2, r2(mp0_msg_b2), mp0_upd_w1, r2(mp0_upd_b1),
      mp0_upd_w2, r2(mp0_upd_b2), mp1_msg_w1, r2(mp1_msg_b1))

    g1 = _sc_layer_nocnt(src, dst, hx1, he1)
    if isinstance(g1, (list, tuple)):
        g1 = g1[0]

    out = pl.pallas_call(
        _final_body,
        grid=(GRID_N,),
        in_specs=[_row_spec(BN), _row_spec(BN), _row_spec(BN), _row_spec(BN),
                  cnt_spec, _W, _B, _W, _B, _W, _B, _W, _B],
        out_specs=_row_spec(BN),
        out_shape=jax.ShapeDtypeStruct((NP, F), jnp.float32),
    )(x2, m, g1[0], g1[1], cnt_col,
      mp1_msg_w2, r2(mp1_msg_b2), mp1_upd_w1, r2(mp1_upd_b1),
      mp1_upd_w2, r2(mp1_upd_b2), final_w, r2(final_b))

    return out[:N]

# --- scband reference (transcript-rebuilt; emitter-appended) ---
"""Pipeline reference for scband-message-passing-gnn-73564199845905 (READ-ONLY COPY).

The authoritative reference and input builder live on the scoring server;
editing this copy changes nothing except your own understanding.
"""

import jax, jax.numpy as jnp
import numpy as np

N = 10000
E = 320000
DIN = 128
DE = 16
H = 128
HM = 128
DOUT = 128


def _mlp(t, w1, b1, w2, b2):
    return jax.nn.relu(t @ w1 + b1) @ w2 + b2


def setup_inputs(seed: int = 0):
    key = jax.random.key(seed)
    ks = jax.random.split(key, 40)
    inp = {}
    inp["x"] = jax.random.normal(ks[0], (N, DIN), dtype=jnp.float32)
    inp["edge_index"] = jax.random.randint(ks[1], (2, E), 0, N, dtype=jnp.int32)
    inp["edge_attr"] = jax.random.normal(ks[2], (E, DE), dtype=jnp.float32)
    s = 0.05
    inp["node_w"] = jax.random.normal(ks[3], (DIN, H), dtype=jnp.float32) * s
    inp["node_b"] = jnp.zeros((H,), dtype=jnp.float32)
    inp["edge_w"] = jax.random.normal(ks[4], (DE, H), dtype=jnp.float32) * s
    inp["edge_b"] = jnp.zeros((H,), dtype=jnp.float32)
    k = 5
    for l in range(2):
        inp["mp%d_msg_w1" % l] = jax.random.normal(ks[k], (H, HM), dtype=jnp.float32) * s; k += 1
        inp["mp%d_msg_b1" % l] = jnp.zeros((HM,), dtype=jnp.float32)
        inp["mp%d_msg_w2" % l] = jax.random.normal(ks[k], (HM, H), dtype=jnp.float32) * s; k += 1
        inp["mp%d_msg_b2" % l] = jnp.zeros((H,), dtype=jnp.float32)
        inp["mp%d_upd_w1" % l] = jax.random.normal(ks[k], (H, HM), dtype=jnp.float32) * s; k += 1
        inp["mp%d_upd_b1" % l] = jnp.zeros((HM,), dtype=jnp.float32)
        inp["mp%d_upd_w2" % l] = jax.random.normal(ks[k], (HM, H), dtype=jnp.float32) * s; k += 1
        inp["mp%d_upd_b2" % l] = jnp.zeros((H,), dtype=jnp.float32)
    inp["final_w"] = jax.random.normal(ks[k], (H, DOUT), dtype=jnp.float32) * s
    inp["final_b"] = jnp.zeros((DOUT,), dtype=jnp.float32)
    return inp


def reference(x, edge_index, edge_attr, node_w, node_b, edge_w, edge_b,
              mp0_msg_w1, mp0_msg_b1, mp0_msg_w2, mp0_msg_b2,
              mp0_upd_w1, mp0_upd_b1, mp0_upd_w2, mp0_upd_b2,
              mp1_msg_w1, mp1_msg_b1, mp1_msg_w2, mp1_msg_b2,
              mp1_upd_w1, mp1_upd_b1, mp1_upd_w2, mp1_upd_b2,
              final_w, final_b):
    # input linear projections (n_lin_layers=1, so only the last layer, no relu/dropout loop; eval mode -> dropout is identity)
    x = x @ node_w + node_b
    ea = edge_attr @ edge_w + edge_b
    src = edge_index[0]
    dst = edge_index[1]
    layers = [
        (mp0_msg_w1, mp0_msg_b1, mp0_msg_w2, mp0_msg_b2, mp0_upd_w1, mp0_upd_b1, mp0_upd_w2, mp0_upd_b2),
        (mp1_msg_w1, mp1_msg_b1, mp1_msg_w2, mp1_msg_b2, mp1_upd_w1, mp1_upd_b1, mp1_upd_w2, mp1_upd_b2),
    ]
    xs = [x]
    for (mw1, mb1, mw2, mb2, uw1, ub1, uw2, ub2) in layers:
        # message: mlp_message(x_j) + mlp_message(edge_attr)
        xj = jnp.take(x, src, axis=0)
        msg = _mlp(xj, mw1, mb1, mw2, mb2) + _mlp(ea, mw1, mb1, mw2, mb2)
        # aggr='mean' scatter to destination nodes
        summed = jax.ops.segment_sum(msg, dst, num_segments=N)
        cnt = jax.ops.segment_sum(jnp.ones((E, 1), dtype=jnp.float32), dst, num_segments=N)
        aggr = summed / jnp.maximum(cnt, 1.0)
        # update: mlp_update(x) + mlp_update(aggr_out)
        x = _mlp(x, uw1, ub1, uw2, ub2) + _mlp(aggr, uw1, ub1, uw2, ub2)
        xs.append(x)
    # JumpingKnowledge mode='max': elementwise max over layer outputs
    x = jnp.max(jnp.stack(xs, axis=0), axis=0)
    return x @ final_w + final_b

if __name__ == "__main__":
    import jax
    _d = setup_inputs()
    print(jax.jit(kernel)(*tuple(_d.values())))

</pallas_src>

<mosaic_0001>
#map = affine_map<(d0, d1) -> (0)>
#map1 = affine_map<(d0, d1) -> (0, 0)>
#map2 = affine_map<(d0, d1) -> (0, 0, 0)>
module attributes {stable_mosaic.version = 14 : i64} {
  func.func @sc_layer(%arg0: i32, %arg1: i32, %arg2: memref<320000xi32, #tpu.memory_space<hbm>>, %arg3: memref<320000xi32, #tpu.memory_space<hbm>>, %arg4: memref<10240x128xf32, #tpu.memory_space<hbm>>, %arg5: memref<320000x128xf32, #tpu.memory_space<hbm>>, %arg6: memref<2x10240x128xf32, #tpu.memory_space<hbm>>, %arg7: memref<10240xf32, #tpu.memory_space<hbm>>, %arg8: memref<10240xf32, #tpu.memory_space<hbm>>, %arg9: memref<80xi32, #tpu.memory_space<vmem>>, %arg10: memref<80xi32, #tpu.memory_space<vmem>>, %arg11: memref<80xi32, #tpu.memory_space<vmem>>, %arg12: memref<80xi32, #tpu.memory_space<vmem>>, %arg13: memref<80xi32, #tpu.memory_space<vmem>>, %arg14: memref<80xi32, #tpu.memory_space<vmem>>, %arg15: memref<80xi32, #tpu.memory_space<vmem>>, %arg16: memref<80xi32, #tpu.memory_space<vmem>>, %arg17: memref<80x128xf32, #tpu.memory_space<vmem>>, %arg18: memref<80x128xf32, #tpu.memory_space<vmem>>, %arg19: memref<80x128xf32, #tpu.memory_space<vmem>>, %arg20: memref<80x128xf32, #tpu.memory_space<vmem>>, %arg21: memref<80xf32, #tpu.memory_space<vmem>>, %arg22: memref<10240x128xf32, #tpu.memory_space<vmem_shared>>, %arg23: memref<10240xf32, #tpu.memory_space<vmem_shared>>, %arg24: memref<!tpu.dma_semaphore, #tpu.memory_space<semaphore_mem>>, %arg25: memref<!tpu.dma_semaphore, #tpu.memory_space<semaphore_mem>>, %arg26: memref<!tpu.dma_semaphore, #tpu.memory_space<semaphore_mem>>, %arg27: memref<!tpu.dma_semaphore, #tpu.memory_space<semaphore_mem>>, %arg28: memref<!tpu.dma_semaphore, #tpu.memory_space<semaphore_mem>>, %arg29: memref<!tpu.dma_semaphore, #tpu.memory_space<semaphore_mem>>, %arg30: memref<!tpu.dma_semaphore, #tpu.memory_space<semaphore_mem>>, %arg31: memref<!tpu.dma_semaphore, #tpu.memory_space<semaphore_mem>>) attributes {dimension_semantics = [#tpu.dimension_semantics<core_parallel>, #tpu.dimension_semantics<subcore_parallel>], iteration_bounds = array<i64: 2, 16>, scalar_prefetch = 0 : i64, scratch_operands = 23 : i64, tpu.core_type = #tpu.core_type<sc_vector_subcore>, window_params = [{transform_indices = #map}, {transform_indices = #map}, {transform_indices = #map1}, {transform_indices = #map1}, {transform_indices = #map2}, {transform_indices = #map}, {transform_indices = #map}]} {
    %mul3A = arith.constant 2 : i32
    %mul3A_0 = arith.muli %arg1, %mul3A : i32
    %add3A = arith.addi %mul3A_0, %arg0 : i32
    %scan3A = arith.constant 0 : i32
    %scan3A_1 = arith.constant 0 : i32
    %scan3A_2 = arith.constant 80 : i32
    %scan3A_3 = arith.addi %scan3A_1, %scan3A_2 : i32
    %scan3A_4 = arith.constant 1 : i32
    %scan3A_5 = scf.for %scan3A_158 = %scan3A_1 to %scan3A_3 step %scan3A_4 iter_args(%scan3A_159 = %scan3A) -> (i32)  : i32 {
      %scan3A_160 = arith.constant 0 : i32
      %scan3A_161 = arith.constant 0 : i32
      %scan3A_162 = arith.constant 8 : i32
      %scan3A_163 = arith.addi %scan3A_161, %scan3A_162 : i32
      %scan3A_164 = arith.constant 1 : i32
      %scan3A_165 = scf.for %scan3A_167 = %scan3A_161 to %scan3A_163 step %scan3A_164 iter_args(%scan3A_168 = %scan3A_160) -> (i32)  : i32 {
        %broadcast_in_dim3A = arith.constant 0.000000e+00 : f32
        %broadcast_in_dim3A_169 = vector.broadcast %broadcast_in_dim3A : f32 to vector<16xf32>
        %mul3A_170 = arith.constant 16 : i32
        %mul3A_171 = arith.muli %scan3A_167, %mul3A_170 : i32
        %swap3A = arith.index_cast %scan3A_158 : i32 to index
        %swap3A_172 = arith.index_cast %mul3A_171 : i32 to index
        %swap3A_173 = tpu.vector_load %arg17[%swap3A, %swap3A_172] {strides = array<i32>} : memref<80x128xf32, #tpu.memory_space<vmem>>, vector<1x16xf32>,
        %swap3A_174 = vector.shape_cast %swap3A_173 : vector<1x16xf32> to vector<16xf32>
        %swap3A_175 = vector.shape_cast %broadcast_in_dim3A_169 : vector<16xf32> to vector<1x16xf32>
        tpu.vector_store %arg17[%swap3A, %swap3A_172], %swap3A_175 {strides = array<i32>} : memref<80x128xf32, #tpu.memory_space<vmem>>, vector<1x16xf32>,
        %scan3A_176 = arith.constant 0 : i32
        scf.yield %scan3A_176 : i32
      }
      %scan3A_166 = arith.constant 8 : i32
      scf.yield %scan3A_165 : i32
    }
    %scan3A_6 = arith.constant 80 : i32
    %mul3A_7 = arith.constant 640 : i32
    %mul3A_8 = arith.muli %arg1, %mul3A_7 : i32
    %add3A_9 = arith.constant 0 : i32
    %add3A_10 = arith.addi %mul3A_8, %add3A_9 : i32
    "tpu.region"() ({
      %run_scoped3A = tpu.sem_alloc : memref<!tpu.dma_semaphore, #tpu.memory_space<semaphore_mem>>
      %dma_start3A_158 = arith.constant 0 : i32
      %dma_start3A_159 = tpu.memref_slice %arg22[%add3A_10, %dma_start3A_158] : memref<10240x128xf32, #tpu.memory_space<vmem_shared>> -> memref<80x128xf32, #tpu.memory_space<vmem_shared>>
      %dma_start3A_160 = arith.constant 0 : i32
      %dma_start3A_161 = tpu.memref_slice %arg22[%add3A_10, %dma_start3A_160] : memref<10240x128xf32, #tpu.memory_space<vmem_shared>> -> memref<80x128xf32, #tpu.memory_space<vmem_shared>>
      tpu.enqueue_dma source(%arg17 : memref<80x128xf32, #tpu.memory_space<vmem>>) target(%dma_start3A_161 : memref<80x128xf32, #tpu.memory_space<vmem_shared>>) target_semaphore(%run_scoped3A : memref<!tpu.dma_semaphore, #tpu.memory_space<semaphore_mem>>)
      %dma_wait3A_162 = arith.constant 0 : i32
      %dma_wait3A_163 = tpu.memref_slice %arg22[%add3A_10, %dma_wait3A_162] : memref<10240x128xf32, #tpu.memory_space<vmem_shared>> -> memref<80x128xf32, #tpu.memory_space<vmem_shared>>
      %dma_wait3A_164 = arith.constant 0 : i32
      %dma_wait3A_165 = tpu.memref_slice %arg22[%add3A_10, %dma_wait3A_164] : memref<10240x128xf32, #tpu.memory_space<vmem_shared>> -> memref<80x128xf32, #tpu.memory_space<vmem_shared>>
      tpu.wait_dma2 semaphore(%run_scoped3A : memref<!tpu.dma_semaphore, #tpu.memory_space<semaphore_mem>>) src(%arg17 : memref<80x128xf32, #tpu.memory_space<vmem>>) dst(%dma_wait3A_165 : memref<80x128xf32, #tpu.memory_space<vmem_shared>>)
      tpu.yield
    }) : () -> ()
    %mul3A_11 = arith.constant 640 : i32
    %mul3A_12 = arith.muli %arg1, %mul3A_11 : i32
    %add3A_13 = arith.constant 80 : i32
    %add3A_14 = arith.addi %mul3A_12, %add3A_13 : i32
    "tpu.region"() ({
      %run_scoped3A = tpu.sem_alloc : memref<!tpu.dma_semaphore, #tpu.memory_space<semaphore_mem>>
      %dma_start3A_158 = arith.constant 0 : i32
      %dma_start3A_159 = tpu.memref_slice %arg22[%add3A_14, %dma_start3A_158] : memref<10240x128xf32, #tpu.memory_space<vmem_shared>> -> memref<80x128xf32, #tpu.memory_space<vmem_shared>>
      %dma_start3A_160 = arith.constant 0 : i32
      %dma_start3A_161 = tpu.memref_slice %arg22[%add3A_14, %dma_start3A_160] : memref<10240x128xf32, #tpu.memory_space<vmem_shared>> -> memref<80x128xf32, #tpu.memory_space<vmem_shared>>
      tpu.enqueue_dma source(%arg17 : memref<80x128xf32, #tpu.memory_space<vmem>>) target(%dma_start3A_161 : memref<80x128xf32, #tpu.memory_space<vmem_shared>>) target_semaphore(%run_scoped3A : memref<!tpu.dma_semaphore, #tpu.memory_space<semaphore_mem>>)
      %dma_wait3A_162 = arith.constant 0 : i32
      %dma_wait3A_163 = tpu.memref_slice %arg22[%add3A_14, %dma_wait3A_162] : memref<10240x128xf32, #tpu.memory_space<vmem_shared>> -> memref<80x128xf32, #tpu.memory_space<vmem_shared>>
      %dma_wait3A_164 = arith.constant 0 : i32
      %dma_wait3A_165 = tpu.memref_slice %arg22[%add3A_14, %dma_wait3A_164] : memref<10240x128xf32, #tpu.memory_space<vmem_shared>> -> memref<80x128xf32, #tpu.memory_space<vmem_shared>>
      tpu.wait_dma2 semaphore(%run_scoped3A : memref<!tpu.dma_semaphore, #tpu.memory_space<semaphore_mem>>) src(%arg17 : memref<80x128xf32, #tpu.memory_space<vmem>>) dst(%dma_wait3A_165 : memref<80x128xf32, #tpu.memory_space<vmem_shared>>)
      tpu.yield
    }) : () -> ()
    %mul3A_15 = arith.constant 640 : i32
    %mul3A_16 = arith.muli %arg1, %mul3A_15 : i32
    %add3A_17 = arith.constant 160 : i32
    %add3A_18 = arith.addi %mul3A_16, %add3A_17 : i32
    "tpu.region"() ({
      %run_scoped3A = tpu.sem_alloc : memref<!tpu.dma_semaphore, #tpu.memory_space<semaphore_mem>>
      %dma_start3A_158 = arith.constant 0 : i32
      %dma_start3A_159 = tpu.memref_slice %arg22[%add3A_18, %dma_start3A_158] : memref<10240x128xf32, #tpu.memory_space<vmem_shared>> -> memref<80x128xf32, #tpu.memory_space<vmem_shared>>
      %dma_start3A_160 = arith.constant 0 : i32
      %dma_start3A_161 = tpu.memref_slice %arg22[%add3A_18, %dma_start3A_160] : memref<10240x128xf32, #tpu.memory_space<vmem_shared>> -> memref<80x128xf32, #tpu.memory_space<vmem_shared>>
      tpu.enqueue_dma source(%arg17 : memref<80x128xf32, #tpu.memory_space<vmem>>) target(%dma_start3A_161 : memref<80x128xf32, #tpu.memory_space<vmem_shared>>) target_semaphore(%run_scoped3A : memref<!tpu.dma_semaphore, #tpu.memory_space<semaphore_mem>>)
      %dma_wait3A_162 = arith.constant 0 : i32
      %dma_wait3A_163 = tpu.memref_slice %arg22[%add3A_18, %dma_wait3A_162] : memref<10240x128xf32, #tpu.memory_space<vmem_shared>> -> memref<80x128xf32, #tpu.memory_space<vmem_shared>>
      %dma_wait3A_164 = arith.constant 0 : i32
      %dma_wait3A_165 = tpu.memref_slice %arg22[%add3A_18, %dma_wait3A_164] : memref<10240x128xf32, #tpu.memory_space<vmem_shared>> -> memref<80x128xf32, #tpu.memory_space<vmem_shared>>
      tpu.wait_dma2 semaphore(%run_scoped3A : memref<!tpu.dma_semaphore, #tpu.memory_space<semaphore_mem>>) src(%arg17 : memref<80x128xf32, #tpu.memory_space<vmem>>) dst(%dma_wait3A_165 : memref<80x128xf32, #tpu.memory_space<vmem_shared>>)
      tpu.yield
    }) : () -> ()
    %mul3A_19 = arith.constant 640 : i32
    %mul3A_20 = arith.muli %arg1, %mul3A_19 : i32
    %add3A_21 = arith.constant 240 : i32
    %add3A_22 = arith.addi %mul3A_20, %add3A_21 : i32
    "tpu.region"() ({
      %run_scoped3A = tpu.sem_alloc : memref<!tpu.dma_semaphore, #tpu.memory_space<semaphore_mem>>
      %dma_start3A_158 = arith.constant 0 : i32
      %dma_start3A_159 = tpu.memref_slice %arg22[%add3A_22, %dma_start3A_158] : memref<10240x128xf32, #tpu.memory_space<vmem_shared>> -> memref<80x128xf32, #tpu.memory_space<vmem_shared>>
      %dma_start3A_160 = arith.constant 0 : i32
      %dma_start3A_161 = tpu.memref_slice %arg22[%add3A_22, %dma_start3A_160] : memref<10240x128xf32, #tpu.memory_space<vmem_shared>> -> memref<80x128xf32, #tpu.memory_space<vmem_shared>>
      tpu.enqueue_dma source(%arg17 : memref<80x128xf32, #tpu.memory_space<vmem>>) target(%dma_start3A_161 : memref<80x128xf32, #tpu.memory_space<vmem_shared>>) target_semaphore(%run_scoped3A : memref<!tpu.dma_semaphore, #tpu.memory_space<semaphore_mem>>)
      %dma_wait3A_162 = arith.constant 0 : i32
      %dma_wait3A_163 = tpu.memref_slice %arg22[%add3A_22, %dma_wait3A_162] : memref<10240x128xf32, #tpu.memory_space<vmem_shared>> -> memref<80x128xf32, #tpu.memory_space<vmem_shared>>
      %dma_wait3A_164 = arith.constant 0 : i32
      %dma_wait3A_165 = tpu.memref_slice %arg22[%add3A_22, %dma_wait3A_164] : memref<10240x128xf32, #tpu.memory_space<vmem_shared>> -> memref<80x128xf32, #tpu.memory_space<vmem_shared>>
      tpu.wait_dma2 semaphore(%run_scoped3A : memref<!tpu.dma_semaphore, #tpu.memory_space<semaphore_mem>>) src(%arg17 : memref<80x128xf32, #tpu.memory_space<vmem>>) dst(%dma_wait3A_165 : memref<80x128xf32, #tpu.memory_space<vmem_shared>>)
      tpu.yield
    }) : () -> ()
    %mul3A_23 = arith.constant 640 : i32
    %mul3A_24 = arith.muli %arg1, %mul3A_23 : i32
    %add3A_25 = arith.constant 320 : i32
    %add3A_26 = arith.addi %mul3A_24, %add3A_25 : i32
    "tpu.region"() ({
      %run_scoped3A = tpu.sem_alloc : memref<!tpu.dma_semaphore, #tpu.memory_space<semaphore_mem>>
      %dma_start3A_158 = arith.constant 0 : i32
      %dma_start3A_159 = tpu.memref_slice %arg22[%add3A_26, %dma_start3A_158] : memref<10240x128xf32, #tpu.memory_space<vmem_shared>> -> memref<80x128xf32, #tpu.memory_space<vmem_shared>>
      %dma_start3A_160 = arith.constant 0 : i32
      %dma_start3A_161 = tpu.memref_slice %arg22[%add3A_26, %dma_start3A_160] : memref<10240x128xf32, #tpu.memory_space<vmem_shared>> -> memref<80x128xf32, #tpu.memory_space<vmem_shared>>
      tpu.enqueue_dma source(%arg17 : memref<80x128xf32, #tpu.memory_space<vmem>>) target(%dma_start3A_161 : memref<80x128xf32, #tpu.memory_space<vmem_shared>>) target_semaphore(%run_scoped3A : memref<!tpu.dma_semaphore, #tpu.memory_space<semaphore_mem>>)
      %dma_wait3A_162 = arith.constant 0 : i32
      %dma_wait3A_163 = tpu.memref_slice %arg22[%add3A_26, %dma_wait3A_162] : memref<10240x128xf32, #tpu.memory_space<vmem_shared>> -> memref<80x128xf32, #tpu.memory_space<vmem_shared>>
      %dma_wait3A_164 = arith.constant 0 : i32
      %dma_wait3A_165 = tpu.memref_slice %arg22[%add3A_26, %dma_wait3A_164] : memref<10240x128xf32, #tpu.memory_space<vmem_shared>> -> memref<80x128xf32, #tpu.memory_space<vmem_shared>>
      tpu.wait_dma2 semaphore(%run_scoped3A : memref<!tpu.dma_semaphore, #tpu.memory_space<semaphore_mem>>) src(%arg17 : memref<80x128xf32, #tpu.memory_space<vmem>>) dst(%dma_wait3A_165 : memref<80x128xf32, #tpu.memory_space<vmem_shared>>)
      tpu.yield
    }) : () -> ()
    %mul3A_27 = arith.constant 640 : i32
    %mul3A_28 = arith.muli %arg1, %mul3A_27 : i32
    %add3A_29 = arith.constant 400 : i32
    %add3A_30 = arith.addi %mul3A_28, %add3A_29 : i32
    "tpu.region"() ({
      %run_scoped3A = tpu.sem_alloc : memref<!tpu.dma_semaphore, #tpu.memory_space<semaphore_mem>>
      %dma_start3A_158 = arith.constant 0 : i32
      %dma_start3A_159 = tpu.memref_slice %arg22[%add3A_30, %dma_start3A_158] : memref<10240x128xf32, #tpu.memory_space<vmem_shared>> -> memref<80x128xf32, #tpu.memory_space<vmem_shared>>
      %dma_start3A_160 = arith.constant 0 : i32
      %dma_start3A_161 = tpu.memref_slice %arg22[%add3A_30, %dma_start3A_160] : memref<10240x128xf32, #tpu.memory_space<vmem_shared>> -> memref<80x128xf32, #tpu.memory_space<vmem_shared>>
      tpu.enqueue_dma source(%arg17 : memref<80x128xf32, #tpu.memory_space<vmem>>) target(%dma_start3A_161 : memref<80x128xf32, #tpu.memory_space<vmem_shared>>) target_semaphore(%run_scoped3A : memref<!tpu.dma_semaphore, #tpu.memory_space<semaphore_mem>>)
      %dma_wait3A_162 = arith.constant 0 : i32
      %dma_wait3A_163 = tpu.memref_slice %arg22[%add3A_30, %dma_wait3A_162] : memref<10240x128xf32, #tpu.memory_space<vmem_shared>> -> memref<80x128xf32, #tpu.memory_space<vmem_shared>>
      %dma_wait3A_164 = arith.constant 0 : i32
      %dma_wait3A_165 = tpu.memref_slice %arg22[%add3A_30, %dma_wait3A_164] : memref<10240x128xf32, #tpu.memory_space<vmem_shared>> -> memref<80x128xf32, #tpu.memory_space<vmem_shared>>
      tpu.wait_dma2 semaphore(%run_scoped3A : memref<!tpu.dma_semaphore, #tpu.memory_space<semaphore_mem>>) src(%arg17 : memref<80x128xf32, #tpu.memory_space<vmem>>) dst(%dma_wait3A_165 : memref<80x128xf32, #tpu.memory_space<vmem_shared>>)
      tpu.yield
    }) : () -> ()
    %mul3A_31 = arith.constant 640 : i32
    %mul3A_32 = arith.muli %arg1, %mul3A_31 : i32
    %add3A_33 = arith.constant 480 : i32
    %add3A_34 = arith.addi %mul3A_32, %add3A_33 : i32
    "tpu.region"() ({
      %run_scoped3A = tpu.sem_alloc : memref<!tpu.dma_semaphore, #tpu.memory_space<semaphore_mem>>
      %dma_start3A_158 = arith.constant 0 : i32
      %dma_start3A_159 = tpu.memref_slice %arg22[%add3A_34, %dma_start3A_158] : memref<10240x128xf32, #tpu.memory_space<vmem_shared>> -> memref<80x128xf32, #tpu.memory_space<vmem_shared>>
      %dma_start3A_160 = arith.constant 0 : i32
      %dma_start3A_161 = tpu.memref_slice %arg22[%add3A_34, %dma_start3A_160] : memref<10240x128xf32, #tpu.memory_space<vmem_shared>> -> memref<80x128xf32, #tpu.memory_space<vmem_shared>>
      tpu.enqueue_dma source(%arg17 : memref<80x128xf32, #tpu.memory_space<vmem>>) target(%dma_start3A_161 : memref<80x128xf32, #tpu.memory_space<vmem_shared>>) target_semaphore(%run_scoped3A : memref<!tpu.dma_semaphore, #tpu.memory_space<semaphore_mem>>)
      %dma_wait3A_162 = arith.constant 0 : i32
      %dma_wait3A_163 = tpu.memref_slice %arg22[%add3A_34, %dma_wait3A_162] : memref<10240x128xf32, #tpu.memory_space<vmem_shared>> -> memref<80x128xf32, #tpu.memory_space<vmem_shared>>
      %dma_wait3A_164 = arith.constant 0 : i32
      %dma_wait3A_165 = tpu.memref_slice %arg22[%add3A_34, %dma_wait3A_164] : memref<10240x128xf32, #tpu.memory_space<vmem_shared>> -> memref<80x128xf32, #tpu.memory_space<vmem_shared>>
      tpu.wait_dma2 semaphore(%run_scoped3A : memref<!tpu.dma_semaphore, #tpu.memory_space<semaphore_mem>>) src(%arg17 : memref<80x128xf32, #tpu.memory_space<vmem>>) dst(%dma_wait3A_165 : memref<80x128xf32, #tpu.memory_space<vmem_shared>>)
      tpu.yield
    }) : () -> ()
    %mul3A_35 = arith.constant 640 : i32
    %mul3A_36 = arith.muli %arg1, %mul3A_35 : i32
    %add3A_37 = arith.constant 560 : i32
    %add3A_38 = arith.addi %mul3A_36, %add3A_37 : i32
    "tpu.region"() ({
      %run_scoped3A = tpu.sem_alloc : memref<!tpu.dma_semaphore, #tpu.memory_space<semaphore_mem>>
      %dma_start3A_158 = arith.constant 0 : i32
      %dma_start3A_159 = tpu.memref_slice %arg22[%add3A_38, %dma_start3A_158] : memref<10240x128xf32, #tpu.memory_space<vmem_shared>> -> memref<80x128xf32, #tpu.memory_space<vmem_shared>>
      %dma_start3A_160 = arith.constant 0 : i32
      %dma_start3A_161 = tpu.memref_slice %arg22[%add3A_38, %dma_start3A_160] : memref<10240x128xf32, #tpu.memory_space<vmem_shared>> -> memref<80x128xf32, #tpu.memory_space<vmem_shared>>
      tpu.enqueue_dma source(%arg17 : memref<80x128xf32, #tpu.memory_space<vmem>>) target(%dma_start3A_161 : memref<80x128xf32, #tpu.memory_space<vmem_shared>>) target_semaphore(%run_scoped3A : memref<!tpu.dma_semaphore, #tpu.memory_space<semaphore_mem>>)
      %dma_wait3A_162 = arith.constant 0 : i32
      %dma_wait3A_163 = tpu.memref_slice %arg22[%add3A_38, %dma_wait3A_162] : memref<10240x128xf32, #tpu.memory_space<vmem_shared>> -> memref<80x128xf32, #tpu.memory_space<vmem_shared>>
      %dma_wait3A_164 = arith.constant 0 : i32
      %dma_wait3A_165 = tpu.memref_slice %arg22[%add3A_38, %dma_wait3A_164] : memref<10240x128xf32, #tpu.memory_space<vmem_shared>> -> memref<80x128xf32, #tpu.memory_space<vmem_shared>>
      tpu.wait_dma2 semaphore(%run_scoped3A : memref<!tpu.dma_semaphore, #tpu.memory_space<semaphore_mem>>) src(%arg17 : memref<80x128xf32, #tpu.memory_space<vmem>>) dst(%dma_wait3A_165 : memref<80x128xf32, #tpu.memory_space<vmem_shared>>)
      tpu.yield
    }) : () -> ()
    %scan3A_39 = arith.constant 0 : i32
    %scan3A_40 = arith.constant 0 : i32
    %scan3A_41 = arith.constant 5 : i32
    %scan3A_42 = arith.addi %scan3A_40, %scan3A_41 : i32
    %scan3A_43 = arith.constant 1 : i32
    %scan3A_44 = scf.for %scan3A_158 = %scan3A_40 to %scan3A_42 step %scan3A_43 iter_args(%scan3A_159 = %scan3A_39) -> (i32)  : i32 {
      %broadcast_in_dim3A = arith.constant 0.000000e+00 : f32
      %broadcast_in_dim3A_160 = vector.broadcast %broadcast_in_dim3A : f32 to vector<16xf32>
      %mul3A_161 = arith.constant 16 : i32
      %mul3A_162 = arith.muli %scan3A_158, %mul3A_161 : i32
      %swap3A = arith.index_cast %mul3A_162 : i32 to index
      %swap3A_163 = tpu.vector_load %arg21[%swap3A] {strides = array<i32>} : memref<80xf32, #tpu.memory_space<vmem>>, vector<16xf32>,
      %swap3A_164 = vector.shape_cast %swap3A_163 : vector<16xf32> to vector<16xf32>
      %swap3A_165 = vector.shape_cast %broadcast_in_dim3A_160 : vector<16xf32> to vector<16xf32>
      tpu.vector_store %arg21[%swap3A], %swap3A_165 {strides = array<i32>} : memref<80xf32, #tpu.memory_space<vmem>>, vector<16xf32>,
      %scan3A_166 = arith.constant 0 : i32
      scf.yield %scan3A_166 : i32
    }
    %scan3A_45 = arith.constant 5 : i32
    %mul3A_46 = arith.constant 640 : i32
    %mul3A_47 = arith.muli %arg1, %mul3A_46 : i32
    %add3A_48 = arith.constant 0 : i32
    %add3A_49 = arith.addi %mul3A_47, %add3A_48 : i32
    "tpu.region"() ({
      %run_scoped3A = tpu.sem_alloc : memref<!tpu.dma_semaphore, #tpu.memory_space<semaphore_mem>>
      %dma_start3A_158 = tpu.memref_slice %arg23[%add3A_49] : memref<10240xf32, #tpu.memory_space<vmem_shared>> -> memref<80xf32, #tpu.memory_space<vmem_shared>>
      %dma_start3A_159 = tpu.memref_slice %arg23[%add3A_49] : memref<10240xf32, #tpu.memory_space<vmem_shared>> -> memref<80xf32, #tpu.memory_space<vmem_shared>>
      tpu.enqueue_dma source(%arg21 : memref<80xf32, #tpu.memory_space<vmem>>) target(%dma_start3A_159 : memref<80xf32, #tpu.memory_space<vmem_shared>>) target_semaphore(%run_scoped3A : memref<!tpu.dma_semaphore, #tpu.memory_space<semaphore_mem>>)
      %dma_wait3A_160 = tpu.memref_slice %arg23[%add3A_49] : memref<10240xf32, #tpu.memory_space<vmem_shared>> -> memref<80xf32, #tpu.memory_space<vmem_shared>>
      %dma_wait3A_161 = tpu.memref_slice %arg23[%add3A_49] : memref<10240xf32, #tpu.memory_space<vmem_shared>> -> memref<80xf32, #tpu.memory_space<vmem_shared>>
      tpu.wait_dma2 semaphore(%run_scoped3A : memref<!tpu.dma_semaphore, #tpu.memory_space<semaphore_mem>>) src(%arg21 : memref<80xf32, #tpu.memory_space<vmem>>) dst(%dma_wait3A_161 : memref<80xf32, #tpu.memory_space<vmem_shared>>)
      tpu.yield
    }) : () -> ()
    %mul3A_50 = arith.constant 640 : i32
    %mul3A_51 = arith.muli %arg1, %mul3A_50 : i32
    %add3A_52 = arith.constant 80 : i32
    %add3A_53 = arith.addi %mul3A_51, %add3A_52 : i32
    "tpu.region"() ({
      %run_scoped3A = tpu.sem_alloc : memref<!tpu.dma_semaphore, #tpu.memory_space<semaphore_mem>>
      %dma_start3A_158 = tpu.memref_slice %arg23[%add3A_53] : memref<10240xf32, #tpu.memory_space<vmem_shared>> -> memref<80xf32, #tpu.memory_space<vmem_shared>>
      %dma_start3A_159 = tpu.memref_slice %arg23[%add3A_53] : memref<10240xf32, #tpu.memory_space<vmem_shared>> -> memref<80xf32, #tpu.memory_space<vmem_shared>>
      tpu.enqueue_dma source(%arg21 : memref<80xf32, #tpu.memory_space<vmem>>) target(%dma_start3A_159 : memref<80xf32, #tpu.memory_space<vmem_shared>>) target_semaphore(%run_scoped3A : memref<!tpu.dma_semaphore, #tpu.memory_space<semaphore_mem>>)
      %dma_wait3A_160 = tpu.memref_slice %arg23[%add3A_53] : memref<10240xf32, #tpu.memory_space<vmem_shared>> -> memref<80xf32, #tpu.memory_space<vmem_shared>>
      %dma_wait3A_161 = tpu.memref_slice %arg23[%add3A_53] : memref<10240xf32, #tpu.memory_space<vmem_shared>> -> memref<80xf32, #tpu.memory_space<vmem_shared>>
      tpu.wait_dma2 semaphore(%run_scoped3A : memref<!tpu.dma_semaphore, #tpu.memory_space<semaphore_mem>>) src(%arg21 : memref<80xf32, #tpu.memory_space<vmem>>) dst(%dma_wait3A_161 : memref<80xf32, #tpu.memory_space<vmem_shared>>)
      tpu.yield
    }) : () -> ()
    %mul3A_54 = arith.constant 640 : i32
    %mul3A_55 = arith.muli %arg1, %mul3A_54 : i32
    %add3A_56 = arith.constant 160 : i32
    %add3A_57 = arith.addi %mul3A_55, %add3A_56 : i32
    "tpu.region"() ({
      %run_scoped3A = tpu.sem_alloc : memref<!tpu.dma_semaphore, #tpu.memory_space<semaphore_mem>>
      %dma_start3A_158 = tpu.memref_slice %arg23[%add3A_57] : memref<10240xf32, #tpu.memory_space<vmem_shared>> -> memref<80xf32, #tpu.memory_space<vmem_shared>>
      %dma_start3A_159 = tpu.memref_slice %arg23[%add3A_57] : memref<10240xf32, #tpu.memory_space<vmem_shared>> -> memref<80xf32, #tpu.memory_space<vmem_shared>>
      tpu.enqueue_dma source(%arg21 : memref<80xf32, #tpu.memory_space<vmem>>) target(%dma_start3A_159 : memref<80xf32, #tpu.memory_space<vmem_shared>>) target_semaphore(%run_scoped3A : memref<!tpu.dma_semaphore, #tpu.memory_space<semaphore_mem>>)
      %dma_wait3A_160 = tpu.memref_slice %arg23[%add3A_57] : memref<10240xf32, #tpu.memory_space<vmem_shared>> -> memref<80xf32, #tpu.memory_space<vmem_shared>>
      %dma_wait3A_161 = tpu.memref_slice %arg23[%add3A_57] : memref<10240xf32, #tpu.memory_space<vmem_shared>> -> memref<80xf32, #tpu.memory_space<vmem_shared>>
      tpu.wait_dma2 semaphore(%run_scoped3A : memref<!tpu.dma_semaphore, #tpu.memory_space<semaphore_mem>>) src(%arg21 : memref<80xf32, #tpu.memory_space<vmem>>) dst(%dma_wait3A_161 : memref<80xf32, #tpu.memory_space<vmem_shared>>)
      tpu.yield
    }) : () -> ()
    %mul3A_58 = arith.constant 640 : i32
    %mul3A_59 = arith.muli %arg1, %mul3A_58 : i32
    %add3A_60 = arith.constant 240 : i32
    %add3A_61 = arith.addi %mul3A_59, %add3A_60 : i32
    "tpu.region"() ({
      %run_scoped3A = tpu.sem_alloc : memref<!tpu.dma_semaphore, #tpu.memory_space<semaphore_mem>>
      %dma_start3A_158 = tpu.memref_slice %arg23[%add3A_61] : memref<10240xf32, #tpu.memory_space<vmem_shared>> -> memref<80xf32, #tpu.memory_space<vmem_shared>>
      %dma_start3A_159 = tpu.memref_slice %arg23[%add3A_61] : memref<10240xf32, #tpu.memory_space<vmem_shared>> -> memref<80xf32, #tpu.memory_space<vmem_shared>>
      tpu.enqueue_dma source(%arg21 : memref<80xf32, #tpu.memory_space<vmem>>) target(%dma_start3A_159 : memref<80xf32, #tpu.memory_space<vmem_shared>>) target_semaphore(%run_scoped3A : memref<!tpu.dma_semaphore, #tpu.memory_space<semaphore_mem>>)
      %dma_wait3A_160 = tpu.memref_slice %arg23[%add3A_61] : memref<10240xf32, #tpu.memory_space<vmem_shared>> -> memref<80xf32, #tpu.memory_space<vmem_shared>>
      %dma_wait3A_161 = tpu.memref_slice %arg23[%add3A_61] : memref<10240xf32, #tpu.memory_space<vmem_shared>> -> memref<80xf32, #tpu.memory_space<vmem_shared>>
      tpu.wait_dma2 semaphore(%run_scoped3A : memref<!tpu.dma_semaphore, #tpu.memory_space<semaphore_mem>>) src(%arg21 : memref<80xf32, #tpu.memory_space<vmem>>) dst(%dma_wait3A_161 : memref<80xf32, #tpu.memory_space<vmem_shared>>)
      tpu.yield
    }) : () -> ()
    %mul3A_62 = arith.constant 640 : i32
    %mul3A_63 = arith.muli %arg1, %mul3A_62 : i32
    %add3A_64 = arith.constant 320 : i32
    %add3A_65 = arith.addi %mul3A_63, %add3A_64 : i32
    "tpu.region"() ({
      %run_scoped3A = tpu.sem_alloc : memref<!tpu.dma_semaphore, #tpu.memory_space<semaphore_mem>>
      %dma_start3A_158 = tpu.memref_slice %arg23[%add3A_65] : memref<10240xf32, #tpu.memory_space<vmem_shared>> -> memref<80xf32, #tpu.memory_space<vmem_shared>>
      %dma_start3A_159 = tpu.memref_slice %arg23[%add3A_65] : memref<10240xf32, #tpu.memory_space<vmem_shared>> -> memref<80xf32, #tpu.memory_space<vmem_shared>>
      tpu.enqueue_dma source(%arg21 : memref<80xf32, #tpu.memory_space<vmem>>) target(%dma_start3A_159 : memref<80xf32, #tpu.memory_space<vmem_shared>>) target_semaphore(%run_scoped3A : memref<!tpu.dma_semaphore, #tpu.memory_space<semaphore_mem>>)
      %dma_wait3A_160 = tpu.memref_slice %arg23[%add3A_65] : memref<10240xf32, #tpu.memory_space<vmem_shared>> -> memref<80xf32, #tpu.memory_space<vmem_shared>>
      %dma_wait3A_161 = tpu.memref_slice %arg23[%add3A_65] : memref<10240xf32, #tpu.memory_space<vmem_shared>> -> memref<80xf32, #tpu.memory_space<vmem_shared>>
      tpu.wait_dma2 semaphore(%run_scoped3A : memref<!tpu.dma_semaphore, #tpu.memory_space<semaphore_mem>>) src(%arg21 : memref<80xf32, #tpu.memory_space<vmem>>) dst(%dma_wait3A_161 : memref<80xf32, #tpu.memory_space<vmem_shared>>)
      tpu.yield
    }) : () -> ()
    %mul3A_66 = arith.constant 640 : i32
    %mul3A_67 = arith.muli %arg1, %mul3A_66 : i32
    %add3A_68 = arith.constant 400 : i32
    %add3A_69 = arith.addi %mul3A_67, %add3A_68 : i32
    "tpu.region"() ({
      %run_scoped3A = tpu.sem_alloc : memref<!tpu.dma_semaphore, #tpu.memory_space<semaphore_mem>>
      %dma_start3A_158 = tpu.memref_slice %arg23[%add3A_69] : memref<10240xf32, #tpu.memory_space<vmem_shared>> -> memref<80xf32, #tpu.memory_space<vmem_shared>>
      %dma_start3A_159 = tpu.memref_slice %arg23[%add3A_69] : memref<10240xf32, #tpu.memory_space<vmem_shared>> -> memref<80xf32, #tpu.memory_space<vmem_shared>>
      tpu.enqueue_dma source(%arg21 : memref<80xf32, #tpu.memory_space<vmem>>) target(%dma_start3A_159 : memref<80xf32, #tpu.memory_space<vmem_shared>>) target_semaphore(%run_scoped3A : memref<!tpu.dma_semaphore, #tpu.memory_space<semaphore_mem>>)
      %dma_wait3A_160 = tpu.memref_slice %arg23[%add3A_69] : memref<10240xf32, #tpu.memory_space<vmem_shared>> -> memref<80xf32, #tpu.memory_space<vmem_shared>>
      %dma_wait3A_161 = tpu.memref_slice %arg23[%add3A_69] : memref<10240xf32, #tpu.memory_space<vmem_shared>> -> memref<80xf32, #tpu.memory_space<vmem_shared>>
      tpu.wait_dma2 semaphore(%run_scoped3A : memref<!tpu.dma_semaphore, #tpu.memory_space<semaphore_mem>>) src(%arg21 : memref<80xf32, #tpu.memory_space<vmem>>) dst(%dma_wait3A_161 : memref<80xf32, #tpu.memory_space<vmem_shared>>)
      tpu.yield
    }) : () -> ()
    %mul3A_70 = arith.constant 640 : i32
    %mul3A_71 = arith.muli %arg1, %mul3A_70 : i32
    %add3A_72 = arith.constant 480 : i32
    %add3A_73 = arith.addi %mul3A_71, %add3A_72 : i32
    "tpu.region"() ({
      %run_scoped3A = tpu.sem_alloc : memref<!tpu.dma_semaphore, #tpu.memory_space<semaphore_mem>>
      %dma_start3A_158 = tpu.memref_slice %arg23[%add3A_73] : memref<10240xf32, #tpu.memory_space<vmem_shared>> -> memref<80xf32, #tpu.memory_space<vmem_shared>>
      %dma_start3A_159 = tpu.memref_slice %arg23[%add3A_73] : memref<10240xf32, #tpu.memory_space<vmem_shared>> -> memref<80xf32, #tpu.memory_space<vmem_shared>>
      tpu.enqueue_dma source(%arg21 : memref<80xf32, #tpu.memory_space<vmem>>) target(%dma_start3A_159 : memref<80xf32, #tpu.memory_space<vmem_shared>>) target_semaphore(%run_scoped3A : memref<!tpu.dma_semaphore, #tpu.memory_space<semaphore_mem>>)
      %dma_wait3A_160 = tpu.memref_slice %arg23[%add3A_73] : memref<10240xf32, #tpu.memory_space<vmem_shared>> -> memref<80xf32, #tpu.memory_space<vmem_shared>>
      %dma_wait3A_161 = tpu.memref_slice %arg23[%add3A_73] : memref<10240xf32, #tpu.memory_space<vmem_shared>> -> memref<80xf32, #tpu.memory_space<vmem_shared>>
      tpu.wait_dma2 semaphore(%run_scoped3A : memref<!tpu.dma_semaphore, #tpu.memory_space<semaphore_mem>>) src(%arg21 : memref<80xf32, #tpu.memory_space<vmem>>) dst(%dma_wait3A_161 : memref<80xf32, #tpu.memory_space<vmem_shared>>)
      tpu.yield
    }) : () -> ()
    %mul3A_74 = arith.constant 640 : i32
    %mul3A_75 = arith.muli %arg1, %mul3A_74 : i32
    %add3A_76 = arith.constant 560 : i32
    %add3A_77 = arith.addi %mul3A_75, %add3A_76 : i32
    "tpu.region"() ({
      %run_scoped3A = tpu.sem_alloc : memref<!tpu.dma_semaphore, #tpu.memory_space<semaphore_mem>>
      %dma_start3A_158 = tpu.memref_slice %arg23[%add3A_77] : memref<10240xf32, #tpu.memory_space<vmem_shared>> -> memref<80xf32, #tpu.memory_space<vmem_shared>>
      %dma_start3A_159 = tpu.memref_slice %arg23[%add3A_77] : memref<10240xf32, #tpu.memory_space<vmem_shared>> -> memref<80xf32, #tpu.memory_space<vmem_shared>>
      tpu.enqueue_dma source(%arg21 : memref<80xf32, #tpu.memory_space<vmem>>) target(%dma_start3A_159 : memref<80xf32, #tpu.memory_space<vmem_shared>>) target_semaphore(%run_scoped3A : memref<!tpu.dma_semaphore, #tpu.memory_space<semaphore_mem>>)
      %dma_wait3A_160 = tpu.memref_slice %arg23[%add3A_77] : memref<10240xf32, #tpu.memory_space<vmem_shared>> -> memref<80xf32, #tpu.memory_space<vmem_shared>>
      %dma_wait3A_161 = tpu.memref_slice %arg23[%add3A_77] : memref<10240xf32, #tpu.memory_space<vmem_shared>> -> memref<80xf32, #tpu.memory_space<vmem_shared>>
      tpu.wait_dma2 semaphore(%run_scoped3A : memref<!tpu.dma_semaphore, #tpu.memory_space<semaphore_mem>>) src(%arg21 : memref<80xf32, #tpu.memory_space<vmem>>) dst(%dma_wait3A_161 : memref<80xf32, #tpu.memory_space<vmem_shared>>)
      tpu.yield
    }) : () -> ()
    %scan3A_78 = arith.constant 0 : i32
    %scan3A_79 = arith.constant 0 : i32
    %scan3A_80 = arith.constant 5 : i32
    %scan3A_81 = arith.addi %scan3A_79, %scan3A_80 : i32
    %scan3A_82 = arith.constant 1 : i32
    %scan3A_83 = scf.for %scan3A_158 = %scan3A_79 to %scan3A_81 step %scan3A_82 iter_args(%scan3A_159 = %scan3A_78) -> (i32)  : i32 {
      %broadcast_in_dim3A = arith.constant 1.000000e+00 : f32
      %broadcast_in_dim3A_160 = vector.broadcast %broadcast_in_dim3A : f32 to vector<16xf32>
      %mul3A_161 = arith.constant 16 : i32
      %mul3A_162 = arith.muli %scan3A_158, %mul3A_161 : i32
      %swap3A = arith.index_cast %mul3A_162 : i32 to index
      %swap3A_163 = tpu.vector_load %arg21[%swap3A] {strides = array<i32>} : memref<80xf32, #tpu.memory_space<vmem>>, vector<16xf32>,
      %swap3A_164 = vector.shape_cast %swap3A_163 : vector<16xf32> to vector<16xf32>
      %swap3A_165 = vector.shape_cast %broadcast_in_dim3A_160 : vector<16xf32> to vector<16xf32>
      tpu.vector_store %arg21[%swap3A], %swap3A_165 {strides = array<i32>} : memref<80xf32, #tpu.memory_space<vmem>>, vector<16xf32>,
      %scan3A_166 = arith.constant 0 : i32
      scf.yield %scan3A_166 : i32
    }
    %scan3A_84 = arith.constant 5 : i32
    %barrier3A = arith.constant 0 : index
    tpu.barrier barrier_id(%barrier3A)
    %mul3A_85 = arith.constant 10000 : i32
    %mul3A_86 = arith.muli %add3A, %mul3A_85 : i32
    %add3A_87 = arith.constant 0 : i32
    %add3A_88 = arith.addi %mul3A_86, %add3A_87 : i32
    %dma_start3A = tpu.memref_slice %arg2[%add3A_88] : memref<320000xi32, #tpu.memory_space<hbm>> -> memref<80xi32, #tpu.memory_space<hbm>>
    %dma_start3A_89 = tpu.memref_slice %arg2[%add3A_88] : memref<320000xi32, #tpu.memory_space<hbm>> -> memref<80xi32, #tpu.memory_space<hbm>>
    tpu.enqueue_dma source(%dma_start3A_89 : memref<80xi32, #tpu.memory_space<hbm>>) target(%arg9 : memref<80xi32, #tpu.memory_space<vmem>>) target_semaphore(%arg24 : memref<!tpu.dma_semaphore, #tpu.memory_space<semaphore_mem>>)
    %dma_start3A_90 = tpu.memref_slice %arg3[%add3A_88] : memref<320000xi32, #tpu.memory_space<hbm>> -> memref<80xi32, #tpu.memory_space<hbm>>
    %dma_start3A_91 = tpu.memref_slice %arg3[%add3A_88] : memref<320000xi32, #tpu.memory_space<hbm>> -> memref<80xi32, #tpu.memory_space<hbm>>
    tpu.enqueue_dma source(%dma_start3A_91 : memref<80xi32, #tpu.memory_space<hbm>>) target(%arg13 : memref<80xi32, #tpu.memory_space<vmem>>) target_semaphore(%arg24 : memref<!tpu.dma_semaphore, #tpu.memory_space<semaphore_mem>>)
    %add3A_92 = arith.constant 80 : i32
    %add3A_93 = arith.addi %mul3A_86, %add3A_92 : i32
    %dma_start3A_94 = tpu.memref_slice %arg2[%add3A_93] : memref<320000xi32, #tpu.memory_space<hbm>> -> memref<80xi32, #tpu.memory_space<hbm>>
    %dma_start3A_95 = tpu.memref_slice %arg2[%add3A_93] : memref<320000xi32, #tpu.memory_space<hbm>> -> memref<80xi32, #tpu.memory_space<hbm>>
    tpu.enqueue_dma source(%dma_start3A_95 : memref<80xi32, #tpu.memory_space<hbm>>) target(%arg10 : memref<80xi32, #tpu.memory_space<vmem>>) target_semaphore(%arg25 : memref<!tpu.dma_semaphore, #tpu.memory_space<semaphore_mem>>)
    %dma_start3A_96 = tpu.memref_slice %arg3[%add3A_93] : memref<320000xi32, #tpu.memory_space<hbm>> -> memref<80xi32, #tpu.memory_space<hbm>>
    %dma_start3A_97 = tpu.memref_slice %arg3[%add3A_93] : memref<320000xi32, #tpu.memory_space<hbm>> -> memref<80xi32, #tpu.memory_space<hbm>>
    tpu.enqueue_dma source(%dma_start3A_97 : memref<80xi32, #tpu.memory_space<hbm>>) target(%arg14 : memref<80xi32, #tpu.memory_space<vmem>>) target_semaphore(%arg25 : memref<!tpu.dma_semaphore, #tpu.memory_space<semaphore_mem>>)
    %dma_wait3A = arith.constant 0 : i32
    %dma_wait3A_98 = tpu.memref_slice %arg2[%dma_wait3A] : memref<320000xi32, #tpu.memory_space<hbm>> -> memref<80xi32, #tpu.memory_space<hbm>>
    %dma_wait3A_99 = arith.constant 0 : i32
    %dma_wait3A_100 = tpu.memref_slice %arg2[%dma_wait3A_99] : memref<320000xi32, #tpu.memory_space<hbm>> -> memref<80xi32, #tpu.memory_space<hbm>>
    tpu.wait_dma2 semaphore(%arg24 : memref<!tpu.dma_semaphore, #tpu.memory_space<semaphore_mem>>) src(%dma_wait3A_100 : memref<80xi32, #tpu.memory_space<hbm>>) dst(%arg9 : memref<80xi32, #tpu.memory_space<vmem>>)
    %dma_wait3A_101 = arith.constant 0 : i32
    %dma_wait3A_102 = tpu.memref_slice %arg3[%dma_wait3A_101] : memref<320000xi32, #tpu.memory_space<hbm>> -> memref<80xi32, #tpu.memory_space<hbm>>
    %dma_wait3A_103 = arith.constant 0 : i32
    %dma_wait3A_104 = tpu.memref_slice %arg3[%dma_wait3A_103] : memref<320000xi32, #tpu.memory_space<hbm>> -> memref<80xi32, #tpu.memory_space<hbm>>
    tpu.wait_dma2 semaphore(%arg24 : memref<!tpu.dma_semaphore, #tpu.memory_space<semaphore_mem>>) src(%dma_wait3A_104 : memref<80xi32, #tpu.memory_space<hbm>>) dst(%arg13 : memref<80xi32, #tpu.memory_space<vmem>>)
    %dma_start3A_105 = arith.constant 0 : i32
    %dma_start3A_106 = arith.constant 0 : i32
    %dma_start3A_107 = tpu.memref_slice %arg4[%dma_start3A_105, %dma_start3A_106] : memref<10240x128xf32, #tpu.memory_space<hbm>> -> memref<10240x128xf32, #tpu.memory_space<hbm>>
    tpu.enqueue_indirect_dma source(%dma_start3A_107 : memref<10240x128xf32, #tpu.memory_space<hbm>>) target(%arg17 : memref<80x128xf32, #tpu.memory_space<vmem>>) offsets(%arg9 : memref<80xi32, #tpu.memory_space<vmem>>) semaphore(%arg28 : memref<!tpu.dma_semaphore, #tpu.memory_space<semaphore_mem>>)
    %add3A_108 = arith.constant 0 : i32
    %add3A_109 = arith.addi %mul3A_86, %add3A_108 : i32
    %dma_start3A_110 = arith.constant 0 : i32
    %dma_start3A_111 = tpu.memref_slice %arg5[%add3A_109, %dma_start3A_110] : memref<320000x128xf32, #tpu.memory_space<hbm>> -> memref<80x128xf32, #tpu.memory_space<hbm>>
    %dma_start3A_112 = arith.constant 0 : i32
    %dma_start3A_113 = tpu.memref_slice %arg5[%add3A_109, %dma_start3A_112] : memref<320000x128xf32, #tpu.memory_space<hbm>> -> memref<80x128xf32, #tpu.memory_space<hbm>>
    tpu.enqueue_dma source(%dma_start3A_113 : memref<80x128xf32, #tpu.memory_space<hbm>>) target(%arg19 : memref<80x128xf32, #tpu.memory_space<vmem>>) target_semaphore(%arg28 : memref<!tpu.dma_semaphore, #tpu.memory_space<semaphore_mem>>)
    %scan3A_114 = arith.constant 0 : i32
    %scan3A_115 = arith.constant 0 : i32
    %scan3A_116 = arith.constant 125 : i32
    %scan3A_117 = arith.addi %scan3A_115, %scan3A_116 : i32
    %scan3A_118 = arith.constant 1 : i32
    %scan3A_119 = scf.for %scan3A_158 = %scan3A_115 to %scan3A_117 step %scan3A_118 iter_args(%scan3A_159 = %scan3A_114) -> (i32)  : i32 {
      %jit3A = arith.constant 4 : i32
      %eq3A_160 = arith.constant 0 : i32
      %eq3A_161 = arith.cmpi eq, %jit3A, %eq3A_160 : i32
      %jit3A_162 = arith.constant 1 : i32
      %select_n3A = arith.select %eq3A_161, %jit3A_162, %jit3A : i32
      %rem3A = arith.remsi %scan3A_158, %select_n3A : i32
      %ne3A = arith.constant 0 : i32
      %ne3A_163 = arith.cmpi ne, %rem3A, %ne3A : i32
      %lt3A = arith.constant 0 : i32
      %lt3A_164 = arith.cmpi slt, %rem3A, %lt3A : i32
      %lt3A_165 = arith.constant 0 : i32
      %lt3A_166 = arith.cmpi slt, %select_n3A, %lt3A_165 : i32
      %ne3A_167 = arith.xori %lt3A_164, %lt3A_166 : i1
      %and3A = arith.andi %ne3A_167, %ne3A_163 : i1
      %add3A_168 = arith.addi %rem3A, %select_n3A : i32
      %select_n3A_169 = arith.select %and3A, %add3A_168, %rem3A : i32
      %eq3A_170 = arith.constant 0 : i32
      %eq3A_171 = arith.cmpi eq, %select_n3A_169, %eq3A_170 : i32
      %convert_element_type3A_172 = arith.extui %eq3A_171 : i1 to i32
      %cond3A_173 = arith.constant 0 : i32
      %cond3A_174 = arith.cmpi ne, %convert_element_type3A_172, %cond3A_173 : i32
      scf.if %cond3A_174 {
        %ge3A = arith.constant 1 : i32
        %ge3A_239 = arith.cmpi sge, %scan3A_158, %ge3A : i32
        %convert_element_type3A_240 = arith.extui %ge3A_239 : i1 to i32
        %cond3A_241 = arith.constant 0 : i32
        %cond3A_242 = arith.cmpi ne, %convert_element_type3A_240, %cond3A_241 : i32
        scf.if %cond3A_242 {
          %dma_wait3A_272 = arith.constant 0 : i32
          %dma_wait3A_273 = arith.constant 0 : i32
          %dma_wait3A_274 = tpu.memref_slice %arg22[%dma_wait3A_272, %dma_wait3A_273] : memref<10240x128xf32, #tpu.memory_space<vmem_shared>> -> memref<10240x128xf32, #tpu.memory_space<vmem_shared>>
          tpu.wait_indirect_dma semaphore(%arg31 : memref<!tpu.dma_semaphore, #tpu.memory_space<semaphore_mem>>) src(%arg18 : memref<80x128xf32, #tpu.memory_space<vmem>>) dst(%dma_wait3A_274 : memref<10240x128xf32, #tpu.memory_space<vmem_shared>>)
          %dma_wait3A_275 = arith.constant 0 : i32
          %dma_wait3A_276 = arith.constant 0 : i32
          %dma_wait3A_277 = tpu.memref_slice %arg22[%dma_wait3A_275, %dma_wait3A_276] : memref<10240x128xf32, #tpu.memory_space<vmem_shared>> -> memref<10240x128xf32, #tpu.memory_space<vmem_shared>>
          tpu.wait_indirect_dma semaphore(%arg31 : memref<!tpu.dma_semaphore, #tpu.memory_space<semaphore_mem>>) src(%arg20 : memref<80x128xf32, #tpu.memory_space<vmem>>) dst(%dma_wait3A_277 : memref<10240x128xf32, #tpu.memory_space<vmem_shared>>)
        } else {
        }
        %add3A_243 = arith.constant 2 : i32
        %add3A_244 = arith.addi %scan3A_158, %add3A_243 : i32
        %lt3A_245 = arith.constant 125 : i32
        %lt3A_246 = arith.cmpi slt, %add3A_244, %lt3A_245 : i32
        %convert_element_type3A_247 = arith.extui %lt3A_246 : i1 to i32
        %cond3A_248 = arith.constant 0 : i32
        %cond3A_249 = arith.cmpi ne, %convert_element_type3A_247, %cond3A_248 : i32
        scf.if %cond3A_249 {
          %add3A_272 = arith.constant 2 : i32
          %add3A_273 = arith.addi %scan3A_158, %add3A_272 : i32
          %mul3A_274 = arith.constant 80 : i32
          %mul3A_275 = arith.muli %add3A_273, %mul3A_274 : i32
          %add3A_276 = arith.addi %mul3A_86, %mul3A_275 : i32
          %dma_start3A_277 = tpu.memref_slice %arg2[%add3A_276] : memref<320000xi32, #tpu.memory_space<hbm>> -> memref<80xi32, #tpu.memory_space<hbm>>
          %dma_start3A_278 = tpu.memref_slice %arg2[%add3A_276] : memref<320000xi32, #tpu.memory_space<hbm>> -> memref<80xi32, #tpu.memory_space<hbm>>
          tpu.enqueue_dma source(%dma_start3A_278 : memref<80xi32, #tpu.memory_space<hbm>>) target(%arg11 : memref<80xi32, #tpu.memory_space<vmem>>) target_semaphore(%arg26 : memref<!tpu.dma_semaphore, #tpu.memory_space<semaphore_mem>>)
          %dma_start3A_279 = tpu.memref_slice %arg3[%add3A_276] : memref<320000xi32, #tpu.memory_space<hbm>> -> memref<80xi32, #tpu.memory_space<hbm>>
          %dma_start3A_280 = tpu.memref_slice %arg3[%add3A_276] : memref<320000xi32, #tpu.memory_space<hbm>> -> memref<80xi32, #tpu.memory_space<hbm>>
          tpu.enqueue_dma source(%dma_start3A_280 : memref<80xi32, #tpu.memory_space<hbm>>) target(%arg15 : memref<80xi32, #tpu.memory_space<vmem>>) target_semaphore(%arg26 : memref<!tpu.dma_semaphore, #tpu.memory_space<semaphore_mem>>)
        } else {
        }
        %add3A_250 = arith.constant 1 : i32
        %add3A_251 = arith.addi %scan3A_158, %add3A_250 : i32
        %lt3A_252 = arith.constant 125 : i32
        %lt3A_253 = arith.cmpi slt, %add3A_251, %lt3A_252 : i32
        %convert_element_type3A_254 = arith.extui %lt3A_253 : i1 to i32
        %cond3A_255 = arith.constant 0 : i32
        %cond3A_256 = arith.cmpi ne, %convert_element_type3A_254, %cond3A_255 : i32
        scf.if %cond3A_256 {
          %dma_wait3A_272 = arith.constant 0 : i32
          %dma_wait3A_273 = tpu.memref_slice %arg2[%dma_wait3A_272] : memref<320000xi32, #tpu.memory_space<hbm>> -> memref<80xi32, #tpu.memory_space<hbm>>
          %dma_wait3A_274 = arith.constant 0 : i32
          %dma_wait3A_275 = tpu.memref_slice %arg2[%dma_wait3A_274] : memref<320000xi32, #tpu.memory_space<hbm>> -> memref<80xi32, #tpu.memory_space<hbm>>
          tpu.wait_dma2 semaphore(%arg25 : memref<!tpu.dma_semaphore, #tpu.memory_space<semaphore_mem>>) src(%dma_wait3A_275 : memref<80xi32, #tpu.memory_space<hbm>>) dst(%arg10 : memref<80xi32, #tpu.memory_space<vmem>>)
          %dma_wait3A_276 = arith.constant 0 : i32
          %dma_wait3A_277 = tpu.memref_slice %arg3[%dma_wait3A_276] : memref<320000xi32, #tpu.memory_space<hbm>> -> memref<80xi32, #tpu.memory_space<hbm>>
          %dma_wait3A_278 = arith.constant 0 : i32
          %dma_wait3A_279 = tpu.memref_slice %arg3[%dma_wait3A_278] : memref<320000xi32, #tpu.memory_space<hbm>> -> memref<80xi32, #tpu.memory_space<hbm>>
          tpu.wait_dma2 semaphore(%arg25 : memref<!tpu.dma_semaphore, #tpu.memory_space<semaphore_mem>>) src(%dma_wait3A_279 : memref<80xi32, #tpu.memory_space<hbm>>) dst(%arg14 : memref<80xi32, #tpu.memory_space<vmem>>)
          %add3A_280 = arith.constant 1 : i32
          %add3A_281 = arith.addi %scan3A_158, %add3A_280 : i32
          %dma_start3A_282 = arith.constant 0 : i32
          %dma_start3A_283 = arith.constant 0 : i32
          %dma_start3A_284 = tpu.memref_slice %arg4[%dma_start3A_282, %dma_start3A_283] : memref<10240x128xf32, #tpu.memory_space<hbm>> -> memref<10240x128xf32, #tpu.memory_space<hbm>>
          tpu.enqueue_indirect_dma source(%dma_start3A_284 : memref<10240x128xf32, #tpu.memory_space<hbm>>) target(%arg18 : memref<80x128xf32, #tpu.memory_space<vmem>>) offsets(%arg10 : memref<80xi32, #tpu.memory_space<vmem>>) semaphore(%arg29 : memref<!tpu.dma_semaphore, #tpu.memory_space<semaphore_mem>>)
          %mul3A_285 = arith.constant 80 : i32
          %mul3A_286 = arith.muli %add3A_281, %mul3A_285 : i32
          %add3A_287 = arith.addi %mul3A_86, %mul3A_286 : i32
          %dma_start3A_288 = arith.constant 0 : i32
          %dma_start3A_289 = tpu.memref_slice %arg5[%add3A_287, %dma_start3A_288] : memref<320000x128xf32, #tpu.memory_space<hbm>> -> memref<80x128xf32, #tpu.memory_space<hbm>>
          %dma_start3A_290 = arith.constant 0 : i32
          %dma_start3A_291 = tpu.memref_slice %arg5[%add3A_287, %dma_start3A_290] : memref<320000x128xf32, #tpu.memory_space<hbm>> -> memref<80x128xf32, #tpu.memory_space<hbm>>
          tpu.enqueue_dma source(%dma_start3A_291 : memref<80x128xf32, #tpu.memory_space<hbm>>) target(%arg20 : memref<80x128xf32, #tpu.memory_space<vmem>>) target_semaphore(%arg29 : memref<!tpu.dma_semaphore, #tpu.memory_space<semaphore_mem>>)
        } else {
        }
        %dma_wait3A_257 = arith.constant 0 : i32
        %dma_wait3A_258 = arith.constant 0 : i32
        %dma_wait3A_259 = tpu.memref_slice %arg4[%dma_wait3A_257, %dma_wait3A_258] : memref<10240x128xf32, #tpu.memory_space<hbm>> -> memref<10240x128xf32, #tpu.memory_space<hbm>>
        tpu.wait_indirect_dma semaphore(%arg28 : memref<!tpu.dma_semaphore, #tpu.memory_space<semaphore_mem>>) src(%dma_wait3A_259 : memref<10240x128xf32, #tpu.memory_space<hbm>>) dst(%arg17 : memref<80x128xf32, #tpu.memory_space<vmem>>)
        %dma_wait3A_260 = arith.constant 0 : i32
        %dma_wait3A_261 = arith.constant 0 : i32
        %dma_wait3A_262 = tpu.memref_slice %arg5[%dma_wait3A_260, %dma_wait3A_261] : memref<320000x128xf32, #tpu.memory_space<hbm>> -> memref<80x128xf32, #tpu.memory_space<hbm>>
        %dma_wait3A_263 = arith.constant 0 : i32
        %dma_wait3A_264 = arith.constant 0 : i32
        %dma_wait3A_265 = tpu.memref_slice %arg5[%dma_wait3A_263, %dma_wait3A_264] : memref<320000x128xf32, #tpu.memory_space<hbm>> -> memref<80x128xf32, #tpu.memory_space<hbm>>
        tpu.wait_dma2 semaphore(%arg28 : memref<!tpu.dma_semaphore, #tpu.memory_space<semaphore_mem>>) src(%dma_wait3A_265 : memref<80x128xf32, #tpu.memory_space<hbm>>) dst(%arg19 : memref<80x128xf32, #tpu.memory_space<vmem>>)
        %dma_start3A_266 = arith.constant 0 : i32
        %dma_start3A_267 = arith.constant 0 : i32
        %dma_start3A_268 = tpu.memref_slice %arg22[%dma_start3A_266, %dma_start3A_267] : memref<10240x128xf32, #tpu.memory_space<vmem_shared>> -> memref<10240x128xf32, #tpu.memory_space<vmem_shared>>
        tpu.enqueue_indirect_dma source(%arg17 : memref<80x128xf32, #tpu.memory_space<vmem>>) target(%dma_start3A_268 : memref<10240x128xf32, #tpu.memory_space<vmem_shared>>) offsets(%arg13 : memref<80xi32, #tpu.memory_space<vmem>>) semaphore(%arg30 : memref<!tpu.dma_semaphore, #tpu.memory_space<semaphore_mem>>) {add = true}
        %dma_start3A_269 = arith.constant 0 : i32
        %dma_start3A_270 = arith.constant 0 : i32
        %dma_start3A_271 = tpu.memref_slice %arg22[%dma_start3A_269, %dma_start3A_270] : memref<10240x128xf32, #tpu.memory_space<vmem_shared>> -> memref<10240x128xf32, #tpu.memory_space<vmem_shared>>
        tpu.enqueue_indirect_dma source(%arg19 : memref<80x128xf32, #tpu.memory_space<vmem>>) target(%dma_start3A_271 : memref<10240x128xf32, #tpu.memory_space<vmem_shared>>) offsets(%arg13 : memref<80xi32, #tpu.memory_space<vmem>>) semaphore(%arg30 : memref<!tpu.dma_semaphore, #tpu.memory_space<semaphore_mem>>) {add = true}
      } else {
      }
      %jit3A_175 = arith.constant 4 : i32
      %eq3A_176 = arith.constant 0 : i32
      %eq3A_177 = arith.cmpi eq, %jit3A_175, %eq3A_176 : i32
      %jit3A_178 = arith.constant 1 : i32
      %select_n3A_179 = arith.select %eq3A_177, %jit3A_178, %jit3A_175 : i32
      %rem3A_180 = arith.remsi %scan3A_158, %select_n3A_179 : i32
      %ne3A_181 = arith.constant 0 : i32
      %ne3A_182 = arith.cmpi ne, %rem3A_180, %ne3A_181 : i32
      %lt3A_183 = arith.constant 0 : i32
      %lt3A_184 = arith.cmpi slt, %rem3A_180, %lt3A_183 : i32
      %lt3A_185 = arith.constant 0 : i32
      %lt3A_186 = arith.cmpi slt, %select_n3A_179, %lt3A_185 : i32
      %ne3A_187 = arith.xori %lt3A_184, %lt3A_186 : i1
      %and3A_188 = arith.andi %ne3A_187, %ne3A_182 : i1
      %add3A_189 = arith.addi %rem3A_180, %select_n3A_179 : i32
      %select_n3A_190 = arith.select %and3A_188, %add3A_189, %rem3A_180 : i32
      %eq3A_191 = arith.constant 1 : i32
      %eq3A_192 = arith.cmpi eq, %select_n3A_190, %eq3A_191 : i32
      %convert_element_type3A_193 = arith.extui %eq3A_192 : i1 to i32
      %cond3A_194 = arith.constant 0 : i32
      %cond3A_195 = arith.cmpi ne, %convert_element_type3A_193, %cond3A_194 : i32
      scf.if %cond3A_195 {
        %ge3A = arith.constant 1 : i32
        %ge3A_239 = arith.cmpi sge, %scan3A_158, %ge3A : i32
        %convert_element_type3A_240 = arith.extui %ge3A_239 : i1 to i32
        %cond3A_241 = arith.constant 0 : i32
        %cond3A_242 = arith.cmpi ne, %convert_element_type3A_240, %cond3A_241 : i32
        scf.if %cond3A_242 {
          %dma_wait3A_272 = arith.constant 0 : i32
          %dma_wait3A_273 = arith.constant 0 : i32
          %dma_wait3A_274 = tpu.memref_slice %arg22[%dma_wait3A_272, %dma_wait3A_273] : memref<10240x128xf32, #tpu.memory_space<vmem_shared>> -> memref<10240x128xf32, #tpu.memory_space<vmem_shared>>
          tpu.wait_indirect_dma semaphore(%arg30 : memref<!tpu.dma_semaphore, #tpu.memory_space<semaphore_mem>>) src(%arg17 : memref<80x128xf32, #tpu.memory_space<vmem>>) dst(%dma_wait3A_274 : memref<10240x128xf32, #tpu.memory_space<vmem_shared>>)
          %dma_wait3A_275 = arith.constant 0 : i32
          %dma_wait3A_276 = arith.constant 0 : i32
          %dma_wait3A_277 = tpu.memref_slice %arg22[%dma_wait3A_275, %dma_wait3A_276] : memref<10240x128xf32, #tpu.memory_space<vmem_shared>> -> memref<10240x128xf32, #tpu.memory_space<vmem_shared>>
          tpu.wait_indirect_dma semaphore(%arg30 : memref<!tpu.dma_semaphore, #tpu.memory_space<semaphore_mem>>) src(%arg19 : memref<80x128xf32, #tpu.memory_space<vmem>>) dst(%dma_wait3A_277 : memref<10240x128xf32, #tpu.memory_space<vmem_shared>>)
        } else {
        }
        %add3A_243 = arith.constant 2 : i32
        %add3A_244 = arith.addi %scan3A_158, %add3A_243 : i32
        %lt3A_245 = arith.constant 125 : i32
        %lt3A_246 = arith.cmpi slt, %add3A_244, %lt3A_245 : i32
        %convert_element_type3A_247 = arith.extui %lt3A_246 : i1 to i32
        %cond3A_248 = arith.constant 0 : i32
        %cond3A_249 = arith.cmpi ne, %convert_element_type3A_247, %cond3A_248 : i32
        scf.if %cond3A_249 {
          %add3A_272 = arith.constant 2 : i32
          %add3A_273 = arith.addi %scan3A_158, %add3A_272 : i32
          %mul3A_274 = arith.constant 80 : i32
          %mul3A_275 = arith.muli %add3A_273, %mul3A_274 : i32
          %add3A_276 = arith.addi %mul3A_86, %mul3A_275 : i32
          %dma_start3A_277 = tpu.memref_slice %arg2[%add3A_276] : memref<320000xi32, #tpu.memory_space<hbm>> -> memref<80xi32, #tpu.memory_space<hbm>>
          %dma_start3A_278 = tpu.memref_slice %arg2[%add3A_276] : memref<320000xi32, #tpu.memory_space<hbm>> -> memref<80xi32, #tpu.memory_space<hbm>>
          tpu.enqueue_dma source(%dma_start3A_278 : memref<80xi32, #tpu.memory_space<hbm>>) target(%arg12 : memref<80xi32, #tpu.memory_space<vmem>>) target_semaphore(%arg27 : memref<!tpu.dma_semaphore, #tpu.memory_space<semaphore_mem>>)
          %dma_start3A_279 = tpu.memref_slice %arg3[%add3A_276] : memref<320000xi32, #tpu.memory_space<hbm>> -> memref<80xi32, #tpu.memory_space<hbm>>
          %dma_start3A_280 = tpu.memref_slice %arg3[%add3A_276] : memref<320000xi32, #tpu.memory_space<hbm>> -> memref<80xi32, #tpu.memory_space<hbm>>
          tpu.enqueue_dma source(%dma_start3A_280 : memref<80xi32, #tpu.memory_space<hbm>>) target(%arg16 : memref<80xi32, #tpu.memory_space<vmem>>) target_semaphore(%arg27 : memref<!tpu.dma_semaphore, #tpu.memory_space<semaphore_mem>>)
        } else {
        }
        %add3A_250 = arith.constant 1 : i32
        %add3A_251 = arith.addi %scan3A_158, %add3A_250 : i32
        %lt3A_252 = arith.constant 125 : i32
        %lt3A_253 = arith.cmpi slt, %add3A_251, %lt3A_252 : i32
        %convert_element_type3A_254 = arith.extui %lt3A_253 : i1 to i32
        %cond3A_255 = arith.constant 0 : i32
        %cond3A_256 = arith.cmpi ne, %convert_element_type3A_254, %cond3A_255 : i32
        scf.if %cond3A_256 {
          %dma_wait3A_272 = arith.constant 0 : i32
          %dma_wait3A_273 = tpu.memref_slice %arg2[%dma_wait3A_272] : memref<320000xi32, #tpu.memory_space<hbm>> -> memref<80xi32, #tpu.memory_space<hbm>>
          %dma_wait3A_274 = arith.constant 0 : i32
          %dma_wait3A_275 = tpu.memref_slice %arg2[%dma_wait3A_274] : memref<320000xi32, #tpu.memory_space<hbm>> -> memref<80xi32, #tpu.memory_space<hbm>>
          tpu.wait_dma2 semaphore(%arg26 : memref<!tpu.dma_semaphore, #tpu.memory_space<semaphore_mem>>) src(%dma_wait3A_275 : memref<80xi32, #tpu.memory_space<hbm>>) dst(%arg11 : memref<80xi32, #tpu.memory_space<vmem>>)
          %dma_wait3A_276 = arith.constant 0 : i32
          %dma_wait3A_277 = tpu.memref_slice %arg3[%dma_wait3A_276] : memref<320000xi32, #tpu.memory_space<hbm>> -> memref<80xi32, #tpu.memory_space<hbm>>
          %dma_wait3A_278 = arith.constant 0 : i32
          %dma_wait3A_279 = tpu.memref_slice %arg3[%dma_wait3A_278] : memref<320000xi32, #tpu.memory_space<hbm>> -> memref<80xi32, #tpu.memory_space<hbm>>
          tpu.wait_dma2 semaphore(%arg26 : memref<!tpu.dma_semaphore, #tpu.memory_space<semaphore_mem>>) src(%dma_wait3A_279 : memref<80xi32, #tpu.memory_space<hbm>>) dst(%arg15 : memref<80xi32, #tpu.memory_space<vmem>>)
          %add3A_280 = arith.constant 1 : i32
          %add3A_281 = arith.addi %scan3A_158, %add3A_280 : i32
          %dma_start3A_282 = arith.constant 0 : i32
          %dma_start3A_283 = arith.constant 0 : i32
          %dma_start3A_284 = tpu.memref_slice %arg4[%dma_start3A_282, %dma_start3A_283] : memref<10240x128xf32, #tpu.memory_space<hbm>> -> memref<10240x128xf32, #tpu.memory_space<hbm>>
          tpu.enqueue_indirect_dma source(%dma_start3A_284 : memref<10240x128xf32, #tpu.memory_space<hbm>>) target(%arg17 : memref<80x128xf32, #tpu.memory_space<vmem>>) offsets(%arg11 : memref<80xi32, #tpu.memory_space<vmem>>) semaphore(%arg28 : memref<!tpu.dma_semaphore, #tpu.memory_space<semaphore_mem>>)
          %mul3A_285 = arith.constant 80 : i32
          %mul3A_286 = arith.muli %add3A_281, %mul3A_285 : i32
          %add3A_287 = arith.addi %mul3A_86, %mul3A_286 : i32
          %dma_start3A_288 = arith.constant 0 : i32
          %dma_start3A_289 = tpu.memref_slice %arg5[%add3A_287, %dma_start3A_288] : memref<320000x128xf32, #tpu.memory_space<hbm>> -> memref<80x128xf32, #tpu.memory_space<hbm>>
          %dma_start3A_290 = arith.constant 0 : i32
          %dma_start3A_291 = tpu.memref_slice %arg5[%add3A_287, %dma_start3A_290] : memref<320000x128xf32, #tpu.memory_space<hbm>> -> memref<80x128xf32, #tpu.memory_space<hbm>>
          tpu.enqueue_dma source(%dma_start3A_291 : memref<80x128xf32, #tpu.memory_space<hbm>>) target(%arg19 : memref<80x128xf32, #tpu.memory_space<vmem>>) target_semaphore(%arg28 : memref<!tpu.dma_semaphore, #tpu.memory_space<semaphore_mem>>)
        } else {
        }
        %dma_wait3A_257 = arith.constant 0 : i32
        %dma_wait3A_258 = arith.constant 0 : i32
        %dma_wait3A_259 = tpu.memref_slice %arg4[%dma_wait3A_257, %dma_wait3A_258] : memref<10240x128xf32, #tpu.memory_space<hbm>> -> memref<10240x128xf32, #tpu.memory_space<hbm>>
        tpu.wait_indirect_dma semaphore(%arg29 : memref<!tpu.dma_semaphore, #tpu.memory_space<semaphore_mem>>) src(%dma_wait3A_259 : memref<10240x128xf32, #tpu.memory_space<hbm>>) dst(%arg18 : memref<80x128xf32, #tpu.memory_space<vmem>>)
        %dma_wait3A_260 = arith.constant 0 : i32
        %dma_wait3A_261 = arith.constant 0 : i32
        %dma_wait3A_262 = tpu.memref_slice %arg5[%dma_wait3A_260, %dma_wait3A_261] : memref<320000x128xf32, #tpu.memory_space<hbm>> -> memref<80x128xf32, #tpu.memory_space<hbm>>
        %dma_wait3A_263 = arith.constant 0 : i32
        %dma_wait3A_264 = arith.constant 0 : i32
        %dma_wait3A_265 = tpu.memref_slice %arg5[%dma_wait3A_263, %dma_wait3A_264] : memref<320000x128xf32, #tpu.memory_space<hbm>> -> memref<80x128xf32, #tpu.memory_space<hbm>>
        tpu.wait_dma2 semaphore(%arg29 : memref<!tpu.dma_semaphore, #tpu.memory_space<semaphore_mem>>) src(%dma_wait3A_265 : memref<80x128xf32, #tpu.memory_space<hbm>>) dst(%arg20 : memref<80x128xf32, #tpu.memory_space<vmem>>)
        %dma_start3A_266 = arith.constant 0 : i32
        %dma_start3A_267 = arith.constant 0 : i32
        %dma_start3A_268 = tpu.memref_slice %arg22[%dma_start3A_266, %dma_start3A_267] : memref<10240x128xf32, #tpu.memory_space<vmem_shared>> -> memref<10240x128xf32, #tpu.memory_space<vmem_shared>>
        tpu.enqueue_indirect_dma source(%arg18 : memref<80x128xf32, #tpu.memory_space<vmem>>) target(%dma_start3A_268 : memref<10240x128xf32, #tpu.memory_space<vmem_shared>>) offsets(%arg14 : memref<80xi32, #tpu.memory_space<vmem>>) semaphore(%arg31 : memref<!tpu.dma_semaphore, #tpu.memory_space<semaphore_mem>>) {add = true}
        %dma_start3A_269 = arith.constant 0 : i32
        %dma_start3A_270 = arith.constant 0 : i32
        %dma_start3A_271 = tpu.memref_slice %arg22[%dma_start3A_269, %dma_start3A_270] : memref<10240x128xf32, #tpu.memory_space<vmem_shared>> -> memref<10240x128xf32, #tpu.memory_space<vmem_shared>>
        tpu.enqueue_indirect_dma source(%arg20 : memref<80x128xf32, #tpu.memory_space<vmem>>) target(%dma_start3A_271 : memref<10240x128xf32, #tpu.memory_space<vmem_shared>>) offsets(%arg14 : memref<80xi32, #tpu.memory_space<vmem>>) semaphore(%arg31 : memref<!tpu.dma_semaphore, #tpu.memory_space<semaphore_mem>>) {add = true}
      } else {
      }
      %jit3A_196 = arith.constant 4 : i32
      %eq3A_197 = arith.constant 0 : i32
      %eq3A_198 = arith.cmpi eq, %jit3A_196, %eq3A_197 : i32
      %jit3A_199 = arith.constant 1 : i32
      %select_n3A_200 = arith.select %eq3A_198, %jit3A_199, %jit3A_196 : i32
      %rem3A_201 = arith.remsi %scan3A_158, %select_n3A_200 : i32
      %ne3A_202 = arith.constant 0 : i32
      %ne3A_203 = arith.cmpi ne, %rem3A_201, %ne3A_202 : i32
      %lt3A_204 = arith.constant 0 : i32
      %lt3A_205 = arith.cmpi slt, %rem3A_201, %lt3A_204 : i32
      %lt3A_206 = arith.constant 0 : i32
      %lt3A_207 = arith.cmpi slt, %select_n3A_200, %lt3A_206 : i32
      %ne3A_208 = arith.xori %lt3A_205, %lt3A_207 : i1
      %and3A_209 = arith.andi %ne3A_208, %ne3A_203 : i1
      %add3A_210 = arith.addi %rem3A_201, %select_n3A_200 : i32
      %select_n3A_211 = arith.select %and3A_209, %add3A_210, %rem3A_201 : i32
      %eq3A_212 = arith.constant 2 : i32
      %eq3A_213 = arith.cmpi eq, %select_n3A_211, %eq3A_212 : i32
      %convert_element_type3A_214 = arith.extui %eq3A_213 : i1 to i32
      %cond3A_215 = arith.constant 0 : i32
      %cond3A_216 = arith.cmpi ne, %convert_element_type3A_214, %cond3A_215 : i32
      scf.if %cond3A_216 {
        %ge3A = arith.constant 1 : i32
        %ge3A_239 = arith.cmpi sge, %scan3A_158, %ge3A : i32
        %convert_element_type3A_240 = arith.extui %ge3A_239 : i1 to i32
        %cond3A_241 = arith.constant 0 : i32
        %cond3A_242 = arith.cmpi ne, %convert_element_type3A_240, %cond3A_241 : i32
        scf.if %cond3A_242 {
          %dma_wait3A_272 = arith.constant 0 : i32
          %dma_wait3A_273 = arith.constant 0 : i32
          %dma_wait3A_274 = tpu.memref_slice %arg22[%dma_wait3A_272, %dma_wait3A_273] : memref<10240x128xf32, #tpu.memory_space<vmem_shared>> -> memref<10240x128xf32, #tpu.memory_space<vmem_shared>>
          tpu.wait_indirect_dma semaphore(%arg31 : memref<!tpu.dma_semaphore, #tpu.memory_space<semaphore_mem>>) src(%arg18 : memref<80x128xf32, #tpu.memory_space<vmem>>) dst(%dma_wait3A_274 : memref<10240x128xf32, #tpu.memory_space<vmem_shared>>)
          %dma_wait3A_275 = arith.constant 0 : i32
          %dma_wait3A_276 = arith.constant 0 : i32
          %dma_wait3A_277 = tpu.memref_slice %arg22[%dma_wait3A_275, %dma_wait3A_276] : memref<10240x128xf32, #tpu.memory_space<vmem_shared>> -> memref<10240x128xf32, #tpu.memory_space<vmem_shared>>
          tpu.wait_indirect_dma semaphore(%arg31 : memref<!tpu.dma_semaphore, #tpu.memory_space<semaphore_mem>>) src(%arg20 : memref<80x128xf32, #tpu.memory_space<vmem>>) dst(%dma_wait3A_277 : memref<10240x128xf32, #tpu.memory_space<vmem_shared>>)
        } else {
        }
        %add3A_243 = arith.constant 2 : i32
        %add3A_244 = arith.addi %scan3A_158, %add3A_243 : i32
        %lt3A_245 = arith.constant 125 : i32
        %lt3A_246 = arith.cmpi slt, %add3A_244, %lt3A_245 : i32
        %convert_element_type3A_247 = arith.extui %lt3A_246 : i1 to i32
        %cond3A_248 = arith.constant 0 : i32
        %cond3A_249 = arith.cmpi ne, %convert_element_type3A_247, %cond3A_248 : i32
        scf.if %cond3A_249 {
          %add3A_272 = arith.constant 2 : i32
          %add3A_273 = arith.addi %scan3A_158, %add3A_272 : i32
          %mul3A_274 = arith.constant 80 : i32
          %mul3A_275 = arith.muli %add3A_273, %mul3A_274 : i32
          %add3A_276 = arith.addi %mul3A_86, %mul3A_275 : i32
          %dma_start3A_277 = tpu.memref_slice %arg2[%add3A_276] : memref<320000xi32, #tpu.memory_space<hbm>> -> memref<80xi32, #tpu.memory_space<hbm>>
          %dma_start3A_278 = tpu.memref_slice %arg2[%add3A_276] : memref<320000xi32, #tpu.memory_space<hbm>> -> memref<80xi32, #tpu.memory_space<hbm>>
          tpu.enqueue_dma source(%dma_start3A_278 : memref<80xi32, #tpu.memory_space<hbm>>) target(%arg9 : memref<80xi32, #tpu.memory_space<vmem>>) target_semaphore(%arg24 : memref<!tpu.dma_semaphore, #tpu.memory_space<semaphore_mem>>)
          %dma_start3A_279 = tpu.memref_slice %arg3[%add3A_276] : memref<320000xi32, #tpu.memory_space<hbm>> -> memref<80xi32, #tpu.memory_space<hbm>>
          %dma_start3A_280 = tpu.memref_slice %arg3[%add3A_276] : memref<320000xi32, #tpu.memory_space<hbm>> -> memref<80xi32, #tpu.memory_space<hbm>>
          tpu.enqueue_dma source(%dma_start3A_280 : memref<80xi32, #tpu.memory_space<hbm>>) target(%arg13 : memref<80xi32, #tpu.memory_space<vmem>>) target_semaphore(%arg24 : memref<!tpu.dma_semaphore, #tpu.memory_space<semaphore_mem>>)
        } else {
        }
        %add3A_250 = arith.constant 1 : i32
        %add3A_251 = arith.addi %scan3A_158, %add3A_250 : i32
        %lt3A_252 = arith.constant 125 : i32
        %lt3A_253 = arith.cmpi slt, %add3A_251, %lt3A_252 : i32
        %convert_element_type3A_254 = arith.extui %lt3A_253 : i1 to i32
        %cond3A_255 = arith.constant 0 : i32
        %cond3A_256 = arith.cmpi ne, %convert_element_type3A_254, %cond3A_255 : i32
        scf.if %cond3A_256 {
          %dma_wait3A_272 = arith.constant 0 : i32
          %dma_wait3A_273 = tpu.memref_slice %arg2[%dma_wait3A_272] : memref<320000xi32, #tpu.memory_space<hbm>> -> memref<80xi32, #tpu.memory_space<hbm>>
          %dma_wait3A_274 = arith.constant 0 : i32
          %dma_wait3A_275 = tpu.memref_slice %arg2[%dma_wait3A_274] : memref<320000xi32, #tpu.memory_space<hbm>> -> memref<80xi32, #tpu.memory_space<hbm>>
          tpu.wait_dma2 semaphore(%arg27 : memref<!tpu.dma_semaphore, #tpu.memory_space<semaphore_mem>>) src(%dma_wait3A_275 : memref<80xi32, #tpu.memory_space<hbm>>) dst(%arg12 : memref<80xi32, #tpu.memory_space<vmem>>)
          %dma_wait3A_276 = arith.constant 0 : i32
          %dma_wait3A_277 = tpu.memref_slice %arg3[%dma_wait3A_276] : memref<320000xi32, #tpu.memory_space<hbm>> -> memref<80xi32, #tpu.memory_space<hbm>>
          %dma_wait3A_278 = arith.constant 0 : i32
          %dma_wait3A_279 = tpu.memref_slice %arg3[%dma_wait3A_278] : memref<320000xi32, #tpu.memory_space<hbm>> -> memref<80xi32, #tpu.memory_space<hbm>>
          tpu.wait_dma2 semaphore(%arg27 : memref<!tpu.dma_semaphore, #tpu.memory_space<semaphore_mem>>) src(%dma_wait3A_279 : memref<80xi32, #tpu.memory_space<hbm>>) dst(%arg16 : memref<80xi32, #tpu.memory_space<vmem>>)
          %add3A_280 = arith.constant 1 : i32
          %add3A_281 = arith.addi %scan3A_158, %add3A_280 : i32
          %dma_start3A_282 = arith.constant 0 : i32
          %dma_start3A_283 = arith.constant 0 : i32
          %dma_start3A_284 = tpu.memref_slice %arg4[%dma_start3A_282, %dma_start3A_283] : memref<10240x128xf32, #tpu.memory_space<hbm>> -> memref<10240x128xf32, #tpu.memory_space<hbm>>
          tpu.enqueue_indirect_dma source(%dma_start3A_284 : memref<10240x128xf32, #tpu.memory_space<hbm>>) target(%arg18 : memref<80x128xf32, #tpu.memory_space<vmem>>) offsets(%arg12 : memref<80xi32, #tpu.memory_space<vmem>>) semaphore(%arg29 : memref<!tpu.dma_semaphore, #tpu.memory_space<semaphore_mem>>)
          %mul3A_285 = arith.constant 80 : i32
          %mul3A_286 = arith.muli %add3A_281, %mul3A_285 : i32
          %add3A_287 = arith.addi %mul3A_86, %mul3A_286 : i32
          %dma_start3A_288 = arith.constant 0 : i32
          %dma_start3A_289 = tpu.memref_slice %arg5[%add3A_287, %dma_start3A_288] : memref<320000x128xf32, #tpu.memory_space<hbm>> -> memref<80x128xf32, #tpu.memory_space<hbm>>
          %dma_start3A_290 = arith.constant 0 : i32
          %dma_start3A_291 = tpu.memref_slice %arg5[%add3A_287, %dma_start3A_290] : memref<320000x128xf32, #tpu.memory_space<hbm>> -> memref<80x128xf32, #tpu.memory_space<hbm>>
          tpu.enqueue_dma source(%dma_start3A_291 : memref<80x128xf32, #tpu.memory_space<hbm>>) target(%arg20 : memref<80x128xf32, #tpu.memory_space<vmem>>) target_semaphore(%arg29 : memref<!tpu.dma_semaphore, #tpu.memory_space<semaphore_mem>>)
        } else {
        }
        %dma_wait3A_257 = arith.constant 0 : i32
        %dma_wait3A_258 = arith.constant 0 : i32
        %dma_wait3A_259 = tpu.memref_slice %arg4[%dma_wait3A_257, %dma_wait3A_258] : memref<10240x128xf32, #tpu.memory_space<hbm>> -> memref<10240x128xf32, #tpu.memory_space<hbm>>
        tpu.wait_indirect_dma semaphore(%arg28 : memref<!tpu.dma_semaphore, #tpu.memory_space<semaphore_mem>>) src(%dma_wait3A_259 : memref<10240x128xf32, #tpu.memory_space<hbm>>) dst(%arg17 : memref<80x128xf32, #tpu.memory_space<vmem>>)
        %dma_wait3A_260 = arith.constant 0 : i32
        %dma_wait3A_261 = arith.constant 0 : i32
        %dma_wait3A_262 = tpu.memref_slice %arg5[%dma_wait3A_260, %dma_wait3A_261] : memref<320000x128xf32, #tpu.memory_space<hbm>> -> memref<80x128xf32, #tpu.memory_space<hbm>>
        %dma_wait3A_263 = arith.constant 0 : i32
        %dma_wait3A_264 = arith.constant 0 : i32
        %dma_wait3A_265 = tpu.memref_slice %arg5[%dma_wait3A_263, %dma_wait3A_264] : memref<320000x128xf32, #tpu.memory_space<hbm>> -> memref<80x128xf32, #tpu.memory_space<hbm>>
        tpu.wait_dma2 semaphore(%arg28 : memref<!tpu.dma_semaphore, #tpu.memory_space<semaphore_mem>>) src(%dma_wait3A_265 : memref<80x128xf32, #tpu.memory_space<hbm>>) dst(%arg19 : memref<80x128xf32, #tpu.memory_space<vmem>>)
        %dma_start3A_266 = arith.constant 0 : i32
        %dma_start3A_267 = arith.constant 0 : i32
        %dma_start3A_268 = tpu.memref_slice %arg22[%dma_start3A_266, %dma_start3A_267] : memref<10240x128xf32, #tpu.memory_space<vmem_shared>> -> memref<10240x128xf32, #tpu.memory_space<vmem_shared>>
        tpu.enqueue_indirect_dma source(%arg17 : memref<80x128xf32, #tpu.memory_space<vmem>>) target(%dma_start3A_268 : memref<10240x128xf32, #tpu.memory_space<vmem_shared>>) offsets(%arg15 : memref<80xi32, #tpu.memory_space<vmem>>) semaphore(%arg30 : memref<!tpu.dma_semaphore, #tpu.memory_space<semaphore_mem>>) {add = true}
        %dma_start3A_269 = arith.constant 0 : i32
        %dma_start3A_270 = arith.constant 0 : i32
        %dma_start3A_271 = tpu.memref_slice %arg22[%dma_start3A_269, %dma_start3A_270] : memref<10240x128xf32, #tpu.memory_space<vmem_shared>> -> memref<10240x128xf32, #tpu.memory_space<vmem_shared>>
        tpu.enqueue_indirect_dma source(%arg19 : memref<80x128xf32, #tpu.memory_space<vmem>>) target(%dma_start3A_271 : memref<10240x128xf32, #tpu.memory_space<vmem_shared>>) offsets(%arg15 : memref<80xi32, #tpu.memory_space<vmem>>) semaphore(%arg30 : memref<!tpu.dma_semaphore, #tpu.memory_space<semaphore_mem>>) {add = true}
      } else {
      }
      %jit3A_217 = arith.constant 4 : i32
      %eq3A_218 = arith.constant 0 : i32
      %eq3A_219 = arith.cmpi eq, %jit3A_217, %eq3A_218 : i32
      %jit3A_220 = arith.constant 1 : i32
      %select_n3A_221 = arith.select %eq3A_219, %jit3A_220, %jit3A_217 : i32
      %rem3A_222 = arith.remsi %scan3A_158, %select_n3A_221 : i32
      %ne3A_223 = arith.constant 0 : i32
      %ne3A_224 = arith.cmpi ne, %rem3A_222, %ne3A_223 : i32
      %lt3A_225 = arith.constant 0 : i32
      %lt3A_226 = arith.cmpi slt, %rem3A_222, %lt3A_225 : i32
      %lt3A_227 = arith.constant 0 : i32
      %lt3A_228 = arith.cmpi slt, %select_n3A_221, %lt3A_227 : i32
      %ne3A_229 = arith.xori %lt3A_226, %lt3A_228 : i1
      %and3A_230 = arith.andi %ne3A_229, %ne3A_224 : i1
      %add3A_231 = arith.addi %rem3A_222, %select_n3A_221 : i32
      %select_n3A_232 = arith.select %and3A_230, %add3A_231, %rem3A_222 : i32
      %eq3A_233 = arith.constant 3 : i32
      %eq3A_234 = arith.cmpi eq, %select_n3A_232, %eq3A_233 : i32
      %convert_element_type3A_235 = arith.extui %eq3A_234 : i1 to i32
      %cond3A_236 = arith.constant 0 : i32
      %cond3A_237 = arith.cmpi ne, %convert_element_type3A_235, %cond3A_236 : i32
      scf.if %cond3A_237 {
        %ge3A = arith.constant 1 : i32
        %ge3A_239 = arith.cmpi sge, %scan3A_158, %ge3A : i32
        %convert_element_type3A_240 = arith.extui %ge3A_239 : i1 to i32
        %cond3A_241 = arith.constant 0 : i32
        %cond3A_242 = arith.cmpi ne, %convert_element_type3A_240, %cond3A_241 : i32
        scf.if %cond3A_242 {
          %dma_wait3A_272 = arith.constant 0 : i32
          %dma_wait3A_273 = arith.constant 0 : i32
          %dma_wait3A_274 = tpu.memref_slice %arg22[%dma_wait3A_272, %dma_wait3A_273] : memref<10240x128xf32, #tpu.memory_space<vmem_shared>> -> memref<10240x128xf32, #tpu.memory_space<vmem_shared>>
          tpu.wait_indirect_dma semaphore(%arg30 : memref<!tpu.dma_semaphore, #tpu.memory_space<semaphore_mem>>) src(%arg17 : memref<80x128xf32, #tpu.memory_space<vmem>>) dst(%dma_wait3A_274 : memref<10240x128xf32, #tpu.memory_space<vmem_shared>>)
          %dma_wait3A_275 = arith.constant 0 : i32
          %dma_wait3A_276 = arith.constant 0 : i32
          %dma_wait3A_277 = tpu.memref_slice %arg22[%dma_wait3A_275, %dma_wait3A_276] : memref<10240x128xf32, #tpu.memory_space<vmem_shared>> -> memref<10240x128xf32, #tpu.memory_space<vmem_shared>>
          tpu.wait_indirect_dma semaphore(%arg30 : memref<!tpu.dma_semaphore, #tpu.memory_space<semaphore_mem>>) src(%arg19 : memref<80x128xf32, #tpu.memory_space<vmem>>) dst(%dma_wait3A_277 : memref<10240x128xf32, #tpu.memory_space<vmem_shared>>)
        } else {
        }
        %add3A_243 = arith.constant 2 : i32
        %add3A_244 = arith.addi %scan3A_158, %add3A_243 : i32
        %lt3A_245 = arith.constant 125 : i32
        %lt3A_246 = arith.cmpi slt, %add3A_244, %lt3A_245 : i32
        %convert_element_type3A_247 = arith.extui %lt3A_246 : i1 to i32
        %cond3A_248 = arith.constant 0 : i32
        %cond3A_249 = arith.cmpi ne, %convert_element_type3A_247, %cond3A_248 : i32
        scf.if %cond3A_249 {
          %add3A_272 = arith.constant 2 : i32
          %add3A_273 = arith.addi %scan3A_158, %add3A_272 : i32
          %mul3A_274 = arith.constant 80 : i32
          %mul3A_275 = arith.muli %add3A_273, %mul3A_274 : i32
          %add3A_276 = arith.addi %mul3A_86, %mul3A_275 : i32
          %dma_start3A_277 = tpu.memref_slice %arg2[%add3A_276] : memref<320000xi32, #tpu.memory_space<hbm>> -> memref<80xi32, #tpu.memory_space<hbm>>
          %dma_start3A_278 = tpu.memref_slice %arg2[%add3A_276] : memref<320000xi32, #tpu.memory_space<hbm>> -> memref<80xi32, #tpu.memory_space<hbm>>
          tpu.enqueue_dma source(%dma_start3A_278 : memref<80xi32, #tpu.memory_space<hbm>>) target(%arg10 : memref<80xi32, #tpu.memory_space<vmem>>) target_semaphore(%arg25 : memref<!tpu.dma_semaphore, #tpu.memory_space<semaphore_mem>>)
          %dma_start3A_279 = tpu.memref_slice %arg3[%add3A_276] : memref<320000xi32, #tpu.memory_space<hbm>> -> memref<80xi32, #tpu.memory_space<hbm>>
          %dma_start3A_280 = tpu.memref_slice %arg3[%add3A_276] : memref<320000xi32, #tpu.memory_space<hbm>> -> memref<80xi32, #tpu.memory_space<hbm>>
          tpu.enqueue_dma source(%dma_start3A_280 : memref<80xi32, #tpu.memory_space<hbm>>) target(%arg14 : memref<80xi32, #tpu.memory_space<vmem>>) target_semaphore(%arg25 : memref<!tpu.dma_semaphore, #tpu.memory_space<semaphore_mem>>)
        } else {
        }
        %add3A_250 = arith.constant 1 : i32
        %add3A_251 = arith.addi %scan3A_158, %add3A_250 : i32
        %lt3A_252 = arith.constant 125 : i32
        %lt3A_253 = arith.cmpi slt, %add3A_251, %lt3A_252 : i32
        %convert_element_type3A_254 = arith.extui %lt3A_253 : i1 to i32
        %cond3A_255 = arith.constant 0 : i32
        %cond3A_256 = arith.cmpi ne, %convert_element_type3A_254, %cond3A_255 : i32
        scf.if %cond3A_256 {
          %dma_wait3A_272 = arith.constant 0 : i32
          %dma_wait3A_273 = tpu.memref_slice %arg2[%dma_wait3A_272] : memref<320000xi32, #tpu.memory_space<hbm>> -> memref<80xi32, #tpu.memory_space<hbm>>
          %dma_wait3A_274 = arith.constant 0 : i32
          %dma_wait3A_275 = tpu.memref_slice %arg2[%dma_wait3A_274] : memref<320000xi32, #tpu.memory_space<hbm>> -> memref<80xi32, #tpu.memory_space<hbm>>
          tpu.wait_dma2 semaphore(%arg24 : memref<!tpu.dma_semaphore, #tpu.memory_space<semaphore_mem>>) src(%dma_wait3A_275 : memref<80xi32, #tpu.memory_space<hbm>>) dst(%arg9 : memref<80xi32, #tpu.memory_space<vmem>>)
          %dma_wait3A_276 = arith.constant 0 : i32
          %dma_wait3A_277 = tpu.memref_slice %arg3[%dma_wait3A_276] : memref<320000xi32, #tpu.memory_space<hbm>> -> memref<80xi32, #tpu.memory_space<hbm>>
          %dma_wait3A_278 = arith.constant 0 : i32
          %dma_wait3A_279 = tpu.memref_slice %arg3[%dma_wait3A_278] : memref<320000xi32, #tpu.memory_space<hbm>> -> memref<80xi32, #tpu.memory_space<hbm>>
          tpu.wait_dma2 semaphore(%arg24 : memref<!tpu.dma_semaphore, #tpu.memory_space<semaphore_mem>>) src(%dma_wait3A_279 : memref<80xi32, #tpu.memory_space<hbm>>) dst(%arg13 : memref<80xi32, #tpu.memory_space<vmem>>)
          %add3A_280 = arith.constant 1 : i32
          %add3A_281 = arith.addi %scan3A_158, %add3A_280 : i32
          %dma_start3A_282 = arith.constant 0 : i32
          %dma_start3A_283 = arith.constant 0 : i32
          %dma_start3A_284 = tpu.memref_slice %arg4[%dma_start3A_282, %dma_start3A_283] : memref<10240x128xf32, #tpu.memory_space<hbm>> -> memref<10240x128xf32, #tpu.memory_space<hbm>>
          tpu.enqueue_indirect_dma source(%dma_start3A_284 : memref<10240x128xf32, #tpu.memory_space<hbm>>) target(%arg17 : memref<80x128xf32, #tpu.memory_space<vmem>>) offsets(%arg9 : memref<80xi32, #tpu.memory_space<vmem>>) semaphore(%arg28 : memref<!tpu.dma_semaphore, #tpu.memory_space<semaphore_mem>>)
          %mul3A_285 = arith.constant 80 : i32
          %mul3A_286 = arith.muli %add3A_281, %mul3A_285 : i32
          %add3A_287 = arith.addi %mul3A_86, %mul3A_286 : i32
          %dma_start3A_288 = arith.constant 0 : i32
          %dma_start3A_289 = tpu.memref_slice %arg5[%add3A_287, %dma_start3A_288] : memref<320000x128xf32, #tpu.memory_space<hbm>> -> memref<80x128xf32, #tpu.memory_space<hbm>>
          %dma_start3A_290 = arith.constant 0 : i32
          %dma_start3A_291 = tpu.memref_slice %arg5[%add3A_287, %dma_start3A_290] : memref<320000x128xf32, #tpu.memory_space<hbm>> -> memref<80x128xf32, #tpu.memory_space<hbm>>
          tpu.enqueue_dma source(%dma_start3A_291 : memref<80x128xf32, #tpu.memory_space<hbm>>) target(%arg19 : memref<80x128xf32, #tpu.memory_space<vmem>>) target_semaphore(%arg28 : memref<!tpu.dma_semaphore, #tpu.memory_space<semaphore_mem>>)
        } else {
        }
        %dma_wait3A_257 = arith.constant 0 : i32
        %dma_wait3A_258 = arith.constant 0 : i32
        %dma_wait3A_259 = tpu.memref_slice %arg4[%dma_wait3A_257, %dma_wait3A_258] : memref<10240x128xf32, #tpu.memory_space<hbm>> -> memref<10240x128xf32, #tpu.memory_space<hbm>>
        tpu.wait_indirect_dma semaphore(%arg29 : memref<!tpu.dma_semaphore, #tpu.memory_space<semaphore_mem>>) src(%dma_wait3A_259 : memref<10240x128xf32, #tpu.memory_space<hbm>>) dst(%arg18 : memref<80x128xf32, #tpu.memory_space<vmem>>)
        %dma_wait3A_260 = arith.constant 0 : i32
        %dma_wait3A_261 = arith.constant 0 : i32
        %dma_wait3A_262 = tpu.memref_slice %arg5[%dma_wait3A_260, %dma_wait3A_261] : memref<320000x128xf32, #tpu.memory_space<hbm>> -> memref<80x128xf32, #tpu.memory_space<hbm>>
        %dma_wait3A_263 = arith.constant 0 : i32
        %dma_wait3A_264 = arith.constant 0 : i32
        %dma_wait3A_265 = tpu.memref_slice %arg5[%dma_wait3A_263, %dma_wait3A_264] : memref<320000x128xf32, #tpu.memory_space<hbm>> -> memref<80x128xf32, #tpu.memory_space<hbm>>
        tpu.wait_dma2 semaphore(%arg29 : memref<!tpu.dma_semaphore, #tpu.memory_space<semaphore_mem>>) src(%dma_wait3A_265 : memref<80x128xf32, #tpu.memory_space<hbm>>) dst(%arg20 : memref<80x128xf32, #tpu.memory_space<vmem>>)
        %dma_start3A_266 = arith.constant 0 : i32
        %dma_start3A_267 = arith.constant 0 : i32
        %dma_start3A_268 = tpu.memref_slice %arg22[%dma_start3A_266, %dma_start3A_267] : memref<10240x128xf32, #tpu.memory_space<vmem_shared>> -> memref<10240x128xf32, #tpu.memory_space<vmem_shared>>
        tpu.enqueue_indirect_dma source(%arg18 : memref<80x128xf32, #tpu.memory_space<vmem>>) target(%dma_start3A_268 : memref<10240x128xf32, #tpu.memory_space<vmem_shared>>) offsets(%arg16 : memref<80xi32, #tpu.memory_space<vmem>>) semaphore(%arg31 : memref<!tpu.dma_semaphore, #tpu.memory_space<semaphore_mem>>) {add = true}
        %dma_start3A_269 = arith.constant 0 : i32
        %dma_start3A_270 = arith.constant 0 : i32
        %dma_start3A_271 = tpu.memref_slice %arg22[%dma_start3A_269, %dma_start3A_270] : memref<10240x128xf32, #tpu.memory_space<vmem_shared>> -> memref<10240x128xf32, #tpu.memory_space<vmem_shared>>
        tpu.enqueue_indirect_dma source(%arg20 : memref<80x128xf32, #tpu.memory_space<vmem>>) target(%dma_start3A_271 : memref<10240x128xf32, #tpu.memory_space<vmem_shared>>) offsets(%arg16 : memref<80xi32, #tpu.memory_space<vmem>>) semaphore(%arg31 : memref<!tpu.dma_semaphore, #tpu.memory_space<semaphore_mem>>) {add = true}
      } else {
      }
      %scan3A_238 = arith.constant 0 : i32
      scf.yield %scan3A_238 : i32
    }
    %scan3A_120 = arith.constant 125 : i32
    %dma_wait3A_121 = arith.constant 0 : i32
    %dma_wait3A_122 = arith.constant 0 : i32
    %dma_wait3A_123 = tpu.memref_slice %arg22[%dma_wait3A_121, %dma_wait3A_122] : memref<10240x128xf32, #tpu.memory_space<vmem_shared>> -> memref<10240x128xf32, #tpu.memory_space<vmem_shared>>
    tpu.wait_indirect_dma semaphore(%arg30 : memref<!tpu.dma_semaphore, #tpu.memory_space<semaphore_mem>>) src(%arg17 : memref<80x128xf32, #tpu.memory_space<vmem>>) dst(%dma_wait3A_123 : memref<10240x128xf32, #tpu.memory_space<vmem_shared>>)
    %dma_wait3A_124 = arith.constant 0 : i32
    %dma_wait3A_125 = arith.constant 0 : i32
    %dma_wait3A_126 = tpu.memref_slice %arg22[%dma_wait3A_124, %dma_wait3A_125] : memref<10240x128xf32, #tpu.memory_space<vmem_shared>> -> memref<10240x128xf32, #tpu.memory_space<vmem_shared>>
    tpu.wait_indirect_dma semaphore(%arg30 : memref<!tpu.dma_semaphore, #tpu.memory_space<semaphore_mem>>) src(%arg19 : memref<80x128xf32, #tpu.memory_space<vmem>>) dst(%dma_wait3A_126 : memref<10240x128xf32, #tpu.memory_space<vmem_shared>>)
    %add3A_127 = arith.constant 0 : i32
    %add3A_128 = arith.addi %mul3A_86, %add3A_127 : i32
    %dma_start3A_129 = tpu.memref_slice %arg3[%add3A_128] : memref<320000xi32, #tpu.memory_space<hbm>> -> memref<80xi32, #tpu.memory_space<hbm>>
    %dma_start3A_130 = tpu.memref_slice %arg3[%add3A_128] : memref<320000xi32, #tpu.memory_space<hbm>> -> memref<80xi32, #tpu.memory_space<hbm>>
    tpu.enqueue_dma source(%dma_start3A_130 : memref<80xi32, #tpu.memory_space<hbm>>) target(%arg13 : memref<80xi32, #tpu.memory_space<vmem>>) target_semaphore(%arg24 : memref<!tpu.dma_semaphore, #tpu.memory_space<semaphore_mem>>)
    %add3A_131 = arith.constant 80 : i32
    %add3A_132 = arith.addi %mul3A_86, %add3A_131 : i32
    %dma_start3A_133 = tpu.memref_slice %arg3[%add3A_132] : memref<320000xi32, #tpu.memory_space<hbm>> -> memref<80xi32, #tpu.memory_space<hbm>>
    %dma_start3A_134 = tpu.memref_slice %arg3[%add3A_132] : memref<320000xi32, #tpu.memory_space<hbm>> -> memref<80xi32, #tpu.memory_space<hbm>>
    tpu.enqueue_dma source(%dma_start3A_134 : memref<80xi32, #tpu.memory_space<hbm>>) target(%arg14 : memref<80xi32, #tpu.memory_space<vmem>>) target_semaphore(%arg25 : memref<!tpu.dma_semaphore, #tpu.memory_space<semaphore_mem>>)
    %scan3A_135 = arith.constant 0 : i32
    %scan3A_136 = arith.constant 0 : i32
    %scan3A_137 = arith.constant 125 : i32
    %scan3A_138 = arith.addi %scan3A_136, %scan3A_137 : i32
    %scan3A_139 = arith.constant 1 : i32
    %scan3A_140 = scf.for %scan3A_158 = %scan3A_136 to %scan3A_138 step %scan3A_139 iter_args(%scan3A_159 = %scan3A_135) -> (i32)  : i32 {
      %jit3A = arith.constant 4 : i32
      %eq3A_160 = arith.constant 0 : i32
      %eq3A_161 = arith.cmpi eq, %jit3A, %eq3A_160 : i32
      %jit3A_162 = arith.constant 1 : i32
      %select_n3A = arith.select %eq3A_161, %jit3A_162, %jit3A : i32
      %rem3A = arith.remsi %scan3A_158, %select_n3A : i32
      %ne3A = arith.constant 0 : i32
      %ne3A_163 = arith.cmpi ne, %rem3A, %ne3A : i32
      %lt3A = arith.constant 0 : i32
      %lt3A_164 = arith.cmpi slt, %rem3A, %lt3A : i32
      %lt3A_165 = arith.constant 0 : i32
      %lt3A_166 = arith.cmpi slt, %select_n3A, %lt3A_165 : i32
      %ne3A_167 = arith.xori %lt3A_164, %lt3A_166 : i1
      %and3A = arith.andi %ne3A_167, %ne3A_163 : i1
      %add3A_168 = arith.addi %rem3A, %select_n3A : i32
      %select_n3A_169 = arith.select %and3A, %add3A_168, %rem3A : i32
      %eq3A_170 = arith.constant 0 : i32
      %eq3A_171 = arith.cmpi eq, %select_n3A_169, %eq3A_170 : i32
      %convert_element_type3A_172 = arith.extui %eq3A_171 : i1 to i32
      %cond3A_173 = arith.constant 0 : i32
      %cond3A_174 = arith.cmpi ne, %convert_element_type3A_172, %cond3A_173 : i32
      scf.if %cond3A_174 {
        %ge3A = arith.constant 2 : i32
        %ge3A_239 = arith.cmpi sge, %scan3A_158, %ge3A : i32
        %convert_element_type3A_240 = arith.extui %ge3A_239 : i1 to i32
        %cond3A_241 = arith.constant 0 : i32
        %cond3A_242 = arith.cmpi ne, %convert_element_type3A_240, %cond3A_241 : i32
        scf.if %cond3A_242 {
          %dma_wait3A_256 = arith.constant 0 : i32
          %dma_wait3A_257 = tpu.memref_slice %arg23[%dma_wait3A_256] : memref<10240xf32, #tpu.memory_space<vmem_shared>> -> memref<10240xf32, #tpu.memory_space<vmem_shared>>
          tpu.wait_indirect_dma semaphore(%arg30 : memref<!tpu.dma_semaphore, #tpu.memory_space<semaphore_mem>>) src(%arg21 : memref<80xf32, #tpu.memory_space<vmem>>) dst(%dma_wait3A_257 : memref<10240xf32, #tpu.memory_space<vmem_shared>>)
        } else {
        }
        %add3A_243 = arith.constant 2 : i32
        %add3A_244 = arith.addi %scan3A_158, %add3A_243 : i32
        %lt3A_245 = arith.constant 125 : i32
        %lt3A_246 = arith.cmpi slt, %add3A_244, %lt3A_245 : i32
        %convert_element_type3A_247 = arith.extui %lt3A_246 : i1 to i32
        %cond3A_248 = arith.constant 0 : i32
        %cond3A_249 = arith.cmpi ne, %convert_element_type3A_247, %cond3A_248 : i32
        scf.if %cond3A_249 {
          %add3A_256 = arith.constant 2 : i32
          %add3A_257 = arith.addi %scan3A_158, %add3A_256 : i32
          %mul3A_258 = arith.constant 80 : i32
          %mul3A_259 = arith.muli %add3A_257, %mul3A_258 : i32
          %add3A_260 = arith.addi %mul3A_86, %mul3A_259 : i32
          %dma_start3A_261 = tpu.memref_slice %arg3[%add3A_260] : memref<320000xi32, #tpu.memory_space<hbm>> -> memref<80xi32, #tpu.memory_space<hbm>>
          %dma_start3A_262 = tpu.memref_slice %arg3[%add3A_260] : memref<320000xi32, #tpu.memory_space<hbm>> -> memref<80xi32, #tpu.memory_space<hbm>>
          tpu.enqueue_dma source(%dma_start3A_262 : memref<80xi32, #tpu.memory_space<hbm>>) target(%arg15 : memref<80xi32, #tpu.memory_space<vmem>>) target_semaphore(%arg26 : memref<!tpu.dma_semaphore, #tpu.memory_space<semaphore_mem>>)
        } else {
        }
        %dma_wait3A_250 = arith.constant 0 : i32
        %dma_wait3A_251 = tpu.memref_slice %arg3[%dma_wait3A_250] : memref<320000xi32, #tpu.memory_space<hbm>> -> memref<80xi32, #tpu.memory_space<hbm>>
        %dma_wait3A_252 = arith.constant 0 : i32
        %dma_wait3A_253 = tpu.memref_slice %arg3[%dma_wait3A_252] : memref<320000xi32, #tpu.memory_space<hbm>> -> memref<80xi32, #tpu.memory_space<hbm>>
        tpu.wait_dma2 semaphore(%arg24 : memref<!tpu.dma_semaphore, #tpu.memory_space<semaphore_mem>>) src(%dma_wait3A_253 : memref<80xi32, #tpu.memory_space<hbm>>) dst(%arg13 : memref<80xi32, #tpu.memory_space<vmem>>)
        %dma_start3A_254 = arith.constant 0 : i32
        %dma_start3A_255 = tpu.memref_slice %arg23[%dma_start3A_254] : memref<10240xf32, #tpu.memory_space<vmem_shared>> -> memref<10240xf32, #tpu.memory_space<vmem_shared>>
        tpu.enqueue_indirect_dma source(%arg21 : memref<80xf32, #tpu.memory_space<vmem>>) target(%dma_start3A_255 : memref<10240xf32, #tpu.memory_space<vmem_shared>>) offsets(%arg13 : memref<80xi32, #tpu.memory_space<vmem>>) semaphore(%arg30 : memref<!tpu.dma_semaphore, #tpu.memory_space<semaphore_mem>>) {add = true}
      } else {
      }
      %jit3A_175 = arith.constant 4 : i32
      %eq3A_176 = arith.constant 0 : i32
      %eq3A_177 = arith.cmpi eq, %jit3A_175, %eq3A_176 : i32
      %jit3A_178 = arith.constant 1 : i32
      %select_n3A_179 = arith.select %eq3A_177, %jit3A_178, %jit3A_175 : i32
      %rem3A_180 = arith.remsi %scan3A_158, %select_n3A_179 : i32
      %ne3A_181 = arith.constant 0 : i32
      %ne3A_182 = arith.cmpi ne, %rem3A_180, %ne3A_181 : i32
      %lt3A_183 = arith.constant 0 : i32
      %lt3A_184 = arith.cmpi slt, %rem3A_180, %lt3A_183 : i32
      %lt3A_185 = arith.constant 0 : i32
      %lt3A_186 = arith.cmpi slt, %select_n3A_179, %lt3A_185 : i32
      %ne3A_187 = arith.xori %lt3A_184, %lt3A_186 : i1
      %and3A_188 = arith.andi %ne3A_187, %ne3A_182 : i1
      %add3A_189 = arith.addi %rem3A_180, %select_n3A_179 : i32
      %select_n3A_190 = arith.select %and3A_188, %add3A_189, %rem3A_180 : i32
      %eq3A_191 = arith.constant 1 : i32
      %eq3A_192 = arith.cmpi eq, %select_n3A_190, %eq3A_191 : i32
      %convert_element_type3A_193 = arith.extui %eq3A_192 : i1 to i32
      %cond3A_194 = arith.constant 0 : i32
      %cond3A_195 = arith.cmpi ne, %convert_element_type3A_193, %cond3A_194 : i32
      scf.if %cond3A_195 {
        %ge3A = arith.constant 2 : i32
        %ge3A_239 = arith.cmpi sge, %scan3A_158, %ge3A : i32
        %convert_element_type3A_240 = arith.extui %ge3A_239 : i1 to i32
        %cond3A_241 = arith.constant 0 : i32
        %cond3A_242 = arith.cmpi ne, %convert_element_type3A_240, %cond3A_241 : i32
        scf.if %cond3A_242 {
          %dma_wait3A_256 = arith.constant 0 : i32
          %dma_wait3A_257 = tpu.memref_slice %arg23[%dma_wait3A_256] : memref<10240xf32, #tpu.memory_space<vmem_shared>> -> memref<10240xf32, #tpu.memory_space<vmem_shared>>
          tpu.wait_indirect_dma semaphore(%arg31 : memref<!tpu.dma_semaphore, #tpu.memory_space<semaphore_mem>>) src(%arg21 : memref<80xf32, #tpu.memory_space<vmem>>) dst(%dma_wait3A_257 : memref<10240xf32, #tpu.memory_space<vmem_shared>>)
        } else {
        }
        %add3A_243 = arith.constant 2 : i32
        %add3A_244 = arith.addi %scan3A_158, %add3A_243 : i32
        %lt3A_245 = arith.constant 125 : i32
        %lt3A_246 = arith.cmpi slt, %add3A_244, %lt3A_245 : i32
        %convert_element_type3A_247 = arith.extui %lt3A_246 : i1 to i32
        %cond3A_248 = arith.constant 0 : i32
        %cond3A_249 = arith.cmpi ne, %convert_element_type3A_247, %cond3A_248 : i32
        scf.if %cond3A_249 {
          %add3A_256 = arith.constant 2 : i32
          %add3A_257 = arith.addi %scan3A_158, %add3A_256 : i32
          %mul3A_258 = arith.constant 80 : i32
          %mul3A_259 = arith.muli %add3A_257, %mul3A_258 : i32
          %add3A_260 = arith.addi %mul3A_86, %mul3A_259 : i32
          %dma_start3A_261 = tpu.memref_slice %arg3[%add3A_260] : memref<320000xi32, #tpu.memory_space<hbm>> -> memref<80xi32, #tpu.memory_space<hbm>>
          %dma_start3A_262 = tpu.memref_slice %arg3[%add3A_260] : memref<320000xi32, #tpu.memory_space<hbm>> -> memref<80xi32, #tpu.memory_space<hbm>>
          tpu.enqueue_dma source(%dma_start3A_262 : memref<80xi32, #tpu.memory_space<hbm>>) target(%arg16 : memref<80xi32, #tpu.memory_space<vmem>>) target_semaphore(%arg27 : memref<!tpu.dma_semaphore, #tpu.memory_space<semaphore_mem>>)
        } else {
        }
        %dma_wait3A_250 = arith.constant 0 : i32
        %dma_wait3A_251 = tpu.memref_slice %arg3[%dma_wait3A_250] : memref<320000xi32, #tpu.memory_space<hbm>> -> memref<80xi32, #tpu.memory_space<hbm>>
        %dma_wait3A_252 = arith.constant 0 : i32
        %dma_wait3A_253 = tpu.memref_slice %arg3[%dma_wait3A_252] : memref<320000xi32, #tpu.memory_space<hbm>> -> memref<80xi32, #tpu.memory_space<hbm>>
        tpu.wait_dma2 semaphore(%arg25 : memref<!tpu.dma_semaphore, #tpu.memory_space<semaphore_mem>>) src(%dma_wait3A_253 : memref<80xi32, #tpu.memory_space<hbm>>) dst(%arg14 : memref<80xi32, #tpu.memory_space<vmem>>)
        %dma_start3A_254 = arith.constant 0 : i32
        %dma_start3A_255 = tpu.memref_slice %arg23[%dma_start3A_254] : memref<10240xf32, #tpu.memory_space<vmem_shared>> -> memref<10240xf32, #tpu.memory_space<vmem_shared>>
        tpu.enqueue_indirect_dma source(%arg21 : memref<80xf32, #tpu.memory_space<vmem>>) target(%dma_start3A_255 : memref<10240xf32, #tpu.memory_space<vmem_shared>>) offsets(%arg14 : memref<80xi32, #tpu.memory_space<vmem>>) semaphore(%arg31 : memref<!tpu.dma_semaphore, #tpu.memory_space<semaphore_mem>>) {add = true}
      } else {
      }
      %jit3A_196 = arith.constant 4 : i32
      %eq3A_197 = arith.constant 0 : i32
      %eq3A_198 = arith.cmpi eq, %jit3A_196, %eq3A_197 : i32
      %jit3A_199 = arith.constant 1 : i32
      %select_n3A_200 = arith.select %eq3A_198, %jit3A_199, %jit3A_196 : i32
      %rem3A_201 = arith.remsi %scan3A_158, %select_n3A_200 : i32
      %ne3A_202 = arith.constant 0 : i32
      %ne3A_203 = arith.cmpi ne, %rem3A_201, %ne3A_202 : i32
      %lt3A_204 = arith.constant 0 : i32
      %lt3A_205 = arith.cmpi slt, %rem3A_201, %lt3A_204 : i32
      %lt3A_206 = arith.constant 0 : i32
      %lt3A_207 = arith.cmpi slt, %select_n3A_200, %lt3A_206 : i32
      %ne3A_208 = arith.xori %lt3A_205, %lt3A_207 : i1
      %and3A_209 = arith.andi %ne3A_208, %ne3A_203 : i1
      %add3A_210 = arith.addi %rem3A_201, %select_n3A_200 : i32
      %select_n3A_211 = arith.select %and3A_209, %add3A_210, %rem3A_201 : i32
      %eq3A_212 = arith.constant 2 : i32
      %eq3A_213 = arith.cmpi eq, %select_n3A_211, %eq3A_212 : i32
      %convert_element_type3A_214 = arith.extui %eq3A_213 : i1 to i32
      %cond3A_215 = arith.constant 0 : i32
      %cond3A_216 = arith.cmpi ne, %convert_element_type3A_214, %cond3A_215 : i32
      scf.if %cond3A_216 {
        %ge3A = arith.constant 2 : i32
        %ge3A_239 = arith.cmpi sge, %scan3A_158, %ge3A : i32
        %convert_element_type3A_240 = arith.extui %ge3A_239 : i1 to i32
        %cond3A_241 = arith.constant 0 : i32
        %cond3A_242 = arith.cmpi ne, %convert_element_type3A_240, %cond3A_241 : i32
        scf.if %cond3A_242 {
          %dma_wait3A_256 = arith.constant 0 : i32
          %dma_wait3A_257 = tpu.memref_slice %arg23[%dma_wait3A_256] : memref<10240xf32, #tpu.memory_space<vmem_shared>> -> memref<10240xf32, #tpu.memory_space<vmem_shared>>
          tpu.wait_indirect_dma semaphore(%arg30 : memref<!tpu.dma_semaphore, #tpu.memory_space<semaphore_mem>>) src(%arg21 : memref<80xf32, #tpu.memory_space<vmem>>) dst(%dma_wait3A_257 : memref<10240xf32, #tpu.memory_space<vmem_shared>>)
        } else {
        }
        %add3A_243 = arith.constant 2 : i32
        %add3A_244 = arith.addi %scan3A_158, %add3A_243 : i32
        %lt3A_245 = arith.constant 125 : i32
        %lt3A_246 = arith.cmpi slt, %add3A_244, %lt3A_245 : i32
        %convert_element_type3A_247 = arith.extui %lt3A_246 : i1 to i32
        %cond3A_248 = arith.constant 0 : i32
        %cond3A_249 = arith.cmpi ne, %convert_element_type3A_247, %cond3A_248 : i32
        scf.if %cond3A_249 {
          %add3A_256 = arith.constant 2 : i32
          %add3A_257 = arith.addi %scan3A_158, %add3A_256 : i32
          %mul3A_258 = arith.constant 80 : i32
          %mul3A_259 = arith.muli %add3A_257, %mul3A_258 : i32
          %add3A_260 = arith.addi %mul3A_86, %mul3A_259 : i32
          %dma_start3A_261 = tpu.memref_slice %arg3[%add3A_260] : memref<320000xi32, #tpu.memory_space<hbm>> -> memref<80xi32, #tpu.memory_space<hbm>>
          %dma_start3A_262 = tpu.memref_slice %arg3[%add3A_260] : memref<320000xi32, #tpu.memory_space<hbm>> -> memref<80xi32, #tpu.memory_space<hbm>>
          tpu.enqueue_dma source(%dma_start3A_262 : memref<80xi32, #tpu.memory_space<hbm>>) target(%arg13 : memref<80xi32, #tpu.memory_space<vmem>>) target_semaphore(%arg24 : memref<!tpu.dma_semaphore, #tpu.memory_space<semaphore_mem>>)
        } else {
        }
        %dma_wait3A_250 = arith.constant 0 : i32
        %dma_wait3A_251 = tpu.memref_slice %arg3[%dma_wait3A_250] : memref<320000xi32, #tpu.memory_space<hbm>> -> memref<80xi32, #tpu.memory_space<hbm>>
        %dma_wait3A_252 = arith.constant 0 : i32
        %dma_wait3A_253 = tpu.memref_slice %arg3[%dma_wait3A_252] : memref<320000xi32, #tpu.memory_space<hbm>> -> memref<80xi32, #tpu.memory_space<hbm>>
        tpu.wait_dma2 semaphore(%arg26 : memref<!tpu.dma_semaphore, #tpu.memory_space<semaphore_mem>>) src(%dma_wait3A_253 : memref<80xi32, #tpu.memory_space<hbm>>) dst(%arg15 : memref<80xi32, #tpu.memory_space<vmem>>)
        %dma_start3A_254 = arith.constant 0 : i32
        %dma_start3A_255 = tpu.memref_slice %arg23[%dma_start3A_254] : memref<10240xf32, #tpu.memory_space<vmem_shared>> -> memref<10240xf32, #tpu.memory_space<vmem_shared>>
        tpu.enqueue_indirect_dma source(%arg21 : memref<80xf32, #tpu.memory_space<vmem>>) target(%dma_start3A_255 : memref<10240xf32, #tpu.memory_space<vmem_shared>>) offsets(%arg15 : memref<80xi32, #tpu.memory_space<vmem>>) semaphore(%arg30 : memref<!tpu.dma_semaphore, #tpu.memory_space<semaphore_mem>>) {add = true}
      } else {
      }
      %jit3A_217 = arith.constant 4 : i32
      %eq3A_218 = arith.constant 0 : i32
      %eq3A_219 = arith.cmpi eq, %jit3A_217, %eq3A_218 : i32
      %jit3A_220 = arith.constant 1 : i32
      %select_n3A_221 = arith.select %eq3A_219, %jit3A_220, %jit3A_217 : i32
      %rem3A_222 = arith.remsi %scan3A_158, %select_n3A_221 : i32
      %ne3A_223 = arith.constant 0 : i32
      %ne3A_224 = arith.cmpi ne, %rem3A_222, %ne3A_223 : i32
      %lt3A_225 = arith.constant 0 : i32
      %lt3A_226 = arith.cmpi slt, %rem3A_222, %lt3A_225 : i32
      %lt3A_227 = arith.constant 0 : i32
      %lt3A_228 = arith.cmpi slt, %select_n3A_221, %lt3A_227 : i32
      %ne3A_229 = arith.xori %lt3A_226, %lt3A_228 : i1
      %and3A_230 = arith.andi %ne3A_229, %ne3A_224 : i1
      %add3A_231 = arith.addi %rem3A_222, %select_n3A_221 : i32
      %select_n3A_232 = arith.select %and3A_230, %add3A_231, %rem3A_222 : i32
      %eq3A_233 = arith.constant 3 : i32
      %eq3A_234 = arith.cmpi eq, %select_n3A_232, %eq3A_233 : i32
      %convert_element_type3A_235 = arith.extui %eq3A_234 : i1 to i32
      %cond3A_236 = arith.constant 0 : i32
      %cond3A_237 = arith.cmpi ne, %convert_element_type3A_235, %cond3A_236 : i32
      scf.if %cond3A_237 {
        %ge3A = arith.constant 2 : i32
        %ge3A_239 = arith.cmpi sge, %scan3A_158, %ge3A : i32
        %convert_element_type3A_240 = arith.extui %ge3A_239 : i1 to i32
        %cond3A_241 = arith.constant 0 : i32
        %cond3A_242 = arith.cmpi ne, %convert_element_type3A_240, %cond3A_241 : i32
        scf.if %cond3A_242 {
          %dma_wait3A_256 = arith.constant 0 : i32
          %dma_wait3A_257 = tpu.memref_slice %arg23[%dma_wait3A_256] : memref<10240xf32, #tpu.memory_space<vmem_shared>> -> memref<10240xf32, #tpu.memory_space<vmem_shared>>
          tpu.wait_indirect_dma semaphore(%arg31 : memref<!tpu.dma_semaphore, #tpu.memory_space<semaphore_mem>>) src(%arg21 : memref<80xf32, #tpu.memory_space<vmem>>) dst(%dma_wait3A_257 : memref<10240xf32, #tpu.memory_space<vmem_shared>>)
        } else {
        }
        %add3A_243 = arith.constant 2 : i32
        %add3A_244 = arith.addi %scan3A_158, %add3A_243 : i32
        %lt3A_245 = arith.constant 125 : i32
        %lt3A_246 = arith.cmpi slt, %add3A_244, %lt3A_245 : i32
        %convert_element_type3A_247 = arith.extui %lt3A_246 : i1 to i32
        %cond3A_248 = arith.constant 0 : i32
        %cond3A_249 = arith.cmpi ne, %convert_element_type3A_247, %cond3A_248 : i32
        scf.if %cond3A_249 {
          %add3A_256 = arith.constant 2 : i32
          %add3A_257 = arith.addi %scan3A_158, %add3A_256 : i32
          %mul3A_258 = arith.constant 80 : i32
          %mul3A_259 = arith.muli %add3A_257, %mul3A_258 : i32
          %add3A_260 = arith.addi %mul3A_86, %mul3A_259 : i32
          %dma_start3A_261 = tpu.memref_slice %arg3[%add3A_260] : memref<320000xi32, #tpu.memory_space<hbm>> -> memref<80xi32, #tpu.memory_space<hbm>>
          %dma_start3A_262 = tpu.memref_slice %arg3[%add3A_260] : memref<320000xi32, #tpu.memory_space<hbm>> -> memref<80xi32, #tpu.memory_space<hbm>>
          tpu.enqueue_dma source(%dma_start3A_262 : memref<80xi32, #tpu.memory_space<hbm>>) target(%arg14 : memref<80xi32, #tpu.memory_space<vmem>>) target_semaphore(%arg25 : memref<!tpu.dma_semaphore, #tpu.memory_space<semaphore_mem>>)
        } else {
        }
        %dma_wait3A_250 = arith.constant 0 : i32
        %dma_wait3A_251 = tpu.memref_slice %arg3[%dma_wait3A_250] : memref<320000xi32, #tpu.memory_space<hbm>> -> memref<80xi32, #tpu.memory_space<hbm>>
        %dma_wait3A_252 = arith.constant 0 : i32
        %dma_wait3A_253 = tpu.memref_slice %arg3[%dma_wait3A_252] : memref<320000xi32, #tpu.memory_space<hbm>> -> memref<80xi32, #tpu.memory_space<hbm>>
        tpu.wait_dma2 semaphore(%arg27 : memref<!tpu.dma_semaphore, #tpu.memory_space<semaphore_mem>>) src(%dma_wait3A_253 : memref<80xi32, #tpu.memory_space<hbm>>) dst(%arg16 : memref<80xi32, #tpu.memory_space<vmem>>)
        %dma_start3A_254 = arith.constant 0 : i32
        %dma_start3A_255 = tpu.memref_slice %arg23[%dma_start3A_254] : memref<10240xf32, #tpu.memory_space<vmem_shared>> -> memref<10240xf32, #tpu.memory_space<vmem_shared>>
        tpu.enqueue_indirect_dma source(%arg21 : memref<80xf32, #tpu.memory_space<vmem>>) target(%dma_start3A_255 : memref<10240xf32, #tpu.memory_space<vmem_shared>>) offsets(%arg16 : memref<80xi32, #tpu.memory_space<vmem>>) semaphore(%arg31 : memref<!tpu.dma_semaphore, #tpu.memory_space<semaphore_mem>>) {add = true}
      } else {
      }
      %scan3A_238 = arith.constant 0 : i32
      scf.yield %scan3A_238 : i32
    }
    %scan3A_141 = arith.constant 125 : i32
    %dma_wait3A_142 = arith.constant 0 : i32
    %dma_wait3A_143 = tpu.memref_slice %arg23[%dma_wait3A_142] : memref<10240xf32, #tpu.memory_space<vmem_shared>> -> memref<10240xf32, #tpu.memory_space<vmem_shared>>
    tpu.wait_indirect_dma semaphore(%arg31 : memref<!tpu.dma_semaphore, #tpu.memory_space<semaphore_mem>>) src(%arg21 : memref<80xf32, #tpu.memory_space<vmem>>) dst(%dma_wait3A_143 : memref<10240xf32, #tpu.memory_space<vmem_shared>>)
    %dma_wait3A_144 = arith.constant 0 : i32
    %dma_wait3A_145 = tpu.memref_slice %arg23[%dma_wait3A_144] : memref<10240xf32, #tpu.memory_space<vmem_shared>> -> memref<10240xf32, #tpu.memory_space<vmem_shared>>
    tpu.wait_indirect_dma semaphore(%arg30 : memref<!tpu.dma_semaphore, #tpu.memory_space<semaphore_mem>>) src(%arg21 : memref<80xf32, #tpu.memory_space<vmem>>) dst(%dma_wait3A_145 : memref<10240xf32, #tpu.memory_space<vmem_shared>>)
    %barrier3A_146 = arith.constant 0 : index
    tpu.barrier barrier_id(%barrier3A_146)
    %mul3A_147 = arith.constant 640 : i32
    %mul3A_148 = arith.muli %arg1, %mul3A_147 : i32
    %mul3A_149 = arith.constant 640 : i32
    %mul3A_150 = arith.muli %arg1, %mul3A_149 : i32
    "tpu.region"() ({
      %run_scoped3A = tpu.sem_alloc : memref<!tpu.dma_semaphore, #tpu.memory_space<semaphore_mem>>
      %dma_start3A_158 = arith.constant 0 : i32
      %dma_start3A_159 = tpu.memref_slice %arg6[%arg0, %mul3A_150, %dma_start3A_158] : memref<2x10240x128xf32, #tpu.memory_space<hbm>> -> memref<1x640x128xf32, #tpu.memory_space<hbm>>
      %dma_start3A_160 = tpu.memref_squeeze %dma_start3A_159 : memref<1x640x128xf32, #tpu.memory_space<hbm>> -> memref<640x128xf32, #tpu.memory_space<hbm>>
      %dma_start3A_161 = arith.constant 0 : i32
      %dma_start3A_162 = tpu.memref_slice %arg22[%mul3A_148, %dma_start3A_161] : memref<10240x128xf32, #tpu.memory_space<vmem_shared>> -> memref<640x128xf32, #tpu.memory_space<vmem_shared>>
      tpu.enqueue_dma source(%dma_start3A_162 : memref<640x128xf32, #tpu.memory_space<vmem_shared>>) target(%dma_start3A_160 : memref<640x128xf32, #tpu.memory_space<hbm>>) target_semaphore(%run_scoped3A : memref<!tpu.dma_semaphore, #tpu.memory_space<semaphore_mem>>)
      %dma_wait3A_163 = arith.constant 0 : i32
      %dma_wait3A_164 = tpu.memref_slice %arg6[%arg0, %mul3A_150, %dma_wait3A_163] : memref<2x10240x128xf32, #tpu.memory_space<hbm>> -> memref<1x640x128xf32, #tpu.memory_space<hbm>>
      %dma_wait3A_165 = tpu.memref_squeeze %dma_wait3A_164 : memref<1x640x128xf32, #tpu.memory_space<hbm>> -> memref<640x128xf32, #tpu.memory_space<hbm>>
      %dma_wait3A_166 = arith.constant 0 : i32
      %dma_wait3A_167 = tpu.memref_slice %arg22[%mul3A_148, %dma_wait3A_166] : memref<10240x128xf32, #tpu.memory_space<vmem_shared>> -> memref<640x128xf32, #tpu.memory_space<vmem_shared>>
      tpu.wait_dma2 semaphore(%run_scoped3A : memref<!tpu.dma_semaphore, #tpu.memory_space<semaphore_mem>>) src(%dma_wait3A_167 : memref<640x128xf32, #tpu.memory_space<vmem_shared>>) dst(%dma_wait3A_165 : memref<640x128xf32, #tpu.memory_space<hbm>>)
      tpu.yield
    }) : () -> ()
    %eq3A = arith.constant 0 : i32
    %eq3A_151 = arith.cmpi eq, %arg0, %eq3A : i32
    %convert_element_type3A = arith.extui %eq3A_151 : i1 to i32
    %cond3A = arith.constant 0 : i32
    %cond3A_152 = arith.cmpi ne, %convert_element_type3A, %cond3A : i32
    scf.if %cond3A_152 {
      %mul3A_158 = arith.constant 640 : i32
      %mul3A_159 = arith.muli %arg1, %mul3A_158 : i32
      %mul3A_160 = arith.constant 640 : i32
      %mul3A_161 = arith.muli %arg1, %mul3A_160 : i32
      "tpu.region"() ({
        %run_scoped3A = tpu.sem_alloc : memref<!tpu.dma_semaphore, #tpu.memory_space<semaphore_mem>>
        %dma_start3A_162 = tpu.memref_slice %arg7[%mul3A_161] : memref<10240xf32, #tpu.memory_space<hbm>> -> memref<640xf32, #tpu.memory_space<hbm>>
        %dma_start3A_163 = tpu.memref_slice %arg23[%mul3A_159] : memref<10240xf32, #tpu.memory_space<vmem_shared>> -> memref<640xf32, #tpu.memory_space<vmem_shared>>
        tpu.enqueue_dma source(%dma_start3A_163 : memref<640xf32, #tpu.memory_space<vmem_shared>>) target(%dma_start3A_162 : memref<640xf32, #tpu.memory_space<hbm>>) target_semaphore(%run_scoped3A : memref<!tpu.dma_semaphore, #tpu.memory_space<semaphore_mem>>)
        %dma_wait3A_164 = tpu.memref_slice %arg7[%mul3A_161] : memref<10240xf32, #tpu.memory_space<hbm>> -> memref<640xf32, #tpu.memory_space<hbm>>
        %dma_wait3A_165 = tpu.memref_slice %arg23[%mul3A_159] : memref<10240xf32, #tpu.memory_space<vmem_shared>> -> memref<640xf32, #tpu.memory_space<vmem_shared>>
        tpu.wait_dma2 semaphore(%run_scoped3A : memref<!tpu.dma_semaphore, #tpu.memory_space<semaphore_mem>>) src(%dma_wait3A_165 : memref<640xf32, #tpu.memory_space<vmem_shared>>) dst(%dma_wait3A_164 : memref<640xf32, #tpu.memory_space<hbm>>)
        tpu.yield
      }) : () -> ()
    } else {
    }
    %eq3A_153 = arith.constant 1 : i32
    %eq3A_154 = arith.cmpi eq, %arg0, %eq3A_153 : i32
    %convert_element_type3A_155 = arith.extui %eq3A_154 : i1 to i32
    %cond3A_156 = arith.constant 0 : i32
    %cond3A_157 = arith.cmpi ne, %convert_element_type3A_155, %cond3A_156 : i32
    scf.if %cond3A_157 {
      %mul3A_158 = arith.constant 640 : i32
      %mul3A_159 = arith.muli %arg1, %mul3A_158 : i32
      %mul3A_160 = arith.constant 640 : i32
      %mul3A_161 = arith.muli %arg1, %mul3A_160 : i32
      "tpu.region"() ({
        %run_scoped3A = tpu.sem_alloc : memref<!tpu.dma_semaphore, #tpu.memory_space<semaphore_mem>>
        %dma_start3A_162 = tpu.memref_slice %arg8[%mul3A_161] : memref<10240xf32, #tpu.memory_space<hbm>> -> memref<640xf32, #tpu.memory_space<hbm>>
        %dma_start3A_163 = tpu.memref_slice %arg23[%mul3A_159] : memref<10240xf32, #tpu.memory_space<vmem_shared>> -> memref<640xf32, #tpu.memory_space<vmem_shared>>
        tpu.enqueue_dma source(%dma_start3A_163 : memref<640xf32, #tpu.memory_space<vmem_shared>>) target(%dma_start3A_162 : memref<640xf32, #tpu.memory_space<hbm>>) target_semaphore(%run_scoped3A : memref<!tpu.dma_semaphore, #tpu.memory_space<semaphore_mem>>)
        %dma_wait3A_164 = tpu.memref_slice %arg8[%mul3A_161] : memref<10240xf32, #tpu.memory_space<hbm>> -> memref<640xf32, #tpu.memory_space<hbm>>
        %dma_wait3A_165 = tpu.memref_slice %arg23[%mul3A_159] : memref<10240xf32, #tpu.memory_space<vmem_shared>> -> memref<640xf32, #tpu.memory_space<vmem_shared>>
        tpu.wait_dma2 semaphore(%run_scoped3A : memref<!tpu.dma_semaphore, #tpu.memory_space<semaphore_mem>>) src(%dma_wait3A_165 : memref<640xf32, #tpu.memory_space<vmem_shared>>) dst(%dma_wait3A_164 : memref<640xf32, #tpu.memory_space<hbm>>)
        tpu.yield
      }) : () -> ()
    } else {
    }
    return
  }
}

#map = affine_map<(d0, d1) -> (0)>
#map1 = affine_map<(d0, d1) -> (0, 0)>
#map2 = affine_map<(d0, d1) -> (0, 0, 0)>
module attributes {stable_mosaic.version = 14 : i64} {
  func.func @sc_layer(%arg0: i32, %arg1: i32, %arg2: memref<320000xi32, #tpu.memory_space<hbm>>, %arg3: memref<320000xi32, #tpu.memory_space<hbm>>, %arg4: memref<10240x128xf32, #tpu.memory_space<hbm>>, %arg5: memref<320000x128xf32, #tpu.memory_space<hbm>>, %arg6: memref<2x10240x128xf32, #tpu.memory_space<hbm>>, %arg7: memref<80xi32, #tpu.memory_space<vmem>>, %arg8: memref<80xi32, #tpu.memory_space<vmem>>, %arg9: memref<80xi32, #tpu.memory_space<vmem>>, %arg10: memref<80xi32, #tpu.memory_space<vmem>>, %arg11: memref<80xi32, #tpu.memory_space<vmem>>, %arg12: memref<80xi32, #tpu.memory_space<vmem>>, %arg13: memref<80xi32, #tpu.memory_space<vmem>>, %arg14: memref<80xi32, #tpu.memory_space<vmem>>, %arg15: memref<80x128xf32, #tpu.memory_space<vmem>>, %arg16: memref<80x128xf32, #tpu.memory_space<vmem>>, %arg17: memref<80x128xf32, #tpu.memory_space<vmem>>, %arg18: memref<80x128xf32, #tpu.memory_space<vmem>>, %arg19: memref<80xf32, #tpu.memory_space<vmem>>, %arg20: memref<10240x128xf32, #tpu.memory_space<vmem_shared>>, %arg21: memref<10240xf32, #tpu.memory_space<vmem_shared>>, %arg22: memref<!tpu.dma_semaphore, #tpu.memory_space<semaphore_mem>>, %arg23: memref<!tpu.dma_semaphore, #tpu.memory_space<semaphore_mem>>, %arg24: memref<!tpu.dma_semaphore, #tpu.memory_space<semaphore_mem>>, %arg25: memref<!tpu.dma_semaphore, #tpu.memory_space<semaphore_mem>>, %arg26: memref<!tpu.dma_semaphore, #tpu.memory_space<semaphore_mem>>, %arg27: memref<!tpu.dma_semaphore, #tpu.memory_space<semaphore_mem>>, %arg28: memref<!tpu.dma_semaphore, #tpu.memory_space<semaphore_mem>>, %arg29: memref<!tpu.dma_semaphore, #tpu.memory_space<semaphore_mem>>) attributes {dimension_semantics = [#tpu.dimension_semantics<core_parallel>, #tpu.dimension_semantics<subcore_parallel>], iteration_bounds = array<i64: 2, 16>, scalar_prefetch = 0 : i64, scratch_operands = 23 : i64, tpu.core_type = #tpu.core_type<sc_vector_subcore>, window_params = [{transform_indices = #map}, {transform_indices = #map}, {transform_indices = #map1}, {transform_indices = #map1}, {transform_indices = #map2}]} {
    %mul3A = arith.constant 2 : i32
    %mul3A_0 = arith.muli %arg1, %mul3A : i32
    %add3A = arith.addi %mul3A_0, %arg0 : i32
    %scan3A = arith.constant 0 : i32
    %scan3A_1 = arith.constant 0 : i32
    %scan3A_2 = arith.constant 80 : i32
    %scan3A_3 = arith.addi %scan3A_1, %scan3A_2 : i32
    %scan3A_4 = arith.constant 1 : i32
    %scan3A_5 = scf.for %scan3A_132 = %scan3A_1 to %scan3A_3 step %scan3A_4 iter_args(%scan3A_133 = %scan3A) -> (i32)  : i32 {
      %scan3A_134 = arith.constant 0 : i32
      %scan3A_135 = arith.constant 0 : i32
      %scan3A_136 = arith.constant 8 : i32
      %scan3A_137 = arith.addi %scan3A_135, %scan3A_136 : i32
      %scan3A_138 = arith.constant 1 : i32
      %scan3A_139 = scf.for %scan3A_141 = %scan3A_135 to %scan3A_137 step %scan3A_138 iter_args(%scan3A_142 = %scan3A_134) -> (i32)  : i32 {
        %broadcast_in_dim3A = arith.constant 0.000000e+00 : f32
        %broadcast_in_dim3A_143 = vector.broadcast %broadcast_in_dim3A : f32 to vector<16xf32>
        %mul3A_144 = arith.constant 16 : i32
        %mul3A_145 = arith.muli %scan3A_141, %mul3A_144 : i32
        %swap3A = arith.index_cast %scan3A_132 : i32 to index
        %swap3A_146 = arith.index_cast %mul3A_145 : i32 to index
        %swap3A_147 = tpu.vector_load %arg15[%swap3A, %swap3A_146] {strides = array<i32>} : memref<80x128xf32, #tpu.memory_space<vmem>>, vector<1x16xf32>,
        %swap3A_148 = vector.shape_cast %swap3A_147 : vector<1x16xf32> to vector<16xf32>
        %swap3A_149 = vector.shape_cast %broadcast_in_dim3A_143 : vector<16xf32> to vector<1x16xf32>
        tpu.vector_store %arg15[%swap3A, %swap3A_146], %swap3A_149 {strides = array<i32>} : memref<80x128xf32, #tpu.memory_space<vmem>>, vector<1x16xf32>,
        %scan3A_150 = arith.constant 0 : i32
        scf.yield %scan3A_150 : i32
      }
      %scan3A_140 = arith.constant 8 : i32
      scf.yield %scan3A_139 : i32
    }
    %scan3A_6 = arith.constant 80 : i32
    %mul3A_7 = arith.constant 640 : i32
    %mul3A_8 = arith.muli %arg1, %mul3A_7 : i32
    %add3A_9 = arith.constant 0 : i32
    %add3A_10 = arith.addi %mul3A_8, %add3A_9 : i32
    "tpu.region"() ({
      %run_scoped3A = tpu.sem_alloc : memref<!tpu.dma_semaphore, #tpu.memory_space<semaphore_mem>>
      %dma_start3A_132 = arith.constant 0 : i32
      %dma_start3A_133 = tpu.memref_slice %arg20[%add3A_10, %dma_start3A_132] : memref<10240x128xf32, #tpu.memory_space<vmem_shared>> -> memref<80x128xf32, #tpu.memory_space<vmem_shared>>
      %dma_start3A_134 = arith.constant 0 : i32
      %dma_start3A_135 = tpu.memref_slice %arg20[%add3A_10, %dma_start3A_134] : memref<10240x128xf32, #tpu.memory_space<vmem_shared>> -> memref<80x128xf32, #tpu.memory_space<vmem_shared>>
      tpu.enqueue_dma source(%arg15 : memref<80x128xf32, #tpu.memory_space<vmem>>) target(%dma_start3A_135 : memref<80x128xf32, #tpu.memory_space<vmem_shared>>) target_semaphore(%run_scoped3A : memref<!tpu.dma_semaphore, #tpu.memory_space<semaphore_mem>>)
      %dma_wait3A_136 = arith.constant 0 : i32
      %dma_wait3A_137 = tpu.memref_slice %arg20[%add3A_10, %dma_wait3A_136] : memref<10240x128xf32, #tpu.memory_space<vmem_shared>> -> memref<80x128xf32, #tpu.memory_space<vmem_shared>>
      %dma_wait3A_138 = arith.constant 0 : i32
      %dma_wait3A_139 = tpu.memref_slice %arg20[%add3A_10, %dma_wait3A_138] : memref<10240x128xf32, #tpu.memory_space<vmem_shared>> -> memref<80x128xf32, #tpu.memory_space<vmem_shared>>
      tpu.wait_dma2 semaphore(%run_scoped3A : memref<!tpu.dma_semaphore, #tpu.memory_space<semaphore_mem>>) src(%arg15 : memref<80x128xf32, #tpu.memory_space<vmem>>) dst(%dma_wait3A_139 : memref<80x128xf32, #tpu.memory_space<vmem_shared>>)
      tpu.yield
    }) : () -> ()
    %mul3A_11 = arith.constant 640 : i32
    %mul3A_12 = arith.muli %arg1, %mul3A_11 : i32
    %add3A_13 = arith.constant 80 : i32
    %add3A_14 = arith.addi %mul3A_12, %add3A_13 : i32
    "tpu.region"() ({
      %run_scoped3A = tpu.sem_alloc : memref<!tpu.dma_semaphore, #tpu.memory_space<semaphore_mem>>
      %dma_start3A_132 = arith.constant 0 : i32
      %dma_start3A_133 = tpu.memref_slice %arg20[%add3A_14, %dma_start3A_132] : memref<10240x128xf32, #tpu.memory_space<vmem_shared>> -> memref<80x128xf32, #tpu.memory_space<vmem_shared>>
      %dma_start3A_134 = arith.constant 0 : i32
      %dma_start3A_135 = tpu.memref_slice %arg20[%add3A_14, %dma_start3A_134] : memref<10240x128xf32, #tpu.memory_space<vmem_shared>> -> memref<80x128xf32, #tpu.memory_space<vmem_shared>>
      tpu.enqueue_dma source(%arg15 : memref<80x128xf32, #tpu.memory_space<vmem>>) target(%dma_start3A_135 : memref<80x128xf32, #tpu.memory_space<vmem_shared>>) target_semaphore(%run_scoped3A : memref<!tpu.dma_semaphore, #tpu.memory_space<semaphore_mem>>)
      %dma_wait3A_136 = arith.constant 0 : i32
      %dma_wait3A_137 = tpu.memref_slice %arg20[%add3A_14, %dma_wait3A_136] : memref<10240x128xf32, #tpu.memory_space<vmem_shared>> -> memref<80x128xf32, #tpu.memory_space<vmem_shared>>
      %dma_wait3A_138 = arith.constant 0 : i32
      %dma_wait3A_139 = tpu.memref_slice %arg20[%add3A_14, %dma_wait3A_138] : memref<10240x128xf32, #tpu.memory_space<vmem_shared>> -> memref<80x128xf32, #tpu.memory_space<vmem_shared>>
      tpu.wait_dma2 semaphore(%run_scoped3A : memref<!tpu.dma_semaphore, #tpu.memory_space<semaphore_mem>>) src(%arg15 : memref<80x128xf32, #tpu.memory_space<vmem>>) dst(%dma_wait3A_139 : memref<80x128xf32, #tpu.memory_space<vmem_shared>>)
      tpu.yield
    }) : () -> ()
    %mul3A_15 = arith.constant 640 : i32
    %mul3A_16 = arith.muli %arg1, %mul3A_15 : i32
    %add3A_17 = arith.constant 160 : i32
    %add3A_18 = arith.addi %mul3A_16, %add3A_17 : i32
    "tpu.region"() ({
      %run_scoped3A = tpu.sem_alloc : memref<!tpu.dma_semaphore, #tpu.memory_space<semaphore_mem>>
      %dma_start3A_132 = arith.constant 0 : i32
      %dma_start3A_133 = tpu.memref_slice %arg20[%add3A_18, %dma_start3A_132] : memref<10240x128xf32, #tpu.memory_space<vmem_shared>> -> memref<80x128xf32, #tpu.memory_space<vmem_shared>>
      %dma_start3A_134 = arith.constant 0 : i32
      %dma_start3A_135 = tpu.memref_slice %arg20[%add3A_18, %dma_start3A_134] : memref<10240x128xf32, #tpu.memory_space<vmem_shared>> -> memref<80x128xf32, #tpu.memory_space<vmem_shared>>
      tpu.enqueue_dma source(%arg15 : memref<80x128xf32, #tpu.memory_space<vmem>>) target(%dma_start3A_135 : memref<80x128xf32, #tpu.memory_space<vmem_shared>>) target_semaphore(%run_scoped3A : memref<!tpu.dma_semaphore, #tpu.memory_space<semaphore_mem>>)
      %dma_wait3A_136 = arith.constant 0 : i32
      %dma_wait3A_137 = tpu.memref_slice %arg20[%add3A_18, %dma_wait3A_136] : memref<10240x128xf32, #tpu.memory_space<vmem_shared>> -> memref<80x128xf32, #tpu.memory_space<vmem_shared>>
      %dma_wait3A_138 = arith.constant 0 : i32
      %dma_wait3A_139 = tpu.memref_slice %arg20[%add3A_18, %dma_wait3A_138] : memref<10240x128xf32, #tpu.memory_space<vmem_shared>> -> memref<80x128xf32, #tpu.memory_space<vmem_shared>>
      tpu.wait_dma2 semaphore(%run_scoped3A : memref<!tpu.dma_semaphore, #tpu.memory_space<semaphore_mem>>) src(%arg15 : memref<80x128xf32, #tpu.memory_space<vmem>>) dst(%dma_wait3A_139 : memref<80x128xf32, #tpu.memory_space<vmem_shared>>)
      tpu.yield
    }) : () -> ()
    %mul3A_19 = arith.constant 640 : i32
    %mul3A_20 = arith.muli %arg1, %mul3A_19 : i32
    %add3A_21 = arith.constant 240 : i32
    %add3A_22 = arith.addi %mul3A_20, %add3A_21 : i32
    "tpu.region"() ({
      %run_scoped3A = tpu.sem_alloc : memref<!tpu.dma_semaphore, #tpu.memory_space<semaphore_mem>>
      %dma_start3A_132 = arith.constant 0 : i32
      %dma_start3A_133 = tpu.memref_slice %arg20[%add3A_22, %dma_start3A_132] : memref<10240x128xf32, #tpu.memory_space<vmem_shared>> -> memref<80x128xf32, #tpu.memory_space<vmem_shared>>
      %dma_start3A_134 = arith.constant 0 : i32
      %dma_start3A_135 = tpu.memref_slice %arg20[%add3A_22, %dma_start3A_134] : memref<10240x128xf32, #tpu.memory_space<vmem_shared>> -> memref<80x128xf32, #tpu.memory_space<vmem_shared>>
      tpu.enqueue_dma source(%arg15 : memref<80x128xf32, #tpu.memory_space<vmem>>) target(%dma_start3A_135 : memref<80x128xf32, #tpu.memory_space<vmem_shared>>) target_semaphore(%run_scoped3A : memref<!tpu.dma_semaphore, #tpu.memory_space<semaphore_mem>>)
      %dma_wait3A_136 = arith.constant 0 : i32
      %dma_wait3A_137 = tpu.memref_slice %arg20[%add3A_22, %dma_wait3A_136] : memref<10240x128xf32, #tpu.memory_space<vmem_shared>> -> memref<80x128xf32, #tpu.memory_space<vmem_shared>>
      %dma_wait3A_138 = arith.constant 0 : i32
      %dma_wait3A_139 = tpu.memref_slice %arg20[%add3A_22, %dma_wait3A_138] : memref<10240x128xf32, #tpu.memory_space<vmem_shared>> -> memref<80x128xf32, #tpu.memory_space<vmem_shared>>
      tpu.wait_dma2 semaphore(%run_scoped3A : memref<!tpu.dma_semaphore, #tpu.memory_space<semaphore_mem>>) src(%arg15 : memref<80x128xf32, #tpu.memory_space<vmem>>) dst(%dma_wait3A_139 : memref<80x128xf32, #tpu.memory_space<vmem_shared>>)
      tpu.yield
    }) : () -> ()
    %mul3A_23 = arith.constant 640 : i32
    %mul3A_24 = arith.muli %arg1, %mul3A_23 : i32
    %add3A_25 = arith.constant 320 : i32
    %add3A_26 = arith.addi %mul3A_24, %add3A_25 : i32
    "tpu.region"() ({
      %run_scoped3A = tpu.sem_alloc : memref<!tpu.dma_semaphore, #tpu.memory_space<semaphore_mem>>
      %dma_start3A_132 = arith.constant 0 : i32
      %dma_start3A_133 = tpu.memref_slice %arg20[%add3A_26, %dma_start3A_132] : memref<10240x128xf32, #tpu.memory_space<vmem_shared>> -> memref<80x128xf32, #tpu.memory_space<vmem_shared>>
      %dma_start3A_134 = arith.constant 0 : i32
      %dma_start3A_135 = tpu.memref_slice %arg20[%add3A_26, %dma_start3A_134] : memref<10240x128xf32, #tpu.memory_space<vmem_shared>> -> memref<80x128xf32, #tpu.memory_space<vmem_shared>>
      tpu.enqueue_dma source(%arg15 : memref<80x128xf32, #tpu.memory_space<vmem>>) target(%dma_start3A_135 : memref<80x128xf32, #tpu.memory_space<vmem_shared>>) target_semaphore(%run_scoped3A : memref<!tpu.dma_semaphore, #tpu.memory_space<semaphore_mem>>)
      %dma_wait3A_136 = arith.constant 0 : i32
      %dma_wait3A_137 = tpu.memref_slice %arg20[%add3A_26, %dma_wait3A_136] : memref<10240x128xf32, #tpu.memory_space<vmem_shared>> -> memref<80x128xf32, #tpu.memory_space<vmem_shared>>
      %dma_wait3A_138 = arith.constant 0 : i32
      %dma_wait3A_139 = tpu.memref_slice %arg20[%add3A_26, %dma_wait3A_138] : memref<10240x128xf32, #tpu.memory_space<vmem_shared>> -> memref<80x128xf32, #tpu.memory_space<vmem_shared>>
      tpu.wait_dma2 semaphore(%run_scoped3A : memref<!tpu.dma_semaphore, #tpu.memory_space<semaphore_mem>>) src(%arg15 : memref<80x128xf32, #tpu.memory_space<vmem>>) dst(%dma_wait3A_139 : memref<80x128xf32, #tpu.memory_space<vmem_shared>>)
      tpu.yield
    }) : () -> ()
    %mul3A_27 = arith.constant 640 : i32
    %mul3A_28 = arith.muli %arg1, %mul3A_27 : i32
    %add3A_29 = arith.constant 400 : i32
    %add3A_30 = arith.addi %mul3A_28, %add3A_29 : i32
    "tpu.region"() ({
      %run_scoped3A = tpu.sem_alloc : memref<!tpu.dma_semaphore, #tpu.memory_space<semaphore_mem>>
      %dma_start3A_132 = arith.constant 0 : i32
      %dma_start3A_133 = tpu.memref_slice %arg20[%add3A_30, %dma_start3A_132] : memref<10240x128xf32, #tpu.memory_space<vmem_shared>> -> memref<80x128xf32, #tpu.memory_space<vmem_shared>>
      %dma_start3A_134 = arith.constant 0 : i32
      %dma_start3A_135 = tpu.memref_slice %arg20[%add3A_30, %dma_start3A_134] : memref<10240x128xf32, #tpu.memory_space<vmem_shared>> -> memref<80x128xf32, #tpu.memory_space<vmem_shared>>
      tpu.enqueue_dma source(%arg15 : memref<80x128xf32, #tpu.memory_space<vmem>>) target(%dma_start3A_135 : memref<80x128xf32, #tpu.memory_space<vmem_shared>>) target_semaphore(%run_scoped3A : memref<!tpu.dma_semaphore, #tpu.memory_space<semaphore_mem>>)
      %dma_wait3A_136 = arith.constant 0 : i32
      %dma_wait3A_137 = tpu.memref_slice %arg20[%add3A_30, %dma_wait3A_136] : memref<10240x128xf32, #tpu.memory_space<vmem_shared>> -> memref<80x128xf32, #tpu.memory_space<vmem_shared>>
      %dma_wait3A_138 = arith.constant 0 : i32
      %dma_wait3A_139 = tpu.memref_slice %arg20[%add3A_30, %dma_wait3A_138] : memref<10240x128xf32, #tpu.memory_space<vmem_shared>> -> memref<80x128xf32, #tpu.memory_space<vmem_shared>>
      tpu.wait_dma2 semaphore(%run_scoped3A : memref<!tpu.dma_semaphore, #tpu.memory_space<semaphore_mem>>) src(%arg15 : memref<80x128xf32, #tpu.memory_space<vmem>>) dst(%dma_wait3A_139 : memref<80x128xf32, #tpu.memory_space<vmem_shared>>)
      tpu.yield
    }) : () -> ()
    %mul3A_31 = arith.constant 640 : i32
    %mul3A_32 = arith.muli %arg1, %mul3A_31 : i32
    %add3A_33 = arith.constant 480 : i32
    %add3A_34 = arith.addi %mul3A_32, %add3A_33 : i32
    "tpu.region"() ({
      %run_scoped3A = tpu.sem_alloc : memref<!tpu.dma_semaphore, #tpu.memory_space<semaphore_mem>>
      %dma_start3A_132 = arith.constant 0 : i32
      %dma_start3A_133 = tpu.memref_slice %arg20[%add3A_34, %dma_start3A_132] : memref<10240x128xf32, #tpu.memory_space<vmem_shared>> -> memref<80x128xf32, #tpu.memory_space<vmem_shared>>
      %dma_start3A_134 = arith.constant 0 : i32
      %dma_start3A_135 = tpu.memref_slice %arg20[%add3A_34, %dma_start3A_134] : memref<10240x128xf32, #tpu.memory_space<vmem_shared>> -> memref<80x128xf32, #tpu.memory_space<vmem_shared>>
      tpu.enqueue_dma source(%arg15 : memref<80x128xf32, #tpu.memory_space<vmem>>) target(%dma_start3A_135 : memref<80x128xf32, #tpu.memory_space<vmem_shared>>) target_semaphore(%run_scoped3A : memref<!tpu.dma_semaphore, #tpu.memory_space<semaphore_mem>>)
      %dma_wait3A_136 = arith.constant 0 : i32
      %dma_wait3A_137 = tpu.memref_slice %arg20[%add3A_34, %dma_wait3A_136] : memref<10240x128xf32, #tpu.memory_space<vmem_shared>> -> memref<80x128xf32, #tpu.memory_space<vmem_shared>>
      %dma_wait3A_138 = arith.constant 0 : i32
      %dma_wait3A_139 = tpu.memref_slice %arg20[%add3A_34, %dma_wait3A_138] : memref<10240x128xf32, #tpu.memory_space<vmem_shared>> -> memref<80x128xf32, #tpu.memory_space<vmem_shared>>
      tpu.wait_dma2 semaphore(%run_scoped3A : memref<!tpu.dma_semaphore, #tpu.memory_space<semaphore_mem>>) src(%arg15 : memref<80x128xf32, #tpu.memory_space<vmem>>) dst(%dma_wait3A_139 : memref<80x128xf32, #tpu.memory_space<vmem_shared>>)
      tpu.yield
    }) : () -> ()
    %mul3A_35 = arith.constant 640 : i32
    %mul3A_36 = arith.muli %arg1, %mul3A_35 : i32
    %add3A_37 = arith.constant 560 : i32
    %add3A_38 = arith.addi %mul3A_36, %add3A_37 : i32
    "tpu.region"() ({
      %run_scoped3A = tpu.sem_alloc : memref<!tpu.dma_semaphore, #tpu.memory_space<semaphore_mem>>
      %dma_start3A_132 = arith.constant 0 : i32
      %dma_start3A_133 = tpu.memref_slice %arg20[%add3A_38, %dma_start3A_132] : memref<10240x128xf32, #tpu.memory_space<vmem_shared>> -> memref<80x128xf32, #tpu.memory_space<vmem_shared>>
      %dma_start3A_134 = arith.constant 0 : i32
      %dma_start3A_135 = tpu.memref_slice %arg20[%add3A_38, %dma_start3A_134] : memref<10240x128xf32, #tpu.memory_space<vmem_shared>> -> memref<80x128xf32, #tpu.memory_space<vmem_shared>>
      tpu.enqueue_dma source(%arg15 : memref<80x128xf32, #tpu.memory_space<vmem>>) target(%dma_start3A_135 : memref<80x128xf32, #tpu.memory_space<vmem_shared>>) target_semaphore(%run_scoped3A : memref<!tpu.dma_semaphore, #tpu.memory_space<semaphore_mem>>)
      %dma_wait3A_136 = arith.constant 0 : i32
      %dma_wait3A_137 = tpu.memref_slice %arg20[%add3A_38, %dma_wait3A_136] : memref<10240x128xf32, #tpu.memory_space<vmem_shared>> -> memref<80x128xf32, #tpu.memory_space<vmem_shared>>
      %dma_wait3A_138 = arith.constant 0 : i32
      %dma_wait3A_139 = tpu.memref_slice %arg20[%add3A_38, %dma_wait3A_138] : memref<10240x128xf32, #tpu.memory_space<vmem_shared>> -> memref<80x128xf32, #tpu.memory_space<vmem_shared>>
      tpu.wait_dma2 semaphore(%run_scoped3A : memref<!tpu.dma_semaphore, #tpu.memory_space<semaphore_mem>>) src(%arg15 : memref<80x128xf32, #tpu.memory_space<vmem>>) dst(%dma_wait3A_139 : memref<80x128xf32, #tpu.memory_space<vmem_shared>>)
      tpu.yield
    }) : () -> ()
    %scan3A_39 = arith.constant 0 : i32
    %scan3A_40 = arith.constant 0 : i32
    %scan3A_41 = arith.constant 5 : i32
    %scan3A_42 = arith.addi %scan3A_40, %scan3A_41 : i32
    %scan3A_43 = arith.constant 1 : i32
    %scan3A_44 = scf.for %scan3A_132 = %scan3A_40 to %scan3A_42 step %scan3A_43 iter_args(%scan3A_133 = %scan3A_39) -> (i32)  : i32 {
      %broadcast_in_dim3A = arith.constant 0.000000e+00 : f32
      %broadcast_in_dim3A_134 = vector.broadcast %broadcast_in_dim3A : f32 to vector<16xf32>
      %mul3A_135 = arith.constant 16 : i32
      %mul3A_136 = arith.muli %scan3A_132, %mul3A_135 : i32
      %swap3A = arith.index_cast %mul3A_136 : i32 to index
      %swap3A_137 = tpu.vector_load %arg19[%swap3A] {strides = array<i32>} : memref<80xf32, #tpu.memory_space<vmem>>, vector<16xf32>,
      %swap3A_138 = vector.shape_cast %swap3A_137 : vector<16xf32> to vector<16xf32>
      %swap3A_139 = vector.shape_cast %broadcast_in_dim3A_134 : vector<16xf32> to vector<16xf32>
      tpu.vector_store %arg19[%swap3A], %swap3A_139 {strides = array<i32>} : memref<80xf32, #tpu.memory_space<vmem>>, vector<16xf32>,
      %scan3A_140 = arith.constant 0 : i32
      scf.yield %scan3A_140 : i32
    }
    %scan3A_45 = arith.constant 5 : i32
    %mul3A_46 = arith.constant 640 : i32
    %mul3A_47 = arith.muli %arg1, %mul3A_46 : i32
    %add3A_48 = arith.constant 0 : i32
    %add3A_49 = arith.addi %mul3A_47, %add3A_48 : i32
    "tpu.region"() ({
      %run_scoped3A = tpu.sem_alloc : memref<!tpu.dma_semaphore, #tpu.memory_space<semaphore_mem>>
      %dma_start3A_132 = tpu.memref_slice %arg21[%add3A_49] : memref<10240xf32, #tpu.memory_space<vmem_shared>> -> memref<80xf32, #tpu.memory_space<vmem_shared>>
      %dma_start3A_133 = tpu.memref_slice %arg21[%add3A_49] : memref<10240xf32, #tpu.memory_space<vmem_shared>> -> memref<80xf32, #tpu.memory_space<vmem_shared>>
      tpu.enqueue_dma source(%arg19 : memref<80xf32, #tpu.memory_space<vmem>>) target(%dma_start3A_133 : memref<80xf32, #tpu.memory_space<vmem_shared>>) target_semaphore(%run_scoped3A : memref<!tpu.dma_semaphore, #tpu.memory_space<semaphore_mem>>)
      %dma_wait3A_134 = tpu.memref_slice %arg21[%add3A_49] : memref<10240xf32, #tpu.memory_space<vmem_shared>> -> memref<80xf32, #tpu.memory_space<vmem_shared>>
      %dma_wait3A_135 = tpu.memref_slice %arg21[%add3A_49] : memref<10240xf32, #tpu.memory_space<vmem_shared>> -> memref<80xf32, #tpu.memory_space<vmem_shared>>
      tpu.wait_dma2 semaphore(%run_scoped3A : memref<!tpu.dma_semaphore, #tpu.memory_space<semaphore_mem>>) src(%arg19 : memref<80xf32, #tpu.memory_space<vmem>>) dst(%dma_wait3A_135 : memref<80xf32, #tpu.memory_space<vmem_shared>>)
      tpu.yield
    }) : () -> ()
    %mul3A_50 = arith.constant 640 : i32
    %mul3A_51 = arith.muli %arg1, %mul3A_50 : i32
    %add3A_52 = arith.constant 80 : i32
    %add3A_53 = arith.addi %mul3A_51, %add3A_52 : i32
    "tpu.region"() ({
      %run_scoped3A = tpu.sem_alloc : memref<!tpu.dma_semaphore, #tpu.memory_space<semaphore_mem>>
      %dma_start3A_132 = tpu.memref_slice %arg21[%add3A_53] : memref<10240xf32, #tpu.memory_space<vmem_shared>> -> memref<80xf32, #tpu.memory_space<vmem_shared>>
      %dma_start3A_133 = tpu.memref_slice %arg21[%add3A_53] : memref<10240xf32, #tpu.memory_space<vmem_shared>> -> memref<80xf32, #tpu.memory_space<vmem_shared>>
      tpu.enqueue_dma source(%arg19 : memref<80xf32, #tpu.memory_space<vmem>>) target(%dma_start3A_133 : memref<80xf32, #tpu.memory_space<vmem_shared>>) target_semaphore(%run_scoped3A : memref<!tpu.dma_semaphore, #tpu.memory_space<semaphore_mem>>)
      %dma_wait3A_134 = tpu.memref_slice %arg21[%add3A_53] : memref<10240xf32, #tpu.memory_space<vmem_shared>> -> memref<80xf32, #tpu.memory_space<vmem_shared>>
      %dma_wait3A_135 = tpu.memref_slice %arg21[%add3A_53] : memref<10240xf32, #tpu.memory_space<vmem_shared>> -> memref<80xf32, #tpu.memory_space<vmem_shared>>
      tpu.wait_dma2 semaphore(%run_scoped3A : memref<!tpu.dma_semaphore, #tpu.memory_space<semaphore_mem>>) src(%arg19 : memref<80xf32, #tpu.memory_space<vmem>>) dst(%dma_wait3A_135 : memref<80xf32, #tpu.memory_space<vmem_shared>>)
      tpu.yield
    }) : () -> ()
    %mul3A_54 = arith.constant 640 : i32
    %mul3A_55 = arith.muli %arg1, %mul3A_54 : i32
    %add3A_56 = arith.constant 160 : i32
    %add3A_57 = arith.addi %mul3A_55, %add3A_56 : i32
    "tpu.region"() ({
      %run_scoped3A = tpu.sem_alloc : memref<!tpu.dma_semaphore, #tpu.memory_space<semaphore_mem>>
      %dma_start3A_132 = tpu.memref_slice %arg21[%add3A_57] : memref<10240xf32, #tpu.memory_space<vmem_shared>> -> memref<80xf32, #tpu.memory_space<vmem_shared>>
      %dma_start3A_133 = tpu.memref_slice %arg21[%add3A_57] : memref<10240xf32, #tpu.memory_space<vmem_shared>> -> memref<80xf32, #tpu.memory_space<vmem_shared>>
      tpu.enqueue_dma source(%arg19 : memref<80xf32, #tpu.memory_space<vmem>>) target(%dma_start3A_133 : memref<80xf32, #tpu.memory_space<vmem_shared>>) target_semaphore(%run_scoped3A : memref<!tpu.dma_semaphore, #tpu.memory_space<semaphore_mem>>)
      %dma_wait3A_134 = tpu.memref_slice %arg21[%add3A_57] : memref<10240xf32, #tpu.memory_space<vmem_shared>> -> memref<80xf32, #tpu.memory_space<vmem_shared>>
      %dma_wait3A_135 = tpu.memref_slice %arg21[%add3A_57] : memref<10240xf32, #tpu.memory_space<vmem_shared>> -> memref<80xf32, #tpu.memory_space<vmem_shared>>
      tpu.wait_dma2 semaphore(%run_scoped3A : memref<!tpu.dma_semaphore, #tpu.memory_space<semaphore_mem>>) src(%arg19 : memref<80xf32, #tpu.memory_space<vmem>>) dst(%dma_wait3A_135 : memref<80xf32, #tpu.memory_space<vmem_shared>>)
      tpu.yield
    }) : () -> ()
    %mul3A_58 = arith.constant 640 : i32
    %mul3A_59 = arith.muli %arg1, %mul3A_58 : i32
    %add3A_60 = arith.constant 240 : i32
    %add3A_61 = arith.addi %mul3A_59, %add3A_60 : i32
    "tpu.region"() ({
      %run_scoped3A = tpu.sem_alloc : memref<!tpu.dma_semaphore, #tpu.memory_space<semaphore_mem>>
      %dma_start3A_132 = tpu.memref_slice %arg21[%add3A_61] : memref<10240xf32, #tpu.memory_space<vmem_shared>> -> memref<80xf32, #tpu.memory_space<vmem_shared>>
      %dma_start3A_133 = tpu.memref_slice %arg21[%add3A_61] : memref<10240xf32, #tpu.memory_space<vmem_shared>> -> memref<80xf32, #tpu.memory_space<vmem_shared>>
      tpu.enqueue_dma source(%arg19 : memref<80xf32, #tpu.memory_space<vmem>>) target(%dma_start3A_133 : memref<80xf32, #tpu.memory_space<vmem_shared>>) target_semaphore(%run_scoped3A : memref<!tpu.dma_semaphore, #tpu.memory_space<semaphore_mem>>)
      %dma_wait3A_134 = tpu.memref_slice %arg21[%add3A_61] : memref<10240xf32, #tpu.memory_space<vmem_shared>> -> memref<80xf32, #tpu.memory_space<vmem_shared>>
      %dma_wait3A_135 = tpu.memref_slice %arg21[%add3A_61] : memref<10240xf32, #tpu.memory_space<vmem_shared>> -> memref<80xf32, #tpu.memory_space<vmem_shared>>
      tpu.wait_dma2 semaphore(%run_scoped3A : memref<!tpu.dma_semaphore, #tpu.memory_space<semaphore_mem>>) src(%arg19 : memref<80xf32, #tpu.memory_space<vmem>>) dst(%dma_wait3A_135 : memref<80xf32, #tpu.memory_space<vmem_shared>>)
      tpu.yield
    }) : () -> ()
    %mul3A_62 = arith.constant 640 : i32
    %mul3A_63 = arith.muli %arg1, %mul3A_62 : i32
    %add3A_64 = arith.constant 320 : i32
    %add3A_65 = arith.addi %mul3A_63, %add3A_64 : i32
    "tpu.region"() ({
      %run_scoped3A = tpu.sem_alloc : memref<!tpu.dma_semaphore, #tpu.memory_space<semaphore_mem>>
      %dma_start3A_132 = tpu.memref_slice %arg21[%add3A_65] : memref<10240xf32, #tpu.memory_space<vmem_shared>> -> memref<80xf32, #tpu.memory_space<vmem_shared>>
      %dma_start3A_133 = tpu.memref_slice %arg21[%add3A_65] : memref<10240xf32, #tpu.memory_space<vmem_shared>> -> memref<80xf32, #tpu.memory_space<vmem_shared>>
      tpu.enqueue_dma source(%arg19 : memref<80xf32, #tpu.memory_space<vmem>>) target(%dma_start3A_133 : memref<80xf32, #tpu.memory_space<vmem_shared>>) target_semaphore(%run_scoped3A : memref<!tpu.dma_semaphore, #tpu.memory_space<semaphore_mem>>)
      %dma_wait3A_134 = tpu.memref_slice %arg21[%add3A_65] : memref<10240xf32, #tpu.memory_space<vmem_shared>> -> memref<80xf32, #tpu.memory_space<vmem_shared>>
      %dma_wait3A_135 = tpu.memref_slice %arg21[%add3A_65] : memref<10240xf32, #tpu.memory_space<vmem_shared>> -> memref<80xf32, #tpu.memory_space<vmem_shared>>
      tpu.wait_dma2 semaphore(%run_scoped3A : memref<!tpu.dma_semaphore, #tpu.memory_space<semaphore_mem>>) src(%arg19 : memref<80xf32, #tpu.memory_space<vmem>>) dst(%dma_wait3A_135 : memref<80xf32, #tpu.memory_space<vmem_shared>>)
      tpu.yield
    }) : () -> ()
    %mul3A_66 = arith.constant 640 : i32
    %mul3A_67 = arith.muli %arg1, %mul3A_66 : i32
    %add3A_68 = arith.constant 400 : i32
    %add3A_69 = arith.addi %mul3A_67, %add3A_68 : i32
    "tpu.region"() ({
      %run_scoped3A = tpu.sem_alloc : memref<!tpu.dma_semaphore, #tpu.memory_space<semaphore_mem>>
      %dma_start3A_132 = tpu.memref_slice %arg21[%add3A_69] : memref<10240xf32, #tpu.memory_space<vmem_shared>> -> memref<80xf32, #tpu.memory_space<vmem_shared>>
      %dma_start3A_133 = tpu.memref_slice %arg21[%add3A_69] : memref<10240xf32, #tpu.memory_space<vmem_shared>> -> memref<80xf32, #tpu.memory_space<vmem_shared>>
      tpu.enqueue_dma source(%arg19 : memref<80xf32, #tpu.memory_space<vmem>>) target(%dma_start3A_133 : memref<80xf32, #tpu.memory_space<vmem_shared>>) target_semaphore(%run_scoped3A : memref<!tpu.dma_semaphore, #tpu.memory_space<semaphore_mem>>)
      %dma_wait3A_134 = tpu.memref_slice %arg21[%add3A_69] : memref<10240xf32, #tpu.memory_space<vmem_shared>> -> memref<80xf32, #tpu.memory_space<vmem_shared>>
      %dma_wait3A_135 = tpu.memref_slice %arg21[%add3A_69] : memref<10240xf32, #tpu.memory_space<vmem_shared>> -> memref<80xf32, #tpu.memory_space<vmem_shared>>
      tpu.wait_dma2 semaphore(%run_scoped3A : memref<!tpu.dma_semaphore, #tpu.memory_space<semaphore_mem>>) src(%arg19 : memref<80xf32, #tpu.memory_space<vmem>>) dst(%dma_wait3A_135 : memref<80xf32, #tpu.memory_space<vmem_shared>>)
      tpu.yield
    }) : () -> ()
    %mul3A_70 = arith.constant 640 : i32
    %mul3A_71 = arith.muli %arg1, %mul3A_70 : i32
    %add3A_72 = arith.constant 480 : i32
    %add3A_73 = arith.addi %mul3A_71, %add3A_72 : i32
    "tpu.region"() ({
      %run_scoped3A = tpu.sem_alloc : memref<!tpu.dma_semaphore, #tpu.memory_space<semaphore_mem>>
      %dma_start3A_132 = tpu.memref_slice %arg21[%add3A_73] : memref<10240xf32, #tpu.memory_space<vmem_shared>> -> memref<80xf32, #tpu.memory_space<vmem_shared>>
      %dma_start3A_133 = tpu.memref_slice %arg21[%add3A_73] : memref<10240xf32, #tpu.memory_space<vmem_shared>> -> memref<80xf32, #tpu.memory_space<vmem_shared>>
      tpu.enqueue_dma source(%arg19 : memref<80xf32, #tpu.memory_space<vmem>>) target(%dma_start3A_133 : memref<80xf32, #tpu.memory_space<vmem_shared>>) target_semaphore(%run_scoped3A : memref<!tpu.dma_semaphore, #tpu.memory_space<semaphore_mem>>)
      %dma_wait3A_134 = tpu.memref_slice %arg21[%add3A_73] : memref<10240xf32, #tpu.memory_space<vmem_shared>> -> memref<80xf32, #tpu.memory_space<vmem_shared>>
      %dma_wait3A_135 = tpu.memref_slice %arg21[%add3A_73] : memref<10240xf32, #tpu.memory_space<vmem_shared>> -> memref<80xf32, #tpu.memory_space<vmem_shared>>
      tpu.wait_dma2 semaphore(%run_scoped3A : memref<!tpu.dma_semaphore, #tpu.memory_space<semaphore_mem>>) src(%arg19 : memref<80xf32, #tpu.memory_space<vmem>>) dst(%dma_wait3A_135 : memref<80xf32, #tpu.memory_space<vmem_shared>>)
      tpu.yield
    }) : () -> ()
    %mul3A_74 = arith.constant 640 : i32
    %mul3A_75 = arith.muli %arg1, %mul3A_74 : i32
    %add3A_76 = arith.constant 560 : i32
    %add3A_77 = arith.addi %mul3A_75, %add3A_76 : i32
    "tpu.region"() ({
      %run_scoped3A = tpu.sem_alloc : memref<!tpu.dma_semaphore, #tpu.memory_space<semaphore_mem>>
      %dma_start3A_132 = tpu.memref_slice %arg21[%add3A_77] : memref<10240xf32, #tpu.memory_space<vmem_shared>> -> memref<80xf32, #tpu.memory_space<vmem_shared>>
      %dma_start3A_133 = tpu.memref_slice %arg21[%add3A_77] : memref<10240xf32, #tpu.memory_space<vmem_shared>> -> memref<80xf32, #tpu.memory_space<vmem_shared>>
      tpu.enqueue_dma source(%arg19 : memref<80xf32, #tpu.memory_space<vmem>>) target(%dma_start3A_133 : memref<80xf32, #tpu.memory_space<vmem_shared>>) target_semaphore(%run_scoped3A : memref<!tpu.dma_semaphore, #tpu.memory_space<semaphore_mem>>)
      %dma_wait3A_134 = tpu.memref_slice %arg21[%add3A_77] : memref<10240xf32, #tpu.memory_space<vmem_shared>> -> memref<80xf32, #tpu.memory_space<vmem_shared>>
      %dma_wait3A_135 = tpu.memref_slice %arg21[%add3A_77] : memref<10240xf32, #tpu.memory_space<vmem_shared>> -> memref<80xf32, #tpu.memory_space<vmem_shared>>
      tpu.wait_dma2 semaphore(%run_scoped3A : memref<!tpu.dma_semaphore, #tpu.memory_space<semaphore_mem>>) src(%arg19 : memref<80xf32, #tpu.memory_space<vmem>>) dst(%dma_wait3A_135 : memref<80xf32, #tpu.memory_space<vmem_shared>>)
      tpu.yield
    }) : () -> ()
    %scan3A_78 = arith.constant 0 : i32
    %scan3A_79 = arith.constant 0 : i32
    %scan3A_80 = arith.constant 5 : i32
    %scan3A_81 = arith.addi %scan3A_79, %scan3A_80 : i32
    %scan3A_82 = arith.constant 1 : i32
    %scan3A_83 = scf.for %scan3A_132 = %scan3A_79 to %scan3A_81 step %scan3A_82 iter_args(%scan3A_133 = %scan3A_78) -> (i32)  : i32 {
      %broadcast_in_dim3A = arith.constant 1.000000e+00 : f32
      %broadcast_in_dim3A_134 = vector.broadcast %broadcast_in_dim3A : f32 to vector<16xf32>
      %mul3A_135 = arith.constant 16 : i32
      %mul3A_136 = arith.muli %scan3A_132, %mul3A_135 : i32
      %swap3A = arith.index_cast %mul3A_136 : i32 to index
      %swap3A_137 = tpu.vector_load %arg19[%swap3A] {strides = array<i32>} : memref<80xf32, #tpu.memory_space<vmem>>, vector<16xf32>,
      %swap3A_138 = vector.shape_cast %swap3A_137 : vector<16xf32> to vector<16xf32>
      %swap3A_139 = vector.shape_cast %broadcast_in_dim3A_134 : vector<16xf32> to vector<16xf32>
      tpu.vector_store %arg19[%swap3A], %swap3A_139 {strides = array<i32>} : memref<80xf32, #tpu.memory_space<vmem>>, vector<16xf32>,
      %scan3A_140 = arith.constant 0 : i32
      scf.yield %scan3A_140 : i32
    }
    %scan3A_84 = arith.constant 5 : i32
    %barrier3A = arith.constant 0 : index
    tpu.barrier barrier_id(%barrier3A)
    %mul3A_85 = arith.constant 10000 : i32
    %mul3A_86 = arith.muli %add3A, %mul3A_85 : i32
    %add3A_87 = arith.constant 0 : i32
    %add3A_88 = arith.addi %mul3A_86, %add3A_87 : i32
    %dma_start3A = tpu.memref_slice %arg2[%add3A_88] : memref<320000xi32, #tpu.memory_space<hbm>> -> memref<80xi32, #tpu.memory_space<hbm>>
    %dma_start3A_89 = tpu.memref_slice %arg2[%add3A_88] : memref<320000xi32, #tpu.memory_space<hbm>> -> memref<80xi32, #tpu.memory_space<hbm>>
    tpu.enqueue_dma source(%dma_start3A_89 : memref<80xi32, #tpu.memory_space<hbm>>) target(%arg7 : memref<80xi32, #tpu.memory_space<vmem>>) target_semaphore(%arg22 : memref<!tpu.dma_semaphore, #tpu.memory_space<semaphore_mem>>)
    %dma_start3A_90 = tpu.memref_slice %arg3[%add3A_88] : memref<320000xi32, #tpu.memory_space<hbm>> -> memref<80xi32, #tpu.memory_space<hbm>>
    %dma_start3A_91 = tpu.memref_slice %arg3[%add3A_88] : memref<320000xi32, #tpu.memory_space<hbm>> -> memref<80xi32, #tpu.memory_space<hbm>>
    tpu.enqueue_dma source(%dma_start3A_91 : memref<80xi32, #tpu.memory_space<hbm>>) target(%arg11 : memref<80xi32, #tpu.memory_space<vmem>>) target_semaphore(%arg22 : memref<!tpu.dma_semaphore, #tpu.memory_space<semaphore_mem>>)
    %add3A_92 = arith.constant 80 : i32
    %add3A_93 = arith.addi %mul3A_86, %add3A_92 : i32
    %dma_start3A_94 = tpu.memref_slice %arg2[%add3A_93] : memref<320000xi32, #tpu.memory_space<hbm>> -> memref<80xi32, #tpu.memory_space<hbm>>
    %dma_start3A_95 = tpu.memref_slice %arg2[%add3A_93] : memref<320000xi32, #tpu.memory_space<hbm>> -> memref<80xi32, #tpu.memory_space<hbm>>
    tpu.enqueue_dma source(%dma_start3A_95 : memref<80xi32, #tpu.memory_space<hbm>>) target(%arg8 : memref<80xi32, #tpu.memory_space<vmem>>) target_semaphore(%arg23 : memref<!tpu.dma_semaphore, #tpu.memory_space<semaphore_mem>>)
    %dma_start3A_96 = tpu.memref_slice %arg3[%add3A_93] : memref<320000xi32, #tpu.memory_space<hbm>> -> memref<80xi32, #tpu.memory_space<hbm>>
    %dma_start3A_97 = tpu.memref_slice %arg3[%add3A_93] : memref<320000xi32, #tpu.memory_space<hbm>> -> memref<80xi32, #tpu.memory_space<hbm>>
    tpu.enqueue_dma source(%dma_start3A_97 : memref<80xi32, #tpu.memory_space<hbm>>) target(%arg12 : memref<80xi32, #tpu.memory_space<vmem>>) target_semaphore(%arg23 : memref<!tpu.dma_semaphore, #tpu.memory_space<semaphore_mem>>)
    %dma_wait3A = arith.constant 0 : i32
    %dma_wait3A_98 = tpu.memref_slice %arg2[%dma_wait3A] : memref<320000xi32, #tpu.memory_space<hbm>> -> memref<80xi32, #tpu.memory_space<hbm>>
    %dma_wait3A_99 = arith.constant 0 : i32
    %dma_wait3A_100 = tpu.memref_slice %arg2[%dma_wait3A_99] : memref<320000xi32, #tpu.memory_space<hbm>> -> memref<80xi32, #tpu.memory_space<hbm>>
    tpu.wait_dma2 semaphore(%arg22 : memref<!tpu.dma_semaphore, #tpu.memory_space<semaphore_mem>>) src(%dma_wait3A_100 : memref<80xi32, #tpu.memory_space<hbm>>) dst(%arg7 : memref<80xi32, #tpu.memory_space<vmem>>)
    %dma_wait3A_101 = arith.constant 0 : i32
    %dma_wait3A_102 = tpu.memref_slice %arg3[%dma_wait3A_101] : memref<320000xi32, #tpu.memory_space<hbm>> -> memref<80xi32, #tpu.memory_space<hbm>>
    %dma_wait3A_103 = arith.constant 0 : i32
    %dma_wait3A_104 = tpu.memref_slice %arg3[%dma_wait3A_103] : memref<320000xi32, #tpu.memory_space<hbm>> -> memref<80xi32, #tpu.memory_space<hbm>>
    tpu.wait_dma2 semaphore(%arg22 : memref<!tpu.dma_semaphore, #tpu.memory_space<semaphore_mem>>) src(%dma_wait3A_104 : memref<80xi32, #tpu.memory_space<hbm>>) dst(%arg11 : memref<80xi32, #tpu.memory_space<vmem>>)
    %dma_start3A_105 = arith.constant 0 : i32
    %dma_start3A_106 = arith.constant 0 : i32
    %dma_start3A_107 = tpu.memref_slice %arg4[%dma_start3A_105, %dma_start3A_106] : memref<10240x128xf32, #tpu.memory_space<hbm>> -> memref<10240x128xf32, #tpu.memory_space<hbm>>
    tpu.enqueue_indirect_dma source(%dma_start3A_107 : memref<10240x128xf32, #tpu.memory_space<hbm>>) target(%arg15 : memref<80x128xf32, #tpu.memory_space<vmem>>) offsets(%arg7 : memref<80xi32, #tpu.memory_space<vmem>>) semaphore(%arg26 : memref<!tpu.dma_semaphore, #tpu.memory_space<semaphore_mem>>)
    %add3A_108 = arith.constant 0 : i32
    %add3A_109 = arith.addi %mul3A_86, %add3A_108 : i32
    %dma_start3A_110 = arith.constant 0 : i32
    %dma_start3A_111 = tpu.memref_slice %arg5[%add3A_109, %dma_start3A_110] : memref<320000x128xf32, #tpu.memory_space<hbm>> -> memref<80x128xf32, #tpu.memory_space<hbm>>
    %dma_start3A_112 = arith.constant 0 : i32
    %dma_start3A_113 = tpu.memref_slice %arg5[%add3A_109, %dma_start3A_112] : memref<320000x128xf32, #tpu.memory_space<hbm>> -> memref<80x128xf32, #tpu.memory_space<hbm>>
    tpu.enqueue_dma source(%dma_start3A_113 : memref<80x128xf32, #tpu.memory_space<hbm>>) target(%arg17 : memref<80x128xf32, #tpu.memory_space<vmem>>) target_semaphore(%arg26 : memref<!tpu.dma_semaphore, #tpu.memory_space<semaphore_mem>>)
    %scan3A_114 = arith.constant 0 : i32
    %scan3A_115 = arith.constant 0 : i32
    %scan3A_116 = arith.constant 125 : i32
    %scan3A_117 = arith.addi %scan3A_115, %scan3A_116 : i32
    %scan3A_118 = arith.constant 1 : i32
    %scan3A_119 = scf.for %scan3A_132 = %scan3A_115 to %scan3A_117 step %scan3A_118 iter_args(%scan3A_133 = %scan3A_114) -> (i32)  : i32 {
      %jit3A = arith.constant 4 : i32
      %eq3A = arith.constant 0 : i32
      %eq3A_134 = arith.cmpi eq, %jit3A, %eq3A : i32
      %jit3A_135 = arith.constant 1 : i32
      %select_n3A = arith.select %eq3A_134, %jit3A_135, %jit3A : i32
      %rem3A = arith.remsi %scan3A_132, %select_n3A : i32
      %ne3A = arith.constant 0 : i32
      %ne3A_136 = arith.cmpi ne, %rem3A, %ne3A : i32
      %lt3A = arith.constant 0 : i32
      %lt3A_137 = arith.cmpi slt, %rem3A, %lt3A : i32
      %lt3A_138 = arith.constant 0 : i32
      %lt3A_139 = arith.cmpi slt, %select_n3A, %lt3A_138 : i32
      %ne3A_140 = arith.xori %lt3A_137, %lt3A_139 : i1
      %and3A = arith.andi %ne3A_140, %ne3A_136 : i1
      %add3A_141 = arith.addi %rem3A, %select_n3A : i32
      %select_n3A_142 = arith.select %and3A, %add3A_141, %rem3A : i32
      %eq3A_143 = arith.constant 0 : i32
      %eq3A_144 = arith.cmpi eq, %select_n3A_142, %eq3A_143 : i32
      %convert_element_type3A = arith.extui %eq3A_144 : i1 to i32
      %cond3A = arith.constant 0 : i32
      %cond3A_145 = arith.cmpi ne, %convert_element_type3A, %cond3A : i32
      scf.if %cond3A_145 {
        %ge3A = arith.constant 1 : i32
        %ge3A_210 = arith.cmpi sge, %scan3A_132, %ge3A : i32
        %convert_element_type3A_211 = arith.extui %ge3A_210 : i1 to i32
        %cond3A_212 = arith.constant 0 : i32
        %cond3A_213 = arith.cmpi ne, %convert_element_type3A_211, %cond3A_212 : i32
        scf.if %cond3A_213 {
          %dma_wait3A_243 = arith.constant 0 : i32
          %dma_wait3A_244 = arith.constant 0 : i32
          %dma_wait3A_245 = tpu.memref_slice %arg20[%dma_wait3A_243, %dma_wait3A_244] : memref<10240x128xf32, #tpu.memory_space<vmem_shared>> -> memref<10240x128xf32, #tpu.memory_space<vmem_shared>>
          tpu.wait_indirect_dma semaphore(%arg29 : memref<!tpu.dma_semaphore, #tpu.memory_space<semaphore_mem>>) src(%arg16 : memref<80x128xf32, #tpu.memory_space<vmem>>) dst(%dma_wait3A_245 : memref<10240x128xf32, #tpu.memory_space<vmem_shared>>)
          %dma_wait3A_246 = arith.constant 0 : i32
          %dma_wait3A_247 = arith.constant 0 : i32
          %dma_wait3A_248 = tpu.memref_slice %arg20[%dma_wait3A_246, %dma_wait3A_247] : memref<10240x128xf32, #tpu.memory_space<vmem_shared>> -> memref<10240x128xf32, #tpu.memory_space<vmem_shared>>
          tpu.wait_indirect_dma semaphore(%arg29 : memref<!tpu.dma_semaphore, #tpu.memory_space<semaphore_mem>>) src(%arg18 : memref<80x128xf32, #tpu.memory_space<vmem>>) dst(%dma_wait3A_248 : memref<10240x128xf32, #tpu.memory_space<vmem_shared>>)
        } else {
        }
        %add3A_214 = arith.constant 2 : i32
        %add3A_215 = arith.addi %scan3A_132, %add3A_214 : i32
        %lt3A_216 = arith.constant 125 : i32
        %lt3A_217 = arith.cmpi slt, %add3A_215, %lt3A_216 : i32
        %convert_element_type3A_218 = arith.extui %lt3A_217 : i1 to i32
        %cond3A_219 = arith.constant 0 : i32
        %cond3A_220 = arith.cmpi ne, %convert_element_type3A_218, %cond3A_219 : i32
        scf.if %cond3A_220 {
          %add3A_243 = arith.constant 2 : i32
          %add3A_244 = arith.addi %scan3A_132, %add3A_243 : i32
          %mul3A_245 = arith.constant 80 : i32
          %mul3A_246 = arith.muli %add3A_244, %mul3A_245 : i32
          %add3A_247 = arith.addi %mul3A_86, %mul3A_246 : i32
          %dma_start3A_248 = tpu.memref_slice %arg2[%add3A_247] : memref<320000xi32, #tpu.memory_space<hbm>> -> memref<80xi32, #tpu.memory_space<hbm>>
          %dma_start3A_249 = tpu.memref_slice %arg2[%add3A_247] : memref<320000xi32, #tpu.memory_space<hbm>> -> memref<80xi32, #tpu.memory_space<hbm>>
          tpu.enqueue_dma source(%dma_start3A_249 : memref<80xi32, #tpu.memory_space<hbm>>) target(%arg9 : memref<80xi32, #tpu.memory_space<vmem>>) target_semaphore(%arg24 : memref<!tpu.dma_semaphore, #tpu.memory_space<semaphore_mem>>)
          %dma_start3A_250 = tpu.memref_slice %arg3[%add3A_247] : memref<320000xi32, #tpu.memory_space<hbm>> -> memref<80xi32, #tpu.memory_space<hbm>>
          %dma_start3A_251 = tpu.memref_slice %arg3[%add3A_247] : memref<320000xi32, #tpu.memory_space<hbm>> -> memref<80xi32, #tpu.memory_space<hbm>>
          tpu.enqueue_dma source(%dma_start3A_251 : memref<80xi32, #tpu.memory_space<hbm>>) target(%arg13 : memref<80xi32, #tpu.memory_space<vmem>>) target_semaphore(%arg24 : memref<!tpu.dma_semaphore, #tpu.memory_space<semaphore_mem>>)
        } else {
        }
        %add3A_221 = arith.constant 1 : i32
        %add3A_222 = arith.addi %scan3A_132, %add3A_221 : i32
        %lt3A_223 = arith.constant 125 : i32
        %lt3A_224 = arith.cmpi slt, %add3A_222, %lt3A_223 : i32
        %convert_element_type3A_225 = arith.extui %lt3A_224 : i1 to i32
        %cond3A_226 = arith.constant 0 : i32
        %cond3A_227 = arith.cmpi ne, %convert_element_type3A_225, %cond3A_226 : i32
        scf.if %cond3A_227 {
          %dma_wait3A_243 = arith.constant 0 : i32
          %dma_wait3A_244 = tpu.memref_slice %arg2[%dma_wait3A_243] : memref<320000xi32, #tpu.memory_space<hbm>> -> memref<80xi32, #tpu.memory_space<hbm>>
          %dma_wait3A_245 = arith.constant 0 : i32
          %dma_wait3A_246 = tpu.memref_slice %arg2[%dma_wait3A_245] : memref<320000xi32, #tpu.memory_space<hbm>> -> memref<80xi32, #tpu.memory_space<hbm>>
          tpu.wait_dma2 semaphore(%arg23 : memref<!tpu.dma_semaphore, #tpu.memory_space<semaphore_mem>>) src(%dma_wait3A_246 : memref<80xi32, #tpu.memory_space<hbm>>) dst(%arg8 : memref<80xi32, #tpu.memory_space<vmem>>)
          %dma_wait3A_247 = arith.constant 0 : i32
          %dma_wait3A_248 = tpu.memref_slice %arg3[%dma_wait3A_247] : memref<320000xi32, #tpu.memory_space<hbm>> -> memref<80xi32, #tpu.memory_space<hbm>>
          %dma_wait3A_249 = arith.constant 0 : i32
          %dma_wait3A_250 = tpu.memref_slice %arg3[%dma_wait3A_249] : memref<320000xi32, #tpu.memory_space<hbm>> -> memref<80xi32, #tpu.memory_space<hbm>>
          tpu.wait_dma2 semaphore(%arg23 : memref<!tpu.dma_semaphore, #tpu.memory_space<semaphore_mem>>) src(%dma_wait3A_250 : memref<80xi32, #tpu.memory_space<hbm>>) dst(%arg12 : memref<80xi32, #tpu.memory_space<vmem>>)
          %add3A_251 = arith.constant 1 : i32
          %add3A_252 = arith.addi %scan3A_132, %add3A_251 : i32
          %dma_start3A_253 = arith.constant 0 : i32
          %dma_start3A_254 = arith.constant 0 : i32
          %dma_start3A_255 = tpu.memref_slice %arg4[%dma_start3A_253, %dma_start3A_254] : memref<10240x128xf32, #tpu.memory_space<hbm>> -> memref<10240x128xf32, #tpu.memory_space<hbm>>
          tpu.enqueue_indirect_dma source(%dma_start3A_255 : memref<10240x128xf32, #tpu.memory_space<hbm>>) target(%arg16 : memref<80x128xf32, #tpu.memory_space<vmem>>) offsets(%arg8 : memref<80xi32, #tpu.memory_space<vmem>>) semaphore(%arg27 : memref<!tpu.dma_semaphore, #tpu.memory_space<semaphore_mem>>)
          %mul3A_256 = arith.constant 80 : i32
          %mul3A_257 = arith.muli %add3A_252, %mul3A_256 : i32
          %add3A_258 = arith.addi %mul3A_86, %mul3A_257 : i32
          %dma_start3A_259 = arith.constant 0 : i32
          %dma_start3A_260 = tpu.memref_slice %arg5[%add3A_258, %dma_start3A_259] : memref<320000x128xf32, #tpu.memory_space<hbm>> -> memref<80x128xf32, #tpu.memory_space<hbm>>
          %dma_start3A_261 = arith.constant 0 : i32
          %dma_start3A_262 = tpu.memref_slice %arg5[%add3A_258, %dma_start3A_261] : memref<320000x128xf32, #tpu.memory_space<hbm>> -> memref<80x128xf32, #tpu.memory_space<hbm>>
          tpu.enqueue_dma source(%dma_start3A_262 : memref<80x128xf32, #tpu.memory_space<hbm>>) target(%arg18 : memref<80x128xf32, #tpu.memory_space<vmem>>) target_semaphore(%arg27 : memref<!tpu.dma_semaphore, #tpu.memory_space<semaphore_mem>>)
        } else {
        }
        %dma_wait3A_228 = arith.constant 0 : i32
        %dma_wait3A_229 = arith.constant 0 : i32
        %dma_wait3A_230 = tpu.memref_slice %arg4[%dma_wait3A_228, %dma_wait3A_229] : memref<10240x128xf32, #tpu.memory_space<hbm>> -> memref<10240x128xf32, #tpu.memory_space<hbm>>
        tpu.wait_indirect_dma semaphore(%arg26 : memref<!tpu.dma_semaphore, #tpu.memory_space<semaphore_mem>>) src(%dma_wait3A_230 : memref<10240x128xf32, #tpu.memory_space<hbm>>) dst(%arg15 : memref<80x128xf32, #tpu.memory_space<vmem>>)
        %dma_wait3A_231 = arith.constant 0 : i32
        %dma_wait3A_232 = arith.constant 0 : i32
        %dma_wait3A_233 = tpu.memref_slice %arg5[%dma_wait3A_231, %dma_wait3A_232] : memref<320000x128xf32, #tpu.memory_space<hbm>> -> memref<80x128xf32, #tpu.memory_space<hbm>>
        %dma_wait3A_234 = arith.constant 0 : i32
        %dma_wait3A_235 = arith.constant 0 : i32
        %dma_wait3A_236 = tpu.memref_slice %arg5[%dma_wait3A_234, %dma_wait3A_235] : memref<320000x128xf32, #tpu.memory_space<hbm>> -> memref<80x128xf32, #tpu.memory_space<hbm>>
        tpu.wait_dma2 semaphore(%arg26 : memref<!tpu.dma_semaphore, #tpu.memory_space<semaphore_mem>>) src(%dma_wait3A_236 : memref<80x128xf32, #tpu.memory_space<hbm>>) dst(%arg17 : memref<80x128xf32, #tpu.memory_space<vmem>>)
        %dma_start3A_237 = arith.constant 0 : i32
        %dma_start3A_238 = arith.constant 0 : i32
        %dma_start3A_239 = tpu.memref_slice %arg20[%dma_start3A_237, %dma_start3A_238] : memref<10240x128xf32, #tpu.memory_space<vmem_shared>> -> memref<10240x128xf32, #tpu.memory_space<vmem_shared>>
        tpu.enqueue_indirect_dma source(%arg15 : memref<80x128xf32, #tpu.memory_space<vmem>>) target(%dma_start3A_239 : memref<10240x128xf32, #tpu.memory_space<vmem_shared>>) offsets(%arg11 : memref<80xi32, #tpu.memory_space<vmem>>) semaphore(%arg28 : memref<!tpu.dma_semaphore, #tpu.memory_space<semaphore_mem>>) {add = true}
        %dma_start3A_240 = arith.constant 0 : i32
        %dma_start3A_241 = arith.constant 0 : i32
        %dma_start3A_242 = tpu.memref_slice %arg20[%dma_start3A_240, %dma_start3A_241] : memref<10240x128xf32, #tpu.memory_space<vmem_shared>> -> memref<10240x128xf32, #tpu.memory_space<vmem_shared>>
        tpu.enqueue_indirect_dma source(%arg17 : memref<80x128xf32, #tpu.memory_space<vmem>>) target(%dma_start3A_242 : memref<10240x128xf32, #tpu.memory_space<vmem_shared>>) offsets(%arg11 : memref<80xi32, #tpu.memory_space<vmem>>) semaphore(%arg28 : memref<!tpu.dma_semaphore, #tpu.memory_space<semaphore_mem>>) {add = true}
      } else {
      }
      %jit3A_146 = arith.constant 4 : i32
      %eq3A_147 = arith.constant 0 : i32
      %eq3A_148 = arith.cmpi eq, %jit3A_146, %eq3A_147 : i32
      %jit3A_149 = arith.constant 1 : i32
      %select_n3A_150 = arith.select %eq3A_148, %jit3A_149, %jit3A_146 : i32
      %rem3A_151 = arith.remsi %scan3A_132, %select_n3A_150 : i32
      %ne3A_152 = arith.constant 0 : i32
      %ne3A_153 = arith.cmpi ne, %rem3A_151, %ne3A_152 : i32
      %lt3A_154 = arith.constant 0 : i32
      %lt3A_155 = arith.cmpi slt, %rem3A_151, %lt3A_154 : i32
      %lt3A_156 = arith.constant 0 : i32
      %lt3A_157 = arith.cmpi slt, %select_n3A_150, %lt3A_156 : i32
      %ne3A_158 = arith.xori %lt3A_155, %lt3A_157 : i1
      %and3A_159 = arith.andi %ne3A_158, %ne3A_153 : i1
      %add3A_160 = arith.addi %rem3A_151, %select_n3A_150 : i32
      %select_n3A_161 = arith.select %and3A_159, %add3A_160, %rem3A_151 : i32
      %eq3A_162 = arith.constant 1 : i32
      %eq3A_163 = arith.cmpi eq, %select_n3A_161, %eq3A_162 : i32
      %convert_element_type3A_164 = arith.extui %eq3A_163 : i1 to i32
      %cond3A_165 = arith.constant 0 : i32
      %cond3A_166 = arith.cmpi ne, %convert_element_type3A_164, %cond3A_165 : i32
      scf.if %cond3A_166 {
        %ge3A = arith.constant 1 : i32
        %ge3A_210 = arith.cmpi sge, %scan3A_132, %ge3A : i32
        %convert_element_type3A_211 = arith.extui %ge3A_210 : i1 to i32
        %cond3A_212 = arith.constant 0 : i32
        %cond3A_213 = arith.cmpi ne, %convert_element_type3A_211, %cond3A_212 : i32
        scf.if %cond3A_213 {
          %dma_wait3A_243 = arith.constant 0 : i32
          %dma_wait3A_244 = arith.constant 0 : i32
          %dma_wait3A_245 = tpu.memref_slice %arg20[%dma_wait3A_243, %dma_wait3A_244] : memref<10240x128xf32, #tpu.memory_space<vmem_shared>> -> memref<10240x128xf32, #tpu.memory_space<vmem_shared>>
          tpu.wait_indirect_dma semaphore(%arg28 : memref<!tpu.dma_semaphore, #tpu.memory_space<semaphore_mem>>) src(%arg15 : memref<80x128xf32, #tpu.memory_space<vmem>>) dst(%dma_wait3A_245 : memref<10240x128xf32, #tpu.memory_space<vmem_shared>>)
          %dma_wait3A_246 = arith.constant 0 : i32
          %dma_wait3A_247 = arith.constant 0 : i32
          %dma_wait3A_248 = tpu.memref_slice %arg20[%dma_wait3A_246, %dma_wait3A_247] : memref<10240x128xf32, #tpu.memory_space<vmem_shared>> -> memref<10240x128xf32, #tpu.memory_space<vmem_shared>>
          tpu.wait_indirect_dma semaphore(%arg28 : memref<!tpu.dma_semaphore, #tpu.memory_space<semaphore_mem>>) src(%arg17 : memref<80x128xf32, #tpu.memory_space<vmem>>) dst(%dma_wait3A_248 : memref<10240x128xf32, #tpu.memory_space<vmem_shared>>)
        } else {
        }
        %add3A_214 = arith.constant 2 : i32
        %add3A_215 = arith.addi %scan3A_132, %add3A_214 : i32
        %lt3A_216 = arith.constant 125 : i32
        %lt3A_217 = arith.cmpi slt, %add3A_215, %lt3A_216 : i32
        %convert_element_type3A_218 = arith.extui %lt3A_217 : i1 to i32
        %cond3A_219 = arith.constant 0 : i32
        %cond3A_220 = arith.cmpi ne, %convert_element_type3A_218, %cond3A_219 : i32
        scf.if %cond3A_220 {
          %add3A_243 = arith.constant 2 : i32
          %add3A_244 = arith.addi %scan3A_132, %add3A_243 : i32
          %mul3A_245 = arith.constant 80 : i32
          %mul3A_246 = arith.muli %add3A_244, %mul3A_245 : i32
          %add3A_247 = arith.addi %mul3A_86, %mul3A_246 : i32
          %dma_start3A_248 = tpu.memref_slice %arg2[%add3A_247] : memref<320000xi32, #tpu.memory_space<hbm>> -> memref<80xi32, #tpu.memory_space<hbm>>
          %dma_start3A_249 = tpu.memref_slice %arg2[%add3A_247] : memref<320000xi32, #tpu.memory_space<hbm>> -> memref<80xi32, #tpu.memory_space<hbm>>
          tpu.enqueue_dma source(%dma_start3A_249 : memref<80xi32, #tpu.memory_space<hbm>>) target(%arg10 : memref<80xi32, #tpu.memory_space<vmem>>) target_semaphore(%arg25 : memref<!tpu.dma_semaphore, #tpu.memory_space<semaphore_mem>>)
          %dma_start3A_250 = tpu.memref_slice %arg3[%add3A_247] : memref<320000xi32, #tpu.memory_space<hbm>> -> memref<80xi32, #tpu.memory_space<hbm>>
          %dma_start3A_251 = tpu.memref_slice %arg3[%add3A_247] : memref<320000xi32, #tpu.memory_space<hbm>> -> memref<80xi32, #tpu.memory_space<hbm>>
          tpu.enqueue_dma source(%dma_start3A_251 : memref<80xi32, #tpu.memory_space<hbm>>) target(%arg14 : memref<80xi32, #tpu.memory_space<vmem>>) target_semaphore(%arg25 : memref<!tpu.dma_semaphore, #tpu.memory_space<semaphore_mem>>)
        } else {
        }
        %add3A_221 = arith.constant 1 : i32
        %add3A_222 = arith.addi %scan3A_132, %add3A_221 : i32
        %lt3A_223 = arith.constant 125 : i32
        %lt3A_224 = arith.cmpi slt, %add3A_222, %lt3A_223 : i32
        %convert_element_type3A_225 = arith.extui %lt3A_224 : i1 to i32
        %cond3A_226 = arith.constant 0 : i32
        %cond3A_227 = arith.cmpi ne, %convert_element_type3A_225, %cond3A_226 : i32
        scf.if %cond3A_227 {
          %dma_wait3A_243 = arith.constant 0 : i32
          %dma_wait3A_244 = tpu.memref_slice %arg2[%dma_wait3A_243] : memref<320000xi32, #tpu.memory_space<hbm>> -> memref<80xi32, #tpu.memory_space<hbm>>
          %dma_wait3A_245 = arith.constant 0 : i32
          %dma_wait3A_246 = tpu.memref_slice %arg2[%dma_wait3A_245] : memref<320000xi32, #tpu.memory_space<hbm>> -> memref<80xi32, #tpu.memory_space<hbm>>
          tpu.wait_dma2 semaphore(%arg24 : memref<!tpu.dma_semaphore, #tpu.memory_space<semaphore_mem>>) src(%dma_wait3A_246 : memref<80xi32, #tpu.memory_space<hbm>>) dst(%arg9 : memref<80xi32, #tpu.memory_space<vmem>>)
          %dma_wait3A_247 = arith.constant 0 : i32
          %dma_wait3A_248 = tpu.memref_slice %arg3[%dma_wait3A_247] : memref<320000xi32, #tpu.memory_space<hbm>> -> memref<80xi32, #tpu.memory_space<hbm>>
          %dma_wait3A_249 = arith.constant 0 : i32
          %dma_wait3A_250 = tpu.memref_slice %arg3[%dma_wait3A_249] : memref<320000xi32, #tpu.memory_space<hbm>> -> memref<80xi32, #tpu.memory_space<hbm>>
          tpu.wait_dma2 semaphore(%arg24 : memref<!tpu.dma_semaphore, #tpu.memory_space<semaphore_mem>>) src(%dma_wait3A_250 : memref<80xi32, #tpu.memory_space<hbm>>) dst(%arg13 : memref<80xi32, #tpu.memory_space<vmem>>)
          %add3A_251 = arith.constant 1 : i32
          %add3A_252 = arith.addi %scan3A_132, %add3A_251 : i32
          %dma_start3A_253 = arith.constant 0 : i32
          %dma_start3A_254 = arith.constant 0 : i32
          %dma_start3A_255 = tpu.memref_slice %arg4[%dma_start3A_253, %dma_start3A_254] : memref<10240x128xf32, #tpu.memory_space<hbm>> -> memref<10240x128xf32, #tpu.memory_space<hbm>>
          tpu.enqueue_indirect_dma source(%dma_start3A_255 : memref<10240x128xf32, #tpu.memory_space<hbm>>) target(%arg15 : memref<80x128xf32, #tpu.memory_space<vmem>>) offsets(%arg9 : memref<80xi32, #tpu.memory_space<vmem>>) semaphore(%arg26 : memref<!tpu.dma_semaphore, #tpu.memory_space<semaphore_mem>>)
          %mul3A_256 = arith.constant 80 : i32
          %mul3A_257 = arith.muli %add3A_252, %mul3A_256 : i32
          %add3A_258 = arith.addi %mul3A_86, %mul3A_257 : i32
          %dma_start3A_259 = arith.constant 0 : i32
          %dma_start3A_260 = tpu.memref_slice %arg5[%add3A_258, %dma_start3A_259] : memref<320000x128xf32, #tpu.memory_space<hbm>> -> memref<80x128xf32, #tpu.memory_space<hbm>>
          %dma_start3A_261 = arith.constant 0 : i32
          %dma_start3A_262 = tpu.memref_slice %arg5[%add3A_258, %dma_start3A_261] : memref<320000x128xf32, #tpu.memory_space<hbm>> -> memref<80x128xf32, #tpu.memory_space<hbm>>
          tpu.enqueue_dma source(%dma_start3A_262 : memref<80x128xf32, #tpu.memory_space<hbm>>) target(%arg17 : memref<80x128xf32, #tpu.memory_space<vmem>>) target_semaphore(%arg26 : memref<!tpu.dma_semaphore, #tpu.memory_space<semaphore_mem>>)
        } else {
        }
        %dma_wait3A_228 = arith.constant 0 : i32
        %dma_wait3A_229 = arith.constant 0 : i32
        %dma_wait3A_230 = tpu.memref_slice %arg4[%dma_wait3A_228, %dma_wait3A_229] : memref<10240x128xf32, #tpu.memory_space<hbm>> -> memref<10240x128xf32, #tpu.memory_space<hbm>>
        tpu.wait_indirect_dma semaphore(%arg27 : memref<!tpu.dma_semaphore, #tpu.memory_space<semaphore_mem>>) src(%dma_wait3A_230 : memref<10240x128xf32, #tpu.memory_space<hbm>>) dst(%arg16 : memref<80x128xf32, #tpu.memory_space<vmem>>)
        %dma_wait3A_231 = arith.constant 0 : i32
        %dma_wait3A_232 = arith.constant 0 : i32
        %dma_wait3A_233 = tpu.memref_slice %arg5[%dma_wait3A_231, %dma_wait3A_232] : memref<320000x128xf32, #tpu.memory_space<hbm>> -> memref<80x128xf32, #tpu.memory_space<hbm>>
        %dma_wait3A_234 = arith.constant 0 : i32
        %dma_wait3A_235 = arith.constant 0 : i32
        %dma_wait3A_236 = tpu.memref_slice %arg5[%dma_wait3A_234, %dma_wait3A_235] : memref<320000x128xf32, #tpu.memory_space<hbm>> -> memref<80x128xf32, #tpu.memory_space<hbm>>
        tpu.wait_dma2 semaphore(%arg27 : memref<!tpu.dma_semaphore, #tpu.memory_space<semaphore_mem>>) src(%dma_wait3A_236 : memref<80x128xf32, #tpu.memory_space<hbm>>) dst(%arg18 : memref<80x128xf32, #tpu.memory_space<vmem>>)
        %dma_start3A_237 = arith.constant 0 : i32
        %dma_start3A_238 = arith.constant 0 : i32
        %dma_start3A_239 = tpu.memref_slice %arg20[%dma_start3A_237, %dma_start3A_238] : memref<10240x128xf32, #tpu.memory_space<vmem_shared>> -> memref<10240x128xf32, #tpu.memory_space<vmem_shared>>
        tpu.enqueue_indirect_dma source(%arg16 : memref<80x128xf32, #tpu.memory_space<vmem>>) target(%dma_start3A_239 : memref<10240x128xf32, #tpu.memory_space<vmem_shared>>) offsets(%arg12 : memref<80xi32, #tpu.memory_space<vmem>>) semaphore(%arg29 : memref<!tpu.dma_semaphore, #tpu.memory_space<semaphore_mem>>) {add = true}
        %dma_start3A_240 = arith.constant 0 : i32
        %dma_start3A_241 = arith.constant 0 : i32
        %dma_start3A_242 = tpu.memref_slice %arg20[%dma_start3A_240, %dma_start3A_241] : memref<10240x128xf32, #tpu.memory_space<vmem_shared>> -> memref<10240x128xf32, #tpu.memory_space<vmem_shared>>
        tpu.enqueue_indirect_dma source(%arg18 : memref<80x128xf32, #tpu.memory_space<vmem>>) target(%dma_start3A_242 : memref<10240x128xf32, #tpu.memory_space<vmem_shared>>) offsets(%arg12 : memref<80xi32, #tpu.memory_space<vmem>>) semaphore(%arg29 : memref<!tpu.dma_semaphore, #tpu.memory_space<semaphore_mem>>) {add = true}
      } else {
      }
      %jit3A_167 = arith.constant 4 : i32
      %eq3A_168 = arith.constant 0 : i32
      %eq3A_169 = arith.cmpi eq, %jit3A_167, %eq3A_168 : i32
      %jit3A_170 = arith.constant 1 : i32
      %select_n3A_171 = arith.select %eq3A_169, %jit3A_170, %jit3A_167 : i32
      %rem3A_172 = arith.remsi %scan3A_132, %select_n3A_171 : i32
      %ne3A_173 = arith.constant 0 : i32
      %ne3A_174 = arith.cmpi ne, %rem3A_172, %ne3A_173 : i32
      %lt3A_175 = arith.constant 0 : i32
      %lt3A_176 = arith.cmpi slt, %rem3A_172, %lt3A_175 : i32
      %lt3A_177 = arith.constant 0 : i32
      %lt3A_178 = arith.cmpi slt, %select_n3A_171, %lt3A_177 : i32
      %ne3A_179 = arith.xori %lt3A_176, %lt3A_178 : i1
      %and3A_180 = arith.andi %ne3A_179, %ne3A_174 : i1
      %add3A_181 = arith.addi %rem3A_172, %select_n3A_171 : i32
      %select_n3A_182 = arith.select %and3A_180, %add3A_181, %rem3A_172 : i32
      %eq3A_183 = arith.constant 2 : i32
      %eq3A_184 = arith.cmpi eq, %select_n3A_182, %eq3A_183 : i32
      %convert_element_type3A_185 = arith.extui %eq3A_184 : i1 to i32
      %cond3A_186 = arith.constant 0 : i32
      %cond3A_187 = arith.cmpi ne, %convert_element_type3A_185, %cond3A_186 : i32
      scf.if %cond3A_187 {
        %ge3A = arith.constant 1 : i32
        %ge3A_210 = arith.cmpi sge, %scan3A_132, %ge3A : i32
        %convert_element_type3A_211 = arith.extui %ge3A_210 : i1 to i32
        %cond3A_212 = arith.constant 0 : i32
        %cond3A_213 = arith.cmpi ne, %convert_element_type3A_211, %cond3A_212 : i32
        scf.if %cond3A_213 {
          %dma_wait3A_243 = arith.constant 0 : i32
          %dma_wait3A_244 = arith.constant 0 : i32
          %dma_wait3A_245 = tpu.memref_slice %arg20[%dma_wait3A_243, %dma_wait3A_244] : memref<10240x128xf32, #tpu.memory_space<vmem_shared>> -> memref<10240x128xf32, #tpu.memory_space<vmem_shared>>
          tpu.wait_indirect_dma semaphore(%arg29 : memref<!tpu.dma_semaphore, #tpu.memory_space<semaphore_mem>>) src(%arg16 : memref<80x128xf32, #tpu.memory_space<vmem>>) dst(%dma_wait3A_245 : memref<10240x128xf32, #tpu.memory_space<vmem_shared>>)
          %dma_wait3A_246 = arith.constant 0 : i32
          %dma_wait3A_247 = arith.constant 0 : i32
          %dma_wait3A_248 = tpu.memref_slice %arg20[%dma_wait3A_246, %dma_wait3A_247] : memref<10240x128xf32, #tpu.memory_space<vmem_shared>> -> memref<10240x128xf32, #tpu.memory_space<vmem_shared>>
          tpu.wait_indirect_dma semaphore(%arg29 : memref<!tpu.dma_semaphore, #tpu.memory_space<semaphore_mem>>) src(%arg18 : memref<80x128xf32, #tpu.memory_space<vmem>>) dst(%dma_wait3A_248 : memref<10240x128xf32, #tpu.memory_space<vmem_shared>>)
        } else {
        }
        %add3A_214 = arith.constant 2 : i32
        %add3A_215 = arith.addi %scan3A_132, %add3A_214 : i32
        %lt3A_216 = arith.constant 125 : i32
        %lt3A_217 = arith.cmpi slt, %add3A_215, %lt3A_216 : i32
        %convert_element_type3A_218 = arith.extui %lt3A_217 : i1 to i32
        %cond3A_219 = arith.constant 0 : i32
        %cond3A_220 = arith.cmpi ne, %convert_element_type3A_218, %cond3A_219 : i32
        scf.if %cond3A_220 {
          %add3A_243 = arith.constant 2 : i32
          %add3A_244 = arith.addi %scan3A_132, %add3A_243 : i32
          %mul3A_245 = arith.constant 80 : i32
          %mul3A_246 = arith.muli %add3A_244, %mul3A_245 : i32
          %add3A_247 = arith.addi %mul3A_86, %mul3A_246 : i32
          %dma_start3A_248 = tpu.memref_slice %arg2[%add3A_247] : memref<320000xi32, #tpu.memory_space<hbm>> -> memref<80xi32, #tpu.memory_space<hbm>>
          %dma_start3A_249 = tpu.memref_slice %arg2[%add3A_247] : memref<320000xi32, #tpu.memory_space<hbm>> -> memref<80xi32, #tpu.memory_space<hbm>>
          tpu.enqueue_dma source(%dma_start3A_249 : memref<80xi32, #tpu.memory_space<hbm>>) target(%arg7 : memref<80xi32, #tpu.memory_space<vmem>>) target_semaphore(%arg22 : memref<!tpu.dma_semaphore, #tpu.memory_space<semaphore_mem>>)
          %dma_start3A_250 = tpu.memref_slice %arg3[%add3A_247] : memref<320000xi32, #tpu.memory_space<hbm>> -> memref<80xi32, #tpu.memory_space<hbm>>
          %dma_start3A_251 = tpu.memref_slice %arg3[%add3A_247] : memref<320000xi32, #tpu.memory_space<hbm>> -> memref<80xi32, #tpu.memory_space<hbm>>
          tpu.enqueue_dma source(%dma_start3A_251 : memref<80xi32, #tpu.memory_space<hbm>>) target(%arg11 : memref<80xi32, #tpu.memory_space<vmem>>) target_semaphore(%arg22 : memref<!tpu.dma_semaphore, #tpu.memory_space<semaphore_mem>>)
        } else {
        }
        %add3A_221 = arith.constant 1 : i32
        %add3A_222 = arith.addi %scan3A_132, %add3A_221 : i32
        %lt3A_223 = arith.constant 125 : i32
        %lt3A_224 = arith.cmpi slt, %add3A_222, %lt3A_223 : i32
        %convert_element_type3A_225 = arith.extui %lt3A_224 : i1 to i32
        %cond3A_226 = arith.constant 0 : i32
        %cond3A_227 = arith.cmpi ne, %convert_element_type3A_225, %cond3A_226 : i32
        scf.if %cond3A_227 {
          %dma_wait3A_243 = arith.constant 0 : i32
          %dma_wait3A_244 = tpu.memref_slice %arg2[%dma_wait3A_243] : memref<320000xi32, #tpu.memory_space<hbm>> -> memref<80xi32, #tpu.memory_space<hbm>>
          %dma_wait3A_245 = arith.constant 0 : i32
          %dma_wait3A_246 = tpu.memref_slice %arg2[%dma_wait3A_245] : memref<320000xi32, #tpu.memory_space<hbm>> -> memref<80xi32, #tpu.memory_space<hbm>>
          tpu.wait_dma2 semaphore(%arg25 : memref<!tpu.dma_semaphore, #tpu.memory_space<semaphore_mem>>) src(%dma_wait3A_246 : memref<80xi32, #tpu.memory_space<hbm>>) dst(%arg10 : memref<80xi32, #tpu.memory_space<vmem>>)
          %dma_wait3A_247 = arith.constant 0 : i32
          %dma_wait3A_248 = tpu.memref_slice %arg3[%dma_wait3A_247] : memref<320000xi32, #tpu.memory_space<hbm>> -> memref<80xi32, #tpu.memory_space<hbm>>
          %dma_wait3A_249 = arith.constant 0 : i32
          %dma_wait3A_250 = tpu.memref_slice %arg3[%dma_wait3A_249] : memref<320000xi32, #tpu.memory_space<hbm>> -> memref<80xi32, #tpu.memory_space<hbm>>
          tpu.wait_dma2 semaphore(%arg25 : memref<!tpu.dma_semaphore, #tpu.memory_space<semaphore_mem>>) src(%dma_wait3A_250 : memref<80xi32, #tpu.memory_space<hbm>>) dst(%arg14 : memref<80xi32, #tpu.memory_space<vmem>>)
          %add3A_251 = arith.constant 1 : i32
          %add3A_252 = arith.addi %scan3A_132, %add3A_251 : i32
          %dma_start3A_253 = arith.constant 0 : i32
          %dma_start3A_254 = arith.constant 0 : i32
          %dma_start3A_255 = tpu.memref_slice %arg4[%dma_start3A_253, %dma_start3A_254] : memref<10240x128xf32, #tpu.memory_space<hbm>> -> memref<10240x128xf32, #tpu.memory_space<hbm>>
          tpu.enqueue_indirect_dma source(%dma_start3A_255 : memref<10240x128xf32, #tpu.memory_space<hbm>>) target(%arg16 : memref<80x128xf32, #tpu.memory_space<vmem>>) offsets(%arg10 : memref<80xi32, #tpu.memory_space<vmem>>) semaphore(%arg27 : memref<!tpu.dma_semaphore, #tpu.memory_space<semaphore_mem>>)
          %mul3A_256 = arith.constant 80 : i32
          %mul3A_257 = arith.muli %add3A_252, %mul3A_256 : i32
          %add3A_258 = arith.addi %mul3A_86, %mul3A_257 : i32
          %dma_start3A_259 = arith.constant 0 : i32
          %dma_start3A_260 = tpu.memref_slice %arg5[%add3A_258, %dma_start3A_259] : memref<320000x128xf32, #tpu.memory_space<hbm>> -> memref<80x128xf32, #tpu.memory_space<hbm>>
          %dma_start3A_261 = arith.constant 0 : i32
          %dma_start3A_262 = tpu.memref_slice %arg5[%add3A_258, %dma_start3A_261] : memref<320000x128xf32, #tpu.memory_space<hbm>> -> memref<80x128xf32, #tpu.memory_space<hbm>>
          tpu.enqueue_dma source(%dma_start3A_262 : memref<80x128xf32, #tpu.memory_space<hbm>>) target(%arg18 : memref<80x128xf32, #tpu.memory_space<vmem>>) target_semaphore(%arg27 : memref<!tpu.dma_semaphore, #tpu.memory_space<semaphore_mem>>)
        } else {
        }
        %dma_wait3A_228 = arith.constant 0 : i32
        %dma_wait3A_229 = arith.constant 0 : i32
        %dma_wait3A_230 = tpu.memref_slice %arg4[%dma_wait3A_228, %dma_wait3A_229] : memref<10240x128xf32, #tpu.memory_space<hbm>> -> memref<10240x128xf32, #tpu.memory_space<hbm>>
        tpu.wait_indirect_dma semaphore(%arg26 : memref<!tpu.dma_semaphore, #tpu.memory_space<semaphore_mem>>) src(%dma_wait3A_230 : memref<10240x128xf32, #tpu.memory_space<hbm>>) dst(%arg15 : memref<80x128xf32, #tpu.memory_space<vmem>>)
        %dma_wait3A_231 = arith.constant 0 : i32
        %dma_wait3A_232 = arith.constant 0 : i32
        %dma_wait3A_233 = tpu.memref_slice %arg5[%dma_wait3A_231, %dma_wait3A_232] : memref<320000x128xf32, #tpu.memory_space<hbm>> -> memref<80x128xf32, #tpu.memory_space<hbm>>
        %dma_wait3A_234 = arith.constant 0 : i32
        %dma_wait3A_235 = arith.constant 0 : i32
        %dma_wait3A_236 = tpu.memref_slice %arg5[%dma_wait3A_234, %dma_wait3A_235] : memref<320000x128xf32, #tpu.memory_space<hbm>> -> memref<80x128xf32, #tpu.memory_space<hbm>>
        tpu.wait_dma2 semaphore(%arg26 : memref<!tpu.dma_semaphore, #tpu.memory_space<semaphore_mem>>) src(%dma_wait3A_236 : memref<80x128xf32, #tpu.memory_space<hbm>>) dst(%arg17 : memref<80x128xf32, #tpu.memory_space<vmem>>)
        %dma_start3A_237 = arith.constant 0 : i32
        %dma_start3A_238 = arith.constant 0 : i32
        %dma_start3A_239 = tpu.memref_slice %arg20[%dma_start3A_237, %dma_start3A_238] : memref<10240x128xf32, #tpu.memory_space<vmem_shared>> -> memref<10240x128xf32, #tpu.memory_space<vmem_shared>>
        tpu.enqueue_indirect_dma source(%arg15 : memref<80x128xf32, #tpu.memory_space<vmem>>) target(%dma_start3A_239 : memref<10240x128xf32, #tpu.memory_space<vmem_shared>>) offsets(%arg13 : memref<80xi32, #tpu.memory_space<vmem>>) semaphore(%arg28 : memref<!tpu.dma_semaphore, #tpu.memory_space<semaphore_mem>>) {add = true}
        %dma_start3A_240 = arith.constant 0 : i32
        %dma_start3A_241 = arith.constant 0 : i32
        %dma_start3A_242 = tpu.memref_slice %arg20[%dma_start3A_240, %dma_start3A_241] : memref<10240x128xf32, #tpu.memory_space<vmem_shared>> -> memref<10240x128xf32, #tpu.memory_space<vmem_shared>>
        tpu.enqueue_indirect_dma source(%arg17 : memref<80x128xf32, #tpu.memory_space<vmem>>) target(%dma_start3A_242 : memref<10240x128xf32, #tpu.memory_space<vmem_shared>>) offsets(%arg13 : memref<80xi32, #tpu.memory_space<vmem>>) semaphore(%arg28 : memref<!tpu.dma_semaphore, #tpu.memory_space<semaphore_mem>>) {add = true}
      } else {
      }
      %jit3A_188 = arith.constant 4 : i32
      %eq3A_189 = arith.constant 0 : i32
      %eq3A_190 = arith.cmpi eq, %jit3A_188, %eq3A_189 : i32
      %jit3A_191 = arith.constant 1 : i32
      %select_n3A_192 = arith.select %eq3A_190, %jit3A_191, %jit3A_188 : i32
      %rem3A_193 = arith.remsi %scan3A_132, %select_n3A_192 : i32
      %ne3A_194 = arith.constant 0 : i32
      %ne3A_195 = arith.cmpi ne, %rem3A_193, %ne3A_194 : i32
      %lt3A_196 = arith.constant 0 : i32
      %lt3A_197 = arith.cmpi slt, %rem3A_193, %lt3A_196 : i32
      %lt3A_198 = arith.constant 0 : i32
      %lt3A_199 = arith.cmpi slt, %select_n3A_192, %lt3A_198 : i32
      %ne3A_200 = arith.xori %lt3A_197, %lt3A_199 : i1
      %and3A_201 = arith.andi %ne3A_200, %ne3A_195 : i1
      %add3A_202 = arith.addi %rem3A_193, %select_n3A_192 : i32
      %select_n3A_203 = arith.select %and3A_201, %add3A_202, %rem3A_193 : i32
      %eq3A_204 = arith.constant 3 : i32
      %eq3A_205 = arith.cmpi eq, %select_n3A_203, %eq3A_204 : i32
      %convert_element_type3A_206 = arith.extui %eq3A_205 : i1 to i32
      %cond3A_207 = arith.constant 0 : i32
      %cond3A_208 = arith.cmpi ne, %convert_element_type3A_206, %cond3A_207 : i32
      scf.if %cond3A_208 {
        %ge3A = arith.constant 1 : i32
        %ge3A_210 = arith.cmpi sge, %scan3A_132, %ge3A : i32
        %convert_element_type3A_211 = arith.extui %ge3A_210 : i1 to i32
        %cond3A_212 = arith.constant 0 : i32
        %cond3A_213 = arith.cmpi ne, %convert_element_type3A_211, %cond3A_212 : i32
        scf.if %cond3A_213 {
          %dma_wait3A_243 = arith.constant 0 : i32
          %dma_wait3A_244 = arith.constant 0 : i32
          %dma_wait3A_245 = tpu.memref_slice %arg20[%dma_wait3A_243, %dma_wait3A_244] : memref<10240x128xf32, #tpu.memory_space<vmem_shared>> -> memref<10240x128xf32, #tpu.memory_space<vmem_shared>>
          tpu.wait_indirect_dma semaphore(%arg28 : memref<!tpu.dma_semaphore, #tpu.memory_space<semaphore_mem>>) src(%arg15 : memref<80x128xf32, #tpu.memory_space<vmem>>) dst(%dma_wait3A_245 : memref<10240x128xf32, #tpu.memory_space<vmem_shared>>)
          %dma_wait3A_246 = arith.constant 0 : i32
          %dma_wait3A_247 = arith.constant 0 : i32
          %dma_wait3A_248 = tpu.memref_slice %arg20[%dma_wait3A_246, %dma_wait3A_247] : memref<10240x128xf32, #tpu.memory_space<vmem_shared>> -> memref<10240x128xf32, #tpu.memory_space<vmem_shared>>
          tpu.wait_indirect_dma semaphore(%arg28 : memref<!tpu.dma_semaphore, #tpu.memory_space<semaphore_mem>>) src(%arg17 : memref<80x128xf32, #tpu.memory_space<vmem>>) dst(%dma_wait3A_248 : memref<10240x128xf32, #tpu.memory_space<vmem_shared>>)
        } else {
        }
        %add3A_214 = arith.constant 2 : i32
        %add3A_215 = arith.addi %scan3A_132, %add3A_214 : i32
        %lt3A_216 = arith.constant 125 : i32
        %lt3A_217 = arith.cmpi slt, %add3A_215, %lt3A_216 : i32
        %convert_element_type3A_218 = arith.extui %lt3A_217 : i1 to i32
        %cond3A_219 = arith.constant 0 : i32
        %cond3A_220 = arith.cmpi ne, %convert_element_type3A_218, %cond3A_219 : i32
        scf.if %cond3A_220 {
          %add3A_243 = arith.constant 2 : i32
          %add3A_244 = arith.addi %scan3A_132, %add3A_243 : i32
          %mul3A_245 = arith.constant 80 : i32
          %mul3A_246 = arith.muli %add3A_244, %mul3A_245 : i32
          %add3A_247 = arith.addi %mul3A_86, %mul3A_246 : i32
          %dma_start3A_248 = tpu.memref_slice %arg2[%add3A_247] : memref<320000xi32, #tpu.memory_space<hbm>> -> memref<80xi32, #tpu.memory_space<hbm>>
          %dma_start3A_249 = tpu.memref_slice %arg2[%add3A_247] : memref<320000xi32, #tpu.memory_space<hbm>> -> memref<80xi32, #tpu.memory_space<hbm>>
          tpu.enqueue_dma source(%dma_start3A_249 : memref<80xi32, #tpu.memory_space<hbm>>) target(%arg8 : memref<80xi32, #tpu.memory_space<vmem>>) target_semaphore(%arg23 : memref<!tpu.dma_semaphore, #tpu.memory_space<semaphore_mem>>)
          %dma_start3A_250 = tpu.memref_slice %arg3[%add3A_247] : memref<320000xi32, #tpu.memory_space<hbm>> -> memref<80xi32, #tpu.memory_space<hbm>>
          %dma_start3A_251 = tpu.memref_slice %arg3[%add3A_247] : memref<320000xi32, #tpu.memory_space<hbm>> -> memref<80xi32, #tpu.memory_space<hbm>>
          tpu.enqueue_dma source(%dma_start3A_251 : memref<80xi32, #tpu.memory_space<hbm>>) target(%arg12 : memref<80xi32, #tpu.memory_space<vmem>>) target_semaphore(%arg23 : memref<!tpu.dma_semaphore, #tpu.memory_space<semaphore_mem>>)
        } else {
        }
        %add3A_221 = arith.constant 1 : i32
        %add3A_222 = arith.addi %scan3A_132, %add3A_221 : i32
        %lt3A_223 = arith.constant 125 : i32
        %lt3A_224 = arith.cmpi slt, %add3A_222, %lt3A_223 : i32
        %convert_element_type3A_225 = arith.extui %lt3A_224 : i1 to i32
        %cond3A_226 = arith.constant 0 : i32
        %cond3A_227 = arith.cmpi ne, %convert_element_type3A_225, %cond3A_226 : i32
        scf.if %cond3A_227 {
          %dma_wait3A_243 = arith.constant 0 : i32
          %dma_wait3A_244 = tpu.memref_slice %arg2[%dma_wait3A_243] : memref<320000xi32, #tpu.memory_space<hbm>> -> memref<80xi32, #tpu.memory_space<hbm>>
          %dma_wait3A_245 = arith.constant 0 : i32
          %dma_wait3A_246 = tpu.memref_slice %arg2[%dma_wait3A_245] : memref<320000xi32, #tpu.memory_space<hbm>> -> memref<80xi32, #tpu.memory_space<hbm>>
          tpu.wait_dma2 semaphore(%arg22 : memref<!tpu.dma_semaphore, #tpu.memory_space<semaphore_mem>>) src(%dma_wait3A_246 : memref<80xi32, #tpu.memory_space<hbm>>) dst(%arg7 : memref<80xi32, #tpu.memory_space<vmem>>)
          %dma_wait3A_247 = arith.constant 0 : i32
          %dma_wait3A_248 = tpu.memref_slice %arg3[%dma_wait3A_247] : memref<320000xi32, #tpu.memory_space<hbm>> -> memref<80xi32, #tpu.memory_space<hbm>>
          %dma_wait3A_249 = arith.constant 0 : i32
          %dma_wait3A_250 = tpu.memref_slice %arg3[%dma_wait3A_249] : memref<320000xi32, #tpu.memory_space<hbm>> -> memref<80xi32, #tpu.memory_space<hbm>>
          tpu.wait_dma2 semaphore(%arg22 : memref<!tpu.dma_semaphore, #tpu.memory_space<semaphore_mem>>) src(%dma_wait3A_250 : memref<80xi32, #tpu.memory_space<hbm>>) dst(%arg11 : memref<80xi32, #tpu.memory_space<vmem>>)
          %add3A_251 = arith.constant 1 : i32
          %add3A_252 = arith.addi %scan3A_132, %add3A_251 : i32
          %dma_start3A_253 = arith.constant 0 : i32
          %dma_start3A_254 = arith.constant 0 : i32
          %dma_start3A_255 = tpu.memref_slice %arg4[%dma_start3A_253, %dma_start3A_254] : memref<10240x128xf32, #tpu.memory_space<hbm>> -> memref<10240x128xf32, #tpu.memory_space<hbm>>
          tpu.enqueue_indirect_dma source(%dma_start3A_255 : memref<10240x128xf32, #tpu.memory_space<hbm>>) target(%arg15 : memref<80x128xf32, #tpu.memory_space<vmem>>) offsets(%arg7 : memref<80xi32, #tpu.memory_space<vmem>>) semaphore(%arg26 : memref<!tpu.dma_semaphore, #tpu.memory_space<semaphore_mem>>)
          %mul3A_256 = arith.constant 80 : i32
          %mul3A_257 = arith.muli %add3A_252, %mul3A_256 : i32
          %add3A_258 = arith.addi %mul3A_86, %mul3A_257 : i32
          %dma_start3A_259 = arith.constant 0 : i32
          %dma_start3A_260 = tpu.memref_slice %arg5[%add3A_258, %dma_start3A_259] : memref<320000x128xf32, #tpu.memory_space<hbm>> -> memref<80x128xf32, #tpu.memory_space<hbm>>
          %dma_start3A_261 = arith.constant 0 : i32
          %dma_start3A_262 = tpu.memref_slice %arg5[%add3A_258, %dma_start3A_261] : memref<320000x128xf32, #tpu.memory_space<hbm>> -> memref<80x128xf32, #tpu.memory_space<hbm>>
          tpu.enqueue_dma source(%dma_start3A_262 : memref<80x128xf32, #tpu.memory_space<hbm>>) target(%arg17 : memref<80x128xf32, #tpu.memory_space<vmem>>) target_semaphore(%arg26 : memref<!tpu.dma_semaphore, #tpu.memory_space<semaphore_mem>>)
        } else {
        }
        %dma_wait3A_228 = arith.constant 0 : i32
        %dma_wait3A_229 = arith.constant 0 : i32
        %dma_wait3A_230 = tpu.memref_slice %arg4[%dma_wait3A_228, %dma_wait3A_229] : memref<10240x128xf32, #tpu.memory_space<hbm>> -> memref<10240x128xf32, #tpu.memory_space<hbm>>
        tpu.wait_indirect_dma semaphore(%arg27 : memref<!tpu.dma_semaphore, #tpu.memory_space<semaphore_mem>>) src(%dma_wait3A_230 : memref<10240x128xf32, #tpu.memory_space<hbm>>) dst(%arg16 : memref<80x128xf32, #tpu.memory_space<vmem>>)
        %dma_wait3A_231 = arith.constant 0 : i32
        %dma_wait3A_232 = arith.constant 0 : i32
        %dma_wait3A_233 = tpu.memref_slice %arg5[%dma_wait3A_231, %dma_wait3A_232] : memref<320000x128xf32, #tpu.memory_space<hbm>> -> memref<80x128xf32, #tpu.memory_space<hbm>>
        %dma_wait3A_234 = arith.constant 0 : i32
        %dma_wait3A_235 = arith.constant 0 : i32
        %dma_wait3A_236 = tpu.memref_slice %arg5[%dma_wait3A_234, %dma_wait3A_235] : memref<320000x128xf32, #tpu.memory_space<hbm>> -> memref<80x128xf32, #tpu.memory_space<hbm>>
        tpu.wait_dma2 semaphore(%arg27 : memref<!tpu.dma_semaphore, #tpu.memory_space<semaphore_mem>>) src(%dma_wait3A_236 : memref<80x128xf32, #tpu.memory_space<hbm>>) dst(%arg18 : memref<80x128xf32, #tpu.memory_space<vmem>>)
        %dma_start3A_237 = arith.constant 0 : i32
        %dma_start3A_238 = arith.constant 0 : i32
        %dma_start3A_239 = tpu.memref_slice %arg20[%dma_start3A_237, %dma_start3A_238] : memref<10240x128xf32, #tpu.memory_space<vmem_shared>> -> memref<10240x128xf32, #tpu.memory_space<vmem_shared>>
        tpu.enqueue_indirect_dma source(%arg16 : memref<80x128xf32, #tpu.memory_space<vmem>>) target(%dma_start3A_239 : memref<10240x128xf32, #tpu.memory_space<vmem_shared>>) offsets(%arg14 : memref<80xi32, #tpu.memory_space<vmem>>) semaphore(%arg29 : memref<!tpu.dma_semaphore, #tpu.memory_space<semaphore_mem>>) {add = true}
        %dma_start3A_240 = arith.constant 0 : i32
        %dma_start3A_241 = arith.constant 0 : i32
        %dma_start3A_242 = tpu.memref_slice %arg20[%dma_start3A_240, %dma_start3A_241] : memref<10240x128xf32, #tpu.memory_space<vmem_shared>> -> memref<10240x128xf32, #tpu.memory_space<vmem_shared>>
        tpu.enqueue_indirect_dma source(%arg18 : memref<80x128xf32, #tpu.memory_space<vmem>>) target(%dma_start3A_242 : memref<10240x128xf32, #tpu.memory_space<vmem_shared>>) offsets(%arg14 : memref<80xi32, #tpu.memory_space<vmem>>) semaphore(%arg29 : memref<!tpu.dma_semaphore, #tpu.memory_space<semaphore_mem>>) {add = true}
      } else {
      }
      %scan3A_209 = arith.constant 0 : i32
      scf.yield %scan3A_209 : i32
    }
    %scan3A_120 = arith.constant 125 : i32
    %dma_wait3A_121 = arith.constant 0 : i32
    %dma_wait3A_122 = arith.constant 0 : i32
    %dma_wait3A_123 = tpu.memref_slice %arg20[%dma_wait3A_121, %dma_wait3A_122] : memref<10240x128xf32, #tpu.memory_space<vmem_shared>> -> memref<10240x128xf32, #tpu.memory_space<vmem_shared>>
    tpu.wait_indirect_dma semaphore(%arg28 : memref<!tpu.dma_semaphore, #tpu.memory_space<semaphore_mem>>) src(%arg15 : memref<80x128xf32, #tpu.memory_space<vmem>>) dst(%dma_wait3A_123 : memref<10240x128xf32, #tpu.memory_space<vmem_shared>>)
    %dma_wait3A_124 = arith.constant 0 : i32
    %dma_wait3A_125 = arith.constant 0 : i32
    %dma_wait3A_126 = tpu.memref_slice %arg20[%dma_wait3A_124, %dma_wait3A_125] : memref<10240x128xf32, #tpu.memory_space<vmem_shared>> -> memref<10240x128xf32, #tpu.memory_space<vmem_shared>>
    tpu.wait_indirect_dma semaphore(%arg28 : memref<!tpu.dma_semaphore, #tpu.memory_space<semaphore_mem>>) src(%arg17 : memref<80x128xf32, #tpu.memory_space<vmem>>) dst(%dma_wait3A_126 : memref<10240x128xf32, #tpu.memory_space<vmem_shared>>)
    %barrier3A_127 = arith.constant 0 : index
    tpu.barrier barrier_id(%barrier3A_127)
    %mul3A_128 = arith.constant 640 : i32
    %mul3A_129 = arith.muli %arg1, %mul3A_128 : i32
    %mul3A_130 = arith.constant 640 : i32
    %mul3A_131 = arith.muli %arg1, %mul3A_130 : i32
    "tpu.region"() ({
      %run_scoped3A = tpu.sem_alloc : memref<!tpu.dma_semaphore, #tpu.memory_space<semaphore_mem>>
      %dma_start3A_132 = arith.constant 0 : i32
      %dma_start3A_133 = tpu.memref_slice %arg6[%arg0, %mul3A_131, %dma_start3A_132] : memref<2x10240x128xf32, #tpu.memory_space<hbm>> -> memref<1x640x128xf32, #tpu.memory_space<hbm>>
      %dma_start3A_134 = tpu.memref_squeeze %dma_start3A_133 : memref<1x640x128xf32, #tpu.memory_space<hbm>> -> memref<640x128xf32, #tpu.memory_space<hbm>>
      %dma_start3A_135 = arith.constant 0 : i32
      %dma_start3A_136 = tpu.memref_slice %arg20[%mul3A_129, %dma_start3A_135] : memref<10240x128xf32, #tpu.memory_space<vmem_shared>> -> memref<640x128xf32, #tpu.memory_space<vmem_shared>>
      tpu.enqueue_dma source(%dma_start3A_136 : memref<640x128xf32, #tpu.memory_space<vmem_shared>>) target(%dma_start3A_134 : memref<640x128xf32, #tpu.memory_space<hbm>>) target_semaphore(%run_scoped3A : memref<!tpu.dma_semaphore, #tpu.memory_space<semaphore_mem>>)
      %dma_wait3A_137 = arith.constant 0 : i32
      %dma_wait3A_138 = tpu.memref_slice %arg6[%arg0, %mul3A_131, %dma_wait3A_137] : memref<2x10240x128xf32, #tpu.memory_space<hbm>> -> memref<1x640x128xf32, #tpu.memory_space<hbm>>
      %dma_wait3A_139 = tpu.memref_squeeze %dma_wait3A_138 : memref<1x640x128xf32, #tpu.memory_space<hbm>> -> memref<640x128xf32, #tpu.memory_space<hbm>>
      %dma_wait3A_140 = arith.constant 0 : i32
      %dma_wait3A_141 = tpu.memref_slice %arg20[%mul3A_129, %dma_wait3A_140] : memref<10240x128xf32, #tpu.memory_space<vmem_shared>> -> memref<640x128xf32, #tpu.memory_space<vmem_shared>>
      tpu.wait_dma2 semaphore(%run_scoped3A : memref<!tpu.dma_semaphore, #tpu.memory_space<semaphore_mem>>) src(%dma_wait3A_141 : memref<640x128xf32, #tpu.memory_space<vmem_shared>>) dst(%dma_wait3A_139 : memref<640x128xf32, #tpu.memory_space<hbm>>)
      tpu.yield
    }) : () -> ()
    return
  }
}

module attributes {stable_mosaic.version = 14 : i64} {
  func.func @_node_prep_body(%arg0: i32, %arg1: memref<512x128xf32, #tpu.memory_space<vmem>>, %arg2: memref<128x128xf32, #tpu.memory_space<vmem>>, %arg3: memref<1x128xf32, #tpu.memory_space<vmem>>, %arg4: memref<128x128xf32, #tpu.memory_space<vmem>>, %arg5: memref<1x128xf32, #tpu.memory_space<vmem>>, %arg6: memref<512x128xf32, #tpu.memory_space<vmem>>, %arg7: memref<512x128xf32, #tpu.memory_space<vmem>>) attributes {dimension_semantics = [#tpu.dimension_semantics<arbitrary>], iteration_bounds = array<i64: 20>, scalar_prefetch = 0 : i64, scratch_operands = 0 : i64, tpu.core_type = #tpu.core_type<tc>, window_params = [{transform_indices = @transform_0, window_bounds = array<i64: 512, 128>}, {pipeline_mode = #tpu.pipeline_mode<synchronous>, transform_indices = @transform_1, window_bounds = array<i64: 128, 128>}, {pipeline_mode = #tpu.pipeline_mode<synchronous>, transform_indices = @transform_2, window_bounds = array<i64: 1, 128>}, {pipeline_mode = #tpu.pipeline_mode<synchronous>, transform_indices = @transform_3, window_bounds = array<i64: 128, 128>}, {pipeline_mode = #tpu.pipeline_mode<synchronous>, transform_indices = @transform_4, window_bounds = array<i64: 1, 128>}, {transform_indices = @transform_5, window_bounds = array<i64: 512, 128>}, {transform_indices = @transform_6, window_bounds = array<i64: 512, 128>}]} {
    %get3A = arith.constant 0 : index
    %get3A_0 = arith.constant 0 : index
    %get3A_1 = vector.load %arg1[%get3A, %get3A_0] : memref<512x128xf32, #tpu.memory_space<vmem>>, vector<512x128xf32>
    %get3A_2 = arith.constant 0 : index
    %get3A_3 = arith.constant 0 : index
    %get3A_4 = vector.load %arg2[%get3A_2, %get3A_3] : memref<128x128xf32, #tpu.memory_space<vmem>>, vector<128x128xf32>
    %dot_general3A = arith.constant dense<0.000000e+00> : vector<512x128xf32>
    %dot_general3A_5 = tpu.matmul %get3A_1, %get3A_4, %dot_general3A {dimension_numbers = #tpu.dot_dimension_numbers<[1], [0], [0], [1], [0, 0, 1, 1], [], []>, transpose_lhs_hint = false} : vector<512x128xf32>, vector<128x128xf32>, vector<512x128xf32> -> vector<512x128xf32>
    %get3A_6 = arith.constant 0 : index
    %get3A_7 = arith.constant 0 : index
    %get3A_8 = vector.load %arg3[%get3A_6, %get3A_7] : memref<1x128xf32, #tpu.memory_space<vmem>>, vector<1x128xf32>
    %add3A = vector.broadcast %get3A_8 : vector<1x128xf32> to vector<512x128xf32>
    %add3A_9 = arith.addf %dot_general3A_5, %add3A : vector<512x128xf32>
    %swap3A = arith.constant 0 : index
    %swap3A_10 = arith.constant 0 : index
    %swap3A_11 = vector.load %arg6[%swap3A, %swap3A_10] : memref<512x128xf32, #tpu.memory_space<vmem>>, vector<512x128xf32>
    tpu.vector_store %arg6[%swap3A, %swap3A_10], %add3A_9 {strides = array<i32>} : memref<512x128xf32, #tpu.memory_space<vmem>>, vector<512x128xf32>,
    %get3A_12 = arith.constant 0 : index
    %get3A_13 = arith.constant 0 : index
    %get3A_14 = vector.load %arg4[%get3A_12, %get3A_13] : memref<128x128xf32, #tpu.memory_space<vmem>>, vector<128x128xf32>
    %dot_general3A_15 = arith.constant dense<0.000000e+00> : vector<512x128xf32>
    %dot_general3A_16 = tpu.matmul %add3A_9, %get3A_14, %dot_general3A_15 {dimension_numbers = #tpu.dot_dimension_numbers<[1], [0], [0], [1], [0, 0, 1, 1], [], []>, transpose_lhs_hint = false} : vector<512x128xf32>, vector<128x128xf32>, vector<512x128xf32> -> vector<512x128xf32>
    %get3A_17 = arith.constant 0 : index
    %get3A_18 = arith.constant 0 : index
    %get3A_19 = vector.load %arg5[%get3A_17, %get3A_18] : memref<1x128xf32, #tpu.memory_space<vmem>>, vector<1x128xf32>
    %add3A_20 = vector.broadcast %get3A_19 : vector<1x128xf32> to vector<512x128xf32>
    %add3A_21 = arith.addf %dot_general3A_16, %add3A_20 : vector<512x128xf32>
    %max3A = arith.constant 0.000000e+00 : f32
    %max3A_22 = vector.broadcast %max3A : f32 to vector<512x128xf32>
    %max3A_23 = arith.maximumf %add3A_21, %max3A_22 : vector<512x128xf32>
    %swap3A_24 = arith.constant 0 : index
    %swap3A_25 = arith.constant 0 : index
    %swap3A_26 = vector.load %arg7[%swap3A_24, %swap3A_25] : memref<512x128xf32, #tpu.memory_space<vmem>>, vector<512x128xf32>
    tpu.vector_store %arg7[%swap3A_24, %swap3A_25], %max3A_23 {strides = array<i32>} : memref<512x128xf32, #tpu.memory_space<vmem>>, vector<512x128xf32>,
    return
  }
  func.func @transform_0(%arg0: i32) -> (i32, i32) {
    %c0_i32 = arith.constant 0 : i32
    %c0_i32_0 = arith.constant 0 : i32
    return %arg0, %c0_i32 : i32, i32
  }
  func.func @transform_1(%arg0: i32) -> (i32, i32) {
    %c0_i32 = arith.constant 0 : i32
    %c0_i32_0 = arith.constant 0 : i32
    %c0_i32_1 = arith.constant 0 : i32
    return %c0_i32, %c0_i32_0 : i32, i32
  }
  func.func @transform_2(%arg0: i32) -> (i32, i32) {
    %c0_i32 = arith.constant 0 : i32
    %c0_i32_0 = arith.constant 0 : i32
    %c0_i32_1 = arith.constant 0 : i32
    return %c0_i32, %c0_i32_0 : i32, i32
  }
  func.func @transform_3(%arg0: i32) -> (i32, i32) {
    %c0_i32 = arith.constant 0 : i32
    %c0_i32_0 = arith.constant 0 : i32
    %c0_i32_1 = arith.constant 0 : i32
    return %c0_i32, %c0_i32_0 : i32, i32
  }
  func.func @transform_4(%arg0: i32) -> (i32, i32) {
    %c0_i32 = arith.constant 0 : i32
    %c0_i32_0 = arith.constant 0 : i32
    %c0_i32_1 = arith.constant 0 : i32
    return %c0_i32, %c0_i32_0 : i32, i32
  }
  func.func @transform_5(%arg0: i32) -> (i32, i32) {
    %c0_i32 = arith.constant 0 : i32
    %c0_i32_0 = arith.constant 0 : i32
    return %arg0, %c0_i32 : i32, i32
  }
  func.func @transform_6(%arg0: i32) -> (i32, i32) {
    %c0_i32 = arith.constant 0 : i32
    %c0_i32_0 = arith.constant 0 : i32
    return %arg0, %c0_i32 : i32, i32
  }
}

module attributes {stable_mosaic.version = 14 : i64} {
  func.func @_edge_prep_body(%arg0: i32, %arg1: memref<4000x16xf32, #tpu.memory_space<vmem>>, %arg2: memref<16x128xf32, #tpu.memory_space<vmem>>, %arg3: memref<1x128xf32, #tpu.memory_space<vmem>>, %arg4: memref<128x128xf32, #tpu.memory_space<vmem>>, %arg5: memref<1x128xf32, #tpu.memory_space<vmem>>, %arg6: memref<4000x128xf32, #tpu.memory_space<vmem>>) attributes {dimension_semantics = [#tpu.dimension_semantics<arbitrary>], iteration_bounds = array<i64: 80>, scalar_prefetch = 0 : i64, scratch_operands = 0 : i64, tpu.core_type = #tpu.core_type<tc>, window_params = [{transform_indices = @transform_0, window_bounds = array<i64: 4000, 16>}, {pipeline_mode = #tpu.pipeline_mode<synchronous>, transform_indices = @transform_1, window_bounds = array<i64: 16, 128>}, {pipeline_mode = #tpu.pipeline_mode<synchronous>, transform_indices = @transform_2, window_bounds = array<i64: 1, 128>}, {pipeline_mode = #tpu.pipeline_mode<synchronous>, transform_indices = @transform_3, window_bounds = array<i64: 128, 128>}, {pipeline_mode = #tpu.pipeline_mode<synchronous>, transform_indices = @transform_4, window_bounds = array<i64: 1, 128>}, {transform_indices = @transform_5, window_bounds = array<i64: 4000, 128>}]} {
    %get3A = arith.constant 0 : index
    %get3A_0 = arith.constant 0 : index
    %get3A_1 = vector.load %arg1[%get3A, %get3A_0] : memref<4000x16xf32, #tpu.memory_space<vmem>>, vector<4000x16xf32>
    %get3A_2 = arith.constant 0 : index
    %get3A_3 = arith.constant 0 : index
    %get3A_4 = vector.load %arg2[%get3A_2, %get3A_3] : memref<16x128xf32, #tpu.memory_space<vmem>>, vector<16x128xf32>
    %get3A_5 = arith.constant 0 : index
    %get3A_6 = arith.constant 0 : index
    %get3A_7 = vector.load %arg3[%get3A_5, %get3A_6] : memref<1x128xf32, #tpu.memory_space<vmem>>, vector<1x128xf32>
    %get3A_8 = arith.constant 0 : index
    %get3A_9 = arith.constant 0 : index
    %get3A_10 = vector.load %arg4[%get3A_8, %get3A_9] : memref<128x128xf32, #tpu.memory_space<vmem>>, vector<128x128xf32>
    %dot_general3A = arith.constant dense<0.000000e+00> : vector<16x128xf32>
    %dot_general3A_11 = tpu.matmul %get3A_4, %get3A_10, %dot_general3A {dimension_numbers = #tpu.dot_dimension_numbers<[1], [0], [0], [1], [0, 0, 1, 1], [], []>, transpose_lhs_hint = false} : vector<16x128xf32>, vector<128x128xf32>, vector<16x128xf32> -> vector<16x128xf32>
    %get3A_12 = arith.constant 0 : index
    %get3A_13 = arith.constant 0 : index
    %get3A_14 = vector.load %arg4[%get3A_12, %get3A_13] : memref<128x128xf32, #tpu.memory_space<vmem>>, vector<128x128xf32>
    %dot_general3A_15 = arith.constant dense<0.000000e+00> : vector<1x128xf32>
    %dot_general3A_16 = tpu.matmul %get3A_7, %get3A_14, %dot_general3A_15 {dimension_numbers = #tpu.dot_dimension_numbers<[1], [0], [0], [1], [0, 0, 1, 1], [], []>, transpose_lhs_hint = false} : vector<1x128xf32>, vector<128x128xf32>, vector<1x128xf32> -> vector<1x128xf32>
    %get3A_17 = arith.constant 0 : index
    %get3A_18 = arith.constant 0 : index
    %get3A_19 = vector.load %arg5[%get3A_17, %get3A_18] : memref<1x128xf32, #tpu.memory_space<vmem>>, vector<1x128xf32>
    %add3A = arith.addf %dot_general3A_16, %get3A_19 : vector<1x128xf32>
    %dot_general3A_20 = arith.constant dense<0.000000e+00> : vector<4000x128xf32>
    %dot_general3A_21 = tpu.matmul %get3A_1, %dot_general3A_11, %dot_general3A_20 {dimension_numbers = #tpu.dot_dimension_numbers<[1], [0], [0], [1], [0, 0, 1, 1], [], []>, transpose_lhs_hint = false} : vector<4000x16xf32>, vector<16x128xf32>, vector<4000x128xf32> -> vector<4000x128xf32>
    %add3A_22 = vector.broadcast %add3A : vector<1x128xf32> to vector<4000x128xf32>
    %add3A_23 = arith.addf %dot_general3A_21, %add3A_22 : vector<4000x128xf32>
    %max3A = arith.constant 0.000000e+00 : f32
    %max3A_24 = vector.broadcast %max3A : f32 to vector<4000x128xf32>
    %max3A_25 = arith.maximumf %add3A_23, %max3A_24 : vector<4000x128xf32>
    %swap3A = arith.constant 0 : index
    %swap3A_26 = arith.constant 0 : index
    %swap3A_27 = vector.load %arg6[%swap3A, %swap3A_26] : memref<4000x128xf32, #tpu.memory_space<vmem>>, vector<4000x128xf32>
    tpu.vector_store %arg6[%swap3A, %swap3A_26], %max3A_25 {strides = array<i32>} : memref<4000x128xf32, #tpu.memory_space<vmem>>, vector<4000x128xf32>,
    return
  }
  func.func @transform_0(%arg0: i32) -> (i32, i32) {
    %c0_i32 = arith.constant 0 : i32
    %c0_i32_0 = arith.constant 0 : i32
    return %arg0, %c0_i32 : i32, i32
  }
  func.func @transform_1(%arg0: i32) -> (i32, i32) {
    %c0_i32 = arith.constant 0 : i32
    %c0_i32_0 = arith.constant 0 : i32
    %c0_i32_1 = arith.constant 0 : i32
    return %c0_i32, %c0_i32_0 : i32, i32
  }
  func.func @transform_2(%arg0: i32) -> (i32, i32) {
    %c0_i32 = arith.constant 0 : i32
    %c0_i32_0 = arith.constant 0 : i32
    %c0_i32_1 = arith.constant 0 : i32
    return %c0_i32, %c0_i32_0 : i32, i32
  }
  func.func @transform_3(%arg0: i32) -> (i32, i32) {
    %c0_i32 = arith.constant 0 : i32
    %c0_i32_0 = arith.constant 0 : i32
    %c0_i32_1 = arith.constant 0 : i32
    return %c0_i32, %c0_i32_0 : i32, i32
  }
  func.func @transform_4(%arg0: i32) -> (i32, i32) {
    %c0_i32 = arith.constant 0 : i32
    %c0_i32_0 = arith.constant 0 : i32
    %c0_i32_1 = arith.constant 0 : i32
    return %c0_i32, %c0_i32_0 : i32, i32
  }
  func.func @transform_5(%arg0: i32) -> (i32, i32) {
    %c0_i32 = arith.constant 0 : i32
    %c0_i32_0 = arith.constant 0 : i32
    return %arg0, %c0_i32 : i32, i32
  }
}

module attributes {stable_mosaic.version = 14 : i64} {
  func.func @_mid_body(%arg0: i32, %arg1: memref<512x128xf32, #tpu.memory_space<vmem>>, %arg2: memref<512x128xf32, #tpu.memory_space<vmem>>, %arg3: memref<512x128xf32, #tpu.memory_space<vmem>>, %arg4: memref<512x1xf32, #tpu.memory_space<vmem>>, %arg5: memref<128x128xf32, #tpu.memory_space<vmem>>, %arg6: memref<1x128xf32, #tpu.memory_space<vmem>>, %arg7: memref<128x128xf32, #tpu.memory_space<vmem>>, %arg8: memref<1x128xf32, #tpu.memory_space<vmem>>, %arg9: memref<128x128xf32, #tpu.memory_space<vmem>>, %arg10: memref<1x128xf32, #tpu.memory_space<vmem>>, %arg11: memref<128x128xf32, #tpu.memory_space<vmem>>, %arg12: memref<1x128xf32, #tpu.memory_space<vmem>>, %arg13: memref<512x128xf32, #tpu.memory_space<vmem>>, %arg14: memref<512x128xf32, #tpu.memory_space<vmem>>, %arg15: memref<512x128xf32, #tpu.memory_space<vmem>>) attributes {dimension_semantics = [#tpu.dimension_semantics<arbitrary>], iteration_bounds = array<i64: 20>, scalar_prefetch = 0 : i64, scratch_operands = 0 : i64, tpu.core_type = #tpu.core_type<tc>, window_params = [{transform_indices = @transform_0, window_bounds = array<i64: 512, 128>}, {transform_indices = @transform_1, window_bounds = array<i64: 512, 128>}, {transform_indices = @transform_2, window_bounds = array<i64: 512, 128>}, {transform_indices = @transform_3, window_bounds = array<i64: 512, 1>}, {pipeline_mode = #tpu.pipeline_mode<synchronous>, transform_indices = @transform_4, window_bounds = array<i64: 128, 128>}, {pipeline_mode = #tpu.pipeline_mode<synchronous>, transform_indices = @transform_5, window_bounds = array<i64: 1, 128>}, {pipeline_mode = #tpu.pipeline_mode<synchronous>, transform_indices = @transform_6, window_bounds = array<i64: 128, 128>}, {pipeline_mode = #tpu.pipeline_mode<synchronous>, transform_indices = @transform_7, window_bounds = array<i64: 1, 128>}, {pipeline_mode = #tpu.pipeline_mode<synchronous>, transform_indices = @transform_8, window_bounds = array<i64: 128, 128>}, {pipeline_mode = #tpu.pipeline_mode<synchronous>, transform_indices = @transform_9, window_bounds = array<i64: 1, 128>}, {pipeline_mode = #tpu.pipeline_mode<synchronous>, transform_indices = @transform_10, window_bounds = array<i64: 128, 128>}, {pipeline_mode = #tpu.pipeline_mode<synchronous>, transform_indices = @transform_11, window_bounds = array<i64: 1, 128>}, {transform_indices = @transform_12, window_bounds = array<i64: 512, 128>}, {transform_indices = @transform_13, window_bounds = array<i64: 512, 128>}, {transform_indices = @transform_14, window_bounds = array<i64: 512, 128>}]} {
    %get3A = arith.constant 0 : index
    %get3A_0 = arith.constant 0 : index
    %get3A_1 = vector.load %arg4[%get3A, %get3A_0] : memref<512x1xf32, #tpu.memory_space<vmem>>, vector<512x1xf32>
    %max3A = arith.constant 1.000000e+00 : f32
    %max3A_2 = vector.broadcast %max3A : f32 to vector<512x1xf32>
    %max3A_3 = arith.maximumf %get3A_1, %max3A_2 : vector<512x1xf32>
    %div3A = arith.constant 1.000000e+00 : f32
    %div3A_4 = vector.broadcast %div3A : f32 to vector<512x1xf32>
    %div3A_5 = arith.divf %div3A_4, %max3A_3 : vector<512x1xf32>
    %gt3A = arith.constant 0.000000e+00 : f32
    %gt3A_6 = vector.broadcast %gt3A : f32 to vector<512x1xf32>
    %gt3A_7 = arith.cmpf ogt, %get3A_1, %gt3A_6 : vector<512x1xf32>
    %convert_element_type3A = arith.extui %gt3A_7 : vector<512x1xi1> to vector<512x1xi32>
    %convert_element_type3A_8 = arith.sitofp %convert_element_type3A : vector<512x1xi32> to vector<512x1xf32>
    %get3A_9 = arith.constant 0 : index
    %get3A_10 = arith.constant 0 : index
    %get3A_11 = vector.load %arg2[%get3A_9, %get3A_10] : memref<512x128xf32, #tpu.memory_space<vmem>>, vector<512x128xf32>
    %get3A_12 = arith.constant 0 : index
    %get3A_13 = arith.constant 0 : index
    %get3A_14 = vector.load %arg3[%get3A_12, %get3A_13] : memref<512x128xf32, #tpu.memory_space<vmem>>, vector<512x128xf32>
    %add3A = arith.addf %get3A_11, %get3A_14 : vector<512x128xf32>
    %mul3A = vector.broadcast %div3A_5 : vector<512x1xf32> to vector<512x128xf32>
    %mul3A_15 = arith.mulf %add3A, %mul3A : vector<512x128xf32>
    %get3A_16 = arith.constant 0 : index
    %get3A_17 = arith.constant 0 : index
    %get3A_18 = vector.load %arg5[%get3A_16, %get3A_17] : memref<128x128xf32, #tpu.memory_space<vmem>>, vector<128x128xf32>
    %dot_general3A = arith.constant dense<0.000000e+00> : vector<512x128xf32>
    %dot_general3A_19 = tpu.matmul %mul3A_15, %get3A_18, %dot_general3A {dimension_numbers = #tpu.dot_dimension_numbers<[1], [0], [0], [1], [0, 0, 1, 1], [], []>, transpose_lhs_hint = false} : vector<512x128xf32>, vector<128x128xf32>, vector<512x128xf32> -> vector<512x128xf32>
    %mul3A_20 = arith.constant 2.000000e+00 : f32
    %mul3A_21 = vector.broadcast %mul3A_20 : f32 to vector<512x1xf32>
    %mul3A_22 = arith.mulf %mul3A_21, %convert_element_type3A_8 : vector<512x1xf32>
    %get3A_23 = arith.constant 0 : index
    %get3A_24 = arith.constant 0 : index
    %get3A_25 = vector.load %arg6[%get3A_23, %get3A_24] : memref<1x128xf32, #tpu.memory_space<vmem>>, vector<1x128xf32>
    %mul3A_26 = vector.broadcast %mul3A_22 : vector<512x1xf32> to vector<512x128xf32>
    %mul3A_27 = vector.broadcast %get3A_25 : vector<1x128xf32> to vector<512x128xf32>
    %mul3A_28 = arith.mulf %mul3A_26, %mul3A_27 : vector<512x128xf32>
    %add3A_29 = arith.addf %dot_general3A_19, %mul3A_28 : vector<512x128xf32>
    %get3A_30 = arith.constant 0 : index
    %get3A_31 = arith.constant 0 : index
    %get3A_32 = vector.load %arg1[%get3A_30, %get3A_31] : memref<512x128xf32, #tpu.memory_space<vmem>>, vector<512x128xf32>
    %get3A_33 = arith.constant 0 : index
    %get3A_34 = arith.constant 0 : index
    %get3A_35 = vector.load %arg7[%get3A_33, %get3A_34] : memref<128x128xf32, #tpu.memory_space<vmem>>, vector<128x128xf32>
    %get3A_36 = arith.constant 0 : index
    %get3A_37 = arith.constant 0 : index
    %get3A_38 = vector.load %arg8[%get3A_36, %get3A_37] : memref<1x128xf32, #tpu.memory_space<vmem>>, vector<1x128xf32>
    %get3A_39 = arith.constant 0 : index
    %get3A_40 = arith.constant 0 : index
    %get3A_41 = vector.load %arg9[%get3A_39, %get3A_40] : memref<128x128xf32, #tpu.memory_space<vmem>>, vector<128x128xf32>
    %dot_general3A_42 = arith.constant dense<0.000000e+00> : vector<512x128xf32>
    %dot_general3A_43 = tpu.matmul %get3A_32, %get3A_35, %dot_general3A_42 {dimension_numbers = #tpu.dot_dimension_numbers<[1], [0], [0], [1], [0, 0, 1, 1], [], []>, transpose_lhs_hint = false} : vector<512x128xf32>, vector<128x128xf32>, vector<512x128xf32> -> vector<512x128xf32>
    %add3A_44 = vector.broadcast %get3A_38 : vector<1x128xf32> to vector<512x128xf32>
    %add3A_45 = arith.addf %dot_general3A_43, %add3A_44 : vector<512x128xf32>
    %max3A_46 = arith.constant 0.000000e+00 : f32
    %max3A_47 = vector.broadcast %max3A_46 : f32 to vector<512x128xf32>
    %max3A_48 = arith.maximumf %add3A_45, %max3A_47 : vector<512x128xf32>
    %dot_general3A_49 = arith.constant dense<0.000000e+00> : vector<512x128xf32>
    %dot_general3A_50 = tpu.matmul %max3A_48, %get3A_41, %dot_general3A_49 {dimension_numbers = #tpu.dot_dimension_numbers<[1], [0], [0], [1], [0, 0, 1, 1], [], []>, transpose_lhs_hint = false} : vector<512x128xf32>, vector<128x128xf32>, vector<512x128xf32> -> vector<512x128xf32>
    %dot_general3A_51 = arith.constant dense<0.000000e+00> : vector<512x128xf32>
    %dot_general3A_52 = tpu.matmul %add3A_29, %get3A_35, %dot_general3A_51 {dimension_numbers = #tpu.dot_dimension_numbers<[1], [0], [0], [1], [0, 0, 1, 1], [], []>, transpose_lhs_hint = false} : vector<512x128xf32>, vector<128x128xf32>, vector<512x128xf32> -> vector<512x128xf32>
    %add3A_53 = vector.broadcast %get3A_38 : vector<1x128xf32> to vector<512x128xf32>
    %add3A_54 = arith.addf %dot_general3A_52, %add3A_53 : vector<512x128xf32>
    %max3A_55 = arith.constant 0.000000e+00 : f32
    %max3A_56 = vector.broadcast %max3A_55 : f32 to vector<512x128xf32>
    %max3A_57 = arith.maximumf %add3A_54, %max3A_56 : vector<512x128xf32>
    %dot_general3A_58 = arith.constant dense<0.000000e+00> : vector<512x128xf32>
    %dot_general3A_59 = tpu.matmul %max3A_57, %get3A_41, %dot_general3A_58 {dimension_numbers = #tpu.dot_dimension_numbers<[1], [0], [0], [1], [0, 0, 1, 1], [], []>, transpose_lhs_hint = false} : vector<512x128xf32>, vector<128x128xf32>, vector<512x128xf32> -> vector<512x128xf32>
    %add3A_60 = arith.addf %dot_general3A_50, %dot_general3A_59 : vector<512x128xf32>
    %get3A_61 = arith.constant 0 : index
    %get3A_62 = arith.constant 0 : index
    %get3A_63 = vector.load %arg10[%get3A_61, %get3A_62] : memref<1x128xf32, #tpu.memory_space<vmem>>, vector<1x128xf32>
    %mul3A_64 = arith.constant 2.000000e+00 : f32
    %mul3A_65 = vector.broadcast %mul3A_64 : f32 to vector<1x128xf32>
    %mul3A_66 = arith.mulf %mul3A_65, %get3A_63 : vector<1x128xf32>
    %add3A_67 = vector.broadcast %mul3A_66 : vector<1x128xf32> to vector<512x128xf32>
    %add3A_68 = arith.addf %add3A_60, %add3A_67 : vector<512x128xf32>
    %swap3A = arith.constant 0 : index
    %swap3A_69 = arith.constant 0 : index
    %swap3A_70 = vector.load %arg13[%swap3A, %swap3A_69] : memref<512x128xf32, #tpu.memory_space<vmem>>, vector<512x128xf32>
    tpu.vector_store %arg13[%swap3A, %swap3A_69], %add3A_68 {strides = array<i32>} : memref<512x128xf32, #tpu.memory_space<vmem>>, vector<512x128xf32>,
    %get3A_71 = arith.constant 0 : index
    %get3A_72 = arith.constant 0 : index
    %get3A_73 = vector.load %arg11[%get3A_71, %get3A_72] : memref<128x128xf32, #tpu.memory_space<vmem>>, vector<128x128xf32>
    %dot_general3A_74 = arith.constant dense<0.000000e+00> : vector<512x128xf32>
    %dot_general3A_75 = tpu.matmul %add3A_68, %get3A_73, %dot_general3A_74 {dimension_numbers = #tpu.dot_dimension_numbers<[1], [0], [0], [1], [0, 0, 1, 1], [], []>, transpose_lhs_hint = false} : vector<512x128xf32>, vector<128x128xf32>, vector<512x128xf32> -> vector<512x128xf32>
    %get3A_76 = arith.constant 0 : index
    %get3A_77 = arith.constant 0 : index
    %get3A_78 = vector.load %arg12[%get3A_76, %get3A_77] : memref<1x128xf32, #tpu.memory_space<vmem>>, vector<1x128xf32>
    %add3A_79 = vector.broadcast %get3A_78 : vector<1x128xf32> to vector<512x128xf32>
    %add3A_80 = arith.addf %dot_general3A_75, %add3A_79 : vector<512x128xf32>
    %max3A_81 = arith.constant 0.000000e+00 : f32
    %max3A_82 = vector.broadcast %max3A_81 : f32 to vector<512x128xf32>
    %max3A_83 = arith.maximumf %add3A_80, %max3A_82 : vector<512x128xf32>
    %swap3A_84 = arith.constant 0 : index
    %swap3A_85 = arith.constant 0 : index
    %swap3A_86 = vector.load %arg14[%swap3A_84, %swap3A_85] : memref<512x128xf32, #tpu.memory_space<vmem>>, vector<512x128xf32>
    tpu.vector_store %arg14[%swap3A_84, %swap3A_85], %max3A_83 {strides = array<i32>} : memref<512x128xf32, #tpu.memory_space<vmem>>, vector<512x128xf32>,
    %max3A_87 = arith.maximumf %get3A_32, %add3A_68 : vector<512x128xf32>
    %swap3A_88 = arith.constant 0 : index
    %swap3A_89 = arith.constant 0 : index
    %swap3A_90 = vector.load %arg15[%swap3A_88, %swap3A_89] : memref<512x128xf32, #tpu.memory_space<vmem>>, vector<512x128xf32>
    tpu.vector_store %arg15[%swap3A_88, %swap3A_89], %max3A_87 {strides = array<i32>} : memref<512x128xf32, #tpu.memory_space<vmem>>, vector<512x128xf32>,
    return
  }
  func.func @transform_0(%arg0: i32) -> (i32, i32) {
    %c0_i32 = arith.constant 0 : i32
    %c0_i32_0 = arith.constant 0 : i32
    return %arg0, %c0_i32 : i32, i32
  }
  func.func @transform_1(%arg0: i32) -> (i32, i32) {
    %c0_i32 = arith.constant 0 : i32
    %c0_i32_0 = arith.constant 0 : i32
    return %arg0, %c0_i32 : i32, i32
  }
  func.func @transform_2(%arg0: i32) -> (i32, i32) {
    %c0_i32 = arith.constant 0 : i32
    %c0_i32_0 = arith.constant 0 : i32
    return %arg0, %c0_i32 : i32, i32
  }
  func.func @transform_3(%arg0: i32) -> (i32, i32) {
    %c0_i32 = arith.constant 0 : i32
    %c0_i32_0 = arith.constant 0 : i32
    return %arg0, %c0_i32 : i32, i32
  }
  func.func @transform_4(%arg0: i32) -> (i32, i32) {
    %c0_i32 = arith.constant 0 : i32
    %c0_i32_0 = arith.constant 0 : i32
    %c0_i32_1 = arith.constant 0 : i32
    return %c0_i32, %c0_i32_0 : i32, i32
  }
  func.func @transform_5(%arg0: i32) -> (i32, i32) {
    %c0_i32 = arith.constant 0 : i32
    %c0_i32_0 = arith.constant 0 : i32
    %c0_i32_1 = arith.constant 0 : i32
    return %c0_i32, %c0_i32_0 : i32, i32
  }
  func.func @transform_6(%arg0: i32) -> (i32, i32) {
    %c0_i32 = arith.constant 0 : i32
    %c0_i32_0 = arith.constant 0 : i32
    %c0_i32_1 = arith.constant 0 : i32
    return %c0_i32, %c0_i32_0 : i32, i32
  }
  func.func @transform_7(%arg0: i32) -> (i32, i32) {
    %c0_i32 = arith.constant 0 : i32
    %c0_i32_0 = arith.constant 0 : i32
    %c0_i32_1 = arith.constant 0 : i32
    return %c0_i32, %c0_i32_0 : i32, i32
  }
  func.func @transform_8(%arg0: i32) -> (i32, i32) {
    %c0_i32 = arith.constant 0 : i32
    %c0_i32_0 = arith.constant 0 : i32
    %c0_i32_1 = arith.constant 0 : i32
    return %c0_i32, %c0_i32_0 : i32, i32
  }
  func.func @transform_9(%arg0: i32) -> (i32, i32) {
    %c0_i32 = arith.constant 0 : i32
    %c0_i32_0 = arith.constant 0 : i32
    %c0_i32_1 = arith.constant 0 : i32
    return %c0_i32, %c0_i32_0 : i32, i32
  }
  func.func @transform_10(%arg0: i32) -> (i32, i32) {
    %c0_i32 = arith.constant 0 : i32
    %c0_i32_0 = arith.constant 0 : i32
    %c0_i32_1 = arith.constant 0 : i32
    return %c0_i32, %c0_i32_0 : i32, i32
  }
  func.func @transform_11(%arg0: i32) -> (i32, i32) {
    %c0_i32 = arith.constant 0 : i32
    %c0_i32_0 = arith.constant 0 : i32
    %c0_i32_1 = arith.constant 0 : i32
    return %c0_i32, %c0_i32_0 : i32, i32
  }
  func.func @transform_12(%arg0: i32) -> (i32, i32) {
    %c0_i32 = arith.constant 0 : i32
    %c0_i32_0 = arith.constant 0 : i32
    return %arg0, %c0_i32 : i32, i32
  }
  func.func @transform_13(%arg0: i32) -> (i32, i32) {
    %c0_i32 = arith.constant 0 : i32
    %c0_i32_0 = arith.constant 0 : i32
    return %arg0, %c0_i32 : i32, i32
  }
  func.func @transform_14(%arg0: i32) -> (i32, i32) {
    %c0_i32 = arith.constant 0 : i32
    %c0_i32_0 = arith.constant 0 : i32
    return %arg0, %c0_i32 : i32, i32
  }
}

module attributes {stable_mosaic.version = 14 : i64} {
  func.func @_final_body(%arg0: i32, %arg1: memref<512x128xf32, #tpu.memory_space<vmem>>, %arg2: memref<512x128xf32, #tpu.memory_space<vmem>>, %arg3: memref<512x128xf32, #tpu.memory_space<vmem>>, %arg4: memref<512x128xf32, #tpu.memory_space<vmem>>, %arg5: memref<512x1xf32, #tpu.memory_space<vmem>>, %arg6: memref<128x128xf32, #tpu.memory_space<vmem>>, %arg7: memref<1x128xf32, #tpu.memory_space<vmem>>, %arg8: memref<128x128xf32, #tpu.memory_space<vmem>>, %arg9: memref<1x128xf32, #tpu.memory_space<vmem>>, %arg10: memref<128x128xf32, #tpu.memory_space<vmem>>, %arg11: memref<1x128xf32, #tpu.memory_space<vmem>>, %arg12: memref<128x128xf32, #tpu.memory_space<vmem>>, %arg13: memref<1x128xf32, #tpu.memory_space<vmem>>, %arg14: memref<512x128xf32, #tpu.memory_space<vmem>>) attributes {dimension_semantics = [#tpu.dimension_semantics<arbitrary>], iteration_bounds = array<i64: 20>, scalar_prefetch = 0 : i64, scratch_operands = 0 : i64, tpu.core_type = #tpu.core_type<tc>, window_params = [{transform_indices = @transform_0, window_bounds = array<i64: 512, 128>}, {transform_indices = @transform_1, window_bounds = array<i64: 512, 128>}, {transform_indices = @transform_2, window_bounds = array<i64: 512, 128>}, {transform_indices = @transform_3, window_bounds = array<i64: 512, 128>}, {transform_indices = @transform_4, window_bounds = array<i64: 512, 1>}, {pipeline_mode = #tpu.pipeline_mode<synchronous>, transform_indices = @transform_5, window_bounds = array<i64: 128, 128>}, {pipeline_mode = #tpu.pipeline_mode<synchronous>, transform_indices = @transform_6, window_bounds = array<i64: 1, 128>}, {pipeline_mode = #tpu.pipeline_mode<synchronous>, transform_indices = @transform_7, window_bounds = array<i64: 128, 128>}, {pipeline_mode = #tpu.pipeline_mode<synchronous>, transform_indices = @transform_8, window_bounds = array<i64: 1, 128>}, {pipeline_mode = #tpu.pipeline_mode<synchronous>, transform_indices = @transform_9, window_bounds = array<i64: 128, 128>}, {pipeline_mode = #tpu.pipeline_mode<synchronous>, transform_indices = @transform_10, window_bounds = array<i64: 1, 128>}, {pipeline_mode = #tpu.pipeline_mode<synchronous>, transform_indices = @transform_11, window_bounds = array<i64: 128, 128>}, {pipeline_mode = #tpu.pipeline_mode<synchronous>, transform_indices = @transform_12, window_bounds = array<i64: 1, 128>}, {transform_indices = @transform_13, window_bounds = array<i64: 512, 128>}]} {
    %get3A = arith.constant 0 : index
    %get3A_0 = arith.constant 0 : index
    %get3A_1 = vector.load %arg5[%get3A, %get3A_0] : memref<512x1xf32, #tpu.memory_space<vmem>>, vector<512x1xf32>
    %max3A = arith.constant 1.000000e+00 : f32
    %max3A_2 = vector.broadcast %max3A : f32 to vector<512x1xf32>
    %max3A_3 = arith.maximumf %get3A_1, %max3A_2 : vector<512x1xf32>
    %div3A = arith.constant 1.000000e+00 : f32
    %div3A_4 = vector.broadcast %div3A : f32 to vector<512x1xf32>
    %div3A_5 = arith.divf %div3A_4, %max3A_3 : vector<512x1xf32>
    %gt3A = arith.constant 0.000000e+00 : f32
    %gt3A_6 = vector.broadcast %gt3A : f32 to vector<512x1xf32>
    %gt3A_7 = arith.cmpf ogt, %get3A_1, %gt3A_6 : vector<512x1xf32>
    %convert_element_type3A = arith.extui %gt3A_7 : vector<512x1xi1> to vector<512x1xi32>
    %convert_element_type3A_8 = arith.sitofp %convert_element_type3A : vector<512x1xi32> to vector<512x1xf32>
    %get3A_9 = arith.constant 0 : index
    %get3A_10 = arith.constant 0 : index
    %get3A_11 = vector.load %arg3[%get3A_9, %get3A_10] : memref<512x128xf32, #tpu.memory_space<vmem>>, vector<512x128xf32>
    %get3A_12 = arith.constant 0 : index
    %get3A_13 = arith.constant 0 : index
    %get3A_14 = vector.load %arg4[%get3A_12, %get3A_13] : memref<512x128xf32, #tpu.memory_space<vmem>>, vector<512x128xf32>
    %add3A = arith.addf %get3A_11, %get3A_14 : vector<512x128xf32>
    %mul3A = vector.broadcast %div3A_5 : vector<512x1xf32> to vector<512x128xf32>
    %mul3A_15 = arith.mulf %add3A, %mul3A : vector<512x128xf32>
    %get3A_16 = arith.constant 0 : index
    %get3A_17 = arith.constant 0 : index
    %get3A_18 = vector.load %arg6[%get3A_16, %get3A_17] : memref<128x128xf32, #tpu.memory_space<vmem>>, vector<128x128xf32>
    %dot_general3A = arith.constant dense<0.000000e+00> : vector<512x128xf32>
    %dot_general3A_19 = tpu.matmul %mul3A_15, %get3A_18, %dot_general3A {dimension_numbers = #tpu.dot_dimension_numbers<[1], [0], [0], [1], [0, 0, 1, 1], [], []>, transpose_lhs_hint = false} : vector<512x128xf32>, vector<128x128xf32>, vector<512x128xf32> -> vector<512x128xf32>
    %mul3A_20 = arith.constant 2.000000e+00 : f32
    %mul3A_21 = vector.broadcast %mul3A_20 : f32 to vector<512x1xf32>
    %mul3A_22 = arith.mulf %mul3A_21, %convert_element_type3A_8 : vector<512x1xf32>
    %get3A_23 = arith.constant 0 : index
    %get3A_24 = arith.constant 0 : index
    %get3A_25 = vector.load %arg7[%get3A_23, %get3A_24] : memref<1x128xf32, #tpu.memory_space<vmem>>, vector<1x128xf32>
    %mul3A_26 = vector.broadcast %mul3A_22 : vector<512x1xf32> to vector<512x128xf32>
    %mul3A_27 = vector.broadcast %get3A_25 : vector<1x128xf32> to vector<512x128xf32>
    %mul3A_28 = arith.mulf %mul3A_26, %mul3A_27 : vector<512x128xf32>
    %add3A_29 = arith.addf %dot_general3A_19, %mul3A_28 : vector<512x128xf32>
    %get3A_30 = arith.constant 0 : index
    %get3A_31 = arith.constant 0 : index
    %get3A_32 = vector.load %arg1[%get3A_30, %get3A_31] : memref<512x128xf32, #tpu.memory_space<vmem>>, vector<512x128xf32>
    %get3A_33 = arith.constant 0 : index
    %get3A_34 = arith.constant 0 : index
    %get3A_35 = vector.load %arg8[%get3A_33, %get3A_34] : memref<128x128xf32, #tpu.memory_space<vmem>>, vector<128x128xf32>
    %get3A_36 = arith.constant 0 : index
    %get3A_37 = arith.constant 0 : index
    %get3A_38 = vector.load %arg9[%get3A_36, %get3A_37] : memref<1x128xf32, #tpu.memory_space<vmem>>, vector<1x128xf32>
    %get3A_39 = arith.constant 0 : index
    %get3A_40 = arith.constant 0 : index
    %get3A_41 = vector.load %arg10[%get3A_39, %get3A_40] : memref<128x128xf32, #tpu.memory_space<vmem>>, vector<128x128xf32>
    %dot_general3A_42 = arith.constant dense<0.000000e+00> : vector<512x128xf32>
    %dot_general3A_43 = tpu.matmul %get3A_32, %get3A_35, %dot_general3A_42 {dimension_numbers = #tpu.dot_dimension_numbers<[1], [0], [0], [1], [0, 0, 1, 1], [], []>, transpose_lhs_hint = false} : vector<512x128xf32>, vector<128x128xf32>, vector<512x128xf32> -> vector<512x128xf32>
    %add3A_44 = vector.broadcast %get3A_38 : vector<1x128xf32> to vector<512x128xf32>
    %add3A_45 = arith.addf %dot_general3A_43, %add3A_44 : vector<512x128xf32>
    %max3A_46 = arith.constant 0.000000e+00 : f32
    %max3A_47 = vector.broadcast %max3A_46 : f32 to vector<512x128xf32>
    %max3A_48 = arith.maximumf %add3A_45, %max3A_47 : vector<512x128xf32>
    %dot_general3A_49 = arith.constant dense<0.000000e+00> : vector<512x128xf32>
    %dot_general3A_50 = tpu.matmul %max3A_48, %get3A_41, %dot_general3A_49 {dimension_numbers = #tpu.dot_dimension_numbers<[1], [0], [0], [1], [0, 0, 1, 1], [], []>, transpose_lhs_hint = false} : vector<512x128xf32>, vector<128x128xf32>, vector<512x128xf32> -> vector<512x128xf32>
    %dot_general3A_51 = arith.constant dense<0.000000e+00> : vector<512x128xf32>
    %dot_general3A_52 = tpu.matmul %add3A_29, %get3A_35, %dot_general3A_51 {dimension_numbers = #tpu.dot_dimension_numbers<[1], [0], [0], [1], [0, 0, 1, 1], [], []>, transpose_lhs_hint = false} : vector<512x128xf32>, vector<128x128xf32>, vector<512x128xf32> -> vector<512x128xf32>
    %add3A_53 = vector.broadcast %get3A_38 : vector<1x128xf32> to vector<512x128xf32>
    %add3A_54 = arith.addf %dot_general3A_52, %add3A_53 : vector<512x128xf32>
    %max3A_55 = arith.constant 0.000000e+00 : f32
    %max3A_56 = vector.broadcast %max3A_55 : f32 to vector<512x128xf32>
    %max3A_57 = arith.maximumf %add3A_54, %max3A_56 : vector<512x128xf32>
    %dot_general3A_58 = arith.constant dense<0.000000e+00> : vector<512x128xf32>
    %dot_general3A_59 = tpu.matmul %max3A_57, %get3A_41, %dot_general3A_58 {dimension_numbers = #tpu.dot_dimension_numbers<[1], [0], [0], [1], [0, 0, 1, 1], [], []>, transpose_lhs_hint = false} : vector<512x128xf32>, vector<128x128xf32>, vector<512x128xf32> -> vector<512x128xf32>
    %add3A_60 = arith.addf %dot_general3A_50, %dot_general3A_59 : vector<512x128xf32>
    %get3A_61 = arith.constant 0 : index
    %get3A_62 = arith.constant 0 : index
    %get3A_63 = vector.load %arg11[%get3A_61, %get3A_62] : memref<1x128xf32, #tpu.memory_space<vmem>>, vector<1x128xf32>
    %mul3A_64 = arith.constant 2.000000e+00 : f32
    %mul3A_65 = vector.broadcast %mul3A_64 : f32 to vector<1x128xf32>
    %mul3A_66 = arith.mulf %mul3A_65, %get3A_63 : vector<1x128xf32>
    %add3A_67 = vector.broadcast %mul3A_66 : vector<1x128xf32> to vector<512x128xf32>
    %add3A_68 = arith.addf %add3A_60, %add3A_67 : vector<512x128xf32>
    %get3A_69 = arith.constant 0 : index
    %get3A_70 = arith.constant 0 : index
    %get3A_71 = vector.load %arg2[%get3A_69, %get3A_70] : memref<512x128xf32, #tpu.memory_space<vmem>>, vector<512x128xf32>
    %max3A_72 = arith.maximumf %get3A_71, %add3A_68 : vector<512x128xf32>
    %get3A_73 = arith.constant 0 : index
    %get3A_74 = arith.constant 0 : index
    %get3A_75 = vector.load %arg12[%get3A_73, %get3A_74] : memref<128x128xf32, #tpu.memory_space<vmem>>, vector<128x128xf32>
    %dot_general3A_76 = arith.constant dense<0.000000e+00> : vector<512x128xf32>
    %dot_general3A_77 = tpu.matmul %max3A_72, %get3A_75, %dot_general3A_76 {dimension_numbers = #tpu.dot_dimension_numbers<[1], [0], [0], [1], [0, 0, 1, 1], [], []>, transpose_lhs_hint = false} : vector<512x128xf32>, vector<128x128xf32>, vector<512x128xf32> -> vector<512x128xf32>
    %get3A_78 = arith.constant 0 : index
    %get3A_79 = arith.constant 0 : index
    %get3A_80 = vector.load %arg13[%get3A_78, %get3A_79] : memref<1x128xf32, #tpu.memory_space<vmem>>, vector<1x128xf32>
    %add3A_81 = vector.broadcast %get3A_80 : vector<1x128xf32> to vector<512x128xf32>
    %add3A_82 = arith.addf %dot_general3A_77, %add3A_81 : vector<512x128xf32>
    %swap3A = arith.constant 0 : index
    %swap3A_83 = arith.constant 0 : index
    %swap3A_84 = vector.load %arg14[%swap3A, %swap3A_83] : memref<512x128xf32, #tpu.memory_space<vmem>>, vector<512x128xf32>
    tpu.vector_store %arg14[%swap3A, %swap3A_83], %add3A_82 {strides = array<i32>} : memref<512x128xf32, #tpu.memory_space<vmem>>, vector<512x128xf32>,
    return
  }
  func.func @transform_0(%arg0: i32) -> (i32, i32) {
    %c0_i32 = arith.constant 0 : i32
    %c0_i32_0 = arith.constant 0 : i32
    return %arg0, %c0_i32 : i32, i32
  }
  func.func @transform_1(%arg0: i32) -> (i32, i32) {
    %c0_i32 = arith.constant 0 : i32
    %c0_i32_0 = arith.constant 0 : i32
    return %arg0, %c0_i32 : i32, i32
  }
  func.func @transform_2(%arg0: i32) -> (i32, i32) {
    %c0_i32 = arith.constant 0 : i32
    %c0_i32_0 = arith.constant 0 : i32
    return %arg0, %c0_i32 : i32, i32
  }
  func.func @transform_3(%arg0: i32) -> (i32, i32) {
    %c0_i32 = arith.constant 0 : i32
    %c0_i32_0 = arith.constant 0 : i32
    return %arg0, %c0_i32 : i32, i32
  }
  func.func @transform_4(%arg0: i32) -> (i32, i32) {
    %c0_i32 = arith.constant 0 : i32
    %c0_i32_0 = arith.constant 0 : i32
    return %arg0, %c0_i32 : i32, i32
  }
  func.func @transform_5(%arg0: i32) -> (i32, i32) {
    %c0_i32 = arith.constant 0 : i32
    %c0_i32_0 = arith.constant 0 : i32
    %c0_i32_1 = arith.constant 0 : i32
    return %c0_i32, %c0_i32_0 : i32, i32
  }
  func.func @transform_6(%arg0: i32) -> (i32, i32) {
    %c0_i32 = arith.constant 0 : i32
    %c0_i32_0 = arith.constant 0 : i32
    %c0_i32_1 = arith.constant 0 : i32
    return %c0_i32, %c0_i32_0 : i32, i32
  }
  func.func @transform_7(%arg0: i32) -> (i32, i32) {
    %c0_i32 = arith.constant 0 : i32
    %c0_i32_0 = arith.constant 0 : i32
    %c0_i32_1 = arith.constant 0 : i32
    return %c0_i32, %c0_i32_0 : i32, i32
  }
  func.func @transform_8(%arg0: i32) -> (i32, i32) {
    %c0_i32 = arith.constant 0 : i32
    %c0_i32_0 = arith.constant 0 : i32
    %c0_i32_1 = arith.constant 0 : i32
    return %c0_i32, %c0_i32_0 : i32, i32
  }
  func.func @transform_9(%arg0: i32) -> (i32, i32) {
    %c0_i32 = arith.constant 0 : i32
    %c0_i32_0 = arith.constant 0 : i32
    %c0_i32_1 = arith.constant 0 : i32
    return %c0_i32, %c0_i32_0 : i32, i32
  }
  func.func @transform_10(%arg0: i32) -> (i32, i32) {
    %c0_i32 = arith.constant 0 : i32
    %c0_i32_0 = arith.constant 0 : i32
    %c0_i32_1 = arith.constant 0 : i32
    return %c0_i32, %c0_i32_0 : i32, i32
  }
  func.func @transform_11(%arg0: i32) -> (i32, i32) {
    %c0_i32 = arith.constant 0 : i32
    %c0_i32_0 = arith.constant 0 : i32
    %c0_i32_1 = arith.constant 0 : i32
    return %c0_i32, %c0_i32_0 : i32, i32
  }
  func.func @transform_12(%arg0: i32) -> (i32, i32) {
    %c0_i32 = arith.constant 0 : i32
    %c0_i32_0 = arith.constant 0 : i32
    %c0_i32_1 = arith.constant 0 : i32
    return %c0_i32, %c0_i32_0 : i32, i32
  }
  func.func @transform_13(%arg0: i32) -> (i32, i32) {
    %c0_i32 = arith.constant 0 : i32
    %c0_i32_0 = arith.constant 0 : i32
    return %arg0, %c0_i32 : i32, i32
  }
}

</mosaic_0001>

<sc_bundles>
// kernel: kernel.12.cloned.1.call-start
scs
__scs_entry_jumppad:
0x0: {  	(pc) =	sbr.rel $0x88, $3  }
0x1: {  	(tag) =	ssettag $0x0;
	lr =	simm.s32 $0x1  }
0x2: {  	[smem:$0x3F88] =	sst lr;
	_ =	strace $0xD0000000  }
0x3: {  	_ = 	snop  }
0x4: {  	_ = 	snop  }
0x5: {  	_ = 	snop  }
0x6: {  	_ = 	snop  }
0x7: {  	_ = 	snop  }
__scs_overlays_trampoline_lowered:
0x8: {  	[smem:$0x3F97] =	sst s0  }
0x9: {  	[smem:$0x3F98] =	sst s1  }
0xa: {  	[smem:$0x3F99] =	sst s2  }
0xb: {  	[smem:$0x3F9A] =	sst s3  }
0xc: {  	[smem:$0x3F9B] =	sst s4  }
0xd: {  	[smem:$0x3F9C] =	sst s5  }
0xe: {  	[smem:$0x3F9D] =	sst s6  }
0xf: {  	[smem:$0x3F9E] =	sst s7  }
0x10: {  	[smem:$0x3F9F] =	sst s8  }
0x11: {  	[smem:$0x3FA0] =	sst s9;
	s0 =	simm.s32 @!p0 $0x0  }
0x12: {  	s1 =	sld [smem:$0x3F86];
	s0 =	simm.s32 @p0 $0x1  }
0x13: {  	[smem:$0x3FA1] =	sst s0;
	s0 =	simm.s32 @!p1 $0x0  }
0x14: {  	s2 =	sld [smem:$0x3F85];
	s0 =	simm.s32 @p1 $0x1  }
0x15: {  	[smem:$0x3FA2] =	sst s0;
	s0 =	simm.s32 @!p2 $0x0  }
0x16: {  	s3 =	sld [smem:$0x3FDB];
	s0 =	simm.s32 @p2 $0x1  }
0x17: {  	s4 =	simm.s32 $0x1BF5;
	[smem:$0x3FA4] =	sst s0  }
0x18: {  	s0 =	sld [smem:$0x3F87];
	_ =	swait.ge [sflag:s4], $0x0  }
0x19: {  	s7 =	sld [smem:$0x3F88]  }
0x1a: {  	s8 =	sadd.s32 $0xFFFFE003, lr  }
0x1b: {  	s9 =	sadd.s32 $0xFFFFFEF7, lr;
	s5 =	simm.s32 $0xFFFFFFFF;
	p2 =	slt.u32 s8, $0xFFFFF086  }
0x1c: {  	p1 =	slt.u32 s9, $0xF7A;
	s5 =	simm.s32 @!p2 $0x0  }
0x1d: {  	s5 =	simm.s32 @p1 $0x1;
	p0 =	seq.s32 s7, s2  }
0x1e: {  	s7 =	smul.u32 @!p0 $0xF7A, s2;
	p2 =	seq.s32 @!p0 s5, $0x0  }
0x1f: {  	s9 =	smul.u32 $0xF7A, s1;
	s8 =	simm.s32 @!p0 $0x1BF5;
	p2 =	por !p2, p0  }
0x20: {  	[sflag:s8] =	ssyncset.s32 @!p0 $0xFFFFF086;
	s6 =	sadd.s32 @!p0 s3, s7;
	s7 =	simm.s32 @!p0 $0x108  }
0x21: {  	s3 =	sadd.s32 s3, s9;
	s6 =	sadd.s32 @!p0 $0x88, s6;
	s7 =	simm.s32 @p2 $0x1082  }
0x22: {  	[simem:s7], [sflag:s8] =	dma.local @!p0 [hbm:s6], $0xF7A  }
0x23: {  	s9 =	sor.u32 $0xD0000000, s2;
	s6 =	simm.s32 $0x108;
	_ =	swait.ge @!p0 [sflag:s8], $0x0  }
0x24: {  	s3 =	sadd.s32 $0x88, s3;
	s6 =	simm.s32 @!p1 $0x1082;
	[sflag:s4] =	ssyncset.s32 $0xFFFFF086  }
0x25: {  	[simem:s6], [sflag:s4] =	dma.local [hbm:s3], $0xF7A  }
0x26: {  	[smem:$0x3F88] =	sst s1;
	(tag) =	ssettag s2;
	_ =	strace s9  }
0x27: {  	s1 =	sld [smem:$0x3F98]  }
0x28: {  	s2 =	sld [smem:$0x3F99]  }
0x29: {  	s4 =	sld [smem:$0x3F9B]  }
0x2a: {  	p0 =	seq.s32 s5, $0x0;
	s5 =	sld [smem:$0x3F9C]  }
0x2b: {  	s6 =	sld [smem:$0x3F9D]  }
0x2c: {  	s7 =	sld [smem:$0x3F9E]  }
0x2d: {  	s3 =	simm.s32 $0x108;
	s8 =	sld [smem:$0x3F9F]  }
0x2e: {  	s3 =	simm.s32 @!p0 $0x1082;
	s9 =	sld [smem:$0x3FA0]  }
0x2f: {  	lr =	sadd.s32 s0, s3;
	s0 =	sld [smem:$0x3F97]  }
0x30: {  	s3 =	sld [smem:$0x3F9A]  }
0x31: {  	[smem:$0x3FA3] =	sst s10  }
0x32: {  	s10 =	sld [smem:$0x3FA1];
	_ =	sdelay $0x3  }
0x33: {  	p0 =	seq.s32 s10, $0x1;
	s10 =	sld [smem:$0x3FA3];
	_ =	sdelay $0x3  }
0x34: {  	[smem:$0x3FA3] =	sst s10  }
0x35: {  	s10 =	sld [smem:$0x3FA2];
	_ =	sdelay $0x3  }
0x36: {  	p1 =	seq.s32 s10, $0x1;
	s10 =	sld [smem:$0x3FA3];
	_ =	sdelay $0x3  }
0x37: {  	[smem:$0x3FA3] =	sst s10  }
0x38: {  	s10 =	sld [smem:$0x3FA4]  }
0x39: {  	_ = 	snop;
	(pc) =	sbr.ind lr, $3  }
0x3a: {  	_ = 	snop  }
0x3b: {  	_ = 	snop  }
0x3c: {  	p2 =	seq.s32 s10, $0x1;
	s10 =	sld [smem:$0x3FA3]  }
0x3d: {  	_ =	shalt  }
0x3e: {  	_ =	shalt  }
0x3f: {  	_ =	shalt  }
0x40: {  	_ =	shalt  }
0x41: {  	_ =	shalt  }
0x42: {  	_ =	shalt  }
0x43: {  	_ =	shalt  }
0x44: {  	_ =	shalt  }
0x45: {  	_ =	shalt  }
0x46: {  	_ =	shalt  }
0x47: {  	_ =	shalt  }
0x48: {  	_ =	shalt  }
0x49: {  	_ =	shalt  }
0x4a: {  	_ =	shalt  }
0x4b: {  	_ =	shalt  }
0x4c: {  	_ =	shalt  }
0x4d: {  	_ =	shalt  }
0x4e: {  	_ =	shalt  }
0x4f: {  	_ =	shalt  }
0x50: {  	_ =	shalt  }
0x51: {  	_ =	shalt  }
0x52: {  	_ =	shalt  }
0x53: {  	_ =	shalt  }
0x54: {  	_ =	shalt  }
0x55: {  	_ =	shalt  }
0x56: {  	_ =	shalt  }
0x57: {  	_ =	shalt  }
0x58: {  	_ =	shalt  }
0x59: {  	_ =	shalt  }
0x5a: {  	_ =	shalt  }
0x5b: {  	_ =	shalt  }
0x5c: {  	_ =	shalt  }
0x5d: {  	_ =	shalt  }
0x5e: {  	_ =	shalt  }
0x5f: {  	_ =	shalt  }
0x60: {  	_ =	shalt  }
0x61: {  	_ =	shalt  }
0x62: {  	_ =	shalt  }
0x63: {  	_ =	shalt  }
0x64: {  	_ =	shalt  }
0x65: {  	_ =	shalt  }
0x66: {  	_ =	shalt  }
0x67: {  	_ =	shalt  }
0x68: {  	_ =	shalt  }
0x69: {  	_ =	shalt  }
0x6a: {  	_ =	shalt  }
0x6b: {  	_ =	shalt  }
0x6c: {  	_ =	shalt  }
0x6d: {  	_ =	shalt  }
0x6e: {  	_ =	shalt  }
0x6f: {  	_ =	shalt  }
0x70: {  	_ =	shalt  }
0x71: {  	_ =	shalt  }
0x72: {  	_ =	shalt  }
0x73: {  	_ =	shalt  }
0x74: {  	_ =	shalt  }
0x75: {  	_ =	shalt  }
0x76: {  	_ =	shalt  }
0x77: {  	_ =	shalt  }
0x78: {  	_ =	shalt  }
0x79: {  	_ =	shalt  }
0x7a: {  	_ =	shalt  }
0x7b: {  	_ =	shalt  }
0x7c: {  	_ =	shalt  }
0x7d: {  	_ =	shalt  }
0x7e: {  	_ =	shalt  }
0x7f: {  	_ =	shalt  }
0x80: {  	_ =	shalt  }
0x81: {  	_ =	shalt  }
0x82: {  	_ =	shalt  }
0x83: {  	_ =	shalt  }
0x84: {  	_ =	shalt  }
0x85: {  	_ =	shalt  }
0x86: {  	_ =	shalt  }
0x87: {  	_ =	shalt  }
.Lfunc_end0:
.L_simem_size_0:
called_computation.1_lowered:
.L_overlay_start_0:
0x88: {  	s2 =	sld [smem:$0x3FD9]  }
0x89: {  	s3 =	sld [smem:$0x3FFE];
	_ =	sdelay $0x1  }
0x8a: {  	s1 =	srdreg.scid  }
0x8b: {  	s0 =	sand.u32 $0x1, s1  }
0x8c: {  	s17 =	sshll.u32 s0, $0xA;
	s2 =	sadd.s32 s3, s2  }
0x8d: {  	s2 =	sadd.s32 s2, s17  }
0x8e: {  	[smem:$0x3FAF] =	sst s2  }
0x8f: {  	_ = 	snop  }
0x90: {  	s2 =	sld [smem:$0x3FD0];
	(tm) =	ssettm $0x1  }
0x91: {  	s18 =	sld [smem:$0x3FFB];
	_ =	sdelay $0x3  }
0x92: {  	_ =	strace s18  }
0x93: {  	s3 =	sld [smem:$0x3FFC];
	_ =	sdelay $0x3  }
0x94: {  	_ =	strace s3  }
0x95: {  	s3 =	sld [smem:$0x3FFD];
	_ =	sdelay $0x3  }
0x96: {  	_ =	strace s3  }
0x97: {  	_ =	strace $0x8FFFFFFF  }
0x98: {  	s19 =	sld [smem:$0x3FDB];
	_ =	sdelay $0x1  }
0x99: {  	s4 =	simm.s32 $_scs_section_size  }
0x9a: {  	s5 =	simm.s32 $_size__tile_overlayer_lowered;
	s6 =	simm.s32 $_tile_overlayer_lowered  }
0x9b: {  	s22 =	simm.s32 $0x1BFF;
	s21 =	sshll.u32 s6, $0x1;
	s3 =	sadd.s32 s4, s19  }
0x9c: {  	s7 =	simm.s32 $0x0;
	s20 =	sshll.u32 s5, $0x1;
	s5 =	sadd.s32 s21, s3  }
0x9d: {  	[timem:s7], [sflag:s22] =	dma.local [hbm:s5], s20  }
0x9e: {  	_ =	swait.ge [sflag:s22], s20  }
0x9f: {  	s4 =	ssub.s32 $0x0, s20;
	[sflag:s22] =	ssyncset.done $0x0  }
0xa0: {  	[sflag:s22] =	ssyncadd.s32 s4;
	_ =	sdelay $0x1  }
0xa1: {  	s23 =	simm.s32 $0x1B8B  }
0xa2: {  	_ =	swait.ge [sflag:s23], $0x1  }
0xa3: {  	[sflag:s23] =	ssyncset.done $0x0  }
0xa4: {  	s25 =	simm.s32 $0x1B8E;
	s24 =	sld [smem:$0x3FFE];
	[sflag:s23] =	ssyncadd.s32 $0xFFFFFFFF  }
0xa5: {  	s26 =	simm.s32 $execute0_lowered;
	[smem:$0x3FD2] =	sst s25  }
0xa6: {  	s5 =	sshll.u32 s26, $0x1;
	_ =	strace $0x80000049;
	[dreg:$0x1] =	wrdreg $0xFFFFFFFF  }
0xa7: {  	s28 =	simm.s32 $_size_execute0_lowered;
	s3 =	sadd.s32 s3, s5;
	[dreg:$0x0] =	wrdreg $0x0  }
0xa8: {  	s5 =	sshll.u32 s28, $0x1;
	[dreg:$0x2] =	wrdreg s3  }
0xa9: {  	[dreg:$0x3] =	wrdreg s5  }
0xaa: {  	[dreg:$0x4] =	wrdreg $0xC0  }
0xab: {  	_ =	task [dreg:s7], $0x5FFFF  }
0xac: {  	[dreg:$0x1] =	wrdreg $0xFFFFFFFF  }
0xad: {  	[dreg:$0x0] =	wrdreg $0x60  }
0xae: {  	[dreg:$0x2] =	wrdreg s24  }
0xaf: {  	[dreg:$0x3] =	wrdreg s2  }
0xb0: {  	[dreg:$0x4] =	wrdreg $0xA4800  }
0xb1: {  	[dreg:$0x5] =	wrdreg $0x1E4800  }
0xb2: {  	[dreg:$0x6] =	wrdreg $0x9  }
0xb3: {  	_ =	task.clear_ibuf [dreg:s7], $0x7FFFF;
	_ =	strace $0x90000049  }
0xb4: {  	s29 =	simm.s32 $0x9;
	_ =	strace $0x8000004B  }
0xb5: {  	_ =	swait.ge [sflag:s29], $0x1  }
0xb6: {  	[sflag:s29] =	ssyncadd.s32 $0xFFFFFFFF  }
0xb7: {  	_ =	strace $0x9000004B  }
0xb8: {  	_ =	sfence  }
0xb9: {  	s30 =	sld [smem:$0x0];
	_ =	sdelay $0x2  }
0xba: {  	s31 =	sshll.u32 s1, $0xD;
	s1 =	sshrl.u32 s1, $0x2  }
0xbb: {  	s3 =	sand.u32 $0x4000, s31;
	s1 =	sadd.s32 s1, s30  }
0xbc: {  	s0 =	sor.u32 s3, s0;
	s1 =	sshll.u32 s1, $0x11  }
0xbd: {  	s0 =	sor.u32 s1, s0  }
0xbe: {  	s0 =	sadd.s32 $0x8F2B, s0  }
0xbf: {  	[sflag:s0] =	ssyncadd.remote.s32 $0x1  }
0xc0: {  	_ =	sfence.sel $0xFFFF  }
0xc1: {  	[dreg:$0x0] =	wrdreg $0xFFFFFFFF;
	(pc) =	sbr.abs _section_cstart, $3  }
0xc2: {  	[dreg:$0x1] =	wrdreg $0xFFFFFFFF  }
0xc3: {  	_ =	task.clear_ibuf [dreg:s7], $0x2FFFF;
	_ =	strace $0x9FFFFFFF  }
0xc4: {  	(tm) =	ssettm $0x7FFFFFFF  }
0xc5: {  	_ =	shalt  }
tec
execute0_lowered:
.L_overlay_start_1:
0x0: {  	(tag) =	ssettag $0x1  }
0x1: {  	s1 =	rddreg [dreg:$0x0]  }
0x2: {  	s5 =	rddreg [dreg:$0x1];
	s18 =	stileid.u32  }
0x3: {  	s2 =	rddreg [dreg:$0x2];
	s7 =	smul.u32 $0x14000, s18  }
0x4: {  	s3 =	srdreg.scid;
	s10 =	smul.u32 $0x50000, s18  }
0x5: {  	s0 =	rddreg [dreg:$0x3];
	s15 =	smul.u32 $0x280, s18  }
0x6: {  	s28 =	simm.s32 $0x0;
	s6 =	sand.u32 $0x1, s3;
	s14 =	smul.u32 $0x4E200, s18  }
0x7: {  	s3 =	simm.s32 $0x0;
	s8 =	sadd.s32 $0x5A00, s1;
	s29 =	smul.u32 $0x4E20, s18  }
0x8: {  	s9 =	sadd.s32 $0xA74400, s1;
	s12 =	sshll.u32 s18, $0x1;
	s4 =	smul.u32 $0x140000, s6  }
0x9: {  	[smem:$0x7FF] =	sst s3;
	s24 =	ssub.s32 $0x2, s6;
	s20 =	smul.u32 $0x2710, s6  }
0xa: {  	s25 =	sor.u32 s6, s12;
	s6 =	smul.u32 $0x27100, s6;
	_ =	strace $0x8000004A  }
0xb: {  	s11 =	sshrl.u32 s24, $0x1;
	s10 =	sshrl.u32 s10, $0x2;
	s12 =	smul.u32 $0x2710, s25  }
0xc: {  	s16 =	sadd.s32 $0xA0, s15;
	s17 =	sadd.s32 $0xF0, s15;
	s18 =	sadd.s32 $0x140, s15  }
0xd: {  	s19 =	sadd.s32 $0x190, s15;
	s7 =	sadd.s32 s7, s4;
	s4 =	sadd.s32 $0x5B9800, s1  }
0xe: {  	s31 =	sadd.s32 s10, s2;
	s10 =	sor.u32 $0x50, s15;
	s26 =	sshll.u32 s16, $0x7  }
0xf: {  	s16 =	sadd.s32 s16, s0;
	s7 =	sshrl.u32 s7, $0x3;
	s13 =	sshll.u32 s10, $0x7  }
0x10: {  	s12 =	sshrl.u32 s12, $0x3;
	[dreg:$0x12] =	wrdreg s16;
	s16 =	simm.s32 $0x300  }
0x11: {  	[dreg:$0x5] =	wrdreg s31;
	s1 =	sadd.s32 s7, s1;
	s7 =	ssub.s32 s24, s11  }
0x12: {  	s11 =	smul.u32 $0x27100, s25;
	s13 =	sadd.s32 s13, s2;
	s30 =	sadd.s32 s8, s12  }
0x13: {  	s24 =	sshll.u32 s17, $0x7;
	s25 =	sshll.u32 s18, $0x7;
	[dreg:$0x6] =	wrdreg s13  }
0x14: {  	s13 =	sadd.s32 s26, s2;
	[dreg:$0x9] =	wrdreg s30;
	s26 =	sshll.u32 s19, $0x7  }
0x15: {  	[dreg:$0x7] =	wrdreg s13;
	s11 =	sadd.s32 s9, s11;
	s9 =	sadd.s32 s14, s9  }
0x16: {  	s14 =	sadd.s32 s20, s29;
	s20 =	sadd.s32 s5, s12;
	s12 =	sadd.s32 $0xA, s12  }
0x17: {  	s29 =	sadd.s32 s25, s2;
	s30 =	sadd.s32 s26, s2;
	[dreg:$0x8] =	wrdreg s11  }
0x18: {  	s26 =	sadd.s32 $0x631800, s1;
	s1 =	simm.s32 $0x9;
	[dreg:$0xa] =	wrdreg s20  }
0x19: {  	s11 =	sadd.s32 $0xA0, s14;
	s6 =	sadd.s32 s6, s9;
	[dreg:$0xe] =	wrdreg s29  }
0x1a: {  	s21 =	sadd.s32 s8, s12;
	s23 =	sadd.s32 s5, s12;
	[dreg:$0xf] =	wrdreg s30  }
0x1b: {  	s12 =	sadd.s32 s15, s0;
	s20 =	sadd.s32 s17, s0;
	[dreg:$0x1a] =	wrdreg s26  }
0x1c: {  	s29 =	smax.u32 s7, $0x1;
	s7 =	simm.s32 $0x200;
	[dreg:$0xb] =	wrdreg s21  }
0x1d: {  	s9 =	simm.s32 $0x280;
	s17 =	simm.s32 $0x2;
	[dreg:$0xc] =	wrdreg s23  }
0x1e: {  	s26 =	simm.s32 $0x4;
	s22 =	sshrl.u32 s11, $0x3;
	[dreg:$0x10] =	wrdreg s12  }
0x1f: {  	s11 =	sadd.s32 $0x230, s15;
	[dreg:$0x13] =	wrdreg s20;
	s21 =	sadd.s32 s18, s0  }
0x20: {  	[dreg:$0x1b] =	wrdreg s29;
	s30 =	sadd.s32 $0x500, s6;
	s6 =	simm.s32 $0xA400  }
0x21: {  	s12 =	simm.s32 $0x5400;
	s18 =	simm.s32 $0x2C00;
	s20 =	simm.s32 $0x5  }
0x22: {  	s13 =	sadd.s32 s22, s5;
	s14 =	sadd.s32 s22, s8;
	[dreg:$0x14] =	wrdreg s21  }
0x23: {  	s5 =	sadd.s32 s24, s2;
	s8 =	sadd.s32 $0x1E0, s15;
	[dreg:$0x1c] =	wrdreg s30  }
0x24: {  	s15 =	sadd.s32 s10, s0;
	s22 =	sadd.s32 s19, s0;
	[dreg:$0xd] =	wrdreg s5  }
0x25: {  	s24 =	sshll.u32 s11, $0x7;
	s10 =	simm.s32 $0x1;
	[dreg:$0x11] =	wrdreg s15  }
0x26: {  	s19 =	simm.s32 $0x7C00;
	s21 =	simm.s32 $0x180;
	[dreg:$0x15] =	wrdreg s22  }
0x27: {  	s23 =	sshll.u32 s8, $0x7;
	s5 =	sadd.s32 s8, s0;
	s0 =	sadd.s32 s11, s0  }
.Ltmp0:
0x28: {  	s8 =	simm.s32 $0x80;
	s11 =	simm.s32 $0x50;
	(pc) =	sbr.rel .LBB2_1-.Ltmp0, $4  }
0x29: {  	s15 =	simm.s32 $0x100;
	s22 =	simm.s32 $0x380;
	[dreg:$0x16] =	wrdreg s5  }
0x2a: {  	[dreg:$0x17] =	wrdreg s0;
	s25 =	sadd.s32 s23, s2;
	s0 =	sadd.s32 s24, s2  }
0x2b: {  	s23 =	simm.s32 $0x3;
	s24 =	simm.s32 $0x6;
	[dreg:$0x18] =	wrdreg s25  }
0x2c: {  	v0 =	vimm.f32 $0.0e+00;
	v1 =	vimm.f32 $1.000000000e+00;
	[dreg:$0x19] =	wrdreg s0;
	s0 =	simm.s32 $0x400;
	s25 =	simm.s32 $0x7  }
.LBB2_28:
0x2d: {  	_ =	swait.ge [sflag:s25], $0x2800  }
0x2e: {  	[sflag:s25] =	ssyncset.done $0x0  }
0x2f: {  	[sflag:s25] =	ssyncadd.s32 $0xFFFFD800  }
0x30: {  	_ =	swait.ge [sflag:s25], $0x2800  }
0x31: {  	[sflag:s25] =	ssyncset.done $0x0  }
0x32: {  	[sflag:s25] =	ssyncadd.s32 $0xFFFFD800  }
0x33: {  	s5 =	stileid.u32;
	[bflag:$0x0] =	sbarrier.arrive $0xFFFF  }
0x34: {  	s5 =	sshll.u32 s5, $0x6;
	s31 =	rddreg [dreg:$0x5]  }
0x35: {  	s5 =	sor.u32 $0x1C09, s5;
	s30 =	rddreg [dreg:$0x1a];
	s29 =	sshrl.u32 s31, $0x3  }
0x36: {  	[hbm:s30], [sflag:s5] =	dma.local [spmem:s29], $0x2800  }
0x37: {  	_ =	swait.ge [sflag:s1], $0x2800  }
0x38: {  	s28 =	sadd.s32 $0x1, s28;
	s30 =	rddreg [dreg:$0x1b]  }
0x39: {  	p0 =	sne.s32 s28, s30  }
.Ltmp1:
0x3a: {  	_ = 	snop;
	(pc) =	sbr.rel @!p0 .LBB2_29-.Ltmp1, $3  }
0x3b: {  	_ =	sdelay $0x1  }
0x3c: {  	[sflag:s1] =	ssyncset.done $0x0  }
0x3d: {  	[sflag:s1] =	ssyncadd.s32 $0xFFFFD800  }
.LBB2_1:
0x3e: {  	s29 =	simm.s32 $0x70;
	s30 =	simm.s32 $0x3C0  }
.LBB2_2:
0x3f: {  	p0 =	sne.s32 s30, $0x9FC0;
	[tilespmem:s29+$0x400] =	vst v0  }
0x40: {  	[tilespmem:s29+$0x390] =	vst v0  }
0x41: {  	[tilespmem:s29+$0x3A0] =	vst v0  }
.Ltmp2:
0x42: {  	[tilespmem:s29+$0x3B0] =	vst v0;
	(pc) =	sbr.rel @p0 .LBB2_2-.Ltmp2, $4  }
0x43: {  	[tilespmem:s29+$0x3C0] =	vst v0  }
0x44: {  	[tilespmem:s29+$0x3D0] =	vst v0  }
0x45: {  	[tilespmem:s29+$0x3E0] =	vst v0  }
0x46: {  	[tilespmem:s29+$0x3F0] =	vst v0;
	s29 =	sshra.s32 s30, $0x2;
	s30 =	sadd.s32 $0x200, s30  }
0x47: {  	[tilespmem:s29+$0x400] =	vst v0  }
0x48: {  	[tilespmem:s29+$0x390] =	vst v0  }
0x49: {  	[tilespmem:s29+$0x3A0] =	vst v0  }
0x4a: {  	[tilespmem:s29+$0x3B0] =	vst v0  }
0x4b: {  	[tilespmem:s29+$0x3C0] =	vst v0  }
0x4c: {  	[tilespmem:s29+$0x3D0] =	vst v0  }
0x4d: {  	[tilespmem:s29+$0x3E0] =	vst v0  }
0x4e: {  	[tilespmem:s29+$0x3F0] =	vst v0  }
0x4f: {  	[spmem:s31] =	stream.linear.scatter [tilespmem:s0], [sflag:$0x9], $0x2800, $0x38;
	[tilespmem:$0x1E700] =	vst v63  }
0x50: {  	_ =	swait.ge [sflag:s1], $0x2800  }
0x51: {  	[sflag:s1] =	ssyncset.done $0x0  }
0x52: {  	s5 =	rddreg [dreg:$0x6];
	[sflag:s1] =	ssyncadd.s32 $0xFFFFD800  }
0x53: {  	[spmem:s5] =	stream.linear.scatter [tilespmem:s0], [sflag:$0x9], $0x2800, $0x38;
	[tilespmem:$0x1E700] =	vst v63  }
0x54: {  	_ =	swait.ge [sflag:s1], $0x2800  }
0x55: {  	[sflag:s1] =	ssyncset.done $0x0  }
0x56: {  	s5 =	rddreg [dreg:$0x7];
	[sflag:s1] =	ssyncadd.s32 $0xFFFFD800  }
0x57: {  	[spmem:s5] =	stream.linear.scatter [tilespmem:s0], [sflag:$0x9], $0x2800, $0x38;
	[tilespmem:$0x1E700] =	vst v63  }
0x58: {  	_ =	swait.ge [sflag:s1], $0x2800  }
0x59: {  	[sflag:s1] =	ssyncset.done $0x0  }
0x5a: {  	s5 =	rddreg [dreg:$0xd];
	[sflag:s1] =	ssyncadd.s32 $0xFFFFD800  }
0x5b: {  	[spmem:s5] =	stream.linear.scatter [tilespmem:s0], [sflag:$0x9], $0x2800, $0x38;
	[tilespmem:$0x1E700] =	vst v63  }
0x5c: {  	_ =	swait.ge [sflag:s1], $0x2800  }
0x5d: {  	[sflag:s1] =	ssyncset.done $0x0  }
0x5e: {  	s5 =	rddreg [dreg:$0xe];
	[sflag:s1] =	ssyncadd.s32 $0xFFFFD800  }
0x5f: {  	[spmem:s5] =	stream.linear.scatter [tilespmem:s0], [sflag:$0x9], $0x2800, $0x38;
	[tilespmem:$0x1E700] =	vst v63  }
0x60: {  	_ =	swait.ge [sflag:s1], $0x2800  }
0x61: {  	[sflag:s1] =	ssyncset.done $0x0  }
0x62: {  	s5 =	rddreg [dreg:$0xf];
	[sflag:s1] =	ssyncadd.s32 $0xFFFFD800  }
0x63: {  	[spmem:s5] =	stream.linear.scatter [tilespmem:s0], [sflag:$0x9], $0x2800, $0x38;
	[tilespmem:$0x1E700] =	vst v63  }
0x64: {  	_ =	swait.ge [sflag:s1], $0x2800  }
0x65: {  	[sflag:s1] =	ssyncset.done $0x0  }
0x66: {  	s5 =	rddreg [dreg:$0x18];
	[sflag:s1] =	ssyncadd.s32 $0xFFFFD800  }
0x67: {  	[spmem:s5] =	stream.linear.scatter [tilespmem:s0], [sflag:$0x9], $0x2800, $0x38;
	[tilespmem:$0x1E700] =	vst v63  }
0x68: {  	_ =	swait.ge [sflag:s1], $0x2800  }
0x69: {  	[sflag:s1] =	ssyncset.done $0x0  }
0x6a: {  	s5 =	rddreg [dreg:$0x19];
	[sflag:s1] =	ssyncadd.s32 $0xFFFFD800  }
0x6b: {  	[spmem:s5] =	stream.linear.scatter [tilespmem:s0], [sflag:$0x9], $0x2800, $0x38;
	[tilespmem:$0x1E700] =	vst v63  }
0x6c: {  	_ =	swait.ge [sflag:s1], $0x2800  }
0x6d: {  	[sflag:s1] =	ssyncset.done $0x0  }
0x6e: {  	[sflag:s1] =	ssyncadd.s32 $0xFFFFD800  }
0x6f: {  	[tilespmem:$0xA400] =	vst v0  }
0x70: {  	[tilespmem:$0xA410] =	vst v0  }
0x71: {  	[tilespmem:$0xA420] =	vst v0  }
0x72: {  	[tilespmem:$0xA430] =	vst v0  }
0x73: {  	s5 =	rddreg [dreg:$0x10];
	[tilespmem:$0xA440] =	vst v0  }
0x74: {  	[spmem:s5] =	stream.linear.scatter [tilespmem:s6], [sflag:$0x9], $0x50, $0x38;
	[tilespmem:$0x1E700] =	vst v63  }
0x75: {  	_ =	swait.ge [sflag:s1], $0x50  }
0x76: {  	[sflag:s1] =	ssyncset.done $0x0  }
0x77: {  	s5 =	rddreg [dreg:$0x11];
	[sflag:s1] =	ssyncadd.s32 $0xFFFFFFB0  }
0x78: {  	[spmem:s5] =	stream.linear.scatter [tilespmem:s6], [sflag:$0x9], $0x50, $0x38;
	[tilespmem:$0x1E700] =	vst v63  }
0x79: {  	_ =	swait.ge [sflag:s1], $0x50  }
0x7a: {  	[sflag:s1] =	ssyncset.done $0x0  }
0x7b: {  	s5 =	rddreg [dreg:$0x12];
	[sflag:s1] =	ssyncadd.s32 $0xFFFFFFB0  }
0x7c: {  	[spmem:s5] =	stream.linear.scatter [tilespmem:s6], [sflag:$0x9], $0x50, $0x38;
	[tilespmem:$0x1E700] =	vst v63  }
0x7d: {  	_ =	swait.ge [sflag:s1], $0x50  }
0x7e: {  	[sflag:s1] =	ssyncset.done $0x0  }
0x7f: {  	s5 =	rddreg [dreg:$0x13];
	[sflag:s1] =	ssyncadd.s32 $0xFFFFFFB0  }
0x80: {  	[spmem:s5] =	stream.linear.scatter [tilespmem:s6], [sflag:$0x9], $0x50, $0x38;
	[tilespmem:$0x1E700] =	vst v63  }
0x81: {  	_ =	swait.ge [sflag:s1], $0x50  }
0x82: {  	[sflag:s1] =	ssyncset.done $0x0  }
0x83: {  	s5 =	rddreg [dreg:$0x14];
	[sflag:s1] =	ssyncadd.s32 $0xFFFFFFB0  }
0x84: {  	[spmem:s5] =	stream.linear.scatter [tilespmem:s6], [sflag:$0x9], $0x50, $0x38;
	[tilespmem:$0x1E700] =	vst v63  }
0x85: {  	_ =	swait.ge [sflag:s1], $0x50  }
0x86: {  	[sflag:s1] =	ssyncset.done $0x0  }
0x87: {  	s5 =	rddreg [dreg:$0x15];
	[sflag:s1] =	ssyncadd.s32 $0xFFFFFFB0  }
0x88: {  	[spmem:s5] =	stream.linear.scatter [tilespmem:s6], [sflag:$0x9], $0x50, $0x38;
	[tilespmem:$0x1E700] =	vst v63  }
0x89: {  	_ =	swait.ge [sflag:s1], $0x50  }
0x8a: {  	[sflag:s1] =	ssyncset.done $0x0  }
0x8b: {  	s5 =	rddreg [dreg:$0x16];
	[sflag:s1] =	ssyncadd.s32 $0xFFFFFFB0  }
0x8c: {  	[spmem:s5] =	stream.linear.scatter [tilespmem:s6], [sflag:$0x9], $0x50, $0x38;
	[tilespmem:$0x1E700] =	vst v63  }
0x8d: {  	_ =	swait.ge [sflag:s1], $0x50  }
0x8e: {  	[sflag:s1] =	ssyncset.done $0x0  }
0x8f: {  	s5 =	rddreg [dreg:$0x17];
	[sflag:s1] =	ssyncadd.s32 $0xFFFFFFB0  }
0x90: {  	[spmem:s5] =	stream.linear.scatter [tilespmem:s6], [sflag:$0x9], $0x50, $0x38;
	[tilespmem:$0x1E700] =	vst v63  }
0x91: {  	_ =	swait.ge [sflag:s1], $0x50  }
0x92: {  	[sflag:s1] =	ssyncset.done $0x0  }
0x93: {  	[sflag:s1] =	ssyncadd.s32 $0xFFFFFFB0  }
0x94: {  	[tilespmem:$0xA400] =	vst v1  }
0x95: {  	[tilespmem:$0xA410] =	vst v1  }
0x96: {  	[tilespmem:$0xA420] =	vst v1  }
0x97: {  	[tilespmem:$0xA430] =	vst v1  }
0x98: {  	[tilespmem:$0xA440] =	vst v1  }
0x99: {  	[bflag:$0x0] =	sbarrier.arrive $0xFFFF  }
0x9a: {  	s29 =	simm.s32 $0x0;
	s5 =	rddreg [dreg:$0x9]  }
0x9b: {  	[tilespmem:s29], [sflag:$0x1] =	stream.linear.gather [hbm4b:s5+s29], $0x50, $0x38;
	[tilespmem:$0x1E700] =	vst v63  }
0x9c: {  	s5 =	rddreg [dreg:$0xa]  }
0x9d: {  	[tilespmem:s7], [sflag:$0x1] =	stream.linear.gather [hbm4b:s5+s29], $0x50, $0x38;
	[tilespmem:$0x1E700] =	vst v63  }
0x9e: {  	s5 =	rddreg [dreg:$0xb]  }
0x9f: {  	[tilespmem:s8], [sflag:$0x2] =	stream.linear.gather [hbm4b:s5+s29], $0x50, $0x38;
	[tilespmem:$0x1E700] =	vst v63  }
0xa0: {  	s5 =	rddreg [dreg:$0xc]  }
0xa1: {  	[tilespmem:s9], [sflag:$0x2] =	stream.linear.gather [hbm4b:s5+s29], $0x50, $0x38;
	[tilespmem:$0x1E700] =	vst v63  }
0xa2: {  	_ =	swait.ge [sflag:s10], $0x50  }
0xa3: {  	[sflag:s10] =	ssyncset.done $0x0  }
0xa4: {  	[sflag:s10] =	ssyncadd.s32 $0xFFFFFFB0  }
0xa5: {  	_ =	swait.ge [sflag:s10], $0x50  }
.Ltmp3:
0xa6: {  	[sflag:s10] =	ssyncset.done $0x0;
	(pc) =	sbr.rel .LBB2_4-.Ltmp3, $4  }
0xa7: {  	s5 =	rddreg [dreg:$0x8];
	[sflag:s10] =	ssyncadd.s32 $0xFFFFFFB0  }
0xa8: {  	[tilespmem:s0], [sflag:$0x5] =	stream.indirect.gather [hbm4b:s4+s11], $0x80, s29, s11, $0xb8;
	[tilespmem:$0x1E700] =	vst v63  }
0xa9: {  	s30 =	simm.s32 $0x0;
	s31 =	rddreg [dreg:$0x1c]  }
0xaa: {  	[tilespmem:s12], [sflag:$0x5] =	stream.linear.gather [hbm4b:s5+s29], $0x2800, $0x38;
	[tilespmem:$0x1E700] =	vst v63  }
.LBB2_23:
0xab: {  	s5 =	sadd.s32 s29, s14  }
0xac: {  	[tilespmem:s8], [sflag:$0x2] =	stream.linear.gather [hbm4b:s5+s3], $0x50, $0x38;
	[tilespmem:$0x1E700] =	vst v63  }
0xad: {  	s5 =	sadd.s32 s29, s13  }
0xae: {  	[tilespmem:s9], [sflag:$0x2] =	stream.linear.gather [hbm4b:s5+s3], $0x50, $0x38;
	[tilespmem:$0x1E700] =	vst v63  }
.LBB2_25:
0xaf: {  	_ =	swait.ge [sflag:s10], $0x50  }
0xb0: {  	[sflag:s10] =	ssyncset.done $0x0  }
0xb1: {  	[sflag:s10] =	ssyncadd.s32 $0xFFFFFFB0  }
0xb2: {  	_ =	swait.ge [sflag:s10], $0x50  }
0xb3: {  	[sflag:s10] =	ssyncset.done $0x0  }
0xb4: {  	[sflag:s10] =	ssyncadd.s32 $0xFFFFFFB0  }
0xb5: {  	[tilespmem:s0], [sflag:$0x5] =	stream.indirect.gather [hbm4b:s4+s11], $0x80, s3, s11, $0xb8;
	[tilespmem:$0x1E700] =	vst v63  }
0xb6: {  	_ = 	snop  }
0xb7: {  	[tilespmem:s12], [sflag:$0x5] =	stream.linear.gather [hbm4b:s31+s3], $0x2800, $0x38;
	[tilespmem:$0x1E700] =	vst v63  }
.LBB2_26:
0xb8: {  	_ =	swait.ge [sflag:s24], $0x2800  }
0xb9: {  	[sflag:s24] =	ssyncset.done $0x0  }
0xba: {  	[sflag:s24] =	ssyncadd.s32 $0xFFFFD800  }
0xbb: {  	_ =	swait.ge [sflag:s24], $0x2800  }
0xbc: {  	[sflag:s24] =	ssyncset.done $0x0  }
0xbd: {  	[sflag:s24] =	ssyncadd.s32 $0xFFFFD800  }
0xbe: {  	[spmem:s2] =	stream.indirect.scatter.add.f32 [tilespmem:s18], [sflag:$0x8], $0x80, s22, s11, $0xb8;
	[tilespmem:$0x1E700] =	vst v63  }
0xbf: {  	_ = 	snop  }
0xc0: {  	[spmem:s2] =	stream.indirect.scatter.add.f32 [tilespmem:s19], [sflag:$0x8], $0x80, s22, s11, $0xb8;
	[tilespmem:$0x1E700] =	vst v63  }
.LBB2_27:
0xc1: {  	s29 =	sadd.s32 $0xA, s29  }
0xc2: {  	p0 =	sne.s32 s29, $0x4E2  }
.Ltmp4:
0xc3: {  	_ = 	snop;
	(pc) =	sbr.rel @!p0 .LBB2_28-.Ltmp4, $2  }
0xc4: {  	_ =	sdelay $0x2  }
0xc5: {  	s30 =	sadd.s32 $0x1, s30;
	s31 =	sadd.s32 $0x500, s31  }
.LBB2_4:
0xc6: {  	s5 =	sand.u32 $0x3, s30  }
0xc7: {  	p0 =	sgt.s32 s5, $0x1  }
.Ltmp5:
0xc8: {  	_ = 	snop;
	(pc) =	sbr.rel @p0 .LBB2_21-.Ltmp5, $1  }
0xc9: {  	_ =	sdelay $0x3  }
0xca: {  	p0 =	seq.s32 s5, $0x0  }
.Ltmp6:
0xcb: {  	_ = 	snop;
	(pc) =	sbr.rel @!p0 .LBB2_11-.Ltmp6, $1  }
0xcc: {  	_ =	sdelay $0x3  }
0xcd: {  	p0 =	seq.s32 s29, $0x0  }
0xce: {  	s5 =	simm.s32 @!p0 $0x8;
	p1 =	sgt.u32 @!p0 s30, $0x7A  }
0xcf: {  	_ =	swait.ge @!p0 [sflag:s5], $0x2800;
	p1 =	por p0, !p1  }
.Ltmp7:
0xd0: {  	[sflag:s5] =	ssyncset.done @!p0 $0x0;
	(pc) =	sbr.rel @!p1 .LBB2_8-.Ltmp7, $4  }
0xd1: {  	[sflag:s5] =	ssyncadd.s32 @!p0 $0xFFFFD800  }
0xd2: {  	_ =	swait.ge @!p0 [sflag:s5], $0x2800  }
0xd3: {  	[sflag:s5] =	ssyncset.done @!p0 $0x0  }
0xd4: {  	[sflag:s5] =	ssyncadd.s32 @!p0 $0xFFFFD800  }
.Ltmp8:
0xd5: {  	(pc) =	sbr.rel .LBB2_9-.Ltmp8, $4  }
0xd6: {  	s5 =	sadd.s32 s29, s14  }
0xd7: {  	[tilespmem:s15], [sflag:$0x3] =	stream.linear.gather [hbm4b:s5+s3], $0x50, $0x38;
	[tilespmem:$0x1E700] =	vst v63  }
0xd8: {  	s5 =	sadd.s32 s29, s13  }
0xd9: {  	[tilespmem:s16], [sflag:$0x3] =	stream.linear.gather [hbm4b:s5+s3], $0x50, $0x38;
	[tilespmem:$0x1E700] =	vst v63  }
.LBB2_21:
0xda: {  	p2 =	seq.s32 s5, $0x2  }
.Ltmp9:
0xdb: {  	_ = 	snop;
	(pc) =	sbr.rel @!p2 .LBB2_22-.Ltmp9, $3  }
0xdc: {  	_ =	sdelay $0x1  }
0xdd: {  	p0 =	seq.s32 s29, $0x0  }
0xde: {  	p1 =	sgt.u32 @!p0 s30, $0x7A  }
0xdf: {  	s5 =	simm.s32 @!p0 $0x8  }
0xe0: {  	p1 =	por p0, !p1;
	_ =	swait.ge @!p0 [sflag:s5], $0x2800  }
.Ltmp10:
0xe1: {  	[sflag:s5] =	ssyncset.done @!p0 $0x0;
	(pc) =	sbr.rel @!p1 .LBB2_18-.Ltmp10, $4  }
0xe2: {  	[sflag:s5] =	ssyncadd.s32 @!p0 $0xFFFFD800  }
0xe3: {  	_ =	swait.ge @!p0 [sflag:s5], $0x2800  }
0xe4: {  	[sflag:s5] =	ssyncset.done @!p0 $0x0  }
0xe5: {  	[sflag:s5] =	ssyncadd.s32 @!p0 $0xFFFFD800  }
.Ltmp11:
0xe6: {  	(pc) =	sbr.rel .LBB2_19-.Ltmp11, $4  }
0xe7: {  	s5 =	sadd.s32 s29, s14  }
0xe8: {  	[tilespmem:s3], [sflag:$0x1] =	stream.linear.gather [hbm4b:s5+s3], $0x50, $0x38;
	[tilespmem:$0x1E700] =	vst v63  }
0xe9: {  	s5 =	sadd.s32 s29, s13  }
0xea: {  	[tilespmem:s7], [sflag:$0x1] =	stream.linear.gather [hbm4b:s5+s3], $0x50, $0x38;
	[tilespmem:$0x1E700] =	vst v63  }
.LBB2_11:
0xeb: {  	p0 =	seq.s32 s29, $0x0  }
0xec: {  	s5 =	simm.s32 @!p0 $0x7;
	p1 =	sgt.u32 @!p0 s30, $0x7A  }
0xed: {  	_ =	swait.ge @!p0 [sflag:s5], $0x2800;
	p1 =	por p0, !p1  }
.Ltmp12:
0xee: {  	[sflag:s5] =	ssyncset.done @!p0 $0x0;
	(pc) =	sbr.rel @!p1 .LBB2_13-.Ltmp12, $4  }
0xef: {  	[sflag:s5] =	ssyncadd.s32 @!p0 $0xFFFFD800  }
0xf0: {  	_ =	swait.ge @!p0 [sflag:s5], $0x2800  }
0xf1: {  	[sflag:s5] =	ssyncset.done @!p0 $0x0  }
0xf2: {  	[sflag:s5] =	ssyncadd.s32 @!p0 $0xFFFFD800  }
.Ltmp13:
0xf3: {  	(pc) =	sbr.rel .LBB2_14-.Ltmp13, $4  }
0xf4: {  	s5 =	sadd.s32 s29, s14  }
0xf5: {  	[tilespmem:s21], [sflag:$0x4] =	stream.linear.gather [hbm4b:s5+s3], $0x50, $0x38;
	[tilespmem:$0x1E700] =	vst v63  }
0xf6: {  	s5 =	sadd.s32 s29, s13  }
0xf7: {  	[tilespmem:s22], [sflag:$0x4] =	stream.linear.gather [hbm4b:s5+s3], $0x50, $0x38;
	[tilespmem:$0x1E700] =	vst v63  }
.LBB2_22:
0xf8: {  	s5 =	simm.s32 @!p0 $0x7  }
0xf9: {  	p1 =	por p0, !p1;
	_ =	swait.ge @!p0 [sflag:s5], $0x2800  }
.Ltmp14:
0xfa: {  	[sflag:s5] =	ssyncset.done @!p0 $0x0;
	(pc) =	sbr.rel @p1 .LBB2_23-.Ltmp14, $4  }
0xfb: {  	[sflag:s5] =	ssyncadd.s32 @!p0 $0xFFFFD800  }
0xfc: {  	_ =	swait.ge @!p0 [sflag:s5], $0x2800  }
0xfd: {  	[sflag:s5] =	ssyncset.done @!p0 $0x0  }
0xfe: {  	[sflag:s5] =	ssyncadd.s32 @!p0 $0xFFFFD800  }
0xff: {  	p0 =	seq.s32 s29, $0x4D8  }
.Ltmp15:
0x100: {  	_ = 	snop;
	(pc) =	sbr.rel @p0 .LBB2_26-.Ltmp15, $4  }
.Ltmp16:
0x101: {  	_ = 	snop;
	(pc) =	sbr.rel @!p0 .LBB2_25-.Ltmp16, $4  }
0x102: {  	_ = 	snop  }
0x103: {  	_ = 	snop  }
0x104: {  	_ = 	snop  }
0x105: {  	_ = 	snop  }
.LBB2_8:
0x106: {  	p0 =	seq.s32 s29, $0x4D8  }
.Ltmp17:
0x107: {  	_ = 	snop;
	(pc) =	sbr.rel @p0 .LBB2_10-.Ltmp17, $1  }
0x108: {  	_ =	sdelay $0x3  }
.LBB2_9:
0x109: {  	_ =	swait.ge [sflag:s17], $0x50  }
0x10a: {  	[sflag:s17] =	ssyncset.done $0x0  }
0x10b: {  	[sflag:s17] =	ssyncadd.s32 $0xFFFFFFB0  }
0x10c: {  	_ =	swait.ge [sflag:s17], $0x50  }
0x10d: {  	[sflag:s17] =	ssyncset.done $0x0  }
0x10e: {  	[sflag:s17] =	ssyncadd.s32 $0xFFFFFFB0  }
0x10f: {  	[tilespmem:s18], [sflag:$0x6] =	stream.indirect.gather [hbm4b:s4+s11], $0x80, s8, s11, $0xb8;
	[tilespmem:$0x1E700] =	vst v63  }
0x110: {  	_ = 	snop  }
0x111: {  	[tilespmem:s19], [sflag:$0x6] =	stream.linear.gather [hbm4b:s31+s3], $0x2800, $0x38;
	[tilespmem:$0x1E700] =	vst v63  }
.LBB2_10:
0x112: {  	_ =	swait.ge [sflag:s20], $0x2800  }
0x113: {  	[sflag:s20] =	ssyncset.done $0x0  }
0x114: {  	[sflag:s20] =	ssyncadd.s32 $0xFFFFD800  }
0x115: {  	_ =	swait.ge [sflag:s20], $0x2800  }
.Ltmp18:
0x116: {  	[sflag:s20] =	ssyncset.done $0x0;
	(pc) =	sbr.rel .LBB2_27-.Ltmp18, $4  }
0x117: {  	[sflag:s20] =	ssyncadd.s32 $0xFFFFD800  }
0x118: {  	[spmem:s2] =	stream.indirect.scatter.add.f32 [tilespmem:s0], [sflag:$0x7], $0x80, s7, s11, $0xb8;
	[tilespmem:$0x1E700] =	vst v63  }
0x119: {  	_ = 	snop  }
0x11a: {  	[spmem:s2] =	stream.indirect.scatter.add.f32 [tilespmem:s12], [sflag:$0x7], $0x80, s7, s11, $0xb8;
	[tilespmem:$0x1E700] =	vst v63  }
.LBB2_18:
0x11b: {  	p0 =	seq.s32 s29, $0x4D8  }
.Ltmp19:
0x11c: {  	_ = 	snop;
	(pc) =	sbr.rel @p0 .LBB2_20-.Ltmp19, $1  }
0x11d: {  	_ =	sdelay $0x3  }
.LBB2_19:
0x11e: {  	_ =	swait.ge [sflag:s26], $0x50  }
0x11f: {  	[sflag:s26] =	ssyncset.done $0x0  }
0x120: {  	[sflag:s26] =	ssyncadd.s32 $0xFFFFFFB0  }
0x121: {  	_ =	swait.ge [sflag:s26], $0x50  }
0x122: {  	[sflag:s26] =	ssyncset.done $0x0  }
0x123: {  	[sflag:s26] =	ssyncadd.s32 $0xFFFFFFB0  }
0x124: {  	[tilespmem:s18], [sflag:$0x6] =	stream.indirect.gather [hbm4b:s4+s11], $0x80, s21, s11, $0xb8;
	[tilespmem:$0x1E700] =	vst v63  }
0x125: {  	_ = 	snop  }
0x126: {  	[tilespmem:s19], [sflag:$0x6] =	stream.linear.gather [hbm4b:s31+s3], $0x2800, $0x38;
	[tilespmem:$0x1E700] =	vst v63  }
.LBB2_20:
0x127: {  	_ =	swait.ge [sflag:s20], $0x2800  }
0x128: {  	[sflag:s20] =	ssyncset.done $0x0  }
0x129: {  	[sflag:s20] =	ssyncadd.s32 $0xFFFFD800  }
0x12a: {  	_ =	swait.ge [sflag:s20], $0x2800  }
.Ltmp20:
0x12b: {  	[sflag:s20] =	ssyncset.done $0x0;
	(pc) =	sbr.rel .LBB2_27-.Ltmp20, $4  }
0x12c: {  	[sflag:s20] =	ssyncadd.s32 $0xFFFFD800  }
0x12d: {  	[spmem:s2] =	stream.indirect.scatter.add.f32 [tilespmem:s0], [sflag:$0x7], $0x80, s16, s11, $0xb8;
	[tilespmem:$0x1E700] =	vst v63  }
0x12e: {  	_ = 	snop  }
0x12f: {  	[spmem:s2] =	stream.indirect.scatter.add.f32 [tilespmem:s12], [sflag:$0x7], $0x80, s16, s11, $0xb8;
	[tilespmem:$0x1E700] =	vst v63  }
.LBB2_13:
0x130: {  	p0 =	seq.s32 s29, $0x4D8  }
.Ltmp21:
0x131: {  	_ = 	snop;
	(pc) =	sbr.rel @p0 .LBB2_15-.Ltmp21, $1  }
0x132: {  	_ =	sdelay $0x3  }
.LBB2_14:
0x133: {  	_ =	swait.ge [sflag:s23], $0x50  }
0x134: {  	[sflag:s23] =	ssyncset.done $0x0  }
0x135: {  	[sflag:s23] =	ssyncadd.s32 $0xFFFFFFB0  }
0x136: {  	_ =	swait.ge [sflag:s23], $0x50  }
0x137: {  	[sflag:s23] =	ssyncset.done $0x0  }
0x138: {  	[sflag:s23] =	ssyncadd.s32 $0xFFFFFFB0  }
0x139: {  	[tilespmem:s0], [sflag:$0x5] =	stream.indirect.gather [hbm4b:s4+s11], $0x80, s15, s11, $0xb8;
	[tilespmem:$0x1E700] =	vst v63  }
0x13a: {  	_ = 	snop  }
0x13b: {  	[tilespmem:s12], [sflag:$0x5] =	stream.linear.gather [hbm4b:s31+s3], $0x2800, $0x38;
	[tilespmem:$0x1E700] =	vst v63  }
.LBB2_15:
0x13c: {  	_ =	swait.ge [sflag:s24], $0x2800  }
0x13d: {  	[sflag:s24] =	ssyncset.done $0x0  }
0x13e: {  	[sflag:s24] =	ssyncadd.s32 $0xFFFFD800  }
0x13f: {  	_ =	swait.ge [sflag:s24], $0x2800  }
.Ltmp22:
0x140: {  	[sflag:s24] =	ssyncset.done $0x0;
	(pc) =	sbr.rel .LBB2_27-.Ltmp22, $4  }
0x141: {  	[sflag:s24] =	ssyncadd.s32 $0xFFFFD800  }
0x142: {  	[spmem:s2] =	stream.indirect.scatter.add.f32 [tilespmem:s18], [sflag:$0x8], $0x80, s9, s11, $0xb8;
	[tilespmem:$0x1E700] =	vst v63  }
0x143: {  	_ = 	snop  }
0x144: {  	[spmem:s2] =	stream.indirect.scatter.add.f32 [tilespmem:s19], [sflag:$0x8], $0x80, s9, s11, $0xb8;
	[tilespmem:$0x1E700] =	vst v63  }
.LBB2_29:
0x145: {  	_ =	sfence.sel $0x180000  }
0x146: {  	[bflag:$0x0] =	sbarrier.arrive $0xFFFF  }
0x147: {  	_ =	strace $0x9000004A  }
0x148: {  	s0 =	stileid.u32;
	[bflag:$0x2] =	sbarrier.arrive $0xFFFF  }
0x149: {  	p0 =	sne.s32 s0, $0x0;
	s0 =	rddreg [dreg:$0x4]  }
0x14a: {  	s0 =	sadd.s32 @!p0 $0x100000, s0  }
0x14b: {  	[sflag:s0] =	ssyncadd.tile.s32 @!p0 $0x1;
	_ =	shalt  }
.Lfunc_end2:
_tile_overlayer_lowered:
.L_overlay_start_2:
0x14c: {  	(tag) =	ssettag $0x2  }
0x14d: {  	s0 =	rddreg [dreg:$0x0];
	s2 =	stileid.u32  }
0x14e: {  	s1 =	rddreg [dreg:$0x1];
	p0 =	sne.s32 s2, $0x0  }
0x14f: {  	s3 =	rddreg [dreg:$0x2];
	[bflag:$0x3] =	sbarrier.arrive $0xFFFF;
	s2 =	simm.s32 @!p0 $0x1C09  }
0x150: {  	[timem:s3], [sflag:s2] =	dma.local @!p0 [hbm:s0], s1  }
0x151: {  	s0 =	simm.s32 @!p0 $0x9  }
0x152: {  	_ =	swait.ge @!p0 [sflag:s0], s1  }
0x153: {  	s1 =	ssub.s32 @!p0 $0x0, s1;
	[sflag:s0] =	ssyncset.done @!p0 $0x0  }
0x154: {  	[sflag:s0] =	ssyncadd.s32 @!p0 s1  }
0x155: {  	[bflag:$0x3] =	sbarrier.arrive $0xFFFF  }
0x156: {  	_ =	shalt  }

// kernel: kernel.9.cloned.1.call-start
scs
__scs_entry_jumppad:
0x0: {  	(pc) =	sbr.rel $0x88, $3  }
0x1: {  	(tag) =	ssettag $0x0;
	lr =	simm.s32 $0x1  }
0x2: {  	[smem:$0x3F88] =	sst lr;
	_ =	strace $0xD0000000  }
0x3: {  	_ = 	snop  }
0x4: {  	_ = 	snop  }
0x5: {  	_ = 	snop  }
0x6: {  	_ = 	snop  }
0x7: {  	_ = 	snop  }
__scs_overlays_trampoline_lowered:
0x8: {  	[smem:$0x3F97] =	sst s0  }
0x9: {  	[smem:$0x3F98] =	sst s1  }
0xa: {  	[smem:$0x3F99] =	sst s2  }
0xb: {  	[smem:$0x3F9A] =	sst s3  }
0xc: {  	[smem:$0x3F9B] =	sst s4  }
0xd: {  	[smem:$0x3F9C] =	sst s5  }
0xe: {  	[smem:$0x3F9D] =	sst s6  }
0xf: {  	[smem:$0x3F9E] =	sst s7  }
0x10: {  	[smem:$0x3F9F] =	sst s8  }
0x11: {  	[smem:$0x3FA0] =	sst s9;
	s0 =	simm.s32 @!p0 $0x0  }
0x12: {  	s1 =	sld [smem:$0x3F86];
	s0 =	simm.s32 @p0 $0x1  }
0x13: {  	[smem:$0x3FA1] =	sst s0;
	s0 =	simm.s32 @!p1 $0x0  }
0x14: {  	s2 =	sld [smem:$0x3F85];
	s0 =	simm.s32 @p1 $0x1  }
0x15: {  	[smem:$0x3FA2] =	sst s0;
	s0 =	simm.s32 @!p2 $0x0  }
0x16: {  	s3 =	sld [smem:$0x3FDB];
	s0 =	simm.s32 @p2 $0x1  }
0x17: {  	s4 =	simm.s32 $0x1BF5;
	[smem:$0x3FA4] =	sst s0  }
0x18: {  	s0 =	sld [smem:$0x3F87];
	_ =	swait.ge [sflag:s4], $0x0  }
0x19: {  	s7 =	sld [smem:$0x3F88]  }
0x1a: {  	s8 =	sadd.s32 $0xFFFFE003, lr  }
0x1b: {  	s9 =	sadd.s32 $0xFFFFFEF7, lr;
	s5 =	simm.s32 $0xFFFFFFFF;
	p2 =	slt.u32 s8, $0xFFFFF086  }
0x1c: {  	p1 =	slt.u32 s9, $0xF7A;
	s5 =	simm.s32 @!p2 $0x0  }
0x1d: {  	s5 =	simm.s32 @p1 $0x1;
	p0 =	seq.s32 s7, s2  }
0x1e: {  	s7 =	smul.u32 @!p0 $0xF7A, s2;
	p2 =	seq.s32 @!p0 s5, $0x0  }
0x1f: {  	s9 =	smul.u32 $0xF7A, s1;
	s8 =	simm.s32 @!p0 $0x1BF5;
	p2 =	por !p2, p0  }
0x20: {  	[sflag:s8] =	ssyncset.s32 @!p0 $0xFFFFF086;
	s6 =	sadd.s32 @!p0 s3, s7;
	s7 =	simm.s32 @!p0 $0x108  }
0x21: {  	s3 =	sadd.s32 s3, s9;
	s6 =	sadd.s32 @!p0 $0x88, s6;
	s7 =	simm.s32 @p2 $0x1082  }
0x22: {  	[simem:s7], [sflag:s8] =	dma.local @!p0 [hbm:s6], $0xF7A  }
0x23: {  	s9 =	sor.u32 $0xD0000000, s2;
	s6 =	simm.s32 $0x108;
	_ =	swait.ge @!p0 [sflag:s8], $0x0  }
0x24: {  	s3 =	sadd.s32 $0x88, s3;
	s6 =	simm.s32 @!p1 $0x1082;
	[sflag:s4] =	ssyncset.s32 $0xFFFFF086  }
0x25: {  	[simem:s6], [sflag:s4] =	dma.local [hbm:s3], $0xF7A  }
0x26: {  	[smem:$0x3F88] =	sst s1;
	(tag) =	ssettag s2;
	_ =	strace s9  }
0x27: {  	s1 =	sld [smem:$0x3F98]  }
0x28: {  	s2 =	sld [smem:$0x3F99]  }
0x29: {  	s4 =	sld [smem:$0x3F9B]  }
0x2a: {  	p0 =	seq.s32 s5, $0x0;
	s5 =	sld [smem:$0x3F9C]  }
0x2b: {  	s6 =	sld [smem:$0x3F9D]  }
0x2c: {  	s7 =	sld [smem:$0x3F9E]  }
0x2d: {  	s3 =	simm.s32 $0x108;
	s8 =	sld [smem:$0x3F9F]  }
0x2e: {  	s3 =	simm.s32 @!p0 $0x1082;
	s9 =	sld [smem:$0x3FA0]  }
0x2f: {  	lr =	sadd.s32 s0, s3;
	s0 =	sld [smem:$0x3F97]  }
0x30: {  	s3 =	sld [smem:$0x3F9A]  }
0x31: {  	[smem:$0x3FA3] =	sst s10  }
0x32: {  	s10 =	sld [smem:$0x3FA1];
	_ =	sdelay $0x3  }
0x33: {  	p0 =	seq.s32 s10, $0x1;
	s10 =	sld [smem:$0x3FA3];
	_ =	sdelay $0x3  }
0x34: {  	[smem:$0x3FA3] =	sst s10  }
0x35: {  	s10 =	sld [smem:$0x3FA2];
	_ =	sdelay $0x3  }
0x36: {  	p1 =	seq.s32 s10, $0x1;
	s10 =	sld [smem:$0x3FA3];
	_ =	sdelay $0x3  }
0x37: {  	[smem:$0x3FA3] =	sst s10  }
0x38: {  	s10 =	sld [smem:$0x3FA4]  }
0x39: {  	_ = 	snop;
	(pc) =	sbr.ind lr, $3  }
0x3a: {  	_ = 	snop  }
0x3b: {  	_ = 	snop  }
0x3c: {  	p2 =	seq.s32 s10, $0x1;
	s10 =	sld [smem:$0x3FA3]  }
0x3d: {  	_ =	shalt  }
0x3e: {  	_ =	shalt  }
0x3f: {  	_ =	shalt  }
0x40: {  	_ =	shalt  }
0x41: {  	_ =	shalt  }
0x42: {  	_ =	shalt  }
0x43: {  	_ =	shalt  }
0x44: {  	_ =	shalt  }
0x45: {  	_ =	shalt  }
0x46: {  	_ =	shalt  }
0x47: {  	_ =	shalt  }
0x48: {  	_ =	shalt  }
0x49: {  	_ =	shalt  }
0x4a: {  	_ =	shalt  }
0x4b: {  	_ =	shalt  }
0x4c: {  	_ =	shalt  }
0x4d: {  	_ =	shalt  }
0x4e: {  	_ =	shalt  }
0x4f: {  	_ =	shalt  }
0x50: {  	_ =	shalt  }
0x51: {  	_ =	shalt  }
0x52: {  	_ =	shalt  }
0x53: {  	_ =	shalt  }
0x54: {  	_ =	shalt  }
0x55: {  	_ =	shalt  }
0x56: {  	_ =	shalt  }
0x57: {  	_ =	shalt  }
0x58: {  	_ =	shalt  }
0x59: {  	_ =	shalt  }
0x5a: {  	_ =	shalt  }
0x5b: {  	_ =	shalt  }
0x5c: {  	_ =	shalt  }
0x5d: {  	_ =	shalt  }
0x5e: {  	_ =	shalt  }
0x5f: {  	_ =	shalt  }
0x60: {  	_ =	shalt  }
0x61: {  	_ =	shalt  }
0x62: {  	_ =	shalt  }
0x63: {  	_ =	shalt  }
0x64: {  	_ =	shalt  }
0x65: {  	_ =	shalt  }
0x66: {  	_ =	shalt  }
0x67: {  	_ =	shalt  }
0x68: {  	_ =	shalt  }
0x69: {  	_ =	shalt  }
0x6a: {  	_ =	shalt  }
0x6b: {  	_ =	shalt  }
0x6c: {  	_ =	shalt  }
0x6d: {  	_ =	shalt  }
0x6e: {  	_ =	shalt  }
0x6f: {  	_ =	shalt  }
0x70: {  	_ =	shalt  }
0x71: {  	_ =	shalt  }
0x72: {  	_ =	shalt  }
0x73: {  	_ =	shalt  }
0x74: {  	_ =	shalt  }
0x75: {  	_ =	shalt  }
0x76: {  	_ =	shalt  }
0x77: {  	_ =	shalt  }
0x78: {  	_ =	shalt  }
0x79: {  	_ =	shalt  }
0x7a: {  	_ =	shalt  }
0x7b: {  	_ =	shalt  }
0x7c: {  	_ =	shalt  }
0x7d: {  	_ =	shalt  }
0x7e: {  	_ =	shalt  }
0x7f: {  	_ =	shalt  }
0x80: {  	_ =	shalt  }
0x81: {  	_ =	shalt  }
0x82: {  	_ =	shalt  }
0x83: {  	_ =	shalt  }
0x84: {  	_ =	shalt  }
0x85: {  	_ =	shalt  }
0x86: {  	_ =	shalt  }
0x87: {  	_ =	shalt  }
.Lfunc_end0:
.L_simem_size_0:
called_computation_lowered:
.L_overlay_start_0:
0x88: {  	s2 =	sld [smem:$0x3FD9]  }
0x89: {  	s3 =	sld [smem:$0x3FFE];
	_ =	sdelay $0x1  }
0x8a: {  	s1 =	srdreg.scid  }
0x8b: {  	s0 =	sand.u32 $0x1, s1  }
0x8c: {  	s17 =	sshll.u32 s0, $0xA;
	s2 =	sadd.s32 s3, s2  }
0x8d: {  	s2 =	sadd.s32 s2, s17  }
0x8e: {  	[smem:$0x3FAF] =	sst s2  }
0x8f: {  	_ = 	snop  }
0x90: {  	s2 =	sld [smem:$0x3FD0];
	(tm) =	ssettm $0x1  }
0x91: {  	s18 =	sld [smem:$0x3FFB];
	_ =	sdelay $0x3  }
0x92: {  	_ =	strace s18  }
0x93: {  	s3 =	sld [smem:$0x3FFC];
	_ =	sdelay $0x3  }
0x94: {  	_ =	strace s3  }
0x95: {  	s3 =	sld [smem:$0x3FFD];
	_ =	sdelay $0x3  }
0x96: {  	_ =	strace s3  }
0x97: {  	_ =	strace $0x8FFFFFFF  }
0x98: {  	s19 =	sld [smem:$0x3FDB];
	_ =	sdelay $0x1  }
0x99: {  	s4 =	simm.s32 $_scs_section_size  }
0x9a: {  	s5 =	simm.s32 $_size__tile_overlayer_lowered;
	s6 =	simm.s32 $_tile_overlayer_lowered  }
0x9b: {  	s22 =	simm.s32 $0x1BFF;
	s21 =	sshll.u32 s6, $0x1;
	s3 =	sadd.s32 s4, s19  }
0x9c: {  	s7 =	simm.s32 $0x0;
	s20 =	sshll.u32 s5, $0x1;
	s5 =	sadd.s32 s21, s3  }
0x9d: {  	[timem:s7], [sflag:s22] =	dma.local [hbm:s5], s20  }
0x9e: {  	_ =	swait.ge [sflag:s22], s20  }
0x9f: {  	s4 =	ssub.s32 $0x0, s20;
	[sflag:s22] =	ssyncset.done $0x0  }
0xa0: {  	[sflag:s22] =	ssyncadd.s32 s4;
	_ =	sdelay $0x1  }
0xa1: {  	s23 =	simm.s32 $0x1B8B  }
0xa2: {  	_ =	swait.ge [sflag:s23], $0x1  }
0xa3: {  	[sflag:s23] =	ssyncset.done $0x0  }
0xa4: {  	s25 =	simm.s32 $0x1B8E;
	s24 =	sld [smem:$0x3FFE];
	[sflag:s23] =	ssyncadd.s32 $0xFFFFFFFF  }
0xa5: {  	s26 =	simm.s32 $execute0_lowered;
	[smem:$0x3FD2] =	sst s25  }
0xa6: {  	s5 =	sshll.u32 s26, $0x1;
	_ =	strace $0x80000046;
	[dreg:$0x1] =	wrdreg $0xFFFFFFFF  }
0xa7: {  	s28 =	simm.s32 $_size_execute0_lowered;
	s3 =	sadd.s32 s3, s5;
	[dreg:$0x0] =	wrdreg $0x0  }
0xa8: {  	s5 =	sshll.u32 s28, $0x1;
	[dreg:$0x2] =	wrdreg s3  }
0xa9: {  	[dreg:$0x3] =	wrdreg s5  }
0xaa: {  	[dreg:$0x4] =	wrdreg $0xC0  }
0xab: {  	_ =	task [dreg:s7], $0x5FFFF  }
0xac: {  	[dreg:$0x1] =	wrdreg $0xFFFFFFFF  }
0xad: {  	[dreg:$0x0] =	wrdreg $0x60  }
0xae: {  	[dreg:$0x2] =	wrdreg s24  }
0xaf: {  	[dreg:$0x3] =	wrdreg s2  }
0xb0: {  	[dreg:$0x4] =	wrdreg $0xA4800  }
0xb1: {  	[dreg:$0x5] =	wrdreg $0x1E4800  }
0xb2: {  	[dreg:$0x6] =	wrdreg $0x9  }
0xb3: {  	_ =	task.clear_ibuf [dreg:s7], $0x7FFFF;
	_ =	strace $0x90000046  }
0xb4: {  	s29 =	simm.s32 $0x9;
	_ =	strace $0x80000048  }
0xb5: {  	_ =	swait.ge [sflag:s29], $0x1  }
0xb6: {  	[sflag:s29] =	ssyncadd.s32 $0xFFFFFFFF  }
0xb7: {  	_ =	strace $0x90000048  }
0xb8: {  	_ =	sfence  }
0xb9: {  	s30 =	sld [smem:$0x0];
	_ =	sdelay $0x2  }
0xba: {  	s31 =	sshll.u32 s1, $0xD;
	s1 =	sshrl.u32 s1, $0x2  }
0xbb: {  	s3 =	sand.u32 $0x4000, s31;
	s1 =	sadd.s32 s1, s30  }
0xbc: {  	s0 =	sor.u32 s3, s0;
	s1 =	sshll.u32 s1, $0x11  }
0xbd: {  	s0 =	sor.u32 s1, s0  }
0xbe: {  	s0 =	sadd.s32 $0x8F2B, s0  }
0xbf: {  	[sflag:s0] =	ssyncadd.remote.s32 $0x1  }
0xc0: {  	_ =	sfence.sel $0xFFFF  }
0xc1: {  	[dreg:$0x0] =	wrdreg $0xFFFFFFFF;
	(pc) =	sbr.abs _section_cstart, $3  }
0xc2: {  	[dreg:$0x1] =	wrdreg $0xFFFFFFFF  }
0xc3: {  	_ =	task.clear_ibuf [dreg:s7], $0x2FFFF;
	_ =	strace $0x9FFFFFFF  }
0xc4: {  	(tm) =	ssettm $0x7FFFFFFF  }
0xc5: {  	_ =	shalt  }
tec
execute0_lowered:
.L_overlay_start_1:
0x0: {  	(tag) =	ssettag $0x1  }
0x1: {  	s3 =	rddreg [dreg:$0x0]  }
0x2: {  	s6 =	rddreg [dreg:$0x1]  }
0x3: {  	s1 =	rddreg [dreg:$0x2]  }
0x4: {  	s2 =	rddreg [dreg:$0x3]  }
0x5: {  	s0 =	srdreg.scid;
	s21 =	stileid.u32  }
0x6: {  	s4 =	simm.s32 $0x0;
	s28 =	simm.s32 $0x180;
	s8 =	smul.u32 $0x14000, s21  }
0x7: {  	s29 =	simm.s32 $0x380;
	s30 =	simm.s32 $0x3;
	s12 =	smul.u32 $0x280, s21  }
0x8: {  	s31 =	simm.s32 $0x6;
	s7 =	sand.u32 $0x1, s0;
	s13 =	smul.u32 $0x50000, s21  }
0x9: {  	[smem:$0x7FF] =	sst s4;
	s9 =	sadd.s32 $0x5A00, s3;
	s24 =	smul.u32 $0x4E200, s21  }
0xa: {  	s5 =	sadd.s32 $0x4F1800, s3;
	s17 =	sshll.u32 s21, $0x1;
	s0 =	smul.u32 $0x140000, s7  }
0xb: {  	_ =	strace $0x80000047;
	s10 =	ssub.s32 $0x2, s7;
	p0 =	seq.s32 s7, $0x1  }
0xc: {  	s11 =	sshrl.u32 s10, $0x1;
	s14 =	sor.u32 $0x50, s12;
	s13 =	sshrl.u32 s13, $0x2  }
0xd: {  	s23 =	sshrl.u32 s12, $0x3;
	s0 =	sadd.s32 s8, s0;
	s8 =	sadd.s32 $0x541800, s3  }
0xe: {  	s10 =	ssub.s32 s10, s11;
	s11 =	sor.u32 s7, s17;
	s17 =	sadd.s32 $0xA0, s12  }
0xf: {  	s15 =	sshll.u32 s14, $0x7;
	s22 =	sadd.s32 s13, s1;
	s13 =	sadd.s32 $0xF0, s12  }
0x10: {  	s14 =	sadd.s32 s14, s2;
	s0 =	sshrl.u32 s0, $0x3;
	s16 =	sshll.u32 s17, $0x7  }
0x11: {  	s18 =	sadd.s32 s15, s1;
	s20 =	smul.u32 $0x2710, s11;
	[dreg:$0x14] =	wrdreg s14  }
0x12: {  	s11 =	smul.u32 $0x27100, s11;
	[dreg:$0x5] =	wrdreg s22;
	s0 =	sadd.s32 s0, s3  }
0x13: {  	[dreg:$0x6] =	wrdreg s18;
	s19 =	sadd.s32 s16, s1;
	s18 =	sadd.s32 $0x140, s12  }
0x14: {  	s16 =	simm.s32 $0xA73E00;
	[dreg:$0x7] =	wrdreg s19;
	s19 =	smul.u32 $0x4E20, s21  }
0x15: {  	s15 =	sshrl.u32 s20, $0x3;
	s16 =	simm.s32 @!p0 $0xA73800;
	s11 =	sadd.s32 s8, s11  }
0x16: {  	s20 =	smul.u32 $0x2710, s7;
	s0 =	sadd.s32 $0xA23800, s0;
	[dreg:$0xa] =	wrdreg s11  }
0x17: {  	s7 =	smul.u32 $0x27100, s7;
	s26 =	sadd.s32 s9, s15;
	[dreg:$0x1b] =	wrdreg s0  }
0x18: {  	s3 =	sadd.s32 s16, s3;
	s11 =	sadd.s32 s6, s15;
	[dreg:$0x9] =	wrdreg s26  }
0x19: {  	s3 =	sadd.s32 s3, s23;
	s25 =	sadd.s32 s20, s19;
	[dreg:$0xb] =	wrdreg s11  }
0x1a: {  	s20 =	sadd.s32 $0xA, s15;
	s26 =	sshll.u32 s18, $0x7;
	[dreg:$0x8] =	wrdreg s3  }
0x1b: {  	s3 =	sadd.s32 s24, s8;
	s19 =	sadd.s32 $0xA0, s25;
	s23 =	sadd.s32 s9, s20  }
0x1c: {  	s24 =	sadd.s32 s6, s20;
	s25 =	sshll.u32 s13, $0x7;
	s8 =	sadd.s32 s26, s1  }
0x1d: {  	s20 =	sadd.s32 s13, s2;
	s13 =	simm.s32 $0x280;
	[dreg:$0xc] =	wrdreg s23  }
0x1e: {  	s3 =	sadd.s32 s7, s3;
	s21 =	sshrl.u32 s19, $0x3;
	[dreg:$0xd] =	wrdreg s24  }
0x1f: {  	[dreg:$0xf] =	wrdreg s8;
	s23 =	sadd.s32 $0x1E0, s12;
	s24 =	sadd.s32 $0x230, s12  }
0x20: {  	s19 =	sadd.s32 s17, s2;
	[dreg:$0x16] =	wrdreg s20;
	s8 =	simm.s32 $0x9  }
0x21: {  	s17 =	simm.s32 $0x1;
	s20 =	simm.s32 $0x100;
	s15 =	sadd.s32 s21, s6  }
0x22: {  	s16 =	sadd.s32 s21, s9;
	s6 =	sadd.s32 s25, s1;
	s9 =	sadd.s32 $0x190, s12  }
0x23: {  	s25 =	sshll.u32 s23, $0x7;
	s26 =	sshll.u32 s24, $0x7;
	[dreg:$0x15] =	wrdreg s19  }
0x24: {  	s12 =	sadd.s32 s12, s2;
	s23 =	sadd.s32 s23, s2;
	[dreg:$0xe] =	wrdreg s6  }
0x25: {  	s24 =	sadd.s32 s24, s2;
	s19 =	simm.s32 $0x5400;
	[dreg:$0x13] =	wrdreg s12  }
0x26: {  	s21 =	sshll.u32 s9, $0x7;
	s11 =	sadd.s32 s26, s1;
	[dreg:$0x19] =	wrdreg s23  }
0x27: {  	s6 =	sadd.s32 s9, s2;
	[dreg:$0x1a] =	wrdreg s24;
	s26 =	sadd.s32 $0x500, s3  }
0x28: {  	s9 =	simm.s32 $0xA400;
	s23 =	simm.s32 $0x2;
	[dreg:$0x12] =	wrdreg s11  }
0x29: {  	s24 =	simm.s32 $0x2C00;
	s3 =	simm.s32 $0x4;
	[dreg:$0x18] =	wrdreg s6  }
0x2a: {  	s7 =	sadd.s32 s21, s1;
	s21 =	sadd.s32 s18, s2;
	[dreg:$0x1d] =	wrdreg s26  }
.Ltmp0:
0x2b: {  	s11 =	simm.s32 $0x80;
	s18 =	simm.s32 $0x50;
	(pc) =	sbr.rel .LBB2_1-.Ltmp0, $4  }
0x2c: {  	s26 =	simm.s32 $0x5;
	s6 =	simm.s32 $0x0;
	[dreg:$0x10] =	wrdreg s7  }
0x2d: {  	s7 =	sadd.s32 s25, s1;
	[dreg:$0x17] =	wrdreg s21;
	s25 =	smax.u32 s10, $0x1  }
0x2e: {  	s10 =	simm.s32 $0x200;
	s21 =	simm.s32 $0x300;
	[dreg:$0x11] =	wrdreg s7  }
0x2f: {  	v0 =	vimm.f32 $0.0e+00;
	v1 =	vimm.f32 $1.000000000e+00;
	[dreg:$0x1c] =	wrdreg s25;
	s7 =	simm.s32 $0x400;
	s25 =	simm.s32 $0x7C00  }
.LBB2_37:
0x30: {  	s0 =	simm.s32 $0x8  }
0x31: {  	_ =	swait.ge [sflag:s0], $0x50  }
0x32: {  	[sflag:s0] =	ssyncset.done $0x0  }
0x33: {  	s14 =	simm.s32 $0x7;
	[sflag:s0] =	ssyncadd.s32 $0xFFFFFFB0  }
0x34: {  	_ =	swait.ge [sflag:s14], $0x50  }
0x35: {  	[sflag:s14] =	ssyncset.done $0x0  }
0x36: {  	s12 =	stileid.u32;
	[sflag:s14] =	ssyncadd.s32 $0xFFFFFFB0  }
0x37: {  	s0 =	sshll.u32 s12, $0x6;
	[bflag:$0x0] =	sbarrier.arrive $0xFFFF  }
0x38: {  	s12 =	sshrl.u32 s22, $0x3;
	s0 =	sor.u32 $0x1C09, s0;
	s14 =	rddreg [dreg:$0x1b]  }
0x39: {  	[hbm:s14], [sflag:s0] =	dma.local [spmem:s12], $0x2800  }
0x3a: {  	_ =	swait.ge [sflag:s8], $0x2800  }
0x3b: {  	[sflag:s8] =	ssyncset.done $0x0;
	s14 =	rddreg [dreg:$0x13]  }
0x3c: {  	[sflag:s8] =	ssyncadd.s32 $0xFFFFD800;
	s12 =	sshrl.u32 s14, $0x3;
	s14 =	rddreg [dreg:$0x8]  }
0x3d: {  	[hbm:s14], [sflag:s0] =	dma.local [spmem:s12], $0x50  }
0x3e: {  	_ =	swait.ge [sflag:s8], $0x50  }
0x3f: {  	s6 =	sadd.s32 $0x1, s6;
	s14 =	rddreg [dreg:$0x1c]  }
0x40: {  	p0 =	sne.s32 s6, s14  }
.Ltmp1:
0x41: {  	_ = 	snop;
	(pc) =	sbr.rel @!p0 .LBB2_38-.Ltmp1, $3  }
0x42: {  	_ =	sdelay $0x1  }
0x43: {  	[sflag:s8] =	ssyncset.done $0x0  }
0x44: {  	[sflag:s8] =	ssyncadd.s32 $0xFFFFFFB0  }
.LBB2_1:
0x45: {  	s12 =	simm.s32 $0x70;
	s14 =	simm.s32 $0x3C0  }
.LBB2_2:
0x46: {  	p0 =	sne.s32 s14, $0x9FC0;
	[tilespmem:s12+$0x400] =	vst v0  }
0x47: {  	[tilespmem:s12+$0x390] =	vst v0  }
0x48: {  	[tilespmem:s12+$0x3A0] =	vst v0  }
.Ltmp2:
0x49: {  	[tilespmem:s12+$0x3B0] =	vst v0;
	(pc) =	sbr.rel @p0 .LBB2_2-.Ltmp2, $4  }
0x4a: {  	[tilespmem:s12+$0x3C0] =	vst v0  }
0x4b: {  	[tilespmem:s12+$0x3D0] =	vst v0  }
0x4c: {  	[tilespmem:s12+$0x3E0] =	vst v0  }
0x4d: {  	[tilespmem:s12+$0x3F0] =	vst v0;
	s12 =	sshra.s32 s14, $0x2;
	s14 =	sadd.s32 $0x200, s14  }
0x4e: {  	[tilespmem:s12+$0x400] =	vst v0  }
0x4f: {  	[tilespmem:s12+$0x390] =	vst v0  }
0x50: {  	[tilespmem:s12+$0x3A0] =	vst v0  }
0x51: {  	[tilespmem:s12+$0x3B0] =	vst v0  }
0x52: {  	[tilespmem:s12+$0x3C0] =	vst v0  }
0x53: {  	[tilespmem:s12+$0x3D0] =	vst v0  }
0x54: {  	[tilespmem:s12+$0x3E0] =	vst v0  }
0x55: {  	[tilespmem:s12+$0x3F0] =	vst v0  }
0x56: {  	[spmem:s22] =	stream.linear.scatter [tilespmem:s7], [sflag:$0x9], $0x2800, $0x38;
	[tilespmem:$0x1E700] =	vst v63  }
0x57: {  	_ =	swait.ge [sflag:s8], $0x2800  }
0x58: {  	[sflag:s8] =	ssyncset.done $0x0  }
0x59: {  	s0 =	rddreg [dreg:$0x6];
	[sflag:s8] =	ssyncadd.s32 $0xFFFFD800  }
0x5a: {  	[spmem:s0] =	stream.linear.scatter [tilespmem:s7], [sflag:$0x9], $0x2800, $0x38;
	[tilespmem:$0x1E700] =	vst v63  }
0x5b: {  	_ =	swait.ge [sflag:s8], $0x2800  }
0x5c: {  	[sflag:s8] =	ssyncset.done $0x0  }
0x5d: {  	s12 =	rddreg [dreg:$0x7];
	[sflag:s8] =	ssyncadd.s32 $0xFFFFD800  }
0x5e: {  	[spmem:s12] =	stream.linear.scatter [tilespmem:s7], [sflag:$0x9], $0x2800, $0x38;
	[tilespmem:$0x1E700] =	vst v63  }
0x5f: {  	_ =	swait.ge [sflag:s8], $0x2800  }
0x60: {  	[sflag:s8] =	ssyncset.done $0x0  }
0x61: {  	s14 =	rddreg [dreg:$0xe];
	[sflag:s8] =	ssyncadd.s32 $0xFFFFD800  }
0x62: {  	[spmem:s14] =	stream.linear.scatter [tilespmem:s7], [sflag:$0x9], $0x2800, $0x38;
	[tilespmem:$0x1E700] =	vst v63  }
0x63: {  	_ =	swait.ge [sflag:s8], $0x2800  }
0x64: {  	[sflag:s8] =	ssyncset.done $0x0  }
0x65: {  	s22 =	rddreg [dreg:$0xf];
	[sflag:s8] =	ssyncadd.s32 $0xFFFFD800  }
0x66: {  	[spmem:s22] =	stream.linear.scatter [tilespmem:s7], [sflag:$0x9], $0x2800, $0x38;
	[tilespmem:$0x1E700] =	vst v63  }
0x67: {  	_ =	swait.ge [sflag:s8], $0x2800  }
0x68: {  	[sflag:s8] =	ssyncset.done $0x0  }
0x69: {  	s12 =	rddreg [dreg:$0x10];
	[sflag:s8] =	ssyncadd.s32 $0xFFFFD800  }
0x6a: {  	[spmem:s12] =	stream.linear.scatter [tilespmem:s7], [sflag:$0x9], $0x2800, $0x38;
	[tilespmem:$0x1E700] =	vst v63  }
0x6b: {  	_ =	swait.ge [sflag:s8], $0x2800  }
0x6c: {  	[sflag:s8] =	ssyncset.done $0x0  }
0x6d: {  	s14 =	rddreg [dreg:$0x11];
	[sflag:s8] =	ssyncadd.s32 $0xFFFFD800  }
0x6e: {  	[spmem:s14] =	stream.linear.scatter [tilespmem:s7], [sflag:$0x9], $0x2800, $0x38;
	[tilespmem:$0x1E700] =	vst v63  }
0x6f: {  	_ =	swait.ge [sflag:s8], $0x2800  }
0x70: {  	[sflag:s8] =	ssyncset.done $0x0  }
0x71: {  	s22 =	rddreg [dreg:$0x12];
	[sflag:s8] =	ssyncadd.s32 $0xFFFFD800  }
0x72: {  	[spmem:s22] =	stream.linear.scatter [tilespmem:s7], [sflag:$0x9], $0x2800, $0x38;
	[tilespmem:$0x1E700] =	vst v63  }
0x73: {  	_ =	swait.ge [sflag:s8], $0x2800  }
0x74: {  	[sflag:s8] =	ssyncset.done $0x0  }
0x75: {  	[sflag:s8] =	ssyncadd.s32 $0xFFFFD800  }
0x76: {  	[tilespmem:$0xA400] =	vst v0  }
0x77: {  	[tilespmem:$0xA410] =	vst v0  }
0x78: {  	[tilespmem:$0xA420] =	vst v0  }
0x79: {  	[tilespmem:$0xA430] =	vst v0  }
0x7a: {  	s12 =	rddreg [dreg:$0x13];
	[tilespmem:$0xA440] =	vst v0  }
0x7b: {  	[spmem:s12] =	stream.linear.scatter [tilespmem:s9], [sflag:$0x9], $0x50, $0x38;
	[tilespmem:$0x1E700] =	vst v63  }
0x7c: {  	_ =	swait.ge [sflag:s8], $0x50  }
0x7d: {  	[sflag:s8] =	ssyncset.done $0x0  }
0x7e: {  	s14 =	rddreg [dreg:$0x14];
	[sflag:s8] =	ssyncadd.s32 $0xFFFFFFB0  }
0x7f: {  	[spmem:s14] =	stream.linear.scatter [tilespmem:s9], [sflag:$0x9], $0x50, $0x38;
	[tilespmem:$0x1E700] =	vst v63  }
0x80: {  	_ =	swait.ge [sflag:s8], $0x50  }
0x81: {  	[sflag:s8] =	ssyncset.done $0x0  }
0x82: {  	s22 =	rddreg [dreg:$0x15];
	[sflag:s8] =	ssyncadd.s32 $0xFFFFFFB0  }
0x83: {  	[spmem:s22] =	stream.linear.scatter [tilespmem:s9], [sflag:$0x9], $0x50, $0x38;
	[tilespmem:$0x1E700] =	vst v63  }
0x84: {  	_ =	swait.ge [sflag:s8], $0x50  }
0x85: {  	[sflag:s8] =	ssyncset.done $0x0  }
0x86: {  	s12 =	rddreg [dreg:$0x16];
	[sflag:s8] =	ssyncadd.s32 $0xFFFFFFB0  }
0x87: {  	[spmem:s12] =	stream.linear.scatter [tilespmem:s9], [sflag:$0x9], $0x50, $0x38;
	[tilespmem:$0x1E700] =	vst v63  }
0x88: {  	_ =	swait.ge [sflag:s8], $0x50  }
0x89: {  	[sflag:s8] =	ssyncset.done $0x0  }
0x8a: {  	s14 =	rddreg [dreg:$0x17];
	[sflag:s8] =	ssyncadd.s32 $0xFFFFFFB0  }
0x8b: {  	[spmem:s14] =	stream.linear.scatter [tilespmem:s9], [sflag:$0x9], $0x50, $0x38;
	[tilespmem:$0x1E700] =	vst v63  }
0x8c: {  	_ =	swait.ge [sflag:s8], $0x50  }
0x8d: {  	[sflag:s8] =	ssyncset.done $0x0  }
0x8e: {  	s22 =	rddreg [dreg:$0x18];
	[sflag:s8] =	ssyncadd.s32 $0xFFFFFFB0  }
0x8f: {  	[spmem:s22] =	stream.linear.scatter [tilespmem:s9], [sflag:$0x9], $0x50, $0x38;
	[tilespmem:$0x1E700] =	vst v63  }
0x90: {  	_ =	swait.ge [sflag:s8], $0x50  }
0x91: {  	[sflag:s8] =	ssyncset.done $0x0  }
0x92: {  	s12 =	rddreg [dreg:$0x19];
	[sflag:s8] =	ssyncadd.s32 $0xFFFFFFB0  }
0x93: {  	[spmem:s12] =	stream.linear.scatter [tilespmem:s9], [sflag:$0x9], $0x50, $0x38;
	[tilespmem:$0x1E700] =	vst v63  }
0x94: {  	_ =	swait.ge [sflag:s8], $0x50  }
0x95: {  	[sflag:s8] =	ssyncset.done $0x0  }
0x96: {  	s14 =	rddreg [dreg:$0x1a];
	[sflag:s8] =	ssyncadd.s32 $0xFFFFFFB0  }
0x97: {  	[spmem:s14] =	stream.linear.scatter [tilespmem:s9], [sflag:$0x9], $0x50, $0x38;
	[tilespmem:$0x1E700] =	vst v63  }
0x98: {  	_ =	swait.ge [sflag:s8], $0x50  }
0x99: {  	[sflag:s8] =	ssyncset.done $0x0  }
0x9a: {  	[sflag:s8] =	ssyncadd.s32 $0xFFFFFFB0  }
0x9b: {  	[tilespmem:$0xA400] =	vst v1  }
0x9c: {  	[tilespmem:$0xA410] =	vst v1  }
0x9d: {  	[tilespmem:$0xA420] =	vst v1  }
0x9e: {  	[tilespmem:$0xA430] =	vst v1  }
0x9f: {  	[tilespmem:$0xA440] =	vst v1  }
0xa0: {  	[bflag:$0x0] =	sbarrier.arrive $0xFFFF  }
0xa1: {  	s12 =	simm.s32 $0x0;
	s22 =	rddreg [dreg:$0x9]  }
0xa2: {  	[tilespmem:s12], [sflag:$0x1] =	stream.linear.gather [hbm4b:s22+s12], $0x50, $0x38;
	[tilespmem:$0x1E700] =	vst v63  }
0xa3: {  	s14 =	rddreg [dreg:$0xb]  }
0xa4: {  	[tilespmem:s10], [sflag:$0x1] =	stream.linear.gather [hbm4b:s14+s12], $0x50, $0x38;
	[tilespmem:$0x1E700] =	vst v63  }
0xa5: {  	s22 =	rddreg [dreg:$0xc]  }
0xa6: {  	[tilespmem:s11], [sflag:$0x2] =	stream.linear.gather [hbm4b:s22+s12], $0x50, $0x38;
	[tilespmem:$0x1E700] =	vst v63  }
0xa7: {  	s14 =	rddreg [dreg:$0xd]  }
0xa8: {  	[tilespmem:s13], [sflag:$0x2] =	stream.linear.gather [hbm4b:s14+s12], $0x50, $0x38;
	[tilespmem:$0x1E700] =	vst v63  }
0xa9: {  	_ =	swait.ge [sflag:s17], $0x50  }
0xaa: {  	[sflag:s17] =	ssyncset.done $0x0  }
0xab: {  	[sflag:s17] =	ssyncadd.s32 $0xFFFFFFB0  }
0xac: {  	_ =	swait.ge [sflag:s17], $0x50  }
0xad: {  	[sflag:s17] =	ssyncset.done $0x0  }
.Ltmp3:
0xae: {  	[sflag:s17] =	ssyncadd.s32 $0xFFFFFFB0;
	(pc) =	sbr.rel .LBB2_4-.Ltmp3, $4  }
0xaf: {  	[tilespmem:s7], [sflag:$0x5] =	stream.indirect.gather [hbm4b:s5+s18], $0x80, s12, s18, $0xb8;
	[tilespmem:$0x1E700] =	vst v63  }
0xb0: {  	s22 =	rddreg [dreg:$0xa]  }
0xb1: {  	[tilespmem:s19], [sflag:$0x5] =	stream.linear.gather [hbm4b:s22+s12], $0x2800, $0x38;
	[tilespmem:$0x1E700] =	vst v63  }
0xb2: {  	s14 =	rddreg [dreg:$0x1d];
	s22 =	simm.s32 $0x0  }
.LBB2_23:
0xb3: {  	s0 =	sadd.s32 s12, s16  }
0xb4: {  	[tilespmem:s11], [sflag:$0x2] =	stream.linear.gather [hbm4b:s0+s4], $0x50, $0x38;
	[tilespmem:$0x1E700] =	vst v63  }
0xb5: {  	s0 =	sadd.s32 s12, s15  }
0xb6: {  	[tilespmem:s13], [sflag:$0x2] =	stream.linear.gather [hbm4b:s0+s4], $0x50, $0x38;
	[tilespmem:$0x1E700] =	vst v63  }
.LBB2_25:
0xb7: {  	_ =	swait.ge [sflag:s17], $0x50  }
0xb8: {  	[sflag:s17] =	ssyncset.done $0x0  }
0xb9: {  	[sflag:s17] =	ssyncadd.s32 $0xFFFFFFB0  }
0xba: {  	_ =	swait.ge [sflag:s17], $0x50  }
0xbb: {  	[sflag:s17] =	ssyncset.done $0x0  }
0xbc: {  	[sflag:s17] =	ssyncadd.s32 $0xFFFFFFB0  }
0xbd: {  	[tilespmem:s7], [sflag:$0x5] =	stream.indirect.gather [hbm4b:s5+s18], $0x80, s4, s18, $0xb8;
	[tilespmem:$0x1E700] =	vst v63  }
0xbe: {  	_ = 	snop  }
0xbf: {  	[tilespmem:s19], [sflag:$0x5] =	stream.linear.gather [hbm4b:s14+s4], $0x2800, $0x38;
	[tilespmem:$0x1E700] =	vst v63  }
.LBB2_26:
0xc0: {  	_ =	swait.ge [sflag:s31], $0x2800  }
0xc1: {  	[sflag:s31] =	ssyncset.done $0x0  }
0xc2: {  	[sflag:s31] =	ssyncadd.s32 $0xFFFFD800  }
0xc3: {  	_ =	swait.ge [sflag:s31], $0x2800  }
0xc4: {  	[sflag:s31] =	ssyncset.done $0x0  }
0xc5: {  	[sflag:s31] =	ssyncadd.s32 $0xFFFFD800  }
0xc6: {  	[spmem:s1] =	stream.indirect.scatter.add.f32 [tilespmem:s24], [sflag:$0x8], $0x80, s29, s18, $0xb8;
	[tilespmem:$0x1E700] =	vst v63  }
0xc7: {  	_ = 	snop  }
0xc8: {  	[spmem:s1] =	stream.indirect.scatter.add.f32 [tilespmem:s25], [sflag:$0x8], $0x80, s29, s18, $0xb8;
	[tilespmem:$0x1E700] =	vst v63  }
.LBB2_27:
0xc9: {  	s12 =	sadd.s32 $0xA, s12  }
0xca: {  	p0 =	sne.s32 s12, $0x4E2  }
.Ltmp4:
0xcb: {  	_ = 	snop;
	(pc) =	sbr.rel @!p0 .LBB2_28-.Ltmp4, $2  }
0xcc: {  	_ =	sdelay $0x2  }
0xcd: {  	s22 =	sadd.s32 $0x1, s22;
	s14 =	sadd.s32 $0x500, s14  }
.LBB2_4:
0xce: {  	s0 =	sand.u32 $0x3, s22  }
0xcf: {  	p0 =	sgt.s32 s0, $0x1  }
.Ltmp5:
0xd0: {  	_ = 	snop;
	(pc) =	sbr.rel @p0 .LBB2_21-.Ltmp5, $1  }
0xd1: {  	_ =	sdelay $0x3  }
0xd2: {  	p0 =	seq.s32 s0, $0x0  }
.Ltmp6:
0xd3: {  	_ = 	snop;
	(pc) =	sbr.rel @!p0 .LBB2_11-.Ltmp6, $1  }
0xd4: {  	_ =	sdelay $0x3  }
0xd5: {  	p0 =	seq.s32 s12, $0x0  }
0xd6: {  	s0 =	simm.s32 @!p0 $0x8;
	p1 =	sgt.u32 @!p0 s22, $0x7A  }
0xd7: {  	_ =	swait.ge @!p0 [sflag:s0], $0x2800;
	p1 =	por p0, !p1  }
.Ltmp7:
0xd8: {  	[sflag:s0] =	ssyncset.done @!p0 $0x0;
	(pc) =	sbr.rel @!p1 .LBB2_8-.Ltmp7, $4  }
0xd9: {  	[sflag:s0] =	ssyncadd.s32 @!p0 $0xFFFFD800  }
0xda: {  	_ =	swait.ge @!p0 [sflag:s0], $0x2800  }
0xdb: {  	[sflag:s0] =	ssyncset.done @!p0 $0x0  }
0xdc: {  	[sflag:s0] =	ssyncadd.s32 @!p0 $0xFFFFD800  }
.Ltmp8:
0xdd: {  	(pc) =	sbr.rel .LBB2_9-.Ltmp8, $4  }
0xde: {  	s0 =	sadd.s32 s12, s16  }
0xdf: {  	[tilespmem:s20], [sflag:$0x3] =	stream.linear.gather [hbm4b:s0+s4], $0x50, $0x38;
	[tilespmem:$0x1E700] =	vst v63  }
0xe0: {  	s0 =	sadd.s32 s12, s15  }
0xe1: {  	[tilespmem:s21], [sflag:$0x3] =	stream.linear.gather [hbm4b:s0+s4], $0x50, $0x38;
	[tilespmem:$0x1E700] =	vst v63  }
.LBB2_21:
0xe2: {  	p2 =	seq.s32 s0, $0x2  }
.Ltmp9:
0xe3: {  	_ = 	snop;
	(pc) =	sbr.rel @!p2 .LBB2_22-.Ltmp9, $3  }
0xe4: {  	_ =	sdelay $0x1  }
0xe5: {  	p0 =	seq.s32 s12, $0x0  }
0xe6: {  	p1 =	sgt.u32 @!p0 s22, $0x7A  }
0xe7: {  	s0 =	simm.s32 @!p0 $0x8  }
0xe8: {  	p1 =	por p0, !p1;
	_ =	swait.ge @!p0 [sflag:s0], $0x2800  }
.Ltmp10:
0xe9: {  	[sflag:s0] =	ssyncset.done @!p0 $0x0;
	(pc) =	sbr.rel @!p1 .LBB2_18-.Ltmp10, $4  }
0xea: {  	[sflag:s0] =	ssyncadd.s32 @!p0 $0xFFFFD800  }
0xeb: {  	_ =	swait.ge @!p0 [sflag:s0], $0x2800  }
0xec: {  	[sflag:s0] =	ssyncset.done @!p0 $0x0  }
0xed: {  	[sflag:s0] =	ssyncadd.s32 @!p0 $0xFFFFD800  }
.Ltmp11:
0xee: {  	(pc) =	sbr.rel .LBB2_19-.Ltmp11, $4  }
0xef: {  	s0 =	sadd.s32 s12, s16  }
0xf0: {  	[tilespmem:s4], [sflag:$0x1] =	stream.linear.gather [hbm4b:s0+s4], $0x50, $0x38;
	[tilespmem:$0x1E700] =	vst v63  }
0xf1: {  	s0 =	sadd.s32 s12, s15  }
0xf2: {  	[tilespmem:s10], [sflag:$0x1] =	stream.linear.gather [hbm4b:s0+s4], $0x50, $0x38;
	[tilespmem:$0x1E700] =	vst v63  }
.LBB2_11:
0xf3: {  	p0 =	seq.s32 s12, $0x0  }
0xf4: {  	s0 =	simm.s32 @!p0 $0x7;
	p1 =	sgt.u32 @!p0 s22, $0x7A  }
0xf5: {  	_ =	swait.ge @!p0 [sflag:s0], $0x2800;
	p1 =	por p0, !p1  }
.Ltmp12:
0xf6: {  	[sflag:s0] =	ssyncset.done @!p0 $0x0;
	(pc) =	sbr.rel @!p1 .LBB2_13-.Ltmp12, $4  }
0xf7: {  	[sflag:s0] =	ssyncadd.s32 @!p0 $0xFFFFD800  }
0xf8: {  	_ =	swait.ge @!p0 [sflag:s0], $0x2800  }
0xf9: {  	[sflag:s0] =	ssyncset.done @!p0 $0x0  }
0xfa: {  	[sflag:s0] =	ssyncadd.s32 @!p0 $0xFFFFD800  }
.Ltmp13:
0xfb: {  	(pc) =	sbr.rel .LBB2_14-.Ltmp13, $4  }
0xfc: {  	s0 =	sadd.s32 s12, s16  }
0xfd: {  	[tilespmem:s28], [sflag:$0x4] =	stream.linear.gather [hbm4b:s0+s4], $0x50, $0x38;
	[tilespmem:$0x1E700] =	vst v63  }
0xfe: {  	s0 =	sadd.s32 s12, s15  }
0xff: {  	[tilespmem:s29], [sflag:$0x4] =	stream.linear.gather [hbm4b:s0+s4], $0x50, $0x38;
	[tilespmem:$0x1E700] =	vst v63  }
.LBB2_22:
0x100: {  	s0 =	simm.s32 @!p0 $0x7  }
0x101: {  	p1 =	por p0, !p1;
	_ =	swait.ge @!p0 [sflag:s0], $0x2800  }
.Ltmp14:
0x102: {  	[sflag:s0] =	ssyncset.done @!p0 $0x0;
	(pc) =	sbr.rel @p1 .LBB2_23-.Ltmp14, $4  }
0x103: {  	[sflag:s0] =	ssyncadd.s32 @!p0 $0xFFFFD800  }
0x104: {  	_ =	swait.ge @!p0 [sflag:s0], $0x2800  }
0x105: {  	[sflag:s0] =	ssyncset.done @!p0 $0x0  }
0x106: {  	[sflag:s0] =	ssyncadd.s32 @!p0 $0xFFFFD800  }
0x107: {  	p0 =	seq.s32 s12, $0x4D8  }
.Ltmp15:
0x108: {  	_ = 	snop;
	(pc) =	sbr.rel @p0 .LBB2_26-.Ltmp15, $4  }
.Ltmp16:
0x109: {  	_ = 	snop;
	(pc) =	sbr.rel @!p0 .LBB2_25-.Ltmp16, $4  }
0x10a: {  	_ = 	snop  }
0x10b: {  	_ = 	snop  }
0x10c: {  	_ = 	snop  }
0x10d: {  	_ = 	snop  }
.LBB2_8:
0x10e: {  	p0 =	seq.s32 s12, $0x4D8  }
.Ltmp17:
0x10f: {  	_ = 	snop;
	(pc) =	sbr.rel @p0 .LBB2_10-.Ltmp17, $1  }
0x110: {  	_ =	sdelay $0x3  }
.LBB2_9:
0x111: {  	_ =	swait.ge [sflag:s23], $0x50  }
0x112: {  	[sflag:s23] =	ssyncset.done $0x0  }
0x113: {  	[sflag:s23] =	ssyncadd.s32 $0xFFFFFFB0  }
0x114: {  	_ =	swait.ge [sflag:s23], $0x50  }
0x115: {  	[sflag:s23] =	ssyncset.done $0x0  }
0x116: {  	[sflag:s23] =	ssyncadd.s32 $0xFFFFFFB0  }
0x117: {  	[tilespmem:s24], [sflag:$0x6] =	stream.indirect.gather [hbm4b:s5+s18], $0x80, s11, s18, $0xb8;
	[tilespmem:$0x1E700] =	vst v63  }
0x118: {  	_ = 	snop  }
0x119: {  	[tilespmem:s25], [sflag:$0x6] =	stream.linear.gather [hbm4b:s14+s4], $0x2800, $0x38;
	[tilespmem:$0x1E700] =	vst v63  }
.LBB2_10:
0x11a: {  	_ =	swait.ge [sflag:s26], $0x2800  }
0x11b: {  	[sflag:s26] =	ssyncset.done $0x0  }
0x11c: {  	[sflag:s26] =	ssyncadd.s32 $0xFFFFD800  }
0x11d: {  	_ =	swait.ge [sflag:s26], $0x2800  }
.Ltmp18:
0x11e: {  	[sflag:s26] =	ssyncset.done $0x0;
	(pc) =	sbr.rel .LBB2_27-.Ltmp18, $4  }
0x11f: {  	[sflag:s26] =	ssyncadd.s32 $0xFFFFD800  }
0x120: {  	[spmem:s1] =	stream.indirect.scatter.add.f32 [tilespmem:s7], [sflag:$0x7], $0x80, s10, s18, $0xb8;
	[tilespmem:$0x1E700] =	vst v63  }
0x121: {  	_ = 	snop  }
0x122: {  	[spmem:s1] =	stream.indirect.scatter.add.f32 [tilespmem:s19], [sflag:$0x7], $0x80, s10, s18, $0xb8;
	[tilespmem:$0x1E700] =	vst v63  }
.LBB2_18:
0x123: {  	p0 =	seq.s32 s12, $0x4D8  }
.Ltmp19:
0x124: {  	_ = 	snop;
	(pc) =	sbr.rel @p0 .LBB2_20-.Ltmp19, $1  }
0x125: {  	_ =	sdelay $0x3  }
.LBB2_19:
0x126: {  	_ =	swait.ge [sflag:s3], $0x50  }
0x127: {  	[sflag:s3] =	ssyncset.done $0x0  }
0x128: {  	[sflag:s3] =	ssyncadd.s32 $0xFFFFFFB0  }
0x129: {  	_ =	swait.ge [sflag:s3], $0x50  }
0x12a: {  	[sflag:s3] =	ssyncset.done $0x0  }
0x12b: {  	[sflag:s3] =	ssyncadd.s32 $0xFFFFFFB0  }
0x12c: {  	[tilespmem:s24], [sflag:$0x6] =	stream.indirect.gather [hbm4b:s5+s18], $0x80, s28, s18, $0xb8;
	[tilespmem:$0x1E700] =	vst v63  }
0x12d: {  	_ = 	snop  }
0x12e: {  	[tilespmem:s25], [sflag:$0x6] =	stream.linear.gather [hbm4b:s14+s4], $0x2800, $0x38;
	[tilespmem:$0x1E700] =	vst v63  }
.LBB2_20:
0x12f: {  	_ =	swait.ge [sflag:s26], $0x2800  }
0x130: {  	[sflag:s26] =	ssyncset.done $0x0  }
0x131: {  	[sflag:s26] =	ssyncadd.s32 $0xFFFFD800  }
0x132: {  	_ =	swait.ge [sflag:s26], $0x2800  }
.Ltmp20:
0x133: {  	[sflag:s26] =	ssyncset.done $0x0;
	(pc) =	sbr.rel .LBB2_27-.Ltmp20, $4  }
0x134: {  	[sflag:s26] =	ssyncadd.s32 $0xFFFFD800  }
0x135: {  	[spmem:s1] =	stream.indirect.scatter.add.f32 [tilespmem:s7], [sflag:$0x7], $0x80, s21, s18, $0xb8;
	[tilespmem:$0x1E700] =	vst v63  }
0x136: {  	_ = 	snop  }
0x137: {  	[spmem:s1] =	stream.indirect.scatter.add.f32 [tilespmem:s19], [sflag:$0x7], $0x80, s21, s18, $0xb8;
	[tilespmem:$0x1E700] =	vst v63  }
.LBB2_13:
0x138: {  	p0 =	seq.s32 s12, $0x4D8  }
.Ltmp21:
0x139: {  	_ = 	snop;
	(pc) =	sbr.rel @p0 .LBB2_15-.Ltmp21, $1  }
0x13a: {  	_ =	sdelay $0x3  }
.LBB2_14:
0x13b: {  	_ =	swait.ge [sflag:s30], $0x50  }
0x13c: {  	[sflag:s30] =	ssyncset.done $0x0  }
0x13d: {  	[sflag:s30] =	ssyncadd.s32 $0xFFFFFFB0  }
0x13e: {  	_ =	swait.ge [sflag:s30], $0x50  }
0x13f: {  	[sflag:s30] =	ssyncset.done $0x0  }
0x140: {  	[sflag:s30] =	ssyncadd.s32 $0xFFFFFFB0  }
0x141: {  	[tilespmem:s7], [sflag:$0x5] =	stream.indirect.gather [hbm4b:s5+s18], $0x80, s20, s18, $0xb8;
	[tilespmem:$0x1E700] =	vst v63  }
0x142: {  	_ = 	snop  }
0x143: {  	[tilespmem:s19], [sflag:$0x5] =	stream.linear.gather [hbm4b:s14+s4], $0x2800, $0x38;
	[tilespmem:$0x1E700] =	vst v63  }
.LBB2_15:
0x144: {  	_ =	swait.ge [sflag:s31], $0x2800  }
0x145: {  	[sflag:s31] =	ssyncset.done $0x0  }
0x146: {  	[sflag:s31] =	ssyncadd.s32 $0xFFFFD800  }
0x147: {  	_ =	swait.ge [sflag:s31], $0x2800  }
.Ltmp22:
0x148: {  	[sflag:s31] =	ssyncset.done $0x0;
	(pc) =	sbr.rel .LBB2_27-.Ltmp22, $4  }
0x149: {  	[sflag:s31] =	ssyncadd.s32 $0xFFFFD800  }
0x14a: {  	[spmem:s1] =	stream.indirect.scatter.add.f32 [tilespmem:s24], [sflag:$0x8], $0x80, s13, s18, $0xb8;
	[tilespmem:$0x1E700] =	vst v63  }
0x14b: {  	_ = 	snop  }
0x14c: {  	[spmem:s1] =	stream.indirect.scatter.add.f32 [tilespmem:s25], [sflag:$0x8], $0x80, s13, s18, $0xb8;
	[tilespmem:$0x1E700] =	vst v63  }
.LBB2_28:
0x14d: {  	s0 =	simm.s32 $0x7  }
0x14e: {  	_ =	swait.ge [sflag:s0], $0x2800  }
0x14f: {  	[sflag:s0] =	ssyncset.done $0x0  }
0x150: {  	[sflag:s0] =	ssyncadd.s32 $0xFFFFD800  }
0x151: {  	_ =	swait.ge [sflag:s0], $0x2800  }
0x152: {  	s12 =	simm.s32 $0x0;
	[sflag:s0] =	ssyncset.done $0x0  }
.Ltmp23:
0x153: {  	s14 =	rddreg [dreg:$0xb];
	[sflag:s0] =	ssyncadd.s32 $0xFFFFD800;
	(pc) =	sbr.rel .LBB2_29-.Ltmp23, $4  }
0x154: {  	[tilespmem:s10], [sflag:$0x1] =	stream.linear.gather [hbm4b:s14+s12], $0x50, $0x38;
	[tilespmem:$0x1E700] =	vst v63  }
0x155: {  	s22 =	rddreg [dreg:$0xd]  }
0x156: {  	[tilespmem:s13], [sflag:$0x2] =	stream.linear.gather [hbm4b:s22+s12], $0x50, $0x38;
	[tilespmem:$0x1E700] =	vst v63  }
0x157: {  	s14 =	smov.u32 s15;
	s22 =	rddreg [dreg:$0x5]  }
.LBB2_35:
0x158: {  	s0 =	simm.s32 @!p0 $0x8  }
0x159: {  	_ =	swait.ge @!p0 [sflag:s0], $0x50  }
0x15a: {  	[sflag:s0] =	ssyncset.done @!p0 $0x0  }
0x15b: {  	p1 =	por p0, !p1;
	[sflag:s0] =	ssyncadd.s32 @!p0 $0xFFFFFFB0  }
0x15c: {  	[tilespmem:s13], [sflag:$0x2] =	stream.linear.gather @p1 [hbm4b:s14+s4], $0x50, $0x38;
	[tilespmem:$0x1E700] =	vst v63  }
0x15d: {  	_ =	swait.ge [sflag:s3], $0x50  }
0x15e: {  	[sflag:s3] =	ssyncset.done $0x0  }
0x15f: {  	[sflag:s3] =	ssyncadd.s32 $0xFFFFFFB0  }
0x160: {  	[spmem:s2] =	stream.indirect.scatter.add.f32 [tilespmem:s9], [sflag:$0x8], $0x1, s29, s18, $0xb8;
	[tilespmem:$0x1E700] =	vst v63  }
.LBB2_36:
0x161: {  	s12 =	sadd.s32 $0x1, s12  }
0x162: {  	p0 =	sne.s32 s12, $0x7D  }
.Ltmp24:
0x163: {  	_ = 	snop;
	(pc) =	sbr.rel @!p0 .LBB2_37-.Ltmp24, $2  }
0x164: {  	_ =	sdelay $0x2  }
0x165: {  	s14 =	sadd.s32 $0xA, s14  }
.LBB2_29:
0x166: {  	s0 =	sand.u32 $0x3, s12  }
0x167: {  	p0 =	sgt.s32 s0, $0x1  }
.Ltmp25:
0x168: {  	_ = 	snop;
	(pc) =	sbr.rel @p0 .LBB2_34-.Ltmp25, $1  }
0x169: {  	_ =	sdelay $0x3  }
0x16a: {  	p0 =	seq.s32 s0, $0x0  }
.Ltmp26:
0x16b: {  	_ = 	snop;
	(pc) =	sbr.rel @!p0 .LBB2_32-.Ltmp26, $1  }
0x16c: {  	_ =	sdelay $0x3  }
0x16d: {  	p0 =	slt.u32 s12, $0x2  }
0x16e: {  	s0 =	simm.s32 @!p0 $0x7  }
0x16f: {  	_ =	swait.ge @!p0 [sflag:s0], $0x50  }
0x170: {  	p1 =	sgt.u32 @!p0 s12, $0x7A;
	[sflag:s0] =	ssyncset.done @!p0 $0x0  }
0x171: {  	p1 =	por p0, !p1;
	[sflag:s0] =	ssyncadd.s32 @!p0 $0xFFFFFFB0  }
0x172: {  	[tilespmem:s21], [sflag:$0x3] =	stream.linear.gather @p1 [hbm4b:s14+s4], $0x50, $0x38;
	[tilespmem:$0x1E700] =	vst v63  }
.Ltmp27:
0x173: {  	_ = 	snop;
	(pc) =	sbr.rel .LBB2_36-.Ltmp27, $4  }
0x174: {  	_ =	swait.ge [sflag:s17], $0x50  }
0x175: {  	[sflag:s17] =	ssyncset.done $0x0  }
0x176: {  	[sflag:s17] =	ssyncadd.s32 $0xFFFFFFB0  }
0x177: {  	[spmem:s2] =	stream.indirect.scatter.add.f32 [tilespmem:s9], [sflag:$0x7], $0x1, s10, s18, $0xb8;
	[tilespmem:$0x1E700] =	vst v63  }
.LBB2_34:
0x178: {  	p2 =	seq.s32 s0, $0x2  }
.Ltmp28:
0x179: {  	_ = 	snop;
	(pc) =	sbr.rel @!p2 .LBB2_35-.Ltmp28, $3  }
0x17a: {  	_ =	sdelay $0x1  }
0x17b: {  	p0 =	slt.u32 s12, $0x2  }
0x17c: {  	p1 =	sgt.u32 @!p0 s12, $0x7A  }
0x17d: {  	s0 =	simm.s32 @!p0 $0x7  }
0x17e: {  	_ =	swait.ge @!p0 [sflag:s0], $0x50  }
0x17f: {  	[sflag:s0] =	ssyncset.done @!p0 $0x0  }
0x180: {  	p1 =	por p0, !p1;
	[sflag:s0] =	ssyncadd.s32 @!p0 $0xFFFFFFB0  }
0x181: {  	[tilespmem:s10], [sflag:$0x1] =	stream.linear.gather @p1 [hbm4b:s14+s4], $0x50, $0x38;
	[tilespmem:$0x1E700] =	vst v63  }
.Ltmp29:
0x182: {  	_ = 	snop;
	(pc) =	sbr.rel .LBB2_36-.Ltmp29, $4  }
0x183: {  	_ =	swait.ge [sflag:s30], $0x50  }
0x184: {  	[sflag:s30] =	ssyncset.done $0x0  }
0x185: {  	[sflag:s30] =	ssyncadd.s32 $0xFFFFFFB0  }
0x186: {  	[spmem:s2] =	stream.indirect.scatter.add.f32 [tilespmem:s9], [sflag:$0x7], $0x1, s21, s18, $0xb8;
	[tilespmem:$0x1E700] =	vst v63  }
.LBB2_32:
0x187: {  	p0 =	slt.u32 s12, $0x2  }
0x188: {  	s0 =	simm.s32 @!p0 $0x8  }
0x189: {  	_ =	swait.ge @!p0 [sflag:s0], $0x50  }
0x18a: {  	p1 =	sgt.u32 @!p0 s12, $0x7A;
	[sflag:s0] =	ssyncset.done @!p0 $0x0  }
0x18b: {  	p1 =	por p0, !p1;
	[sflag:s0] =	ssyncadd.s32 @!p0 $0xFFFFFFB0  }
0x18c: {  	[tilespmem:s29], [sflag:$0x4] =	stream.linear.gather @p1 [hbm4b:s14+s4], $0x50, $0x38;
	[tilespmem:$0x1E700] =	vst v63  }
.Ltmp30:
0x18d: {  	_ = 	snop;
	(pc) =	sbr.rel .LBB2_36-.Ltmp30, $4  }
0x18e: {  	_ =	swait.ge [sflag:s23], $0x50  }
0x18f: {  	[sflag:s23] =	ssyncset.done $0x0  }
0x190: {  	[sflag:s23] =	ssyncadd.s32 $0xFFFFFFB0  }
0x191: {  	[spmem:s2] =	stream.indirect.scatter.add.f32 [tilespmem:s9], [sflag:$0x8], $0x1, s13, s18, $0xb8;
	[tilespmem:$0x1E700] =	vst v63  }
.LBB2_38:
0x192: {  	_ =	sfence.sel $0x180000  }
0x193: {  	[bflag:$0x0] =	sbarrier.arrive $0xFFFF  }
0x194: {  	_ =	strace $0x90000047  }
0x195: {  	s0 =	stileid.u32;
	[bflag:$0x2] =	sbarrier.arrive $0xFFFF  }
0x196: {  	p0 =	sne.s32 s0, $0x0;
	s0 =	rddreg [dreg:$0x4]  }
0x197: {  	s0 =	sadd.s32 @!p0 $0x100000, s0  }
0x198: {  	[sflag:s0] =	ssyncadd.tile.s32 @!p0 $0x1;
	_ =	shalt  }
.Lfunc_end2:
_tile_overlayer_lowered:
.L_overlay_start_2:
0x199: {  	(tag) =	ssettag $0x2  }
0x19a: {  	s0 =	rddreg [dreg:$0x0];
	s2 =	stileid.u32  }
0x19b: {  	s1 =	rddreg [dreg:$0x1];
	p0 =	sne.s32 s2, $0x0  }
0x19c: {  	s3 =	rddreg [dreg:$0x2];
	[bflag:$0x3] =	sbarrier.arrive $0xFFFF;
	s2 =	simm.s32 @!p0 $0x1C09  }
0x19d: {  	[timem:s3], [sflag:s2] =	dma.local @!p0 [hbm:s0], s1  }
0x19e: {  	s0 =	simm.s32 @!p0 $0x9  }
0x19f: {  	_ =	swait.ge @!p0 [sflag:s0], s1  }
0x1a0: {  	s1 =	ssub.s32 @!p0 $0x0, s1;
	[sflag:s0] =	ssyncset.done @!p0 $0x0  }
0x1a1: {  	[sflag:s0] =	ssyncadd.s32 @!p0 s1  }
0x1a2: {  	[bflag:$0x3] =	sbarrier.arrive $0xFFFF  }
0x1a3: {  	_ =	shalt  }

</sc_bundles>
